<compile_context>
chip_gen: v7x
topology: tpu7x:2x2x1
jax: 0.10.2.dev20260603
libtpu: 0.0.44.dev20260713+nightly
codegen_flags: <defaults>
</compile_context>

<pallas_src>
import functools

import jax
import jax.numpy as jnp
from jax import lax
from jax.experimental import pallas as pl
from jax.experimental.pallas import tpu as pltpu
from jax.experimental.pallas import tpu_sc as plsc

N = 10000
D = 128
E = 320000
NC = 2
NS = 16
NT = NC * NS
CHUNK = 128
RANGE = 320
NOUT = NT * RANGE
CPT = 82
CPC = NS * CPT * CHUNK
DROW = NS * RANGE
ACCR = DROW + 8
BM = 2000


def _partition(edge_index):
    src = edge_index[0]
    dst = edge_index[1]
    t = dst // RANGE
    core = t % NC
    loc = ((t // NC) * RANGE + (dst - t * RANGE)).astype(jnp.int32)
    order = jnp.argsort(core * (NS * RANGE) + loc)
    cs = core[order]
    counts = jnp.bincount(core, length=NC)
    starts = jnp.cumsum(counts) - counts
    pos = jnp.arange(E, dtype=jnp.int32) - starts[cs].astype(jnp.int32)
    flat = cs.astype(jnp.int32) * CPC + pos
    srcb = jnp.zeros((NC * CPC,), jnp.int32).at[flat].set(src[order])
    dstb = jnp.full((NC * CPC,), DROW, jnp.int32).at[flat].set(loc[order])
    return (srcb.reshape(NC, NS, CPT, CHUNK),
            dstb.reshape(NC, NS, CPT, CHUNK))


def _hop(feats, srcb, dstb):
    mesh = plsc.VectorSubcoreMesh(core_axis_name="c", subcore_axis_name="s")

    @functools.partial(
        pl.kernel,
        mesh=mesh,
        out_type=jax.ShapeDtypeStruct((NOUT, D), jnp.float32),
        scratch_types=[
            pltpu.VMEM((CPT, CHUNK), jnp.int32),
            pltpu.VMEM((CPT, CHUNK), jnp.int32),
            pltpu.VMEM((CHUNK, D), jnp.float32),
            pltpu.VMEM_SHARED((ACCR, D), jnp.float32),
            pltpu.SemaphoreType.DMA,
        ],
    )
    def hop(feats_hbm, src_hbm, dst_hbm, out_hbm,
            idxs, idxd, rows0, acc_sh, gsem0):
        c = lax.axis_index("c")
        s = lax.axis_index("s")
        wid = s * NC + c
        base = s * RANGE

        pltpu.sync_copy(src_hbm.at[c].at[s], idxs)
        pltpu.sync_copy(dst_hbm.at[c].at[s], idxd)

        def zr(i, _):
            for j in range(D // 16):
                rows0[i, pl.ds(16 * j, 16)] = jnp.zeros((16,), jnp.float32)
            return 0

        lax.fori_loop(0, CHUNK, zr, 0)
        for t in range(RANGE // CHUNK):
            pltpu.sync_copy(rows0, acc_sh.at[pl.ds(base + t * CHUNK, CHUNK)])
        rem = RANGE % CHUNK
        pltpu.sync_copy(rows0.at[pl.ds(0, rem)],
                        acc_sh.at[pl.ds(base + RANGE - rem, rem)])

        @pl.when(s == 0)
        def _():
            pltpu.sync_copy(rows0.at[pl.ds(0, 8)], acc_sh.at[pl.ds(DROW, 8)])

        plsc.subcore_barrier()

        def body(i, _):
            pltpu.async_copy(feats_hbm.at[idxs.at[i]], rows0, gsem0).wait()
            pltpu.sync_copy(rows0, acc_sh.at[idxd.at[i]], add=True)
            return 0

        lax.fori_loop(0, CPT, body, 0)
        plsc.subcore_barrier()

        pltpu.sync_copy(acc_sh.at[pl.ds(base, RANGE)],
                        out_hbm.at[pl.ds(wid * RANGE, RANGE)])

    return hop(feats, srcb, dstb)


def _matmul(x, w):

    def mm(x_ref, w_ref, o_ref):
        o_ref[...] = lax.dot_general(
            x_ref[...], w_ref[...], (((1,), (1,)), ((), ())),
            preferred_element_type=jnp.float32)

    return pl.pallas_call(
        mm,
        grid=(N // BM,),
        in_specs=[pl.BlockSpec((BM, D), lambda i: (i, 0)),
                  pl.BlockSpec((D, D), lambda i: (0, 0))],
        out_specs=pl.BlockSpec((BM, D), lambda i: (i, 0)),
        out_shape=jax.ShapeDtypeStruct((N, D), jnp.float32),
    )(x, w)


def _attention(h0, f1, f2, f3, att, bias, apply_elu):
    att2 = att.reshape(1, 2 * D)
    bias2 = bias.reshape(1, D)

    def at(h0_ref, f1_ref, f2_ref, f3_ref, att_ref, b_ref, o_ref):
        h0v = h0_ref[...]
        f1v = f1_ref[...]
        f2v = f2_ref[...]
        f3v = f3_ref[...]
        aa = att_ref[0, :D]
        ab = att_ref[0, D:]
        hbase = jnp.sum(h0v * aa, axis=1, keepdims=True)

        def score(f):
            sc = hbase + jnp.sum(f * ab, axis=1, keepdims=True)
            return jnp.where(sc >= 0, sc, 0.2 * sc)

        s0, s1, s2, s3 = score(h0v), score(f1v), score(f2v), score(f3v)
        m = jnp.maximum(jnp.maximum(s0, s1), jnp.maximum(s2, s3))
        e0 = jnp.exp(s0 - m)
        e1 = jnp.exp(s1 - m)
        e2 = jnp.exp(s2 - m)
        e3 = jnp.exp(s3 - m)
        z = e0 + e1 + e2 + e3
        out = h0v + b_ref[...] + (e0 * h0v + e1 * f1v + e2 * f2v + e3 * f3v) / z
        if apply_elu:
            out = jnp.where(out > 0, out, jnp.exp(jnp.minimum(out, 0.0)) - 1.0)
        o_ref[...] = out

    row_spec = pl.BlockSpec((BM, D), lambda i: (i, 0))
    return pl.pallas_call(
        at,
        grid=(N // BM,),
        in_specs=[row_spec, row_spec, row_spec, row_spec,
                  pl.BlockSpec((1, 2 * D), lambda i: (0, 0)),
                  pl.BlockSpec((1, D), lambda i: (0, 0))],
        out_specs=row_spec,
        out_shape=jax.ShapeDtypeStruct((N, D), jnp.float32),
    )(h0, f1, f2, f3, att2, bias2)


def kernel(x, edge_index, W1, att1, b1, W2, att2, b2):
    srcb, dstb = _partition(edge_index)

    def layer(feat_in, W, att, b, elu):
        h0 = _matmul(feat_in, W)
        f1 = _hop(h0, srcb, dstb)
        f2 = _hop(f1, srcb, dstb)
        f3 = _hop(f2, srcb, dstb)
        return _attention(h0, f1, f2, f3, att, b, elu)

    h = layer(x, W1, att1, b1, True)
    return layer(h, W2, att2, b2, False)

# --- scband reference (transcript-rebuilt; emitter-appended) ---
"""Pipeline reference for scband-agdn-87119116632167 (READ-ONLY COPY).

The authoritative reference and input builder live on the scoring server;
editing this copy changes nothing except your own understanding.
"""

import jax, jax.numpy as jnp
import numpy as np

N = 10000
E = 320000
D = 128
H = 1
KHOP = 3


def leaky_relu(v, slope=0.2):
    return jnp.where(v >= 0, v, slope * v)


def setup_inputs(seed: int = 0) -> dict:
    key = jax.random.key(seed)
    ks = jax.random.split(key, 8)
    x = jax.random.normal(ks[0], (N, D), dtype=jnp.float32)
    edge_index = jax.random.randint(ks[1], (2, E), 0, N, dtype=jnp.int32)
    s = 1.0 / np.sqrt(D)
    W1 = jax.random.normal(ks[2], (H * D, D), dtype=jnp.float32) * s
    att1 = jax.random.normal(ks[3], (1, H, 2 * D), dtype=jnp.float32) * 0.1
    b1 = jnp.zeros((H * D,), dtype=jnp.float32)
    W2 = jax.random.normal(ks[4], (D, H * D), dtype=jnp.float32) * s
    att2 = jax.random.normal(ks[5], (1, 1, 2 * D), dtype=jnp.float32) * 0.1
    b2 = jnp.zeros((D,), dtype=jnp.float32)
    return {"x": x, "edge_index": edge_index, "W1": W1, "att1": att1, "b1": b1,
            "W2": W2, "att2": att2, "b2": b2}


def hopwise_agdn_conv(x, edge_index, W, att, b, heads, out_ch, K=KHOP):
    Nn = x.shape[0]
    h0 = (x @ W.T).reshape(Nn, heads, out_ch)
    src, dst = edge_index[0], edge_index[1]
    feats = [h0]
    for _ in range(K):
        msg = feats[-1][src]  # gather x_j per edge
        feats.append(jax.ops.segment_sum(msg, dst, num_segments=Nn))  # aggr='add'
    stack = jnp.stack(feats, axis=2)  # [N, h, K+1, out]
    cat = jnp.concatenate([jnp.broadcast_to(h0[:, :, None, :], stack.shape), stack], axis=-1)
    score = leaky_relu((cat * att[:, :, None, :]).sum(-1), 0.2)  # [N, h, K+1]
    attn = jax.nn.softmax(score, axis=2)[..., None]  # dropout p=0 -> identity
    out = (stack * attn).sum(axis=2).reshape(Nn, -1)
    # residual: in_ch == heads*out_ch -> res = h0 flattened
    out = out + h0.reshape(Nn, -1)
    return out + b


def reference(x, edge_index, W1, att1, b1, W2, att2, b2):
    h = hopwise_agdn_conv(x, edge_index, W1, att1, b1, H, D)
    h = jax.nn.elu(h)  # dropout p=0 in eval -> identity
    h = hopwise_agdn_conv(h, edge_index, W2, att2, b2, 1, D)
    return h

if __name__ == "__main__":
    import jax
    _d = setup_inputs()
    print(jax.jit(kernel)(*tuple(_d.values())))

</pallas_src>

<mosaic_0001>
#map = affine_map<(d0, d1) -> (0, 0)>
#map1 = affine_map<(d0, d1) -> (0, 0, 0, 0)>
module attributes {stable_mosaic.version = 14 : i64} {
  func.func @hop(%arg0: i32, %arg1: i32, %arg2: memref<10240x128xf32, #tpu.memory_space<hbm>>, %arg3: memref<2x16x82x128xi32, #tpu.memory_space<hbm>>, %arg4: memref<2x16x82x128xi32, #tpu.memory_space<hbm>>, %arg5: memref<10240x128xf32, #tpu.memory_space<hbm>>, %arg6: memref<82x128xi32, #tpu.memory_space<vmem>>, %arg7: memref<82x128xi32, #tpu.memory_space<vmem>>, %arg8: memref<128x128xf32, #tpu.memory_space<vmem>>, %arg9: memref<5128x128xf32, #tpu.memory_space<vmem_shared>>, %arg10: memref<!tpu.dma_semaphore, #tpu.memory_space<semaphore_mem>>) attributes {dimension_semantics = [#tpu.dimension_semantics<core_parallel>, #tpu.dimension_semantics<subcore_parallel>], iteration_bounds = array<i64: 2, 16>, scalar_prefetch = 0 : i64, scratch_operands = 5 : i64, tpu.core_type = #tpu.core_type<sc_vector_subcore>, window_params = [{transform_indices = #map}, {transform_indices = #map1}, {transform_indices = #map1}, {transform_indices = #map}]} {
    %mul3A = arith.constant 2 : i32
    %mul3A_0 = arith.muli %arg1, %mul3A : i32
    %add3A = arith.addi %mul3A_0, %arg0 : i32
    %mul3A_1 = arith.constant 320 : i32
    %mul3A_2 = arith.muli %arg1, %mul3A_1 : i32
    "tpu.region"() ({
      %run_scoped3A = tpu.sem_alloc : memref<!tpu.dma_semaphore, #tpu.memory_space<semaphore_mem>>
      %dma_start3A = arith.constant 0 : i32
      %dma_start3A_28 = arith.constant 0 : i32
      %dma_start3A_29 = arith.constant 0 : i32
      %dma_start3A_30 = tpu.memref_slice %arg3[%arg0, %dma_start3A, %dma_start3A_28, %dma_start3A_29] : memref<2x16x82x128xi32, #tpu.memory_space<hbm>> -> memref<1x16x82x128xi32, #tpu.memory_space<hbm>>
      %dma_start3A_31 = tpu.memref_squeeze %dma_start3A_30 : memref<1x16x82x128xi32, #tpu.memory_space<hbm>> -> memref<16x82x128xi32, #tpu.memory_space<hbm>>
      %dma_start3A_32 = arith.constant 0 : i32
      %dma_start3A_33 = arith.constant 0 : i32
      %dma_start3A_34 = tpu.memref_slice %dma_start3A_31[%arg1, %dma_start3A_32, %dma_start3A_33] : memref<16x82x128xi32, #tpu.memory_space<hbm>> -> memref<1x82x128xi32, #tpu.memory_space<hbm>>
      %dma_start3A_35 = tpu.memref_squeeze %dma_start3A_34 : memref<1x82x128xi32, #tpu.memory_space<hbm>> -> memref<82x128xi32, #tpu.memory_space<hbm>>
      %dma_start3A_36 = arith.constant 0 : i32
      %dma_start3A_37 = arith.constant 0 : i32
      %dma_start3A_38 = arith.constant 0 : i32
      %dma_start3A_39 = tpu.memref_slice %arg3[%arg0, %dma_start3A_36, %dma_start3A_37, %dma_start3A_38] : memref<2x16x82x128xi32, #tpu.memory_space<hbm>> -> memref<1x16x82x128xi32, #tpu.memory_space<hbm>>
      %dma_start3A_40 = tpu.memref_squeeze %dma_start3A_39 : memref<1x16x82x128xi32, #tpu.memory_space<hbm>> -> memref<16x82x128xi32, #tpu.memory_space<hbm>>
      %dma_start3A_41 = arith.constant 0 : i32
      %dma_start3A_42 = arith.constant 0 : i32
      %dma_start3A_43 = tpu.memref_slice %dma_start3A_40[%arg1, %dma_start3A_41, %dma_start3A_42] : memref<16x82x128xi32, #tpu.memory_space<hbm>> -> memref<1x82x128xi32, #tpu.memory_space<hbm>>
      %dma_start3A_44 = tpu.memref_squeeze %dma_start3A_43 : memref<1x82x128xi32, #tpu.memory_space<hbm>> -> memref<82x128xi32, #tpu.memory_space<hbm>>
      tpu.enqueue_dma source(%dma_start3A_44 : memref<82x128xi32, #tpu.memory_space<hbm>>) target(%arg6 : memref<82x128xi32, #tpu.memory_space<vmem>>) target_semaphore(%run_scoped3A : memref<!tpu.dma_semaphore, #tpu.memory_space<semaphore_mem>>)
      %dma_wait3A = arith.constant 0 : i32
      %dma_wait3A_45 = arith.constant 0 : i32
      %dma_wait3A_46 = arith.constant 0 : i32
      %dma_wait3A_47 = tpu.memref_slice %arg3[%arg0, %dma_wait3A, %dma_wait3A_45, %dma_wait3A_46] : memref<2x16x82x128xi32, #tpu.memory_space<hbm>> -> memref<1x16x82x128xi32, #tpu.memory_space<hbm>>
      %dma_wait3A_48 = tpu.memref_squeeze %dma_wait3A_47 : memref<1x16x82x128xi32, #tpu.memory_space<hbm>> -> memref<16x82x128xi32, #tpu.memory_space<hbm>>
      %dma_wait3A_49 = arith.constant 0 : i32
      %dma_wait3A_50 = arith.constant 0 : i32
      %dma_wait3A_51 = tpu.memref_slice %dma_wait3A_48[%arg1, %dma_wait3A_49, %dma_wait3A_50] : memref<16x82x128xi32, #tpu.memory_space<hbm>> -> memref<1x82x128xi32, #tpu.memory_space<hbm>>
      %dma_wait3A_52 = tpu.memref_squeeze %dma_wait3A_51 : memref<1x82x128xi32, #tpu.memory_space<hbm>> -> memref<82x128xi32, #tpu.memory_space<hbm>>
      %dma_wait3A_53 = arith.constant 0 : i32
      %dma_wait3A_54 = arith.constant 0 : i32
      %dma_wait3A_55 = arith.constant 0 : i32
      %dma_wait3A_56 = tpu.memref_slice %arg3[%arg0, %dma_wait3A_53, %dma_wait3A_54, %dma_wait3A_55] : memref<2x16x82x128xi32, #tpu.memory_space<hbm>> -> memref<1x16x82x128xi32, #tpu.memory_space<hbm>>
      %dma_wait3A_57 = tpu.memref_squeeze %dma_wait3A_56 : memref<1x16x82x128xi32, #tpu.memory_space<hbm>> -> memref<16x82x128xi32, #tpu.memory_space<hbm>>
      %dma_wait3A_58 = arith.constant 0 : i32
      %dma_wait3A_59 = arith.constant 0 : i32
      %dma_wait3A_60 = tpu.memref_slice %dma_wait3A_57[%arg1, %dma_wait3A_58, %dma_wait3A_59] : memref<16x82x128xi32, #tpu.memory_space<hbm>> -> memref<1x82x128xi32, #tpu.memory_space<hbm>>
      %dma_wait3A_61 = tpu.memref_squeeze %dma_wait3A_60 : memref<1x82x128xi32, #tpu.memory_space<hbm>> -> memref<82x128xi32, #tpu.memory_space<hbm>>
      tpu.wait_dma2 semaphore(%run_scoped3A : memref<!tpu.dma_semaphore, #tpu.memory_space<semaphore_mem>>) src(%dma_wait3A_61 : memref<82x128xi32, #tpu.memory_space<hbm>>) dst(%arg6 : memref<82x128xi32, #tpu.memory_space<vmem>>)
      tpu.yield
    }) : () -> ()
    "tpu.region"() ({
      %run_scoped3A = tpu.sem_alloc : memref<!tpu.dma_semaphore, #tpu.memory_space<semaphore_mem>>
      %dma_start3A = arith.constant 0 : i32
      %dma_start3A_28 = arith.constant 0 : i32
      %dma_start3A_29 = arith.constant 0 : i32
      %dma_start3A_30 = tpu.memref_slice %arg4[%arg0, %dma_start3A, %dma_start3A_28, %dma_start3A_29] : memref<2x16x82x128xi32, #tpu.memory_space<hbm>> -> memref<1x16x82x128xi32, #tpu.memory_space<hbm>>
      %dma_start3A_31 = tpu.memref_squeeze %dma_start3A_30 : memref<1x16x82x128xi32, #tpu.memory_space<hbm>> -> memref<16x82x128xi32, #tpu.memory_space<hbm>>
      %dma_start3A_32 = arith.constant 0 : i32
      %dma_start3A_33 = arith.constant 0 : i32
      %dma_start3A_34 = tpu.memref_slice %dma_start3A_31[%arg1, %dma_start3A_32, %dma_start3A_33] : memref<16x82x128xi32, #tpu.memory_space<hbm>> -> memref<1x82x128xi32, #tpu.memory_space<hbm>>
      %dma_start3A_35 = tpu.memref_squeeze %dma_start3A_34 : memref<1x82x128xi32, #tpu.memory_space<hbm>> -> memref<82x128xi32, #tpu.memory_space<hbm>>
      %dma_start3A_36 = arith.constant 0 : i32
      %dma_start3A_37 = arith.constant 0 : i32
      %dma_start3A_38 = arith.constant 0 : i32
      %dma_start3A_39 = tpu.memref_slice %arg4[%arg0, %dma_start3A_36, %dma_start3A_37, %dma_start3A_38] : memref<2x16x82x128xi32, #tpu.memory_space<hbm>> -> memref<1x16x82x128xi32, #tpu.memory_space<hbm>>
      %dma_start3A_40 = tpu.memref_squeeze %dma_start3A_39 : memref<1x16x82x128xi32, #tpu.memory_space<hbm>> -> memref<16x82x128xi32, #tpu.memory_space<hbm>>
      %dma_start3A_41 = arith.constant 0 : i32
      %dma_start3A_42 = arith.constant 0 : i32
      %dma_start3A_43 = tpu.memref_slice %dma_start3A_40[%arg1, %dma_start3A_41, %dma_start3A_42] : memref<16x82x128xi32, #tpu.memory_space<hbm>> -> memref<1x82x128xi32, #tpu.memory_space<hbm>>
      %dma_start3A_44 = tpu.memref_squeeze %dma_start3A_43 : memref<1x82x128xi32, #tpu.memory_space<hbm>> -> memref<82x128xi32, #tpu.memory_space<hbm>>
      tpu.enqueue_dma source(%dma_start3A_44 : memref<82x128xi32, #tpu.memory_space<hbm>>) target(%arg7 : memref<82x128xi32, #tpu.memory_space<vmem>>) target_semaphore(%run_scoped3A : memref<!tpu.dma_semaphore, #tpu.memory_space<semaphore_mem>>)
      %dma_wait3A = arith.constant 0 : i32
      %dma_wait3A_45 = arith.constant 0 : i32
      %dma_wait3A_46 = arith.constant 0 : i32
      %dma_wait3A_47 = tpu.memref_slice %arg4[%arg0, %dma_wait3A, %dma_wait3A_45, %dma_wait3A_46] : memref<2x16x82x128xi32, #tpu.memory_space<hbm>> -> memref<1x16x82x128xi32, #tpu.memory_space<hbm>>
      %dma_wait3A_48 = tpu.memref_squeeze %dma_wait3A_47 : memref<1x16x82x128xi32, #tpu.memory_space<hbm>> -> memref<16x82x128xi32, #tpu.memory_space<hbm>>
      %dma_wait3A_49 = arith.constant 0 : i32
      %dma_wait3A_50 = arith.constant 0 : i32
      %dma_wait3A_51 = tpu.memref_slice %dma_wait3A_48[%arg1, %dma_wait3A_49, %dma_wait3A_50] : memref<16x82x128xi32, #tpu.memory_space<hbm>> -> memref<1x82x128xi32, #tpu.memory_space<hbm>>
      %dma_wait3A_52 = tpu.memref_squeeze %dma_wait3A_51 : memref<1x82x128xi32, #tpu.memory_space<hbm>> -> memref<82x128xi32, #tpu.memory_space<hbm>>
      %dma_wait3A_53 = arith.constant 0 : i32
      %dma_wait3A_54 = arith.constant 0 : i32
      %dma_wait3A_55 = arith.constant 0 : i32
      %dma_wait3A_56 = tpu.memref_slice %arg4[%arg0, %dma_wait3A_53, %dma_wait3A_54, %dma_wait3A_55] : memref<2x16x82x128xi32, #tpu.memory_space<hbm>> -> memref<1x16x82x128xi32, #tpu.memory_space<hbm>>
      %dma_wait3A_57 = tpu.memref_squeeze %dma_wait3A_56 : memref<1x16x82x128xi32, #tpu.memory_space<hbm>> -> memref<16x82x128xi32, #tpu.memory_space<hbm>>
      %dma_wait3A_58 = arith.constant 0 : i32
      %dma_wait3A_59 = arith.constant 0 : i32
      %dma_wait3A_60 = tpu.memref_slice %dma_wait3A_57[%arg1, %dma_wait3A_58, %dma_wait3A_59] : memref<16x82x128xi32, #tpu.memory_space<hbm>> -> memref<1x82x128xi32, #tpu.memory_space<hbm>>
      %dma_wait3A_61 = tpu.memref_squeeze %dma_wait3A_60 : memref<1x82x128xi32, #tpu.memory_space<hbm>> -> memref<82x128xi32, #tpu.memory_space<hbm>>
      tpu.wait_dma2 semaphore(%run_scoped3A : memref<!tpu.dma_semaphore, #tpu.memory_space<semaphore_mem>>) src(%dma_wait3A_61 : memref<82x128xi32, #tpu.memory_space<hbm>>) dst(%arg7 : memref<82x128xi32, #tpu.memory_space<vmem>>)
      tpu.yield
    }) : () -> ()
    %scan3A = arith.constant 0 : i32
    %scan3A_3 = arith.constant 0 : i32
    %scan3A_4 = arith.constant 128 : i32
    %scan3A_5 = arith.addi %scan3A_3, %scan3A_4 : i32
    %scan3A_6 = arith.constant 1 : i32
    %scan3A_7 = scf.for %scan3A_28 = %scan3A_3 to %scan3A_5 step %scan3A_6 iter_args(%scan3A_29 = %scan3A) -> (i32)  : i32 {
      %broadcast_in_dim3A = arith.constant 0.000000e+00 : f32
      %broadcast_in_dim3A_30 = vector.broadcast %broadcast_in_dim3A : f32 to vector<16xf32>
      %swap3A = arith.index_cast %scan3A_28 : i32 to index
      %swap3A_31 = arith.constant 0 : index
      %swap3A_32 = tpu.vector_load %arg8[%swap3A, %swap3A_31] {strides = array<i32>} : memref<128x128xf32, #tpu.memory_space<vmem>>, vector<1x16xf32>,
      %swap3A_33 = vector.shape_cast %swap3A_32 : vector<1x16xf32> to vector<16xf32>
      %swap3A_34 = vector.shape_cast %broadcast_in_dim3A_30 : vector<16xf32> to vector<1x16xf32>
      tpu.vector_store %arg8[%swap3A, %swap3A_31], %swap3A_34 {strides = array<i32>} : memref<128x128xf32, #tpu.memory_space<vmem>>, vector<1x16xf32>,
      %broadcast_in_dim3A_35 = arith.constant 0.000000e+00 : f32
      %broadcast_in_dim3A_36 = vector.broadcast %broadcast_in_dim3A_35 : f32 to vector<16xf32>
      %swap3A_37 = arith.index_cast %scan3A_28 : i32 to index
      %swap3A_38 = arith.constant 16 : index
      %swap3A_39 = tpu.vector_load %arg8[%swap3A_37, %swap3A_38] {strides = array<i32>} : memref<128x128xf32, #tpu.memory_space<vmem>>, vector<1x16xf32>,
      %swap3A_40 = vector.shape_cast %swap3A_39 : vector<1x16xf32> to vector<16xf32>
      %swap3A_41 = vector.shape_cast %broadcast_in_dim3A_36 : vector<16xf32> to vector<1x16xf32>
      tpu.vector_store %arg8[%swap3A_37, %swap3A_38], %swap3A_41 {strides = array<i32>} : memref<128x128xf32, #tpu.memory_space<vmem>>, vector<1x16xf32>,
      %broadcast_in_dim3A_42 = arith.constant 0.000000e+00 : f32
      %broadcast_in_dim3A_43 = vector.broadcast %broadcast_in_dim3A_42 : f32 to vector<16xf32>
      %swap3A_44 = arith.index_cast %scan3A_28 : i32 to index
      %swap3A_45 = arith.constant 32 : index
      %swap3A_46 = tpu.vector_load %arg8[%swap3A_44, %swap3A_45] {strides = array<i32>} : memref<128x128xf32, #tpu.memory_space<vmem>>, vector<1x16xf32>,
      %swap3A_47 = vector.shape_cast %swap3A_46 : vector<1x16xf32> to vector<16xf32>
      %swap3A_48 = vector.shape_cast %broadcast_in_dim3A_43 : vector<16xf32> to vector<1x16xf32>
      tpu.vector_store %arg8[%swap3A_44, %swap3A_45], %swap3A_48 {strides = array<i32>} : memref<128x128xf32, #tpu.memory_space<vmem>>, vector<1x16xf32>,
      %broadcast_in_dim3A_49 = arith.constant 0.000000e+00 : f32
      %broadcast_in_dim3A_50 = vector.broadcast %broadcast_in_dim3A_49 : f32 to vector<16xf32>
      %swap3A_51 = arith.index_cast %scan3A_28 : i32 to index
      %swap3A_52 = arith.constant 48 : index
      %swap3A_53 = tpu.vector_load %arg8[%swap3A_51, %swap3A_52] {strides = array<i32>} : memref<128x128xf32, #tpu.memory_space<vmem>>, vector<1x16xf32>,
      %swap3A_54 = vector.shape_cast %swap3A_53 : vector<1x16xf32> to vector<16xf32>
      %swap3A_55 = vector.shape_cast %broadcast_in_dim3A_50 : vector<16xf32> to vector<1x16xf32>
      tpu.vector_store %arg8[%swap3A_51, %swap3A_52], %swap3A_55 {strides = array<i32>} : memref<128x128xf32, #tpu.memory_space<vmem>>, vector<1x16xf32>,
      %broadcast_in_dim3A_56 = arith.constant 0.000000e+00 : f32
      %broadcast_in_dim3A_57 = vector.broadcast %broadcast_in_dim3A_56 : f32 to vector<16xf32>
      %swap3A_58 = arith.index_cast %scan3A_28 : i32 to index
      %swap3A_59 = arith.constant 64 : index
      %swap3A_60 = tpu.vector_load %arg8[%swap3A_58, %swap3A_59] {strides = array<i32>} : memref<128x128xf32, #tpu.memory_space<vmem>>, vector<1x16xf32>,
      %swap3A_61 = vector.shape_cast %swap3A_60 : vector<1x16xf32> to vector<16xf32>
      %swap3A_62 = vector.shape_cast %broadcast_in_dim3A_57 : vector<16xf32> to vector<1x16xf32>
      tpu.vector_store %arg8[%swap3A_58, %swap3A_59], %swap3A_62 {strides = array<i32>} : memref<128x128xf32, #tpu.memory_space<vmem>>, vector<1x16xf32>,
      %broadcast_in_dim3A_63 = arith.constant 0.000000e+00 : f32
      %broadcast_in_dim3A_64 = vector.broadcast %broadcast_in_dim3A_63 : f32 to vector<16xf32>
      %swap3A_65 = arith.index_cast %scan3A_28 : i32 to index
      %swap3A_66 = arith.constant 80 : index
      %swap3A_67 = tpu.vector_load %arg8[%swap3A_65, %swap3A_66] {strides = array<i32>} : memref<128x128xf32, #tpu.memory_space<vmem>>, vector<1x16xf32>,
      %swap3A_68 = vector.shape_cast %swap3A_67 : vector<1x16xf32> to vector<16xf32>
      %swap3A_69 = vector.shape_cast %broadcast_in_dim3A_64 : vector<16xf32> to vector<1x16xf32>
      tpu.vector_store %arg8[%swap3A_65, %swap3A_66], %swap3A_69 {strides = array<i32>} : memref<128x128xf32, #tpu.memory_space<vmem>>, vector<1x16xf32>,
      %broadcast_in_dim3A_70 = arith.constant 0.000000e+00 : f32
      %broadcast_in_dim3A_71 = vector.broadcast %broadcast_in_dim3A_70 : f32 to vector<16xf32>
      %swap3A_72 = arith.index_cast %scan3A_28 : i32 to index
      %swap3A_73 = arith.constant 96 : index
      %swap3A_74 = tpu.vector_load %arg8[%swap3A_72, %swap3A_73] {strides = array<i32>} : memref<128x128xf32, #tpu.memory_space<vmem>>, vector<1x16xf32>,
      %swap3A_75 = vector.shape_cast %swap3A_74 : vector<1x16xf32> to vector<16xf32>
      %swap3A_76 = vector.shape_cast %broadcast_in_dim3A_71 : vector<16xf32> to vector<1x16xf32>
      tpu.vector_store %arg8[%swap3A_72, %swap3A_73], %swap3A_76 {strides = array<i32>} : memref<128x128xf32, #tpu.memory_space<vmem>>, vector<1x16xf32>,
      %broadcast_in_dim3A_77 = arith.constant 0.000000e+00 : f32
      %broadcast_in_dim3A_78 = vector.broadcast %broadcast_in_dim3A_77 : f32 to vector<16xf32>
      %swap3A_79 = arith.index_cast %scan3A_28 : i32 to index
      %swap3A_80 = arith.constant 112 : index
      %swap3A_81 = tpu.vector_load %arg8[%swap3A_79, %swap3A_80] {strides = array<i32>} : memref<128x128xf32, #tpu.memory_space<vmem>>, vector<1x16xf32>,
      %swap3A_82 = vector.shape_cast %swap3A_81 : vector<1x16xf32> to vector<16xf32>
      %swap3A_83 = vector.shape_cast %broadcast_in_dim3A_78 : vector<16xf32> to vector<1x16xf32>
      tpu.vector_store %arg8[%swap3A_79, %swap3A_80], %swap3A_83 {strides = array<i32>} : memref<128x128xf32, #tpu.memory_space<vmem>>, vector<1x16xf32>,
      %scan3A_84 = arith.constant 0 : i32
      scf.yield %scan3A_84 : i32
    }
    %scan3A_8 = arith.constant 128 : i32
    %add3A_9 = arith.constant 0 : i32
    %add3A_10 = arith.addi %mul3A_2, %add3A_9 : i32
    "tpu.region"() ({
      %run_scoped3A = tpu.sem_alloc : memref<!tpu.dma_semaphore, #tpu.memory_space<semaphore_mem>>
      %dma_start3A = arith.constant 0 : i32
      %dma_start3A_28 = tpu.memref_slice %arg9[%add3A_10, %dma_start3A] : memref<5128x128xf32, #tpu.memory_space<vmem_shared>> -> memref<128x128xf32, #tpu.memory_space<vmem_shared>>
      %dma_start3A_29 = arith.constant 0 : i32
      %dma_start3A_30 = tpu.memref_slice %arg9[%add3A_10, %dma_start3A_29] : memref<5128x128xf32, #tpu.memory_space<vmem_shared>> -> memref<128x128xf32, #tpu.memory_space<vmem_shared>>
      tpu.enqueue_dma source(%arg8 : memref<128x128xf32, #tpu.memory_space<vmem>>) target(%dma_start3A_30 : memref<128x128xf32, #tpu.memory_space<vmem_shared>>) target_semaphore(%run_scoped3A : memref<!tpu.dma_semaphore, #tpu.memory_space<semaphore_mem>>)
      %dma_wait3A = arith.constant 0 : i32
      %dma_wait3A_31 = tpu.memref_slice %arg9[%add3A_10, %dma_wait3A] : memref<5128x128xf32, #tpu.memory_space<vmem_shared>> -> memref<128x128xf32, #tpu.memory_space<vmem_shared>>
      %dma_wait3A_32 = arith.constant 0 : i32
      %dma_wait3A_33 = tpu.memref_slice %arg9[%add3A_10, %dma_wait3A_32] : memref<5128x128xf32, #tpu.memory_space<vmem_shared>> -> memref<128x128xf32, #tpu.memory_space<vmem_shared>>
      tpu.wait_dma2 semaphore(%run_scoped3A : memref<!tpu.dma_semaphore, #tpu.memory_space<semaphore_mem>>) src(%arg8 : memref<128x128xf32, #tpu.memory_space<vmem>>) dst(%dma_wait3A_33 : memref<128x128xf32, #tpu.memory_space<vmem_shared>>)
      tpu.yield
    }) : () -> ()
    %add3A_11 = arith.constant 128 : i32
    %add3A_12 = arith.addi %mul3A_2, %add3A_11 : i32
    "tpu.region"() ({
      %run_scoped3A = tpu.sem_alloc : memref<!tpu.dma_semaphore, #tpu.memory_space<semaphore_mem>>
      %dma_start3A = arith.constant 0 : i32
      %dma_start3A_28 = tpu.memref_slice %arg9[%add3A_12, %dma_start3A] : memref<5128x128xf32, #tpu.memory_space<vmem_shared>> -> memref<128x128xf32, #tpu.memory_space<vmem_shared>>
      %dma_start3A_29 = arith.constant 0 : i32
      %dma_start3A_30 = tpu.memref_slice %arg9[%add3A_12, %dma_start3A_29] : memref<5128x128xf32, #tpu.memory_space<vmem_shared>> -> memref<128x128xf32, #tpu.memory_space<vmem_shared>>
      tpu.enqueue_dma source(%arg8 : memref<128x128xf32, #tpu.memory_space<vmem>>) target(%dma_start3A_30 : memref<128x128xf32, #tpu.memory_space<vmem_shared>>) target_semaphore(%run_scoped3A : memref<!tpu.dma_semaphore, #tpu.memory_space<semaphore_mem>>)
      %dma_wait3A = arith.constant 0 : i32
      %dma_wait3A_31 = tpu.memref_slice %arg9[%add3A_12, %dma_wait3A] : memref<5128x128xf32, #tpu.memory_space<vmem_shared>> -> memref<128x128xf32, #tpu.memory_space<vmem_shared>>
      %dma_wait3A_32 = arith.constant 0 : i32
      %dma_wait3A_33 = tpu.memref_slice %arg9[%add3A_12, %dma_wait3A_32] : memref<5128x128xf32, #tpu.memory_space<vmem_shared>> -> memref<128x128xf32, #tpu.memory_space<vmem_shared>>
      tpu.wait_dma2 semaphore(%run_scoped3A : memref<!tpu.dma_semaphore, #tpu.memory_space<semaphore_mem>>) src(%arg8 : memref<128x128xf32, #tpu.memory_space<vmem>>) dst(%dma_wait3A_33 : memref<128x128xf32, #tpu.memory_space<vmem_shared>>)
      tpu.yield
    }) : () -> ()
    %add3A_13 = arith.constant 320 : i32
    %add3A_14 = arith.addi %mul3A_2, %add3A_13 : i32
    %sub3A = arith.constant 64 : i32
    %sub3A_15 = arith.subi %add3A_14, %sub3A : i32
    "tpu.region"() ({
      %run_scoped3A = tpu.sem_alloc : memref<!tpu.dma_semaphore, #tpu.memory_space<semaphore_mem>>
      %dma_start3A = arith.constant 0 : i32
      %dma_start3A_28 = arith.constant 0 : i32
      %dma_start3A_29 = tpu.memref_slice %arg8[%dma_start3A, %dma_start3A_28] : memref<128x128xf32, #tpu.memory_space<vmem>> -> memref<64x128xf32, #tpu.memory_space<vmem>>
      %dma_start3A_30 = arith.constant 0 : i32
      %dma_start3A_31 = tpu.memref_slice %arg9[%sub3A_15, %dma_start3A_30] : memref<5128x128xf32, #tpu.memory_space<vmem_shared>> -> memref<64x128xf32, #tpu.memory_space<vmem_shared>>
      %dma_start3A_32 = arith.constant 0 : i32
      %dma_start3A_33 = tpu.memref_slice %arg9[%sub3A_15, %dma_start3A_32] : memref<5128x128xf32, #tpu.memory_space<vmem_shared>> -> memref<64x128xf32, #tpu.memory_space<vmem_shared>>
      %dma_start3A_34 = arith.constant 0 : i32
      %dma_start3A_35 = arith.constant 0 : i32
      %dma_start3A_36 = tpu.memref_slice %arg8[%dma_start3A_34, %dma_start3A_35] : memref<128x128xf32, #tpu.memory_space<vmem>> -> memref<64x128xf32, #tpu.memory_space<vmem>>
      tpu.enqueue_dma source(%dma_start3A_36 : memref<64x128xf32, #tpu.memory_space<vmem>>) target(%dma_start3A_33 : memref<64x128xf32, #tpu.memory_space<vmem_shared>>) target_semaphore(%run_scoped3A : memref<!tpu.dma_semaphore, #tpu.memory_space<semaphore_mem>>)
      %dma_wait3A = arith.constant 0 : i32
      %dma_wait3A_37 = arith.constant 0 : i32
      %dma_wait3A_38 = tpu.memref_slice %arg8[%dma_wait3A, %dma_wait3A_37] : memref<128x128xf32, #tpu.memory_space<vmem>> -> memref<64x128xf32, #tpu.memory_space<vmem>>
      %dma_wait3A_39 = arith.constant 0 : i32
      %dma_wait3A_40 = tpu.memref_slice %arg9[%sub3A_15, %dma_wait3A_39] : memref<5128x128xf32, #tpu.memory_space<vmem_shared>> -> memref<64x128xf32, #tpu.memory_space<vmem_shared>>
      %dma_wait3A_41 = arith.constant 0 : i32
      %dma_wait3A_42 = tpu.memref_slice %arg9[%sub3A_15, %dma_wait3A_41] : memref<5128x128xf32, #tpu.memory_space<vmem_shared>> -> memref<64x128xf32, #tpu.memory_space<vmem_shared>>
      %dma_wait3A_43 = arith.constant 0 : i32
      %dma_wait3A_44 = arith.constant 0 : i32
      %dma_wait3A_45 = tpu.memref_slice %arg8[%dma_wait3A_43, %dma_wait3A_44] : memref<128x128xf32, #tpu.memory_space<vmem>> -> memref<64x128xf32, #tpu.memory_space<vmem>>
      tpu.wait_dma2 semaphore(%run_scoped3A : memref<!tpu.dma_semaphore, #tpu.memory_space<semaphore_mem>>) src(%dma_wait3A_45 : memref<64x128xf32, #tpu.memory_space<vmem>>) dst(%dma_wait3A_42 : memref<64x128xf32, #tpu.memory_space<vmem_shared>>)
      tpu.yield
    }) : () -> ()
    %eq3A = arith.constant 0 : i32
    %eq3A_16 = arith.cmpi eq, %arg1, %eq3A : i32
    %convert_element_type3A = arith.extui %eq3A_16 : i1 to i32
    %cond3A = arith.constant 0 : i32
    %cond3A_17 = arith.cmpi ne, %convert_element_type3A, %cond3A : i32
    scf.if %cond3A_17 {
      "tpu.region"() ({
        %run_scoped3A = tpu.sem_alloc : memref<!tpu.dma_semaphore, #tpu.memory_space<semaphore_mem>>
        %dma_start3A = arith.constant 0 : i32
        %dma_start3A_28 = arith.constant 0 : i32
        %dma_start3A_29 = tpu.memref_slice %arg8[%dma_start3A, %dma_start3A_28] : memref<128x128xf32, #tpu.memory_space<vmem>> -> memref<8x128xf32, #tpu.memory_space<vmem>>
        %dma_start3A_30 = arith.constant 5120 : i32
        %dma_start3A_31 = arith.constant 0 : i32
        %dma_start3A_32 = tpu.memref_slice %arg9[%dma_start3A_30, %dma_start3A_31] : memref<5128x128xf32, #tpu.memory_space<vmem_shared>> -> memref<8x128xf32, #tpu.memory_space<vmem_shared>>
        %dma_start3A_33 = arith.constant 5120 : i32
        %dma_start3A_34 = arith.constant 0 : i32
        %dma_start3A_35 = tpu.memref_slice %arg9[%dma_start3A_33, %dma_start3A_34] : memref<5128x128xf32, #tpu.memory_space<vmem_shared>> -> memref<8x128xf32, #tpu.memory_space<vmem_shared>>
        %dma_start3A_36 = arith.constant 0 : i32
        %dma_start3A_37 = arith.constant 0 : i32
        %dma_start3A_38 = tpu.memref_slice %arg8[%dma_start3A_36, %dma_start3A_37] : memref<128x128xf32, #tpu.memory_space<vmem>> -> memref<8x128xf32, #tpu.memory_space<vmem>>
        tpu.enqueue_dma source(%dma_start3A_38 : memref<8x128xf32, #tpu.memory_space<vmem>>) target(%dma_start3A_35 : memref<8x128xf32, #tpu.memory_space<vmem_shared>>) target_semaphore(%run_scoped3A : memref<!tpu.dma_semaphore, #tpu.memory_space<semaphore_mem>>)
        %dma_wait3A = arith.constant 0 : i32
        %dma_wait3A_39 = arith.constant 0 : i32
        %dma_wait3A_40 = tpu.memref_slice %arg8[%dma_wait3A, %dma_wait3A_39] : memref<128x128xf32, #tpu.memory_space<vmem>> -> memref<8x128xf32, #tpu.memory_space<vmem>>
        %dma_wait3A_41 = arith.constant 5120 : i32
        %dma_wait3A_42 = arith.constant 0 : i32
        %dma_wait3A_43 = tpu.memref_slice %arg9[%dma_wait3A_41, %dma_wait3A_42] : memref<5128x128xf32, #tpu.memory_space<vmem_shared>> -> memref<8x128xf32, #tpu.memory_space<vmem_shared>>
        %dma_wait3A_44 = arith.constant 5120 : i32
        %dma_wait3A_45 = arith.constant 0 : i32
        %dma_wait3A_46 = tpu.memref_slice %arg9[%dma_wait3A_44, %dma_wait3A_45] : memref<5128x128xf32, #tpu.memory_space<vmem_shared>> -> memref<8x128xf32, #tpu.memory_space<vmem_shared>>
        %dma_wait3A_47 = arith.constant 0 : i32
        %dma_wait3A_48 = arith.constant 0 : i32
        %dma_wait3A_49 = tpu.memref_slice %arg8[%dma_wait3A_47, %dma_wait3A_48] : memref<128x128xf32, #tpu.memory_space<vmem>> -> memref<8x128xf32, #tpu.memory_space<vmem>>
        tpu.wait_dma2 semaphore(%run_scoped3A : memref<!tpu.dma_semaphore, #tpu.memory_space<semaphore_mem>>) src(%dma_wait3A_49 : memref<8x128xf32, #tpu.memory_space<vmem>>) dst(%dma_wait3A_46 : memref<8x128xf32, #tpu.memory_space<vmem_shared>>)
        tpu.yield
      }) : () -> ()
    } else {
    }
    %barrier3A = arith.constant 0 : index
    tpu.barrier barrier_id(%barrier3A)
    %scan3A_18 = arith.constant 0 : i32
    %scan3A_19 = arith.constant 0 : i32
    %scan3A_20 = arith.constant 82 : i32
    %scan3A_21 = arith.addi %scan3A_19, %scan3A_20 : i32
    %scan3A_22 = arith.constant 1 : i32
    %scan3A_23 = scf.for %scan3A_28 = %scan3A_19 to %scan3A_21 step %scan3A_22 iter_args(%scan3A_29 = %scan3A_18) -> (i32)  : i32 {
      %dma_start3A = arith.constant 0 : i32
      %dma_start3A_30 = tpu.memref_slice %arg6[%scan3A_28, %dma_start3A] : memref<82x128xi32, #tpu.memory_space<vmem>> -> memref<1x128xi32, #tpu.memory_space<vmem>>
      %dma_start3A_31 = tpu.memref_squeeze %dma_start3A_30 : memref<1x128xi32, #tpu.memory_space<vmem>> -> memref<128xi32, #tpu.memory_space<vmem>>
      %dma_start3A_32 = arith.constant 0 : i32
      %dma_start3A_33 = arith.constant 0 : i32
      %dma_start3A_34 = tpu.memref_slice %arg2[%dma_start3A_32, %dma_start3A_33] : memref<10240x128xf32, #tpu.memory_space<hbm>> -> memref<10240x128xf32, #tpu.memory_space<hbm>>
      tpu.enqueue_indirect_dma source(%dma_start3A_34 : memref<10240x128xf32, #tpu.memory_space<hbm>>) target(%arg8 : memref<128x128xf32, #tpu.memory_space<vmem>>) offsets(%dma_start3A_31 : memref<128xi32, #tpu.memory_space<vmem>>) semaphore(%arg10 : memref<!tpu.dma_semaphore, #tpu.memory_space<semaphore_mem>>)
      %dma_wait3A = arith.constant 0 : i32
      %dma_wait3A_35 = tpu.memref_slice %arg6[%scan3A_28, %dma_wait3A] : memref<82x128xi32, #tpu.memory_space<vmem>> -> memref<1x128xi32, #tpu.memory_space<vmem>>
      %dma_wait3A_36 = tpu.memref_squeeze %dma_wait3A_35 : memref<1x128xi32, #tpu.memory_space<vmem>> -> memref<128xi32, #tpu.memory_space<vmem>>
      %dma_wait3A_37 = arith.constant 0 : i32
      %dma_wait3A_38 = arith.constant 0 : i32
      %dma_wait3A_39 = tpu.memref_slice %arg2[%dma_wait3A_37, %dma_wait3A_38] : memref<10240x128xf32, #tpu.memory_space<hbm>> -> memref<10240x128xf32, #tpu.memory_space<hbm>>
      tpu.wait_indirect_dma semaphore(%arg10 : memref<!tpu.dma_semaphore, #tpu.memory_space<semaphore_mem>>) src(%dma_wait3A_39 : memref<10240x128xf32, #tpu.memory_space<hbm>>) dst(%arg8 : memref<128x128xf32, #tpu.memory_space<vmem>>)
      "tpu.region"() ({
        %run_scoped3A = tpu.sem_alloc : memref<!tpu.dma_semaphore, #tpu.memory_space<semaphore_mem>>
        %dma_start3A_41 = arith.constant 0 : i32
        %dma_start3A_42 = tpu.memref_slice %arg7[%scan3A_28, %dma_start3A_41] : memref<82x128xi32, #tpu.memory_space<vmem>> -> memref<1x128xi32, #tpu.memory_space<vmem>>
        %dma_start3A_43 = tpu.memref_squeeze %dma_start3A_42 : memref<1x128xi32, #tpu.memory_space<vmem>> -> memref<128xi32, #tpu.memory_space<vmem>>
        %dma_start3A_44 = arith.constant 0 : i32
        %dma_start3A_45 = arith.constant 0 : i32
        %dma_start3A_46 = tpu.memref_slice %arg9[%dma_start3A_44, %dma_start3A_45] : memref<5128x128xf32, #tpu.memory_space<vmem_shared>> -> memref<5128x128xf32, #tpu.memory_space<vmem_shared>>
        tpu.enqueue_indirect_dma source(%arg8 : memref<128x128xf32, #tpu.memory_space<vmem>>) target(%dma_start3A_46 : memref<5128x128xf32, #tpu.memory_space<vmem_shared>>) offsets(%dma_start3A_43 : memref<128xi32, #tpu.memory_space<vmem>>) semaphore(%run_scoped3A : memref<!tpu.dma_semaphore, #tpu.memory_space<semaphore_mem>>) {add = true}
        %dma_wait3A_47 = arith.constant 0 : i32
        %dma_wait3A_48 = tpu.memref_slice %arg7[%scan3A_28, %dma_wait3A_47] : memref<82x128xi32, #tpu.memory_space<vmem>> -> memref<1x128xi32, #tpu.memory_space<vmem>>
        %dma_wait3A_49 = tpu.memref_squeeze %dma_wait3A_48 : memref<1x128xi32, #tpu.memory_space<vmem>> -> memref<128xi32, #tpu.memory_space<vmem>>
        %dma_wait3A_50 = arith.constant 0 : i32
        %dma_wait3A_51 = arith.constant 0 : i32
        %dma_wait3A_52 = tpu.memref_slice %arg9[%dma_wait3A_50, %dma_wait3A_51] : memref<5128x128xf32, #tpu.memory_space<vmem_shared>> -> memref<5128x128xf32, #tpu.memory_space<vmem_shared>>
        tpu.wait_indirect_dma semaphore(%run_scoped3A : memref<!tpu.dma_semaphore, #tpu.memory_space<semaphore_mem>>) src(%arg8 : memref<128x128xf32, #tpu.memory_space<vmem>>) dst(%dma_wait3A_52 : memref<5128x128xf32, #tpu.memory_space<vmem_shared>>)
        tpu.yield
      }) : () -> ()
      %scan3A_40 = arith.constant 0 : i32
      scf.yield %scan3A_40 : i32
    }
    %scan3A_24 = arith.constant 82 : i32
    %barrier3A_25 = arith.constant 0 : index
    tpu.barrier barrier_id(%barrier3A_25)
    %mul3A_26 = arith.constant 320 : i32
    %mul3A_27 = arith.muli %add3A, %mul3A_26 : i32
    "tpu.region"() ({
      %run_scoped3A = tpu.sem_alloc : memref<!tpu.dma_semaphore, #tpu.memory_space<semaphore_mem>>
      %dma_start3A = arith.constant 0 : i32
      %dma_start3A_28 = tpu.memref_slice %arg5[%mul3A_27, %dma_start3A] : memref<10240x128xf32, #tpu.memory_space<hbm>> -> memref<320x128xf32, #tpu.memory_space<hbm>>
      %dma_start3A_29 = arith.constant 0 : i32
      %dma_start3A_30 = tpu.memref_slice %arg9[%mul3A_2, %dma_start3A_29] : memref<5128x128xf32, #tpu.memory_space<vmem_shared>> -> memref<320x128xf32, #tpu.memory_space<vmem_shared>>
      tpu.enqueue_dma source(%dma_start3A_30 : memref<320x128xf32, #tpu.memory_space<vmem_shared>>) target(%dma_start3A_28 : memref<320x128xf32, #tpu.memory_space<hbm>>) target_semaphore(%run_scoped3A : memref<!tpu.dma_semaphore, #tpu.memory_space<semaphore_mem>>)
      %dma_wait3A = arith.constant 0 : i32
      %dma_wait3A_31 = tpu.memref_slice %arg5[%mul3A_27, %dma_wait3A] : memref<10240x128xf32, #tpu.memory_space<hbm>> -> memref<320x128xf32, #tpu.memory_space<hbm>>
      %dma_wait3A_32 = arith.constant 0 : i32
      %dma_wait3A_33 = tpu.memref_slice %arg9[%mul3A_2, %dma_wait3A_32] : memref<5128x128xf32, #tpu.memory_space<vmem_shared>> -> memref<320x128xf32, #tpu.memory_space<vmem_shared>>
      tpu.wait_dma2 semaphore(%run_scoped3A : memref<!tpu.dma_semaphore, #tpu.memory_space<semaphore_mem>>) src(%dma_wait3A_33 : memref<320x128xf32, #tpu.memory_space<vmem_shared>>) dst(%dma_wait3A_31 : memref<320x128xf32, #tpu.memory_space<hbm>>)
      tpu.yield
    }) : () -> ()
    return
  }
}

#map = affine_map<(d0, d1) -> (0, 0)>
#map1 = affine_map<(d0, d1) -> (0, 0, 0, 0)>
module attributes {stable_mosaic.version = 14 : i64} {
  func.func @hop(%arg0: i32, %arg1: i32, %arg2: memref<10000x128xf32, #tpu.memory_space<hbm>>, %arg3: memref<2x16x82x128xi32, #tpu.memory_space<hbm>>, %arg4: memref<2x16x82x128xi32, #tpu.memory_space<hbm>>, %arg5: memref<10240x128xf32, #tpu.memory_space<hbm>>, %arg6: memref<82x128xi32, #tpu.memory_space<vmem>>, %arg7: memref<82x128xi32, #tpu.memory_space<vmem>>, %arg8: memref<128x128xf32, #tpu.memory_space<vmem>>, %arg9: memref<5128x128xf32, #tpu.memory_space<vmem_shared>>, %arg10: memref<!tpu.dma_semaphore, #tpu.memory_space<semaphore_mem>>) attributes {dimension_semantics = [#tpu.dimension_semantics<core_parallel>, #tpu.dimension_semantics<subcore_parallel>], iteration_bounds = array<i64: 2, 16>, scalar_prefetch = 0 : i64, scratch_operands = 5 : i64, tpu.core_type = #tpu.core_type<sc_vector_subcore>, window_params = [{transform_indices = #map}, {transform_indices = #map1}, {transform_indices = #map1}, {transform_indices = #map}]} {
    %mul3A = arith.constant 2 : i32
    %mul3A_0 = arith.muli %arg1, %mul3A : i32
    %add3A = arith.addi %mul3A_0, %arg0 : i32
    %mul3A_1 = arith.constant 320 : i32
    %mul3A_2 = arith.muli %arg1, %mul3A_1 : i32
    "tpu.region"() ({
      %run_scoped3A = tpu.sem_alloc : memref<!tpu.dma_semaphore, #tpu.memory_space<semaphore_mem>>
      %dma_start3A = arith.constant 0 : i32
      %dma_start3A_28 = arith.constant 0 : i32
      %dma_start3A_29 = arith.constant 0 : i32
      %dma_start3A_30 = tpu.memref_slice %arg3[%arg0, %dma_start3A, %dma_start3A_28, %dma_start3A_29] : memref<2x16x82x128xi32, #tpu.memory_space<hbm>> -> memref<1x16x82x128xi32, #tpu.memory_space<hbm>>
      %dma_start3A_31 = tpu.memref_squeeze %dma_start3A_30 : memref<1x16x82x128xi32, #tpu.memory_space<hbm>> -> memref<16x82x128xi32, #tpu.memory_space<hbm>>
      %dma_start3A_32 = arith.constant 0 : i32
      %dma_start3A_33 = arith.constant 0 : i32
      %dma_start3A_34 = tpu.memref_slice %dma_start3A_31[%arg1, %dma_start3A_32, %dma_start3A_33] : memref<16x82x128xi32, #tpu.memory_space<hbm>> -> memref<1x82x128xi32, #tpu.memory_space<hbm>>
      %dma_start3A_35 = tpu.memref_squeeze %dma_start3A_34 : memref<1x82x128xi32, #tpu.memory_space<hbm>> -> memref<82x128xi32, #tpu.memory_space<hbm>>
      %dma_start3A_36 = arith.constant 0 : i32
      %dma_start3A_37 = arith.constant 0 : i32
      %dma_start3A_38 = arith.constant 0 : i32
      %dma_start3A_39 = tpu.memref_slice %arg3[%arg0, %dma_start3A_36, %dma_start3A_37, %dma_start3A_38] : memref<2x16x82x128xi32, #tpu.memory_space<hbm>> -> memref<1x16x82x128xi32, #tpu.memory_space<hbm>>
      %dma_start3A_40 = tpu.memref_squeeze %dma_start3A_39 : memref<1x16x82x128xi32, #tpu.memory_space<hbm>> -> memref<16x82x128xi32, #tpu.memory_space<hbm>>
      %dma_start3A_41 = arith.constant 0 : i32
      %dma_start3A_42 = arith.constant 0 : i32
      %dma_start3A_43 = tpu.memref_slice %dma_start3A_40[%arg1, %dma_start3A_41, %dma_start3A_42] : memref<16x82x128xi32, #tpu.memory_space<hbm>> -> memref<1x82x128xi32, #tpu.memory_space<hbm>>
      %dma_start3A_44 = tpu.memref_squeeze %dma_start3A_43 : memref<1x82x128xi32, #tpu.memory_space<hbm>> -> memref<82x128xi32, #tpu.memory_space<hbm>>
      tpu.enqueue_dma source(%dma_start3A_44 : memref<82x128xi32, #tpu.memory_space<hbm>>) target(%arg6 : memref<82x128xi32, #tpu.memory_space<vmem>>) target_semaphore(%run_scoped3A : memref<!tpu.dma_semaphore, #tpu.memory_space<semaphore_mem>>)
      %dma_wait3A = arith.constant 0 : i32
      %dma_wait3A_45 = arith.constant 0 : i32
      %dma_wait3A_46 = arith.constant 0 : i32
      %dma_wait3A_47 = tpu.memref_slice %arg3[%arg0, %dma_wait3A, %dma_wait3A_45, %dma_wait3A_46] : memref<2x16x82x128xi32, #tpu.memory_space<hbm>> -> memref<1x16x82x128xi32, #tpu.memory_space<hbm>>
      %dma_wait3A_48 = tpu.memref_squeeze %dma_wait3A_47 : memref<1x16x82x128xi32, #tpu.memory_space<hbm>> -> memref<16x82x128xi32, #tpu.memory_space<hbm>>
      %dma_wait3A_49 = arith.constant 0 : i32
      %dma_wait3A_50 = arith.constant 0 : i32
      %dma_wait3A_51 = tpu.memref_slice %dma_wait3A_48[%arg1, %dma_wait3A_49, %dma_wait3A_50] : memref<16x82x128xi32, #tpu.memory_space<hbm>> -> memref<1x82x128xi32, #tpu.memory_space<hbm>>
      %dma_wait3A_52 = tpu.memref_squeeze %dma_wait3A_51 : memref<1x82x128xi32, #tpu.memory_space<hbm>> -> memref<82x128xi32, #tpu.memory_space<hbm>>
      %dma_wait3A_53 = arith.constant 0 : i32
      %dma_wait3A_54 = arith.constant 0 : i32
      %dma_wait3A_55 = arith.constant 0 : i32
      %dma_wait3A_56 = tpu.memref_slice %arg3[%arg0, %dma_wait3A_53, %dma_wait3A_54, %dma_wait3A_55] : memref<2x16x82x128xi32, #tpu.memory_space<hbm>> -> memref<1x16x82x128xi32, #tpu.memory_space<hbm>>
      %dma_wait3A_57 = tpu.memref_squeeze %dma_wait3A_56 : memref<1x16x82x128xi32, #tpu.memory_space<hbm>> -> memref<16x82x128xi32, #tpu.memory_space<hbm>>
      %dma_wait3A_58 = arith.constant 0 : i32
      %dma_wait3A_59 = arith.constant 0 : i32
      %dma_wait3A_60 = tpu.memref_slice %dma_wait3A_57[%arg1, %dma_wait3A_58, %dma_wait3A_59] : memref<16x82x128xi32, #tpu.memory_space<hbm>> -> memref<1x82x128xi32, #tpu.memory_space<hbm>>
      %dma_wait3A_61 = tpu.memref_squeeze %dma_wait3A_60 : memref<1x82x128xi32, #tpu.memory_space<hbm>> -> memref<82x128xi32, #tpu.memory_space<hbm>>
      tpu.wait_dma2 semaphore(%run_scoped3A : memref<!tpu.dma_semaphore, #tpu.memory_space<semaphore_mem>>) src(%dma_wait3A_61 : memref<82x128xi32, #tpu.memory_space<hbm>>) dst(%arg6 : memref<82x128xi32, #tpu.memory_space<vmem>>)
      tpu.yield
    }) : () -> ()
    "tpu.region"() ({
      %run_scoped3A = tpu.sem_alloc : memref<!tpu.dma_semaphore, #tpu.memory_space<semaphore_mem>>
      %dma_start3A = arith.constant 0 : i32
      %dma_start3A_28 = arith.constant 0 : i32
      %dma_start3A_29 = arith.constant 0 : i32
      %dma_start3A_30 = tpu.memref_slice %arg4[%arg0, %dma_start3A, %dma_start3A_28, %dma_start3A_29] : memref<2x16x82x128xi32, #tpu.memory_space<hbm>> -> memref<1x16x82x128xi32, #tpu.memory_space<hbm>>
      %dma_start3A_31 = tpu.memref_squeeze %dma_start3A_30 : memref<1x16x82x128xi32, #tpu.memory_space<hbm>> -> memref<16x82x128xi32, #tpu.memory_space<hbm>>
      %dma_start3A_32 = arith.constant 0 : i32
      %dma_start3A_33 = arith.constant 0 : i32
      %dma_start3A_34 = tpu.memref_slice %dma_start3A_31[%arg1, %dma_start3A_32, %dma_start3A_33] : memref<16x82x128xi32, #tpu.memory_space<hbm>> -> memref<1x82x128xi32, #tpu.memory_space<hbm>>
      %dma_start3A_35 = tpu.memref_squeeze %dma_start3A_34 : memref<1x82x128xi32, #tpu.memory_space<hbm>> -> memref<82x128xi32, #tpu.memory_space<hbm>>
      %dma_start3A_36 = arith.constant 0 : i32
      %dma_start3A_37 = arith.constant 0 : i32
      %dma_start3A_38 = arith.constant 0 : i32
      %dma_start3A_39 = tpu.memref_slice %arg4[%arg0, %dma_start3A_36, %dma_start3A_37, %dma_start3A_38] : memref<2x16x82x128xi32, #tpu.memory_space<hbm>> -> memref<1x16x82x128xi32, #tpu.memory_space<hbm>>
      %dma_start3A_40 = tpu.memref_squeeze %dma_start3A_39 : memref<1x16x82x128xi32, #tpu.memory_space<hbm>> -> memref<16x82x128xi32, #tpu.memory_space<hbm>>
      %dma_start3A_41 = arith.constant 0 : i32
      %dma_start3A_42 = arith.constant 0 : i32
      %dma_start3A_43 = tpu.memref_slice %dma_start3A_40[%arg1, %dma_start3A_41, %dma_start3A_42] : memref<16x82x128xi32, #tpu.memory_space<hbm>> -> memref<1x82x128xi32, #tpu.memory_space<hbm>>
      %dma_start3A_44 = tpu.memref_squeeze %dma_start3A_43 : memref<1x82x128xi32, #tpu.memory_space<hbm>> -> memref<82x128xi32, #tpu.memory_space<hbm>>
      tpu.enqueue_dma source(%dma_start3A_44 : memref<82x128xi32, #tpu.memory_space<hbm>>) target(%arg7 : memref<82x128xi32, #tpu.memory_space<vmem>>) target_semaphore(%run_scoped3A : memref<!tpu.dma_semaphore, #tpu.memory_space<semaphore_mem>>)
      %dma_wait3A = arith.constant 0 : i32
      %dma_wait3A_45 = arith.constant 0 : i32
      %dma_wait3A_46 = arith.constant 0 : i32
      %dma_wait3A_47 = tpu.memref_slice %arg4[%arg0, %dma_wait3A, %dma_wait3A_45, %dma_wait3A_46] : memref<2x16x82x128xi32, #tpu.memory_space<hbm>> -> memref<1x16x82x128xi32, #tpu.memory_space<hbm>>
      %dma_wait3A_48 = tpu.memref_squeeze %dma_wait3A_47 : memref<1x16x82x128xi32, #tpu.memory_space<hbm>> -> memref<16x82x128xi32, #tpu.memory_space<hbm>>
      %dma_wait3A_49 = arith.constant 0 : i32
      %dma_wait3A_50 = arith.constant 0 : i32
      %dma_wait3A_51 = tpu.memref_slice %dma_wait3A_48[%arg1, %dma_wait3A_49, %dma_wait3A_50] : memref<16x82x128xi32, #tpu.memory_space<hbm>> -> memref<1x82x128xi32, #tpu.memory_space<hbm>>
      %dma_wait3A_52 = tpu.memref_squeeze %dma_wait3A_51 : memref<1x82x128xi32, #tpu.memory_space<hbm>> -> memref<82x128xi32, #tpu.memory_space<hbm>>
      %dma_wait3A_53 = arith.constant 0 : i32
      %dma_wait3A_54 = arith.constant 0 : i32
      %dma_wait3A_55 = arith.constant 0 : i32
      %dma_wait3A_56 = tpu.memref_slice %arg4[%arg0, %dma_wait3A_53, %dma_wait3A_54, %dma_wait3A_55] : memref<2x16x82x128xi32, #tpu.memory_space<hbm>> -> memref<1x16x82x128xi32, #tpu.memory_space<hbm>>
      %dma_wait3A_57 = tpu.memref_squeeze %dma_wait3A_56 : memref<1x16x82x128xi32, #tpu.memory_space<hbm>> -> memref<16x82x128xi32, #tpu.memory_space<hbm>>
      %dma_wait3A_58 = arith.constant 0 : i32
      %dma_wait3A_59 = arith.constant 0 : i32
      %dma_wait3A_60 = tpu.memref_slice %dma_wait3A_57[%arg1, %dma_wait3A_58, %dma_wait3A_59] : memref<16x82x128xi32, #tpu.memory_space<hbm>> -> memref<1x82x128xi32, #tpu.memory_space<hbm>>
      %dma_wait3A_61 = tpu.memref_squeeze %dma_wait3A_60 : memref<1x82x128xi32, #tpu.memory_space<hbm>> -> memref<82x128xi32, #tpu.memory_space<hbm>>
      tpu.wait_dma2 semaphore(%run_scoped3A : memref<!tpu.dma_semaphore, #tpu.memory_space<semaphore_mem>>) src(%dma_wait3A_61 : memref<82x128xi32, #tpu.memory_space<hbm>>) dst(%arg7 : memref<82x128xi32, #tpu.memory_space<vmem>>)
      tpu.yield
    }) : () -> ()
    %scan3A = arith.constant 0 : i32
    %scan3A_3 = arith.constant 0 : i32
    %scan3A_4 = arith.constant 128 : i32
    %scan3A_5 = arith.addi %scan3A_3, %scan3A_4 : i32
    %scan3A_6 = arith.constant 1 : i32
    %scan3A_7 = scf.for %scan3A_28 = %scan3A_3 to %scan3A_5 step %scan3A_6 iter_args(%scan3A_29 = %scan3A) -> (i32)  : i32 {
      %broadcast_in_dim3A = arith.constant 0.000000e+00 : f32
      %broadcast_in_dim3A_30 = vector.broadcast %broadcast_in_dim3A : f32 to vector<16xf32>
      %swap3A = arith.index_cast %scan3A_28 : i32 to index
      %swap3A_31 = arith.constant 0 : index
      %swap3A_32 = tpu.vector_load %arg8[%swap3A, %swap3A_31] {strides = array<i32>} : memref<128x128xf32, #tpu.memory_space<vmem>>, vector<1x16xf32>,
      %swap3A_33 = vector.shape_cast %swap3A_32 : vector<1x16xf32> to vector<16xf32>
      %swap3A_34 = vector.shape_cast %broadcast_in_dim3A_30 : vector<16xf32> to vector<1x16xf32>
      tpu.vector_store %arg8[%swap3A, %swap3A_31], %swap3A_34 {strides = array<i32>} : memref<128x128xf32, #tpu.memory_space<vmem>>, vector<1x16xf32>,
      %broadcast_in_dim3A_35 = arith.constant 0.000000e+00 : f32
      %broadcast_in_dim3A_36 = vector.broadcast %broadcast_in_dim3A_35 : f32 to vector<16xf32>
      %swap3A_37 = arith.index_cast %scan3A_28 : i32 to index
      %swap3A_38 = arith.constant 16 : index
      %swap3A_39 = tpu.vector_load %arg8[%swap3A_37, %swap3A_38] {strides = array<i32>} : memref<128x128xf32, #tpu.memory_space<vmem>>, vector<1x16xf32>,
      %swap3A_40 = vector.shape_cast %swap3A_39 : vector<1x16xf32> to vector<16xf32>
      %swap3A_41 = vector.shape_cast %broadcast_in_dim3A_36 : vector<16xf32> to vector<1x16xf32>
      tpu.vector_store %arg8[%swap3A_37, %swap3A_38], %swap3A_41 {strides = array<i32>} : memref<128x128xf32, #tpu.memory_space<vmem>>, vector<1x16xf32>,
      %broadcast_in_dim3A_42 = arith.constant 0.000000e+00 : f32
      %broadcast_in_dim3A_43 = vector.broadcast %broadcast_in_dim3A_42 : f32 to vector<16xf32>
      %swap3A_44 = arith.index_cast %scan3A_28 : i32 to index
      %swap3A_45 = arith.constant 32 : index
      %swap3A_46 = tpu.vector_load %arg8[%swap3A_44, %swap3A_45] {strides = array<i32>} : memref<128x128xf32, #tpu.memory_space<vmem>>, vector<1x16xf32>,
      %swap3A_47 = vector.shape_cast %swap3A_46 : vector<1x16xf32> to vector<16xf32>
      %swap3A_48 = vector.shape_cast %broadcast_in_dim3A_43 : vector<16xf32> to vector<1x16xf32>
      tpu.vector_store %arg8[%swap3A_44, %swap3A_45], %swap3A_48 {strides = array<i32>} : memref<128x128xf32, #tpu.memory_space<vmem>>, vector<1x16xf32>,
      %broadcast_in_dim3A_49 = arith.constant 0.000000e+00 : f32
      %broadcast_in_dim3A_50 = vector.broadcast %broadcast_in_dim3A_49 : f32 to vector<16xf32>
      %swap3A_51 = arith.index_cast %scan3A_28 : i32 to index
      %swap3A_52 = arith.constant 48 : index
      %swap3A_53 = tpu.vector_load %arg8[%swap3A_51, %swap3A_52] {strides = array<i32>} : memref<128x128xf32, #tpu.memory_space<vmem>>, vector<1x16xf32>,
      %swap3A_54 = vector.shape_cast %swap3A_53 : vector<1x16xf32> to vector<16xf32>
      %swap3A_55 = vector.shape_cast %broadcast_in_dim3A_50 : vector<16xf32> to vector<1x16xf32>
      tpu.vector_store %arg8[%swap3A_51, %swap3A_52], %swap3A_55 {strides = array<i32>} : memref<128x128xf32, #tpu.memory_space<vmem>>, vector<1x16xf32>,
      %broadcast_in_dim3A_56 = arith.constant 0.000000e+00 : f32
      %broadcast_in_dim3A_57 = vector.broadcast %broadcast_in_dim3A_56 : f32 to vector<16xf32>
      %swap3A_58 = arith.index_cast %scan3A_28 : i32 to index
      %swap3A_59 = arith.constant 64 : index
      %swap3A_60 = tpu.vector_load %arg8[%swap3A_58, %swap3A_59] {strides = array<i32>} : memref<128x128xf32, #tpu.memory_space<vmem>>, vector<1x16xf32>,
      %swap3A_61 = vector.shape_cast %swap3A_60 : vector<1x16xf32> to vector<16xf32>
      %swap3A_62 = vector.shape_cast %broadcast_in_dim3A_57 : vector<16xf32> to vector<1x16xf32>
      tpu.vector_store %arg8[%swap3A_58, %swap3A_59], %swap3A_62 {strides = array<i32>} : memref<128x128xf32, #tpu.memory_space<vmem>>, vector<1x16xf32>,
      %broadcast_in_dim3A_63 = arith.constant 0.000000e+00 : f32
      %broadcast_in_dim3A_64 = vector.broadcast %broadcast_in_dim3A_63 : f32 to vector<16xf32>
      %swap3A_65 = arith.index_cast %scan3A_28 : i32 to index
      %swap3A_66 = arith.constant 80 : index
      %swap3A_67 = tpu.vector_load %arg8[%swap3A_65, %swap3A_66] {strides = array<i32>} : memref<128x128xf32, #tpu.memory_space<vmem>>, vector<1x16xf32>,
      %swap3A_68 = vector.shape_cast %swap3A_67 : vector<1x16xf32> to vector<16xf32>
      %swap3A_69 = vector.shape_cast %broadcast_in_dim3A_64 : vector<16xf32> to vector<1x16xf32>
      tpu.vector_store %arg8[%swap3A_65, %swap3A_66], %swap3A_69 {strides = array<i32>} : memref<128x128xf32, #tpu.memory_space<vmem>>, vector<1x16xf32>,
      %broadcast_in_dim3A_70 = arith.constant 0.000000e+00 : f32
      %broadcast_in_dim3A_71 = vector.broadcast %broadcast_in_dim3A_70 : f32 to vector<16xf32>
      %swap3A_72 = arith.index_cast %scan3A_28 : i32 to index
      %swap3A_73 = arith.constant 96 : index
      %swap3A_74 = tpu.vector_load %arg8[%swap3A_72, %swap3A_73] {strides = array<i32>} : memref<128x128xf32, #tpu.memory_space<vmem>>, vector<1x16xf32>,
      %swap3A_75 = vector.shape_cast %swap3A_74 : vector<1x16xf32> to vector<16xf32>
      %swap3A_76 = vector.shape_cast %broadcast_in_dim3A_71 : vector<16xf32> to vector<1x16xf32>
      tpu.vector_store %arg8[%swap3A_72, %swap3A_73], %swap3A_76 {strides = array<i32>} : memref<128x128xf32, #tpu.memory_space<vmem>>, vector<1x16xf32>,
      %broadcast_in_dim3A_77 = arith.constant 0.000000e+00 : f32
      %broadcast_in_dim3A_78 = vector.broadcast %broadcast_in_dim3A_77 : f32 to vector<16xf32>
      %swap3A_79 = arith.index_cast %scan3A_28 : i32 to index
      %swap3A_80 = arith.constant 112 : index
      %swap3A_81 = tpu.vector_load %arg8[%swap3A_79, %swap3A_80] {strides = array<i32>} : memref<128x128xf32, #tpu.memory_space<vmem>>, vector<1x16xf32>,
      %swap3A_82 = vector.shape_cast %swap3A_81 : vector<1x16xf32> to vector<16xf32>
      %swap3A_83 = vector.shape_cast %broadcast_in_dim3A_78 : vector<16xf32> to vector<1x16xf32>
      tpu.vector_store %arg8[%swap3A_79, %swap3A_80], %swap3A_83 {strides = array<i32>} : memref<128x128xf32, #tpu.memory_space<vmem>>, vector<1x16xf32>,
      %scan3A_84 = arith.constant 0 : i32
      scf.yield %scan3A_84 : i32
    }
    %scan3A_8 = arith.constant 128 : i32
    %add3A_9 = arith.constant 0 : i32
    %add3A_10 = arith.addi %mul3A_2, %add3A_9 : i32
    "tpu.region"() ({
      %run_scoped3A = tpu.sem_alloc : memref<!tpu.dma_semaphore, #tpu.memory_space<semaphore_mem>>
      %dma_start3A = arith.constant 0 : i32
      %dma_start3A_28 = tpu.memref_slice %arg9[%add3A_10, %dma_start3A] : memref<5128x128xf32, #tpu.memory_space<vmem_shared>> -> memref<128x128xf32, #tpu.memory_space<vmem_shared>>
      %dma_start3A_29 = arith.constant 0 : i32
      %dma_start3A_30 = tpu.memref_slice %arg9[%add3A_10, %dma_start3A_29] : memref<5128x128xf32, #tpu.memory_space<vmem_shared>> -> memref<128x128xf32, #tpu.memory_space<vmem_shared>>
      tpu.enqueue_dma source(%arg8 : memref<128x128xf32, #tpu.memory_space<vmem>>) target(%dma_start3A_30 : memref<128x128xf32, #tpu.memory_space<vmem_shared>>) target_semaphore(%run_scoped3A : memref<!tpu.dma_semaphore, #tpu.memory_space<semaphore_mem>>)
      %dma_wait3A = arith.constant 0 : i32
      %dma_wait3A_31 = tpu.memref_slice %arg9[%add3A_10, %dma_wait3A] : memref<5128x128xf32, #tpu.memory_space<vmem_shared>> -> memref<128x128xf32, #tpu.memory_space<vmem_shared>>
      %dma_wait3A_32 = arith.constant 0 : i32
      %dma_wait3A_33 = tpu.memref_slice %arg9[%add3A_10, %dma_wait3A_32] : memref<5128x128xf32, #tpu.memory_space<vmem_shared>> -> memref<128x128xf32, #tpu.memory_space<vmem_shared>>
      tpu.wait_dma2 semaphore(%run_scoped3A : memref<!tpu.dma_semaphore, #tpu.memory_space<semaphore_mem>>) src(%arg8 : memref<128x128xf32, #tpu.memory_space<vmem>>) dst(%dma_wait3A_33 : memref<128x128xf32, #tpu.memory_space<vmem_shared>>)
      tpu.yield
    }) : () -> ()
    %add3A_11 = arith.constant 128 : i32
    %add3A_12 = arith.addi %mul3A_2, %add3A_11 : i32
    "tpu.region"() ({
      %run_scoped3A = tpu.sem_alloc : memref<!tpu.dma_semaphore, #tpu.memory_space<semaphore_mem>>
      %dma_start3A = arith.constant 0 : i32
      %dma_start3A_28 = tpu.memref_slice %arg9[%add3A_12, %dma_start3A] : memref<5128x128xf32, #tpu.memory_space<vmem_shared>> -> memref<128x128xf32, #tpu.memory_space<vmem_shared>>
      %dma_start3A_29 = arith.constant 0 : i32
      %dma_start3A_30 = tpu.memref_slice %arg9[%add3A_12, %dma_start3A_29] : memref<5128x128xf32, #tpu.memory_space<vmem_shared>> -> memref<128x128xf32, #tpu.memory_space<vmem_shared>>
      tpu.enqueue_dma source(%arg8 : memref<128x128xf32, #tpu.memory_space<vmem>>) target(%dma_start3A_30 : memref<128x128xf32, #tpu.memory_space<vmem_shared>>) target_semaphore(%run_scoped3A : memref<!tpu.dma_semaphore, #tpu.memory_space<semaphore_mem>>)
      %dma_wait3A = arith.constant 0 : i32
      %dma_wait3A_31 = tpu.memref_slice %arg9[%add3A_12, %dma_wait3A] : memref<5128x128xf32, #tpu.memory_space<vmem_shared>> -> memref<128x128xf32, #tpu.memory_space<vmem_shared>>
      %dma_wait3A_32 = arith.constant 0 : i32
      %dma_wait3A_33 = tpu.memref_slice %arg9[%add3A_12, %dma_wait3A_32] : memref<5128x128xf32, #tpu.memory_space<vmem_shared>> -> memref<128x128xf32, #tpu.memory_space<vmem_shared>>
      tpu.wait_dma2 semaphore(%run_scoped3A : memref<!tpu.dma_semaphore, #tpu.memory_space<semaphore_mem>>) src(%arg8 : memref<128x128xf32, #tpu.memory_space<vmem>>) dst(%dma_wait3A_33 : memref<128x128xf32, #tpu.memory_space<vmem_shared>>)
      tpu.yield
    }) : () -> ()
    %add3A_13 = arith.constant 320 : i32
    %add3A_14 = arith.addi %mul3A_2, %add3A_13 : i32
    %sub3A = arith.constant 64 : i32
    %sub3A_15 = arith.subi %add3A_14, %sub3A : i32
    "tpu.region"() ({
      %run_scoped3A = tpu.sem_alloc : memref<!tpu.dma_semaphore, #tpu.memory_space<semaphore_mem>>
      %dma_start3A = arith.constant 0 : i32
      %dma_start3A_28 = arith.constant 0 : i32
      %dma_start3A_29 = tpu.memref_slice %arg8[%dma_start3A, %dma_start3A_28] : memref<128x128xf32, #tpu.memory_space<vmem>> -> memref<64x128xf32, #tpu.memory_space<vmem>>
      %dma_start3A_30 = arith.constant 0 : i32
      %dma_start3A_31 = tpu.memref_slice %arg9[%sub3A_15, %dma_start3A_30] : memref<5128x128xf32, #tpu.memory_space<vmem_shared>> -> memref<64x128xf32, #tpu.memory_space<vmem_shared>>
      %dma_start3A_32 = arith.constant 0 : i32
      %dma_start3A_33 = tpu.memref_slice %arg9[%sub3A_15, %dma_start3A_32] : memref<5128x128xf32, #tpu.memory_space<vmem_shared>> -> memref<64x128xf32, #tpu.memory_space<vmem_shared>>
      %dma_start3A_34 = arith.constant 0 : i32
      %dma_start3A_35 = arith.constant 0 : i32
      %dma_start3A_36 = tpu.memref_slice %arg8[%dma_start3A_34, %dma_start3A_35] : memref<128x128xf32, #tpu.memory_space<vmem>> -> memref<64x128xf32, #tpu.memory_space<vmem>>
      tpu.enqueue_dma source(%dma_start3A_36 : memref<64x128xf32, #tpu.memory_space<vmem>>) target(%dma_start3A_33 : memref<64x128xf32, #tpu.memory_space<vmem_shared>>) target_semaphore(%run_scoped3A : memref<!tpu.dma_semaphore, #tpu.memory_space<semaphore_mem>>)
      %dma_wait3A = arith.constant 0 : i32
      %dma_wait3A_37 = arith.constant 0 : i32
      %dma_wait3A_38 = tpu.memref_slice %arg8[%dma_wait3A, %dma_wait3A_37] : memref<128x128xf32, #tpu.memory_space<vmem>> -> memref<64x128xf32, #tpu.memory_space<vmem>>
      %dma_wait3A_39 = arith.constant 0 : i32
      %dma_wait3A_40 = tpu.memref_slice %arg9[%sub3A_15, %dma_wait3A_39] : memref<5128x128xf32, #tpu.memory_space<vmem_shared>> -> memref<64x128xf32, #tpu.memory_space<vmem_shared>>
      %dma_wait3A_41 = arith.constant 0 : i32
      %dma_wait3A_42 = tpu.memref_slice %arg9[%sub3A_15, %dma_wait3A_41] : memref<5128x128xf32, #tpu.memory_space<vmem_shared>> -> memref<64x128xf32, #tpu.memory_space<vmem_shared>>
      %dma_wait3A_43 = arith.constant 0 : i32
      %dma_wait3A_44 = arith.constant 0 : i32
      %dma_wait3A_45 = tpu.memref_slice %arg8[%dma_wait3A_43, %dma_wait3A_44] : memref<128x128xf32, #tpu.memory_space<vmem>> -> memref<64x128xf32, #tpu.memory_space<vmem>>
      tpu.wait_dma2 semaphore(%run_scoped3A : memref<!tpu.dma_semaphore, #tpu.memory_space<semaphore_mem>>) src(%dma_wait3A_45 : memref<64x128xf32, #tpu.memory_space<vmem>>) dst(%dma_wait3A_42 : memref<64x128xf32, #tpu.memory_space<vmem_shared>>)
      tpu.yield
    }) : () -> ()
    %eq3A = arith.constant 0 : i32
    %eq3A_16 = arith.cmpi eq, %arg1, %eq3A : i32
    %convert_element_type3A = arith.extui %eq3A_16 : i1 to i32
    %cond3A = arith.constant 0 : i32
    %cond3A_17 = arith.cmpi ne, %convert_element_type3A, %cond3A : i32
    scf.if %cond3A_17 {
      "tpu.region"() ({
        %run_scoped3A = tpu.sem_alloc : memref<!tpu.dma_semaphore, #tpu.memory_space<semaphore_mem>>
        %dma_start3A = arith.constant 0 : i32
        %dma_start3A_28 = arith.constant 0 : i32
        %dma_start3A_29 = tpu.memref_slice %arg8[%dma_start3A, %dma_start3A_28] : memref<128x128xf32, #tpu.memory_space<vmem>> -> memref<8x128xf32, #tpu.memory_space<vmem>>
        %dma_start3A_30 = arith.constant 5120 : i32
        %dma_start3A_31 = arith.constant 0 : i32
        %dma_start3A_32 = tpu.memref_slice %arg9[%dma_start3A_30, %dma_start3A_31] : memref<5128x128xf32, #tpu.memory_space<vmem_shared>> -> memref<8x128xf32, #tpu.memory_space<vmem_shared>>
        %dma_start3A_33 = arith.constant 5120 : i32
        %dma_start3A_34 = arith.constant 0 : i32
        %dma_start3A_35 = tpu.memref_slice %arg9[%dma_start3A_33, %dma_start3A_34] : memref<5128x128xf32, #tpu.memory_space<vmem_shared>> -> memref<8x128xf32, #tpu.memory_space<vmem_shared>>
        %dma_start3A_36 = arith.constant 0 : i32
        %dma_start3A_37 = arith.constant 0 : i32
        %dma_start3A_38 = tpu.memref_slice %arg8[%dma_start3A_36, %dma_start3A_37] : memref<128x128xf32, #tpu.memory_space<vmem>> -> memref<8x128xf32, #tpu.memory_space<vmem>>
        tpu.enqueue_dma source(%dma_start3A_38 : memref<8x128xf32, #tpu.memory_space<vmem>>) target(%dma_start3A_35 : memref<8x128xf32, #tpu.memory_space<vmem_shared>>) target_semaphore(%run_scoped3A : memref<!tpu.dma_semaphore, #tpu.memory_space<semaphore_mem>>)
        %dma_wait3A = arith.constant 0 : i32
        %dma_wait3A_39 = arith.constant 0 : i32
        %dma_wait3A_40 = tpu.memref_slice %arg8[%dma_wait3A, %dma_wait3A_39] : memref<128x128xf32, #tpu.memory_space<vmem>> -> memref<8x128xf32, #tpu.memory_space<vmem>>
        %dma_wait3A_41 = arith.constant 5120 : i32
        %dma_wait3A_42 = arith.constant 0 : i32
        %dma_wait3A_43 = tpu.memref_slice %arg9[%dma_wait3A_41, %dma_wait3A_42] : memref<5128x128xf32, #tpu.memory_space<vmem_shared>> -> memref<8x128xf32, #tpu.memory_space<vmem_shared>>
        %dma_wait3A_44 = arith.constant 5120 : i32
        %dma_wait3A_45 = arith.constant 0 : i32
        %dma_wait3A_46 = tpu.memref_slice %arg9[%dma_wait3A_44, %dma_wait3A_45] : memref<5128x128xf32, #tpu.memory_space<vmem_shared>> -> memref<8x128xf32, #tpu.memory_space<vmem_shared>>
        %dma_wait3A_47 = arith.constant 0 : i32
        %dma_wait3A_48 = arith.constant 0 : i32
        %dma_wait3A_49 = tpu.memref_slice %arg8[%dma_wait3A_47, %dma_wait3A_48] : memref<128x128xf32, #tpu.memory_space<vmem>> -> memref<8x128xf32, #tpu.memory_space<vmem>>
        tpu.wait_dma2 semaphore(%run_scoped3A : memref<!tpu.dma_semaphore, #tpu.memory_space<semaphore_mem>>) src(%dma_wait3A_49 : memref<8x128xf32, #tpu.memory_space<vmem>>) dst(%dma_wait3A_46 : memref<8x128xf32, #tpu.memory_space<vmem_shared>>)
        tpu.yield
      }) : () -> ()
    } else {
    }
    %barrier3A = arith.constant 0 : index
    tpu.barrier barrier_id(%barrier3A)
    %scan3A_18 = arith.constant 0 : i32
    %scan3A_19 = arith.constant 0 : i32
    %scan3A_20 = arith.constant 82 : i32
    %scan3A_21 = arith.addi %scan3A_19, %scan3A_20 : i32
    %scan3A_22 = arith.constant 1 : i32
    %scan3A_23 = scf.for %scan3A_28 = %scan3A_19 to %scan3A_21 step %scan3A_22 iter_args(%scan3A_29 = %scan3A_18) -> (i32)  : i32 {
      %dma_start3A = arith.constant 0 : i32
      %dma_start3A_30 = tpu.memref_slice %arg6[%scan3A_28, %dma_start3A] : memref<82x128xi32, #tpu.memory_space<vmem>> -> memref<1x128xi32, #tpu.memory_space<vmem>>
      %dma_start3A_31 = tpu.memref_squeeze %dma_start3A_30 : memref<1x128xi32, #tpu.memory_space<vmem>> -> memref<128xi32, #tpu.memory_space<vmem>>
      %dma_start3A_32 = arith.constant 0 : i32
      %dma_start3A_33 = arith.constant 0 : i32
      %dma_start3A_34 = tpu.memref_slice %arg2[%dma_start3A_32, %dma_start3A_33] : memref<10000x128xf32, #tpu.memory_space<hbm>> -> memref<10000x128xf32, #tpu.memory_space<hbm>>
      tpu.enqueue_indirect_dma source(%dma_start3A_34 : memref<10000x128xf32, #tpu.memory_space<hbm>>) target(%arg8 : memref<128x128xf32, #tpu.memory_space<vmem>>) offsets(%dma_start3A_31 : memref<128xi32, #tpu.memory_space<vmem>>) semaphore(%arg10 : memref<!tpu.dma_semaphore, #tpu.memory_space<semaphore_mem>>)
      %dma_wait3A = arith.constant 0 : i32
      %dma_wait3A_35 = tpu.memref_slice %arg6[%scan3A_28, %dma_wait3A] : memref<82x128xi32, #tpu.memory_space<vmem>> -> memref<1x128xi32, #tpu.memory_space<vmem>>
      %dma_wait3A_36 = tpu.memref_squeeze %dma_wait3A_35 : memref<1x128xi32, #tpu.memory_space<vmem>> -> memref<128xi32, #tpu.memory_space<vmem>>
      %dma_wait3A_37 = arith.constant 0 : i32
      %dma_wait3A_38 = arith.constant 0 : i32
      %dma_wait3A_39 = tpu.memref_slice %arg2[%dma_wait3A_37, %dma_wait3A_38] : memref<10000x128xf32, #tpu.memory_space<hbm>> -> memref<10000x128xf32, #tpu.memory_space<hbm>>
      tpu.wait_indirect_dma semaphore(%arg10 : memref<!tpu.dma_semaphore, #tpu.memory_space<semaphore_mem>>) src(%dma_wait3A_39 : memref<10000x128xf32, #tpu.memory_space<hbm>>) dst(%arg8 : memref<128x128xf32, #tpu.memory_space<vmem>>)
      "tpu.region"() ({
        %run_scoped3A = tpu.sem_alloc : memref<!tpu.dma_semaphore, #tpu.memory_space<semaphore_mem>>
        %dma_start3A_41 = arith.constant 0 : i32
        %dma_start3A_42 = tpu.memref_slice %arg7[%scan3A_28, %dma_start3A_41] : memref<82x128xi32, #tpu.memory_space<vmem>> -> memref<1x128xi32, #tpu.memory_space<vmem>>
        %dma_start3A_43 = tpu.memref_squeeze %dma_start3A_42 : memref<1x128xi32, #tpu.memory_space<vmem>> -> memref<128xi32, #tpu.memory_space<vmem>>
        %dma_start3A_44 = arith.constant 0 : i32
        %dma_start3A_45 = arith.constant 0 : i32
        %dma_start3A_46 = tpu.memref_slice %arg9[%dma_start3A_44, %dma_start3A_45] : memref<5128x128xf32, #tpu.memory_space<vmem_shared>> -> memref<5128x128xf32, #tpu.memory_space<vmem_shared>>
        tpu.enqueue_indirect_dma source(%arg8 : memref<128x128xf32, #tpu.memory_space<vmem>>) target(%dma_start3A_46 : memref<5128x128xf32, #tpu.memory_space<vmem_shared>>) offsets(%dma_start3A_43 : memref<128xi32, #tpu.memory_space<vmem>>) semaphore(%run_scoped3A : memref<!tpu.dma_semaphore, #tpu.memory_space<semaphore_mem>>) {add = true}
        %dma_wait3A_47 = arith.constant 0 : i32
        %dma_wait3A_48 = tpu.memref_slice %arg7[%scan3A_28, %dma_wait3A_47] : memref<82x128xi32, #tpu.memory_space<vmem>> -> memref<1x128xi32, #tpu.memory_space<vmem>>
        %dma_wait3A_49 = tpu.memref_squeeze %dma_wait3A_48 : memref<1x128xi32, #tpu.memory_space<vmem>> -> memref<128xi32, #tpu.memory_space<vmem>>
        %dma_wait3A_50 = arith.constant 0 : i32
        %dma_wait3A_51 = arith.constant 0 : i32
        %dma_wait3A_52 = tpu.memref_slice %arg9[%dma_wait3A_50, %dma_wait3A_51] : memref<5128x128xf32, #tpu.memory_space<vmem_shared>> -> memref<5128x128xf32, #tpu.memory_space<vmem_shared>>
        tpu.wait_indirect_dma semaphore(%run_scoped3A : memref<!tpu.dma_semaphore, #tpu.memory_space<semaphore_mem>>) src(%arg8 : memref<128x128xf32, #tpu.memory_space<vmem>>) dst(%dma_wait3A_52 : memref<5128x128xf32, #tpu.memory_space<vmem_shared>>)
        tpu.yield
      }) : () -> ()
      %scan3A_40 = arith.constant 0 : i32
      scf.yield %scan3A_40 : i32
    }
    %scan3A_24 = arith.constant 82 : i32
    %barrier3A_25 = arith.constant 0 : index
    tpu.barrier barrier_id(%barrier3A_25)
    %mul3A_26 = arith.constant 320 : i32
    %mul3A_27 = arith.muli %add3A, %mul3A_26 : i32
    "tpu.region"() ({
      %run_scoped3A = tpu.sem_alloc : memref<!tpu.dma_semaphore, #tpu.memory_space<semaphore_mem>>
      %dma_start3A = arith.constant 0 : i32
      %dma_start3A_28 = tpu.memref_slice %arg5[%mul3A_27, %dma_start3A] : memref<10240x128xf32, #tpu.memory_space<hbm>> -> memref<320x128xf32, #tpu.memory_space<hbm>>
      %dma_start3A_29 = arith.constant 0 : i32
      %dma_start3A_30 = tpu.memref_slice %arg9[%mul3A_2, %dma_start3A_29] : memref<5128x128xf32, #tpu.memory_space<vmem_shared>> -> memref<320x128xf32, #tpu.memory_space<vmem_shared>>
      tpu.enqueue_dma source(%dma_start3A_30 : memref<320x128xf32, #tpu.memory_space<vmem_shared>>) target(%dma_start3A_28 : memref<320x128xf32, #tpu.memory_space<hbm>>) target_semaphore(%run_scoped3A : memref<!tpu.dma_semaphore, #tpu.memory_space<semaphore_mem>>)
      %dma_wait3A = arith.constant 0 : i32
      %dma_wait3A_31 = tpu.memref_slice %arg5[%mul3A_27, %dma_wait3A] : memref<10240x128xf32, #tpu.memory_space<hbm>> -> memref<320x128xf32, #tpu.memory_space<hbm>>
      %dma_wait3A_32 = arith.constant 0 : i32
      %dma_wait3A_33 = tpu.memref_slice %arg9[%mul3A_2, %dma_wait3A_32] : memref<5128x128xf32, #tpu.memory_space<vmem_shared>> -> memref<320x128xf32, #tpu.memory_space<vmem_shared>>
      tpu.wait_dma2 semaphore(%run_scoped3A : memref<!tpu.dma_semaphore, #tpu.memory_space<semaphore_mem>>) src(%dma_wait3A_33 : memref<320x128xf32, #tpu.memory_space<vmem_shared>>) dst(%dma_wait3A_31 : memref<320x128xf32, #tpu.memory_space<hbm>>)
      tpu.yield
    }) : () -> ()
    return
  }
}

#map = affine_map<(d0, d1) -> (0, 0)>
#map1 = affine_map<(d0, d1) -> (0, 0, 0, 0)>
module attributes {stable_mosaic.version = 14 : i64} {
  func.func @hop(%arg0: i32, %arg1: i32, %arg2: memref<10240x128xf32, #tpu.memory_space<hbm>>, %arg3: memref<2x16x82x128xi32, #tpu.memory_space<hbm>>, %arg4: memref<2x16x82x128xi32, #tpu.memory_space<hbm>>, %arg5: memref<10240x128xf32, #tpu.memory_space<hbm>>, %arg6: memref<82x128xi32, #tpu.memory_space<vmem>>, %arg7: memref<82x128xi32, #tpu.memory_space<vmem>>, %arg8: memref<128x128xf32, #tpu.memory_space<vmem>>, %arg9: memref<5128x128xf32, #tpu.memory_space<vmem_shared>>, %arg10: memref<!tpu.dma_semaphore, #tpu.memory_space<semaphore_mem>>) attributes {dimension_semantics = [#tpu.dimension_semantics<core_parallel>, #tpu.dimension_semantics<subcore_parallel>], iteration_bounds = array<i64: 2, 16>, scalar_prefetch = 0 : i64, scratch_operands = 5 : i64, tpu.core_type = #tpu.core_type<sc_vector_subcore>, window_params = [{transform_indices = #map}, {transform_indices = #map1}, {transform_indices = #map1}, {transform_indices = #map}]} {
    %mul3A = arith.constant 2 : i32
    %mul3A_0 = arith.muli %arg1, %mul3A : i32
    %add3A = arith.addi %mul3A_0, %arg0 : i32
    %mul3A_1 = arith.constant 320 : i32
    %mul3A_2 = arith.muli %arg1, %mul3A_1 : i32
    "tpu.region"() ({
      %run_scoped3A = tpu.sem_alloc : memref<!tpu.dma_semaphore, #tpu.memory_space<semaphore_mem>>
      %dma_start3A = arith.constant 0 : i32
      %dma_start3A_28 = arith.constant 0 : i32
      %dma_start3A_29 = arith.constant 0 : i32
      %dma_start3A_30 = tpu.memref_slice %arg3[%arg0, %dma_start3A, %dma_start3A_28, %dma_start3A_29] : memref<2x16x82x128xi32, #tpu.memory_space<hbm>> -> memref<1x16x82x128xi32, #tpu.memory_space<hbm>>
      %dma_start3A_31 = tpu.memref_squeeze %dma_start3A_30 : memref<1x16x82x128xi32, #tpu.memory_space<hbm>> -> memref<16x82x128xi32, #tpu.memory_space<hbm>>
      %dma_start3A_32 = arith.constant 0 : i32
      %dma_start3A_33 = arith.constant 0 : i32
      %dma_start3A_34 = tpu.memref_slice %dma_start3A_31[%arg1, %dma_start3A_32, %dma_start3A_33] : memref<16x82x128xi32, #tpu.memory_space<hbm>> -> memref<1x82x128xi32, #tpu.memory_space<hbm>>
      %dma_start3A_35 = tpu.memref_squeeze %dma_start3A_34 : memref<1x82x128xi32, #tpu.memory_space<hbm>> -> memref<82x128xi32, #tpu.memory_space<hbm>>
      %dma_start3A_36 = arith.constant 0 : i32
      %dma_start3A_37 = arith.constant 0 : i32
      %dma_start3A_38 = arith.constant 0 : i32
      %dma_start3A_39 = tpu.memref_slice %arg3[%arg0, %dma_start3A_36, %dma_start3A_37, %dma_start3A_38] : memref<2x16x82x128xi32, #tpu.memory_space<hbm>> -> memref<1x16x82x128xi32, #tpu.memory_space<hbm>>
      %dma_start3A_40 = tpu.memref_squeeze %dma_start3A_39 : memref<1x16x82x128xi32, #tpu.memory_space<hbm>> -> memref<16x82x128xi32, #tpu.memory_space<hbm>>
      %dma_start3A_41 = arith.constant 0 : i32
      %dma_start3A_42 = arith.constant 0 : i32
      %dma_start3A_43 = tpu.memref_slice %dma_start3A_40[%arg1, %dma_start3A_41, %dma_start3A_42] : memref<16x82x128xi32, #tpu.memory_space<hbm>> -> memref<1x82x128xi32, #tpu.memory_space<hbm>>
      %dma_start3A_44 = tpu.memref_squeeze %dma_start3A_43 : memref<1x82x128xi32, #tpu.memory_space<hbm>> -> memref<82x128xi32, #tpu.memory_space<hbm>>
      tpu.enqueue_dma source(%dma_start3A_44 : memref<82x128xi32, #tpu.memory_space<hbm>>) target(%arg6 : memref<82x128xi32, #tpu.memory_space<vmem>>) target_semaphore(%run_scoped3A : memref<!tpu.dma_semaphore, #tpu.memory_space<semaphore_mem>>)
      %dma_wait3A = arith.constant 0 : i32
      %dma_wait3A_45 = arith.constant 0 : i32
      %dma_wait3A_46 = arith.constant 0 : i32
      %dma_wait3A_47 = tpu.memref_slice %arg3[%arg0, %dma_wait3A, %dma_wait3A_45, %dma_wait3A_46] : memref<2x16x82x128xi32, #tpu.memory_space<hbm>> -> memref<1x16x82x128xi32, #tpu.memory_space<hbm>>
      %dma_wait3A_48 = tpu.memref_squeeze %dma_wait3A_47 : memref<1x16x82x128xi32, #tpu.memory_space<hbm>> -> memref<16x82x128xi32, #tpu.memory_space<hbm>>
      %dma_wait3A_49 = arith.constant 0 : i32
      %dma_wait3A_50 = arith.constant 0 : i32
      %dma_wait3A_51 = tpu.memref_slice %dma_wait3A_48[%arg1, %dma_wait3A_49, %dma_wait3A_50] : memref<16x82x128xi32, #tpu.memory_space<hbm>> -> memref<1x82x128xi32, #tpu.memory_space<hbm>>
      %dma_wait3A_52 = tpu.memref_squeeze %dma_wait3A_51 : memref<1x82x128xi32, #tpu.memory_space<hbm>> -> memref<82x128xi32, #tpu.memory_space<hbm>>
      %dma_wait3A_53 = arith.constant 0 : i32
      %dma_wait3A_54 = arith.constant 0 : i32
      %dma_wait3A_55 = arith.constant 0 : i32
      %dma_wait3A_56 = tpu.memref_slice %arg3[%arg0, %dma_wait3A_53, %dma_wait3A_54, %dma_wait3A_55] : memref<2x16x82x128xi32, #tpu.memory_space<hbm>> -> memref<1x16x82x128xi32, #tpu.memory_space<hbm>>
      %dma_wait3A_57 = tpu.memref_squeeze %dma_wait3A_56 : memref<1x16x82x128xi32, #tpu.memory_space<hbm>> -> memref<16x82x128xi32, #tpu.memory_space<hbm>>
      %dma_wait3A_58 = arith.constant 0 : i32
      %dma_wait3A_59 = arith.constant 0 : i32
      %dma_wait3A_60 = tpu.memref_slice %dma_wait3A_57[%arg1, %dma_wait3A_58, %dma_wait3A_59] : memref<16x82x128xi32, #tpu.memory_space<hbm>> -> memref<1x82x128xi32, #tpu.memory_space<hbm>>
      %dma_wait3A_61 = tpu.memref_squeeze %dma_wait3A_60 : memref<1x82x128xi32, #tpu.memory_space<hbm>> -> memref<82x128xi32, #tpu.memory_space<hbm>>
      tpu.wait_dma2 semaphore(%run_scoped3A : memref<!tpu.dma_semaphore, #tpu.memory_space<semaphore_mem>>) src(%dma_wait3A_61 : memref<82x128xi32, #tpu.memory_space<hbm>>) dst(%arg6 : memref<82x128xi32, #tpu.memory_space<vmem>>)
      tpu.yield
    }) : () -> ()
    "tpu.region"() ({
      %run_scoped3A = tpu.sem_alloc : memref<!tpu.dma_semaphore, #tpu.memory_space<semaphore_mem>>
      %dma_start3A = arith.constant 0 : i32
      %dma_start3A_28 = arith.constant 0 : i32
      %dma_start3A_29 = arith.constant 0 : i32
      %dma_start3A_30 = tpu.memref_slice %arg4[%arg0, %dma_start3A, %dma_start3A_28, %dma_start3A_29] : memref<2x16x82x128xi32, #tpu.memory_space<hbm>> -> memref<1x16x82x128xi32, #tpu.memory_space<hbm>>
      %dma_start3A_31 = tpu.memref_squeeze %dma_start3A_30 : memref<1x16x82x128xi32, #tpu.memory_space<hbm>> -> memref<16x82x128xi32, #tpu.memory_space<hbm>>
      %dma_start3A_32 = arith.constant 0 : i32
      %dma_start3A_33 = arith.constant 0 : i32
      %dma_start3A_34 = tpu.memref_slice %dma_start3A_31[%arg1, %dma_start3A_32, %dma_start3A_33] : memref<16x82x128xi32, #tpu.memory_space<hbm>> -> memref<1x82x128xi32, #tpu.memory_space<hbm>>
      %dma_start3A_35 = tpu.memref_squeeze %dma_start3A_34 : memref<1x82x128xi32, #tpu.memory_space<hbm>> -> memref<82x128xi32, #tpu.memory_space<hbm>>
      %dma_start3A_36 = arith.constant 0 : i32
      %dma_start3A_37 = arith.constant 0 : i32
      %dma_start3A_38 = arith.constant 0 : i32
      %dma_start3A_39 = tpu.memref_slice %arg4[%arg0, %dma_start3A_36, %dma_start3A_37, %dma_start3A_38] : memref<2x16x82x128xi32, #tpu.memory_space<hbm>> -> memref<1x16x82x128xi32, #tpu.memory_space<hbm>>
      %dma_start3A_40 = tpu.memref_squeeze %dma_start3A_39 : memref<1x16x82x128xi32, #tpu.memory_space<hbm>> -> memref<16x82x128xi32, #tpu.memory_space<hbm>>
      %dma_start3A_41 = arith.constant 0 : i32
      %dma_start3A_42 = arith.constant 0 : i32
      %dma_start3A_43 = tpu.memref_slice %dma_start3A_40[%arg1, %dma_start3A_41, %dma_start3A_42] : memref<16x82x128xi32, #tpu.memory_space<hbm>> -> memref<1x82x128xi32, #tpu.memory_space<hbm>>
      %dma_start3A_44 = tpu.memref_squeeze %dma_start3A_43 : memref<1x82x128xi32, #tpu.memory_space<hbm>> -> memref<82x128xi32, #tpu.memory_space<hbm>>
      tpu.enqueue_dma source(%dma_start3A_44 : memref<82x128xi32, #tpu.memory_space<hbm>>) target(%arg7 : memref<82x128xi32, #tpu.memory_space<vmem>>) target_semaphore(%run_scoped3A : memref<!tpu.dma_semaphore, #tpu.memory_space<semaphore_mem>>)
      %dma_wait3A = arith.constant 0 : i32
      %dma_wait3A_45 = arith.constant 0 : i32
      %dma_wait3A_46 = arith.constant 0 : i32
      %dma_wait3A_47 = tpu.memref_slice %arg4[%arg0, %dma_wait3A, %dma_wait3A_45, %dma_wait3A_46] : memref<2x16x82x128xi32, #tpu.memory_space<hbm>> -> memref<1x16x82x128xi32, #tpu.memory_space<hbm>>
      %dma_wait3A_48 = tpu.memref_squeeze %dma_wait3A_47 : memref<1x16x82x128xi32, #tpu.memory_space<hbm>> -> memref<16x82x128xi32, #tpu.memory_space<hbm>>
      %dma_wait3A_49 = arith.constant 0 : i32
      %dma_wait3A_50 = arith.constant 0 : i32
      %dma_wait3A_51 = tpu.memref_slice %dma_wait3A_48[%arg1, %dma_wait3A_49, %dma_wait3A_50] : memref<16x82x128xi32, #tpu.memory_space<hbm>> -> memref<1x82x128xi32, #tpu.memory_space<hbm>>
      %dma_wait3A_52 = tpu.memref_squeeze %dma_wait3A_51 : memref<1x82x128xi32, #tpu.memory_space<hbm>> -> memref<82x128xi32, #tpu.memory_space<hbm>>
      %dma_wait3A_53 = arith.constant 0 : i32
      %dma_wait3A_54 = arith.constant 0 : i32
      %dma_wait3A_55 = arith.constant 0 : i32
      %dma_wait3A_56 = tpu.memref_slice %arg4[%arg0, %dma_wait3A_53, %dma_wait3A_54, %dma_wait3A_55] : memref<2x16x82x128xi32, #tpu.memory_space<hbm>> -> memref<1x16x82x128xi32, #tpu.memory_space<hbm>>
      %dma_wait3A_57 = tpu.memref_squeeze %dma_wait3A_56 : memref<1x16x82x128xi32, #tpu.memory_space<hbm>> -> memref<16x82x128xi32, #tpu.memory_space<hbm>>
      %dma_wait3A_58 = arith.constant 0 : i32
      %dma_wait3A_59 = arith.constant 0 : i32
      %dma_wait3A_60 = tpu.memref_slice %dma_wait3A_57[%arg1, %dma_wait3A_58, %dma_wait3A_59] : memref<16x82x128xi32, #tpu.memory_space<hbm>> -> memref<1x82x128xi32, #tpu.memory_space<hbm>>
      %dma_wait3A_61 = tpu.memref_squeeze %dma_wait3A_60 : memref<1x82x128xi32, #tpu.memory_space<hbm>> -> memref<82x128xi32, #tpu.memory_space<hbm>>
      tpu.wait_dma2 semaphore(%run_scoped3A : memref<!tpu.dma_semaphore, #tpu.memory_space<semaphore_mem>>) src(%dma_wait3A_61 : memref<82x128xi32, #tpu.memory_space<hbm>>) dst(%arg7 : memref<82x128xi32, #tpu.memory_space<vmem>>)
      tpu.yield
    }) : () -> ()
    %scan3A = arith.constant 0 : i32
    %scan3A_3 = arith.constant 0 : i32
    %scan3A_4 = arith.constant 128 : i32
    %scan3A_5 = arith.addi %scan3A_3, %scan3A_4 : i32
    %scan3A_6 = arith.constant 1 : i32
    %scan3A_7 = scf.for %scan3A_28 = %scan3A_3 to %scan3A_5 step %scan3A_6 iter_args(%scan3A_29 = %scan3A) -> (i32)  : i32 {
      %broadcast_in_dim3A = arith.constant 0.000000e+00 : f32
      %broadcast_in_dim3A_30 = vector.broadcast %broadcast_in_dim3A : f32 to vector<16xf32>
      %swap3A = arith.index_cast %scan3A_28 : i32 to index
      %swap3A_31 = arith.constant 0 : index
      %swap3A_32 = tpu.vector_load %arg8[%swap3A, %swap3A_31] {strides = array<i32>} : memref<128x128xf32, #tpu.memory_space<vmem>>, vector<1x16xf32>,
      %swap3A_33 = vector.shape_cast %swap3A_32 : vector<1x16xf32> to vector<16xf32>
      %swap3A_34 = vector.shape_cast %broadcast_in_dim3A_30 : vector<16xf32> to vector<1x16xf32>
      tpu.vector_store %arg8[%swap3A, %swap3A_31], %swap3A_34 {strides = array<i32>} : memref<128x128xf32, #tpu.memory_space<vmem>>, vector<1x16xf32>,
      %broadcast_in_dim3A_35 = arith.constant 0.000000e+00 : f32
      %broadcast_in_dim3A_36 = vector.broadcast %broadcast_in_dim3A_35 : f32 to vector<16xf32>
      %swap3A_37 = arith.index_cast %scan3A_28 : i32 to index
      %swap3A_38 = arith.constant 16 : index
      %swap3A_39 = tpu.vector_load %arg8[%swap3A_37, %swap3A_38] {strides = array<i32>} : memref<128x128xf32, #tpu.memory_space<vmem>>, vector<1x16xf32>,
      %swap3A_40 = vector.shape_cast %swap3A_39 : vector<1x16xf32> to vector<16xf32>
      %swap3A_41 = vector.shape_cast %broadcast_in_dim3A_36 : vector<16xf32> to vector<1x16xf32>
      tpu.vector_store %arg8[%swap3A_37, %swap3A_38], %swap3A_41 {strides = array<i32>} : memref<128x128xf32, #tpu.memory_space<vmem>>, vector<1x16xf32>,
      %broadcast_in_dim3A_42 = arith.constant 0.000000e+00 : f32
      %broadcast_in_dim3A_43 = vector.broadcast %broadcast_in_dim3A_42 : f32 to vector<16xf32>
      %swap3A_44 = arith.index_cast %scan3A_28 : i32 to index
      %swap3A_45 = arith.constant 32 : index
      %swap3A_46 = tpu.vector_load %arg8[%swap3A_44, %swap3A_45] {strides = array<i32>} : memref<128x128xf32, #tpu.memory_space<vmem>>, vector<1x16xf32>,
      %swap3A_47 = vector.shape_cast %swap3A_46 : vector<1x16xf32> to vector<16xf32>
      %swap3A_48 = vector.shape_cast %broadcast_in_dim3A_43 : vector<16xf32> to vector<1x16xf32>
      tpu.vector_store %arg8[%swap3A_44, %swap3A_45], %swap3A_48 {strides = array<i32>} : memref<128x128xf32, #tpu.memory_space<vmem>>, vector<1x16xf32>,
      %broadcast_in_dim3A_49 = arith.constant 0.000000e+00 : f32
      %broadcast_in_dim3A_50 = vector.broadcast %broadcast_in_dim3A_49 : f32 to vector<16xf32>
      %swap3A_51 = arith.index_cast %scan3A_28 : i32 to index
      %swap3A_52 = arith.constant 48 : index
      %swap3A_53 = tpu.vector_load %arg8[%swap3A_51, %swap3A_52] {strides = array<i32>} : memref<128x128xf32, #tpu.memory_space<vmem>>, vector<1x16xf32>,
      %swap3A_54 = vector.shape_cast %swap3A_53 : vector<1x16xf32> to vector<16xf32>
      %swap3A_55 = vector.shape_cast %broadcast_in_dim3A_50 : vector<16xf32> to vector<1x16xf32>
      tpu.vector_store %arg8[%swap3A_51, %swap3A_52], %swap3A_55 {strides = array<i32>} : memref<128x128xf32, #tpu.memory_space<vmem>>, vector<1x16xf32>,
      %broadcast_in_dim3A_56 = arith.constant 0.000000e+00 : f32
      %broadcast_in_dim3A_57 = vector.broadcast %broadcast_in_dim3A_56 : f32 to vector<16xf32>
      %swap3A_58 = arith.index_cast %scan3A_28 : i32 to index
      %swap3A_59 = arith.constant 64 : index
      %swap3A_60 = tpu.vector_load %arg8[%swap3A_58, %swap3A_59] {strides = array<i32>} : memref<128x128xf32, #tpu.memory_space<vmem>>, vector<1x16xf32>,
      %swap3A_61 = vector.shape_cast %swap3A_60 : vector<1x16xf32> to vector<16xf32>
      %swap3A_62 = vector.shape_cast %broadcast_in_dim3A_57 : vector<16xf32> to vector<1x16xf32>
      tpu.vector_store %arg8[%swap3A_58, %swap3A_59], %swap3A_62 {strides = array<i32>} : memref<128x128xf32, #tpu.memory_space<vmem>>, vector<1x16xf32>,
      %broadcast_in_dim3A_63 = arith.constant 0.000000e+00 : f32
      %broadcast_in_dim3A_64 = vector.broadcast %broadcast_in_dim3A_63 : f32 to vector<16xf32>
      %swap3A_65 = arith.index_cast %scan3A_28 : i32 to index
      %swap3A_66 = arith.constant 80 : index
      %swap3A_67 = tpu.vector_load %arg8[%swap3A_65, %swap3A_66] {strides = array<i32>} : memref<128x128xf32, #tpu.memory_space<vmem>>, vector<1x16xf32>,
      %swap3A_68 = vector.shape_cast %swap3A_67 : vector<1x16xf32> to vector<16xf32>
      %swap3A_69 = vector.shape_cast %broadcast_in_dim3A_64 : vector<16xf32> to vector<1x16xf32>
      tpu.vector_store %arg8[%swap3A_65, %swap3A_66], %swap3A_69 {strides = array<i32>} : memref<128x128xf32, #tpu.memory_space<vmem>>, vector<1x16xf32>,
      %broadcast_in_dim3A_70 = arith.constant 0.000000e+00 : f32
      %broadcast_in_dim3A_71 = vector.broadcast %broadcast_in_dim3A_70 : f32 to vector<16xf32>
      %swap3A_72 = arith.index_cast %scan3A_28 : i32 to index
      %swap3A_73 = arith.constant 96 : index
      %swap3A_74 = tpu.vector_load %arg8[%swap3A_72, %swap3A_73] {strides = array<i32>} : memref<128x128xf32, #tpu.memory_space<vmem>>, vector<1x16xf32>,
      %swap3A_75 = vector.shape_cast %swap3A_74 : vector<1x16xf32> to vector<16xf32>
      %swap3A_76 = vector.shape_cast %broadcast_in_dim3A_71 : vector<16xf32> to vector<1x16xf32>
      tpu.vector_store %arg8[%swap3A_72, %swap3A_73], %swap3A_76 {strides = array<i32>} : memref<128x128xf32, #tpu.memory_space<vmem>>, vector<1x16xf32>,
      %broadcast_in_dim3A_77 = arith.constant 0.000000e+00 : f32
      %broadcast_in_dim3A_78 = vector.broadcast %broadcast_in_dim3A_77 : f32 to vector<16xf32>
      %swap3A_79 = arith.index_cast %scan3A_28 : i32 to index
      %swap3A_80 = arith.constant 112 : index
      %swap3A_81 = tpu.vector_load %arg8[%swap3A_79, %swap3A_80] {strides = array<i32>} : memref<128x128xf32, #tpu.memory_space<vmem>>, vector<1x16xf32>,
      %swap3A_82 = vector.shape_cast %swap3A_81 : vector<1x16xf32> to vector<16xf32>
      %swap3A_83 = vector.shape_cast %broadcast_in_dim3A_78 : vector<16xf32> to vector<1x16xf32>
      tpu.vector_store %arg8[%swap3A_79, %swap3A_80], %swap3A_83 {strides = array<i32>} : memref<128x128xf32, #tpu.memory_space<vmem>>, vector<1x16xf32>,
      %scan3A_84 = arith.constant 0 : i32
      scf.yield %scan3A_84 : i32
    }
    %scan3A_8 = arith.constant 128 : i32
    %add3A_9 = arith.constant 0 : i32
    %add3A_10 = arith.addi %mul3A_2, %add3A_9 : i32
    "tpu.region"() ({
      %run_scoped3A = tpu.sem_alloc : memref<!tpu.dma_semaphore, #tpu.memory_space<semaphore_mem>>
      %dma_start3A = arith.constant 0 : i32
      %dma_start3A_28 = tpu.memref_slice %arg9[%add3A_10, %dma_start3A] : memref<5128x128xf32, #tpu.memory_space<vmem_shared>> -> memref<128x128xf32, #tpu.memory_space<vmem_shared>>
      %dma_start3A_29 = arith.constant 0 : i32
      %dma_start3A_30 = tpu.memref_slice %arg9[%add3A_10, %dma_start3A_29] : memref<5128x128xf32, #tpu.memory_space<vmem_shared>> -> memref<128x128xf32, #tpu.memory_space<vmem_shared>>
      tpu.enqueue_dma source(%arg8 : memref<128x128xf32, #tpu.memory_space<vmem>>) target(%dma_start3A_30 : memref<128x128xf32, #tpu.memory_space<vmem_shared>>) target_semaphore(%run_scoped3A : memref<!tpu.dma_semaphore, #tpu.memory_space<semaphore_mem>>)
      %dma_wait3A = arith.constant 0 : i32
      %dma_wait3A_31 = tpu.memref_slice %arg9[%add3A_10, %dma_wait3A] : memref<5128x128xf32, #tpu.memory_space<vmem_shared>> -> memref<128x128xf32, #tpu.memory_space<vmem_shared>>
      %dma_wait3A_32 = arith.constant 0 : i32
      %dma_wait3A_33 = tpu.memref_slice %arg9[%add3A_10, %dma_wait3A_32] : memref<5128x128xf32, #tpu.memory_space<vmem_shared>> -> memref<128x128xf32, #tpu.memory_space<vmem_shared>>
      tpu.wait_dma2 semaphore(%run_scoped3A : memref<!tpu.dma_semaphore, #tpu.memory_space<semaphore_mem>>) src(%arg8 : memref<128x128xf32, #tpu.memory_space<vmem>>) dst(%dma_wait3A_33 : memref<128x128xf32, #tpu.memory_space<vmem_shared>>)
      tpu.yield
    }) : () -> ()
    %add3A_11 = arith.constant 128 : i32
    %add3A_12 = arith.addi %mul3A_2, %add3A_11 : i32
    "tpu.region"() ({
      %run_scoped3A = tpu.sem_alloc : memref<!tpu.dma_semaphore, #tpu.memory_space<semaphore_mem>>
      %dma_start3A = arith.constant 0 : i32
      %dma_start3A_28 = tpu.memref_slice %arg9[%add3A_12, %dma_start3A] : memref<5128x128xf32, #tpu.memory_space<vmem_shared>> -> memref<128x128xf32, #tpu.memory_space<vmem_shared>>
      %dma_start3A_29 = arith.constant 0 : i32
      %dma_start3A_30 = tpu.memref_slice %arg9[%add3A_12, %dma_start3A_29] : memref<5128x128xf32, #tpu.memory_space<vmem_shared>> -> memref<128x128xf32, #tpu.memory_space<vmem_shared>>
      tpu.enqueue_dma source(%arg8 : memref<128x128xf32, #tpu.memory_space<vmem>>) target(%dma_start3A_30 : memref<128x128xf32, #tpu.memory_space<vmem_shared>>) target_semaphore(%run_scoped3A : memref<!tpu.dma_semaphore, #tpu.memory_space<semaphore_mem>>)
      %dma_wait3A = arith.constant 0 : i32
      %dma_wait3A_31 = tpu.memref_slice %arg9[%add3A_12, %dma_wait3A] : memref<5128x128xf32, #tpu.memory_space<vmem_shared>> -> memref<128x128xf32, #tpu.memory_space<vmem_shared>>
      %dma_wait3A_32 = arith.constant 0 : i32
      %dma_wait3A_33 = tpu.memref_slice %arg9[%add3A_12, %dma_wait3A_32] : memref<5128x128xf32, #tpu.memory_space<vmem_shared>> -> memref<128x128xf32, #tpu.memory_space<vmem_shared>>
      tpu.wait_dma2 semaphore(%run_scoped3A : memref<!tpu.dma_semaphore, #tpu.memory_space<semaphore_mem>>) src(%arg8 : memref<128x128xf32, #tpu.memory_space<vmem>>) dst(%dma_wait3A_33 : memref<128x128xf32, #tpu.memory_space<vmem_shared>>)
      tpu.yield
    }) : () -> ()
    %add3A_13 = arith.constant 320 : i32
    %add3A_14 = arith.addi %mul3A_2, %add3A_13 : i32
    %sub3A = arith.constant 64 : i32
    %sub3A_15 = arith.subi %add3A_14, %sub3A : i32
    "tpu.region"() ({
      %run_scoped3A = tpu.sem_alloc : memref<!tpu.dma_semaphore, #tpu.memory_space<semaphore_mem>>
      %dma_start3A = arith.constant 0 : i32
      %dma_start3A_28 = arith.constant 0 : i32
      %dma_start3A_29 = tpu.memref_slice %arg8[%dma_start3A, %dma_start3A_28] : memref<128x128xf32, #tpu.memory_space<vmem>> -> memref<64x128xf32, #tpu.memory_space<vmem>>
      %dma_start3A_30 = arith.constant 0 : i32
      %dma_start3A_31 = tpu.memref_slice %arg9[%sub3A_15, %dma_start3A_30] : memref<5128x128xf32, #tpu.memory_space<vmem_shared>> -> memref<64x128xf32, #tpu.memory_space<vmem_shared>>
      %dma_start3A_32 = arith.constant 0 : i32
      %dma_start3A_33 = tpu.memref_slice %arg9[%sub3A_15, %dma_start3A_32] : memref<5128x128xf32, #tpu.memory_space<vmem_shared>> -> memref<64x128xf32, #tpu.memory_space<vmem_shared>>
      %dma_start3A_34 = arith.constant 0 : i32
      %dma_start3A_35 = arith.constant 0 : i32
      %dma_start3A_36 = tpu.memref_slice %arg8[%dma_start3A_34, %dma_start3A_35] : memref<128x128xf32, #tpu.memory_space<vmem>> -> memref<64x128xf32, #tpu.memory_space<vmem>>
      tpu.enqueue_dma source(%dma_start3A_36 : memref<64x128xf32, #tpu.memory_space<vmem>>) target(%dma_start3A_33 : memref<64x128xf32, #tpu.memory_space<vmem_shared>>) target_semaphore(%run_scoped3A : memref<!tpu.dma_semaphore, #tpu.memory_space<semaphore_mem>>)
      %dma_wait3A = arith.constant 0 : i32
      %dma_wait3A_37 = arith.constant 0 : i32
      %dma_wait3A_38 = tpu.memref_slice %arg8[%dma_wait3A, %dma_wait3A_37] : memref<128x128xf32, #tpu.memory_space<vmem>> -> memref<64x128xf32, #tpu.memory_space<vmem>>
      %dma_wait3A_39 = arith.constant 0 : i32
      %dma_wait3A_40 = tpu.memref_slice %arg9[%sub3A_15, %dma_wait3A_39] : memref<5128x128xf32, #tpu.memory_space<vmem_shared>> -> memref<64x128xf32, #tpu.memory_space<vmem_shared>>
      %dma_wait3A_41 = arith.constant 0 : i32
      %dma_wait3A_42 = tpu.memref_slice %arg9[%sub3A_15, %dma_wait3A_41] : memref<5128x128xf32, #tpu.memory_space<vmem_shared>> -> memref<64x128xf32, #tpu.memory_space<vmem_shared>>
      %dma_wait3A_43 = arith.constant 0 : i32
      %dma_wait3A_44 = arith.constant 0 : i32
      %dma_wait3A_45 = tpu.memref_slice %arg8[%dma_wait3A_43, %dma_wait3A_44] : memref<128x128xf32, #tpu.memory_space<vmem>> -> memref<64x128xf32, #tpu.memory_space<vmem>>
      tpu.wait_dma2 semaphore(%run_scoped3A : memref<!tpu.dma_semaphore, #tpu.memory_space<semaphore_mem>>) src(%dma_wait3A_45 : memref<64x128xf32, #tpu.memory_space<vmem>>) dst(%dma_wait3A_42 : memref<64x128xf32, #tpu.memory_space<vmem_shared>>)
      tpu.yield
    }) : () -> ()
    %eq3A = arith.constant 0 : i32
    %eq3A_16 = arith.cmpi eq, %arg1, %eq3A : i32
    %convert_element_type3A = arith.extui %eq3A_16 : i1 to i32
    %cond3A = arith.constant 0 : i32
    %cond3A_17 = arith.cmpi ne, %convert_element_type3A, %cond3A : i32
    scf.if %cond3A_17 {
      "tpu.region"() ({
        %run_scoped3A = tpu.sem_alloc : memref<!tpu.dma_semaphore, #tpu.memory_space<semaphore_mem>>
        %dma_start3A = arith.constant 0 : i32
        %dma_start3A_28 = arith.constant 0 : i32
        %dma_start3A_29 = tpu.memref_slice %arg8[%dma_start3A, %dma_start3A_28] : memref<128x128xf32, #tpu.memory_space<vmem>> -> memref<8x128xf32, #tpu.memory_space<vmem>>
        %dma_start3A_30 = arith.constant 5120 : i32
        %dma_start3A_31 = arith.constant 0 : i32
        %dma_start3A_32 = tpu.memref_slice %arg9[%dma_start3A_30, %dma_start3A_31] : memref<5128x128xf32, #tpu.memory_space<vmem_shared>> -> memref<8x128xf32, #tpu.memory_space<vmem_shared>>
        %dma_start3A_33 = arith.constant 5120 : i32
        %dma_start3A_34 = arith.constant 0 : i32
        %dma_start3A_35 = tpu.memref_slice %arg9[%dma_start3A_33, %dma_start3A_34] : memref<5128x128xf32, #tpu.memory_space<vmem_shared>> -> memref<8x128xf32, #tpu.memory_space<vmem_shared>>
        %dma_start3A_36 = arith.constant 0 : i32
        %dma_start3A_37 = arith.constant 0 : i32
        %dma_start3A_38 = tpu.memref_slice %arg8[%dma_start3A_36, %dma_start3A_37] : memref<128x128xf32, #tpu.memory_space<vmem>> -> memref<8x128xf32, #tpu.memory_space<vmem>>
        tpu.enqueue_dma source(%dma_start3A_38 : memref<8x128xf32, #tpu.memory_space<vmem>>) target(%dma_start3A_35 : memref<8x128xf32, #tpu.memory_space<vmem_shared>>) target_semaphore(%run_scoped3A : memref<!tpu.dma_semaphore, #tpu.memory_space<semaphore_mem>>)
        %dma_wait3A = arith.constant 0 : i32
        %dma_wait3A_39 = arith.constant 0 : i32
        %dma_wait3A_40 = tpu.memref_slice %arg8[%dma_wait3A, %dma_wait3A_39] : memref<128x128xf32, #tpu.memory_space<vmem>> -> memref<8x128xf32, #tpu.memory_space<vmem>>
        %dma_wait3A_41 = arith.constant 5120 : i32
        %dma_wait3A_42 = arith.constant 0 : i32
        %dma_wait3A_43 = tpu.memref_slice %arg9[%dma_wait3A_41, %dma_wait3A_42] : memref<5128x128xf32, #tpu.memory_space<vmem_shared>> -> memref<8x128xf32, #tpu.memory_space<vmem_shared>>
        %dma_wait3A_44 = arith.constant 5120 : i32
        %dma_wait3A_45 = arith.constant 0 : i32
        %dma_wait3A_46 = tpu.memref_slice %arg9[%dma_wait3A_44, %dma_wait3A_45] : memref<5128x128xf32, #tpu.memory_space<vmem_shared>> -> memref<8x128xf32, #tpu.memory_space<vmem_shared>>
        %dma_wait3A_47 = arith.constant 0 : i32
        %dma_wait3A_48 = arith.constant 0 : i32
        %dma_wait3A_49 = tpu.memref_slice %arg8[%dma_wait3A_47, %dma_wait3A_48] : memref<128x128xf32, #tpu.memory_space<vmem>> -> memref<8x128xf32, #tpu.memory_space<vmem>>
        tpu.wait_dma2 semaphore(%run_scoped3A : memref<!tpu.dma_semaphore, #tpu.memory_space<semaphore_mem>>) src(%dma_wait3A_49 : memref<8x128xf32, #tpu.memory_space<vmem>>) dst(%dma_wait3A_46 : memref<8x128xf32, #tpu.memory_space<vmem_shared>>)
        tpu.yield
      }) : () -> ()
    } else {
    }
    %barrier3A = arith.constant 0 : index
    tpu.barrier barrier_id(%barrier3A)
    %scan3A_18 = arith.constant 0 : i32
    %scan3A_19 = arith.constant 0 : i32
    %scan3A_20 = arith.constant 82 : i32
    %scan3A_21 = arith.addi %scan3A_19, %scan3A_20 : i32
    %scan3A_22 = arith.constant 1 : i32
    %scan3A_23 = scf.for %scan3A_28 = %scan3A_19 to %scan3A_21 step %scan3A_22 iter_args(%scan3A_29 = %scan3A_18) -> (i32)  : i32 {
      %dma_start3A = arith.constant 0 : i32
      %dma_start3A_30 = tpu.memref_slice %arg6[%scan3A_28, %dma_start3A] : memref<82x128xi32, #tpu.memory_space<vmem>> -> memref<1x128xi32, #tpu.memory_space<vmem>>
      %dma_start3A_31 = tpu.memref_squeeze %dma_start3A_30 : memref<1x128xi32, #tpu.memory_space<vmem>> -> memref<128xi32, #tpu.memory_space<vmem>>
      %dma_start3A_32 = arith.constant 0 : i32
      %dma_start3A_33 = arith.constant 0 : i32
      %dma_start3A_34 = tpu.memref_slice %arg2[%dma_start3A_32, %dma_start3A_33] : memref<10240x128xf32, #tpu.memory_space<hbm>> -> memref<10240x128xf32, #tpu.memory_space<hbm>>
      tpu.enqueue_indirect_dma source(%dma_start3A_34 : memref<10240x128xf32, #tpu.memory_space<hbm>>) target(%arg8 : memref<128x128xf32, #tpu.memory_space<vmem>>) offsets(%dma_start3A_31 : memref<128xi32, #tpu.memory_space<vmem>>) semaphore(%arg10 : memref<!tpu.dma_semaphore, #tpu.memory_space<semaphore_mem>>)
      %dma_wait3A = arith.constant 0 : i32
      %dma_wait3A_35 = tpu.memref_slice %arg6[%scan3A_28, %dma_wait3A] : memref<82x128xi32, #tpu.memory_space<vmem>> -> memref<1x128xi32, #tpu.memory_space<vmem>>
      %dma_wait3A_36 = tpu.memref_squeeze %dma_wait3A_35 : memref<1x128xi32, #tpu.memory_space<vmem>> -> memref<128xi32, #tpu.memory_space<vmem>>
      %dma_wait3A_37 = arith.constant 0 : i32
      %dma_wait3A_38 = arith.constant 0 : i32
      %dma_wait3A_39 = tpu.memref_slice %arg2[%dma_wait3A_37, %dma_wait3A_38] : memref<10240x128xf32, #tpu.memory_space<hbm>> -> memref<10240x128xf32, #tpu.memory_space<hbm>>
      tpu.wait_indirect_dma semaphore(%arg10 : memref<!tpu.dma_semaphore, #tpu.memory_space<semaphore_mem>>) src(%dma_wait3A_39 : memref<10240x128xf32, #tpu.memory_space<hbm>>) dst(%arg8 : memref<128x128xf32, #tpu.memory_space<vmem>>)
      "tpu.region"() ({
        %run_scoped3A = tpu.sem_alloc : memref<!tpu.dma_semaphore, #tpu.memory_space<semaphore_mem>>
        %dma_start3A_41 = arith.constant 0 : i32
        %dma_start3A_42 = tpu.memref_slice %arg7[%scan3A_28, %dma_start3A_41] : memref<82x128xi32, #tpu.memory_space<vmem>> -> memref<1x128xi32, #tpu.memory_space<vmem>>
        %dma_start3A_43 = tpu.memref_squeeze %dma_start3A_42 : memref<1x128xi32, #tpu.memory_space<vmem>> -> memref<128xi32, #tpu.memory_space<vmem>>
        %dma_start3A_44 = arith.constant 0 : i32
        %dma_start3A_45 = arith.constant 0 : i32
        %dma_start3A_46 = tpu.memref_slice %arg9[%dma_start3A_44, %dma_start3A_45] : memref<5128x128xf32, #tpu.memory_space<vmem_shared>> -> memref<5128x128xf32, #tpu.memory_space<vmem_shared>>
        tpu.enqueue_indirect_dma source(%arg8 : memref<128x128xf32, #tpu.memory_space<vmem>>) target(%dma_start3A_46 : memref<5128x128xf32, #tpu.memory_space<vmem_shared>>) offsets(%dma_start3A_43 : memref<128xi32, #tpu.memory_space<vmem>>) semaphore(%run_scoped3A : memref<!tpu.dma_semaphore, #tpu.memory_space<semaphore_mem>>) {add = true}
        %dma_wait3A_47 = arith.constant 0 : i32
        %dma_wait3A_48 = tpu.memref_slice %arg7[%scan3A_28, %dma_wait3A_47] : memref<82x128xi32, #tpu.memory_space<vmem>> -> memref<1x128xi32, #tpu.memory_space<vmem>>
        %dma_wait3A_49 = tpu.memref_squeeze %dma_wait3A_48 : memref<1x128xi32, #tpu.memory_space<vmem>> -> memref<128xi32, #tpu.memory_space<vmem>>
        %dma_wait3A_50 = arith.constant 0 : i32
        %dma_wait3A_51 = arith.constant 0 : i32
        %dma_wait3A_52 = tpu.memref_slice %arg9[%dma_wait3A_50, %dma_wait3A_51] : memref<5128x128xf32, #tpu.memory_space<vmem_shared>> -> memref<5128x128xf32, #tpu.memory_space<vmem_shared>>
        tpu.wait_indirect_dma semaphore(%run_scoped3A : memref<!tpu.dma_semaphore, #tpu.memory_space<semaphore_mem>>) src(%arg8 : memref<128x128xf32, #tpu.memory_space<vmem>>) dst(%dma_wait3A_52 : memref<5128x128xf32, #tpu.memory_space<vmem_shared>>)
        tpu.yield
      }) : () -> ()
      %scan3A_40 = arith.constant 0 : i32
      scf.yield %scan3A_40 : i32
    }
    %scan3A_24 = arith.constant 82 : i32
    %barrier3A_25 = arith.constant 0 : index
    tpu.barrier barrier_id(%barrier3A_25)
    %mul3A_26 = arith.constant 320 : i32
    %mul3A_27 = arith.muli %add3A, %mul3A_26 : i32
    "tpu.region"() ({
      %run_scoped3A = tpu.sem_alloc : memref<!tpu.dma_semaphore, #tpu.memory_space<semaphore_mem>>
      %dma_start3A = arith.constant 0 : i32
      %dma_start3A_28 = tpu.memref_slice %arg5[%mul3A_27, %dma_start3A] : memref<10240x128xf32, #tpu.memory_space<hbm>> -> memref<320x128xf32, #tpu.memory_space<hbm>>
      %dma_start3A_29 = arith.constant 0 : i32
      %dma_start3A_30 = tpu.memref_slice %arg9[%mul3A_2, %dma_start3A_29] : memref<5128x128xf32, #tpu.memory_space<vmem_shared>> -> memref<320x128xf32, #tpu.memory_space<vmem_shared>>
      tpu.enqueue_dma source(%dma_start3A_30 : memref<320x128xf32, #tpu.memory_space<vmem_shared>>) target(%dma_start3A_28 : memref<320x128xf32, #tpu.memory_space<hbm>>) target_semaphore(%run_scoped3A : memref<!tpu.dma_semaphore, #tpu.memory_space<semaphore_mem>>)
      %dma_wait3A = arith.constant 0 : i32
      %dma_wait3A_31 = tpu.memref_slice %arg5[%mul3A_27, %dma_wait3A] : memref<10240x128xf32, #tpu.memory_space<hbm>> -> memref<320x128xf32, #tpu.memory_space<hbm>>
      %dma_wait3A_32 = arith.constant 0 : i32
      %dma_wait3A_33 = tpu.memref_slice %arg9[%mul3A_2, %dma_wait3A_32] : memref<5128x128xf32, #tpu.memory_space<vmem_shared>> -> memref<320x128xf32, #tpu.memory_space<vmem_shared>>
      tpu.wait_dma2 semaphore(%run_scoped3A : memref<!tpu.dma_semaphore, #tpu.memory_space<semaphore_mem>>) src(%dma_wait3A_33 : memref<320x128xf32, #tpu.memory_space<vmem_shared>>) dst(%dma_wait3A_31 : memref<320x128xf32, #tpu.memory_space<hbm>>)
      tpu.yield
    }) : () -> ()
    return
  }
}

#map = affine_map<(d0, d1) -> (0, 0)>
#map1 = affine_map<(d0, d1) -> (0, 0, 0, 0)>
module attributes {stable_mosaic.version = 14 : i64} {
  func.func @hop(%arg0: i32, %arg1: i32, %arg2: memref<10000x128xf32, #tpu.memory_space<hbm>>, %arg3: memref<2x16x82x128xi32, #tpu.memory_space<hbm>>, %arg4: memref<2x16x82x128xi32, #tpu.memory_space<hbm>>, %arg5: memref<10240x128xf32, #tpu.memory_space<hbm>>, %arg6: memref<82x128xi32, #tpu.memory_space<vmem>>, %arg7: memref<82x128xi32, #tpu.memory_space<vmem>>, %arg8: memref<128x128xf32, #tpu.memory_space<vmem>>, %arg9: memref<5128x128xf32, #tpu.memory_space<vmem_shared>>, %arg10: memref<!tpu.dma_semaphore, #tpu.memory_space<semaphore_mem>>) attributes {dimension_semantics = [#tpu.dimension_semantics<core_parallel>, #tpu.dimension_semantics<subcore_parallel>], iteration_bounds = array<i64: 2, 16>, scalar_prefetch = 0 : i64, scratch_operands = 5 : i64, tpu.core_type = #tpu.core_type<sc_vector_subcore>, window_params = [{transform_indices = #map}, {transform_indices = #map1}, {transform_indices = #map1}, {transform_indices = #map}]} {
    %mul3A = arith.constant 2 : i32
    %mul3A_0 = arith.muli %arg1, %mul3A : i32
    %add3A = arith.addi %mul3A_0, %arg0 : i32
    %mul3A_1 = arith.constant 320 : i32
    %mul3A_2 = arith.muli %arg1, %mul3A_1 : i32
    "tpu.region"() ({
      %run_scoped3A = tpu.sem_alloc : memref<!tpu.dma_semaphore, #tpu.memory_space<semaphore_mem>>
      %dma_start3A = arith.constant 0 : i32
      %dma_start3A_28 = arith.constant 0 : i32
      %dma_start3A_29 = arith.constant 0 : i32
      %dma_start3A_30 = tpu.memref_slice %arg3[%arg0, %dma_start3A, %dma_start3A_28, %dma_start3A_29] : memref<2x16x82x128xi32, #tpu.memory_space<hbm>> -> memref<1x16x82x128xi32, #tpu.memory_space<hbm>>
      %dma_start3A_31 = tpu.memref_squeeze %dma_start3A_30 : memref<1x16x82x128xi32, #tpu.memory_space<hbm>> -> memref<16x82x128xi32, #tpu.memory_space<hbm>>
      %dma_start3A_32 = arith.constant 0 : i32
      %dma_start3A_33 = arith.constant 0 : i32
      %dma_start3A_34 = tpu.memref_slice %dma_start3A_31[%arg1, %dma_start3A_32, %dma_start3A_33] : memref<16x82x128xi32, #tpu.memory_space<hbm>> -> memref<1x82x128xi32, #tpu.memory_space<hbm>>
      %dma_start3A_35 = tpu.memref_squeeze %dma_start3A_34 : memref<1x82x128xi32, #tpu.memory_space<hbm>> -> memref<82x128xi32, #tpu.memory_space<hbm>>
      %dma_start3A_36 = arith.constant 0 : i32
      %dma_start3A_37 = arith.constant 0 : i32
      %dma_start3A_38 = arith.constant 0 : i32
      %dma_start3A_39 = tpu.memref_slice %arg3[%arg0, %dma_start3A_36, %dma_start3A_37, %dma_start3A_38] : memref<2x16x82x128xi32, #tpu.memory_space<hbm>> -> memref<1x16x82x128xi32, #tpu.memory_space<hbm>>
      %dma_start3A_40 = tpu.memref_squeeze %dma_start3A_39 : memref<1x16x82x128xi32, #tpu.memory_space<hbm>> -> memref<16x82x128xi32, #tpu.memory_space<hbm>>
      %dma_start3A_41 = arith.constant 0 : i32
      %dma_start3A_42 = arith.constant 0 : i32
      %dma_start3A_43 = tpu.memref_slice %dma_start3A_40[%arg1, %dma_start3A_41, %dma_start3A_42] : memref<16x82x128xi32, #tpu.memory_space<hbm>> -> memref<1x82x128xi32, #tpu.memory_space<hbm>>
      %dma_start3A_44 = tpu.memref_squeeze %dma_start3A_43 : memref<1x82x128xi32, #tpu.memory_space<hbm>> -> memref<82x128xi32, #tpu.memory_space<hbm>>
      tpu.enqueue_dma source(%dma_start3A_44 : memref<82x128xi32, #tpu.memory_space<hbm>>) target(%arg6 : memref<82x128xi32, #tpu.memory_space<vmem>>) target_semaphore(%run_scoped3A : memref<!tpu.dma_semaphore, #tpu.memory_space<semaphore_mem>>)
      %dma_wait3A = arith.constant 0 : i32
      %dma_wait3A_45 = arith.constant 0 : i32
      %dma_wait3A_46 = arith.constant 0 : i32
      %dma_wait3A_47 = tpu.memref_slice %arg3[%arg0, %dma_wait3A, %dma_wait3A_45, %dma_wait3A_46] : memref<2x16x82x128xi32, #tpu.memory_space<hbm>> -> memref<1x16x82x128xi32, #tpu.memory_space<hbm>>
      %dma_wait3A_48 = tpu.memref_squeeze %dma_wait3A_47 : memref<1x16x82x128xi32, #tpu.memory_space<hbm>> -> memref<16x82x128xi32, #tpu.memory_space<hbm>>
      %dma_wait3A_49 = arith.constant 0 : i32
      %dma_wait3A_50 = arith.constant 0 : i32
      %dma_wait3A_51 = tpu.memref_slice %dma_wait3A_48[%arg1, %dma_wait3A_49, %dma_wait3A_50] : memref<16x82x128xi32, #tpu.memory_space<hbm>> -> memref<1x82x128xi32, #tpu.memory_space<hbm>>
      %dma_wait3A_52 = tpu.memref_squeeze %dma_wait3A_51 : memref<1x82x128xi32, #tpu.memory_space<hbm>> -> memref<82x128xi32, #tpu.memory_space<hbm>>
      %dma_wait3A_53 = arith.constant 0 : i32
      %dma_wait3A_54 = arith.constant 0 : i32
      %dma_wait3A_55 = arith.constant 0 : i32
      %dma_wait3A_56 = tpu.memref_slice %arg3[%arg0, %dma_wait3A_53, %dma_wait3A_54, %dma_wait3A_55] : memref<2x16x82x128xi32, #tpu.memory_space<hbm>> -> memref<1x16x82x128xi32, #tpu.memory_space<hbm>>
      %dma_wait3A_57 = tpu.memref_squeeze %dma_wait3A_56 : memref<1x16x82x128xi32, #tpu.memory_space<hbm>> -> memref<16x82x128xi32, #tpu.memory_space<hbm>>
      %dma_wait3A_58 = arith.constant 0 : i32
      %dma_wait3A_59 = arith.constant 0 : i32
      %dma_wait3A_60 = tpu.memref_slice %dma_wait3A_57[%arg1, %dma_wait3A_58, %dma_wait3A_59] : memref<16x82x128xi32, #tpu.memory_space<hbm>> -> memref<1x82x128xi32, #tpu.memory_space<hbm>>
      %dma_wait3A_61 = tpu.memref_squeeze %dma_wait3A_60 : memref<1x82x128xi32, #tpu.memory_space<hbm>> -> memref<82x128xi32, #tpu.memory_space<hbm>>
      tpu.wait_dma2 semaphore(%run_scoped3A : memref<!tpu.dma_semaphore, #tpu.memory_space<semaphore_mem>>) src(%dma_wait3A_61 : memref<82x128xi32, #tpu.memory_space<hbm>>) dst(%arg6 : memref<82x128xi32, #tpu.memory_space<vmem>>)
      tpu.yield
    }) : () -> ()
    "tpu.region"() ({
      %run_scoped3A = tpu.sem_alloc : memref<!tpu.dma_semaphore, #tpu.memory_space<semaphore_mem>>
      %dma_start3A = arith.constant 0 : i32
      %dma_start3A_28 = arith.constant 0 : i32
      %dma_start3A_29 = arith.constant 0 : i32
      %dma_start3A_30 = tpu.memref_slice %arg4[%arg0, %dma_start3A, %dma_start3A_28, %dma_start3A_29] : memref<2x16x82x128xi32, #tpu.memory_space<hbm>> -> memref<1x16x82x128xi32, #tpu.memory_space<hbm>>
      %dma_start3A_31 = tpu.memref_squeeze %dma_start3A_30 : memref<1x16x82x128xi32, #tpu.memory_space<hbm>> -> memref<16x82x128xi32, #tpu.memory_space<hbm>>
      %dma_start3A_32 = arith.constant 0 : i32
      %dma_start3A_33 = arith.constant 0 : i32
      %dma_start3A_34 = tpu.memref_slice %dma_start3A_31[%arg1, %dma_start3A_32, %dma_start3A_33] : memref<16x82x128xi32, #tpu.memory_space<hbm>> -> memref<1x82x128xi32, #tpu.memory_space<hbm>>
      %dma_start3A_35 = tpu.memref_squeeze %dma_start3A_34 : memref<1x82x128xi32, #tpu.memory_space<hbm>> -> memref<82x128xi32, #tpu.memory_space<hbm>>
      %dma_start3A_36 = arith.constant 0 : i32
      %dma_start3A_37 = arith.constant 0 : i32
      %dma_start3A_38 = arith.constant 0 : i32
      %dma_start3A_39 = tpu.memref_slice %arg4[%arg0, %dma_start3A_36, %dma_start3A_37, %dma_start3A_38] : memref<2x16x82x128xi32, #tpu.memory_space<hbm>> -> memref<1x16x82x128xi32, #tpu.memory_space<hbm>>
      %dma_start3A_40 = tpu.memref_squeeze %dma_start3A_39 : memref<1x16x82x128xi32, #tpu.memory_space<hbm>> -> memref<16x82x128xi32, #tpu.memory_space<hbm>>
      %dma_start3A_41 = arith.constant 0 : i32
      %dma_start3A_42 = arith.constant 0 : i32
      %dma_start3A_43 = tpu.memref_slice %dma_start3A_40[%arg1, %dma_start3A_41, %dma_start3A_42] : memref<16x82x128xi32, #tpu.memory_space<hbm>> -> memref<1x82x128xi32, #tpu.memory_space<hbm>>
      %dma_start3A_44 = tpu.memref_squeeze %dma_start3A_43 : memref<1x82x128xi32, #tpu.memory_space<hbm>> -> memref<82x128xi32, #tpu.memory_space<hbm>>
      tpu.enqueue_dma source(%dma_start3A_44 : memref<82x128xi32, #tpu.memory_space<hbm>>) target(%arg7 : memref<82x128xi32, #tpu.memory_space<vmem>>) target_semaphore(%run_scoped3A : memref<!tpu.dma_semaphore, #tpu.memory_space<semaphore_mem>>)
      %dma_wait3A = arith.constant 0 : i32
      %dma_wait3A_45 = arith.constant 0 : i32
      %dma_wait3A_46 = arith.constant 0 : i32
      %dma_wait3A_47 = tpu.memref_slice %arg4[%arg0, %dma_wait3A, %dma_wait3A_45, %dma_wait3A_46] : memref<2x16x82x128xi32, #tpu.memory_space<hbm>> -> memref<1x16x82x128xi32, #tpu.memory_space<hbm>>
      %dma_wait3A_48 = tpu.memref_squeeze %dma_wait3A_47 : memref<1x16x82x128xi32, #tpu.memory_space<hbm>> -> memref<16x82x128xi32, #tpu.memory_space<hbm>>
      %dma_wait3A_49 = arith.constant 0 : i32
      %dma_wait3A_50 = arith.constant 0 : i32
      %dma_wait3A_51 = tpu.memref_slice %dma_wait3A_48[%arg1, %dma_wait3A_49, %dma_wait3A_50] : memref<16x82x128xi32, #tpu.memory_space<hbm>> -> memref<1x82x128xi32, #tpu.memory_space<hbm>>
      %dma_wait3A_52 = tpu.memref_squeeze %dma_wait3A_51 : memref<1x82x128xi32, #tpu.memory_space<hbm>> -> memref<82x128xi32, #tpu.memory_space<hbm>>
      %dma_wait3A_53 = arith.constant 0 : i32
      %dma_wait3A_54 = arith.constant 0 : i32
      %dma_wait3A_55 = arith.constant 0 : i32
      %dma_wait3A_56 = tpu.memref_slice %arg4[%arg0, %dma_wait3A_53, %dma_wait3A_54, %dma_wait3A_55] : memref<2x16x82x128xi32, #tpu.memory_space<hbm>> -> memref<1x16x82x128xi32, #tpu.memory_space<hbm>>
      %dma_wait3A_57 = tpu.memref_squeeze %dma_wait3A_56 : memref<1x16x82x128xi32, #tpu.memory_space<hbm>> -> memref<16x82x128xi32, #tpu.memory_space<hbm>>
      %dma_wait3A_58 = arith.constant 0 : i32
      %dma_wait3A_59 = arith.constant 0 : i32
      %dma_wait3A_60 = tpu.memref_slice %dma_wait3A_57[%arg1, %dma_wait3A_58, %dma_wait3A_59] : memref<16x82x128xi32, #tpu.memory_space<hbm>> -> memref<1x82x128xi32, #tpu.memory_space<hbm>>
      %dma_wait3A_61 = tpu.memref_squeeze %dma_wait3A_60 : memref<1x82x128xi32, #tpu.memory_space<hbm>> -> memref<82x128xi32, #tpu.memory_space<hbm>>
      tpu.wait_dma2 semaphore(%run_scoped3A : memref<!tpu.dma_semaphore, #tpu.memory_space<semaphore_mem>>) src(%dma_wait3A_61 : memref<82x128xi32, #tpu.memory_space<hbm>>) dst(%arg7 : memref<82x128xi32, #tpu.memory_space<vmem>>)
      tpu.yield
    }) : () -> ()
    %scan3A = arith.constant 0 : i32
    %scan3A_3 = arith.constant 0 : i32
    %scan3A_4 = arith.constant 128 : i32
    %scan3A_5 = arith.addi %scan3A_3, %scan3A_4 : i32
    %scan3A_6 = arith.constant 1 : i32
    %scan3A_7 = scf.for %scan3A_28 = %scan3A_3 to %scan3A_5 step %scan3A_6 iter_args(%scan3A_29 = %scan3A) -> (i32)  : i32 {
      %broadcast_in_dim3A = arith.constant 0.000000e+00 : f32
      %broadcast_in_dim3A_30 = vector.broadcast %broadcast_in_dim3A : f32 to vector<16xf32>
      %swap3A = arith.index_cast %scan3A_28 : i32 to index
      %swap3A_31 = arith.constant 0 : index
      %swap3A_32 = tpu.vector_load %arg8[%swap3A, %swap3A_31] {strides = array<i32>} : memref<128x128xf32, #tpu.memory_space<vmem>>, vector<1x16xf32>,
      %swap3A_33 = vector.shape_cast %swap3A_32 : vector<1x16xf32> to vector<16xf32>
      %swap3A_34 = vector.shape_cast %broadcast_in_dim3A_30 : vector<16xf32> to vector<1x16xf32>
      tpu.vector_store %arg8[%swap3A, %swap3A_31], %swap3A_34 {strides = array<i32>} : memref<128x128xf32, #tpu.memory_space<vmem>>, vector<1x16xf32>,
      %broadcast_in_dim3A_35 = arith.constant 0.000000e+00 : f32
      %broadcast_in_dim3A_36 = vector.broadcast %broadcast_in_dim3A_35 : f32 to vector<16xf32>
      %swap3A_37 = arith.index_cast %scan3A_28 : i32 to index
      %swap3A_38 = arith.constant 16 : index
      %swap3A_39 = tpu.vector_load %arg8[%swap3A_37, %swap3A_38] {strides = array<i32>} : memref<128x128xf32, #tpu.memory_space<vmem>>, vector<1x16xf32>,
      %swap3A_40 = vector.shape_cast %swap3A_39 : vector<1x16xf32> to vector<16xf32>
      %swap3A_41 = vector.shape_cast %broadcast_in_dim3A_36 : vector<16xf32> to vector<1x16xf32>
      tpu.vector_store %arg8[%swap3A_37, %swap3A_38], %swap3A_41 {strides = array<i32>} : memref<128x128xf32, #tpu.memory_space<vmem>>, vector<1x16xf32>,
      %broadcast_in_dim3A_42 = arith.constant 0.000000e+00 : f32
      %broadcast_in_dim3A_43 = vector.broadcast %broadcast_in_dim3A_42 : f32 to vector<16xf32>
      %swap3A_44 = arith.index_cast %scan3A_28 : i32 to index
      %swap3A_45 = arith.constant 32 : index
      %swap3A_46 = tpu.vector_load %arg8[%swap3A_44, %swap3A_45] {strides = array<i32>} : memref<128x128xf32, #tpu.memory_space<vmem>>, vector<1x16xf32>,
      %swap3A_47 = vector.shape_cast %swap3A_46 : vector<1x16xf32> to vector<16xf32>
      %swap3A_48 = vector.shape_cast %broadcast_in_dim3A_43 : vector<16xf32> to vector<1x16xf32>
      tpu.vector_store %arg8[%swap3A_44, %swap3A_45], %swap3A_48 {strides = array<i32>} : memref<128x128xf32, #tpu.memory_space<vmem>>, vector<1x16xf32>,
      %broadcast_in_dim3A_49 = arith.constant 0.000000e+00 : f32
      %broadcast_in_dim3A_50 = vector.broadcast %broadcast_in_dim3A_49 : f32 to vector<16xf32>
      %swap3A_51 = arith.index_cast %scan3A_28 : i32 to index
      %swap3A_52 = arith.constant 48 : index
      %swap3A_53 = tpu.vector_load %arg8[%swap3A_51, %swap3A_52] {strides = array<i32>} : memref<128x128xf32, #tpu.memory_space<vmem>>, vector<1x16xf32>,
      %swap3A_54 = vector.shape_cast %swap3A_53 : vector<1x16xf32> to vector<16xf32>
      %swap3A_55 = vector.shape_cast %broadcast_in_dim3A_50 : vector<16xf32> to vector<1x16xf32>
      tpu.vector_store %arg8[%swap3A_51, %swap3A_52], %swap3A_55 {strides = array<i32>} : memref<128x128xf32, #tpu.memory_space<vmem>>, vector<1x16xf32>,
      %broadcast_in_dim3A_56 = arith.constant 0.000000e+00 : f32
      %broadcast_in_dim3A_57 = vector.broadcast %broadcast_in_dim3A_56 : f32 to vector<16xf32>
      %swap3A_58 = arith.index_cast %scan3A_28 : i32 to index
      %swap3A_59 = arith.constant 64 : index
      %swap3A_60 = tpu.vector_load %arg8[%swap3A_58, %swap3A_59] {strides = array<i32>} : memref<128x128xf32, #tpu.memory_space<vmem>>, vector<1x16xf32>,
      %swap3A_61 = vector.shape_cast %swap3A_60 : vector<1x16xf32> to vector<16xf32>
      %swap3A_62 = vector.shape_cast %broadcast_in_dim3A_57 : vector<16xf32> to vector<1x16xf32>
      tpu.vector_store %arg8[%swap3A_58, %swap3A_59], %swap3A_62 {strides = array<i32>} : memref<128x128xf32, #tpu.memory_space<vmem>>, vector<1x16xf32>,
      %broadcast_in_dim3A_63 = arith.constant 0.000000e+00 : f32
      %broadcast_in_dim3A_64 = vector.broadcast %broadcast_in_dim3A_63 : f32 to vector<16xf32>
      %swap3A_65 = arith.index_cast %scan3A_28 : i32 to index
      %swap3A_66 = arith.constant 80 : index
      %swap3A_67 = tpu.vector_load %arg8[%swap3A_65, %swap3A_66] {strides = array<i32>} : memref<128x128xf32, #tpu.memory_space<vmem>>, vector<1x16xf32>,
      %swap3A_68 = vector.shape_cast %swap3A_67 : vector<1x16xf32> to vector<16xf32>
      %swap3A_69 = vector.shape_cast %broadcast_in_dim3A_64 : vector<16xf32> to vector<1x16xf32>
      tpu.vector_store %arg8[%swap3A_65, %swap3A_66], %swap3A_69 {strides = array<i32>} : memref<128x128xf32, #tpu.memory_space<vmem>>, vector<1x16xf32>,
      %broadcast_in_dim3A_70 = arith.constant 0.000000e+00 : f32
      %broadcast_in_dim3A_71 = vector.broadcast %broadcast_in_dim3A_70 : f32 to vector<16xf32>
      %swap3A_72 = arith.index_cast %scan3A_28 : i32 to index
      %swap3A_73 = arith.constant 96 : index
      %swap3A_74 = tpu.vector_load %arg8[%swap3A_72, %swap3A_73] {strides = array<i32>} : memref<128x128xf32, #tpu.memory_space<vmem>>, vector<1x16xf32>,
      %swap3A_75 = vector.shape_cast %swap3A_74 : vector<1x16xf32> to vector<16xf32>
      %swap3A_76 = vector.shape_cast %broadcast_in_dim3A_71 : vector<16xf32> to vector<1x16xf32>
      tpu.vector_store %arg8[%swap3A_72, %swap3A_73], %swap3A_76 {strides = array<i32>} : memref<128x128xf32, #tpu.memory_space<vmem>>, vector<1x16xf32>,
      %broadcast_in_dim3A_77 = arith.constant 0.000000e+00 : f32
      %broadcast_in_dim3A_78 = vector.broadcast %broadcast_in_dim3A_77 : f32 to vector<16xf32>
      %swap3A_79 = arith.index_cast %scan3A_28 : i32 to index
      %swap3A_80 = arith.constant 112 : index
      %swap3A_81 = tpu.vector_load %arg8[%swap3A_79, %swap3A_80] {strides = array<i32>} : memref<128x128xf32, #tpu.memory_space<vmem>>, vector<1x16xf32>,
      %swap3A_82 = vector.shape_cast %swap3A_81 : vector<1x16xf32> to vector<16xf32>
      %swap3A_83 = vector.shape_cast %broadcast_in_dim3A_78 : vector<16xf32> to vector<1x16xf32>
      tpu.vector_store %arg8[%swap3A_79, %swap3A_80], %swap3A_83 {strides = array<i32>} : memref<128x128xf32, #tpu.memory_space<vmem>>, vector<1x16xf32>,
      %scan3A_84 = arith.constant 0 : i32
      scf.yield %scan3A_84 : i32
    }
    %scan3A_8 = arith.constant 128 : i32
    %add3A_9 = arith.constant 0 : i32
    %add3A_10 = arith.addi %mul3A_2, %add3A_9 : i32
    "tpu.region"() ({
      %run_scoped3A = tpu.sem_alloc : memref<!tpu.dma_semaphore, #tpu.memory_space<semaphore_mem>>
      %dma_start3A = arith.constant 0 : i32
      %dma_start3A_28 = tpu.memref_slice %arg9[%add3A_10, %dma_start3A] : memref<5128x128xf32, #tpu.memory_space<vmem_shared>> -> memref<128x128xf32, #tpu.memory_space<vmem_shared>>
      %dma_start3A_29 = arith.constant 0 : i32
      %dma_start3A_30 = tpu.memref_slice %arg9[%add3A_10, %dma_start3A_29] : memref<5128x128xf32, #tpu.memory_space<vmem_shared>> -> memref<128x128xf32, #tpu.memory_space<vmem_shared>>
      tpu.enqueue_dma source(%arg8 : memref<128x128xf32, #tpu.memory_space<vmem>>) target(%dma_start3A_30 : memref<128x128xf32, #tpu.memory_space<vmem_shared>>) target_semaphore(%run_scoped3A : memref<!tpu.dma_semaphore, #tpu.memory_space<semaphore_mem>>)
      %dma_wait3A = arith.constant 0 : i32
      %dma_wait3A_31 = tpu.memref_slice %arg9[%add3A_10, %dma_wait3A] : memref<5128x128xf32, #tpu.memory_space<vmem_shared>> -> memref<128x128xf32, #tpu.memory_space<vmem_shared>>
      %dma_wait3A_32 = arith.constant 0 : i32
      %dma_wait3A_33 = tpu.memref_slice %arg9[%add3A_10, %dma_wait3A_32] : memref<5128x128xf32, #tpu.memory_space<vmem_shared>> -> memref<128x128xf32, #tpu.memory_space<vmem_shared>>
      tpu.wait_dma2 semaphore(%run_scoped3A : memref<!tpu.dma_semaphore, #tpu.memory_space<semaphore_mem>>) src(%arg8 : memref<128x128xf32, #tpu.memory_space<vmem>>) dst(%dma_wait3A_33 : memref<128x128xf32, #tpu.memory_space<vmem_shared>>)
      tpu.yield
    }) : () -> ()
    %add3A_11 = arith.constant 128 : i32
    %add3A_12 = arith.addi %mul3A_2, %add3A_11 : i32
    "tpu.region"() ({
      %run_scoped3A = tpu.sem_alloc : memref<!tpu.dma_semaphore, #tpu.memory_space<semaphore_mem>>
      %dma_start3A = arith.constant 0 : i32
      %dma_start3A_28 = tpu.memref_slice %arg9[%add3A_12, %dma_start3A] : memref<5128x128xf32, #tpu.memory_space<vmem_shared>> -> memref<128x128xf32, #tpu.memory_space<vmem_shared>>
      %dma_start3A_29 = arith.constant 0 : i32
      %dma_start3A_30 = tpu.memref_slice %arg9[%add3A_12, %dma_start3A_29] : memref<5128x128xf32, #tpu.memory_space<vmem_shared>> -> memref<128x128xf32, #tpu.memory_space<vmem_shared>>
      tpu.enqueue_dma source(%arg8 : memref<128x128xf32, #tpu.memory_space<vmem>>) target(%dma_start3A_30 : memref<128x128xf32, #tpu.memory_space<vmem_shared>>) target_semaphore(%run_scoped3A : memref<!tpu.dma_semaphore, #tpu.memory_space<semaphore_mem>>)
      %dma_wait3A = arith.constant 0 : i32
      %dma_wait3A_31 = tpu.memref_slice %arg9[%add3A_12, %dma_wait3A] : memref<5128x128xf32, #tpu.memory_space<vmem_shared>> -> memref<128x128xf32, #tpu.memory_space<vmem_shared>>
      %dma_wait3A_32 = arith.constant 0 : i32
      %dma_wait3A_33 = tpu.memref_slice %arg9[%add3A_12, %dma_wait3A_32] : memref<5128x128xf32, #tpu.memory_space<vmem_shared>> -> memref<128x128xf32, #tpu.memory_space<vmem_shared>>
      tpu.wait_dma2 semaphore(%run_scoped3A : memref<!tpu.dma_semaphore, #tpu.memory_space<semaphore_mem>>) src(%arg8 : memref<128x128xf32, #tpu.memory_space<vmem>>) dst(%dma_wait3A_33 : memref<128x128xf32, #tpu.memory_space<vmem_shared>>)
      tpu.yield
    }) : () -> ()
    %add3A_13 = arith.constant 320 : i32
    %add3A_14 = arith.addi %mul3A_2, %add3A_13 : i32
    %sub3A = arith.constant 64 : i32
    %sub3A_15 = arith.subi %add3A_14, %sub3A : i32
    "tpu.region"() ({
      %run_scoped3A = tpu.sem_alloc : memref<!tpu.dma_semaphore, #tpu.memory_space<semaphore_mem>>
      %dma_start3A = arith.constant 0 : i32
      %dma_start3A_28 = arith.constant 0 : i32
      %dma_start3A_29 = tpu.memref_slice %arg8[%dma_start3A, %dma_start3A_28] : memref<128x128xf32, #tpu.memory_space<vmem>> -> memref<64x128xf32, #tpu.memory_space<vmem>>
      %dma_start3A_30 = arith.constant 0 : i32
      %dma_start3A_31 = tpu.memref_slice %arg9[%sub3A_15, %dma_start3A_30] : memref<5128x128xf32, #tpu.memory_space<vmem_shared>> -> memref<64x128xf32, #tpu.memory_space<vmem_shared>>
      %dma_start3A_32 = arith.constant 0 : i32
      %dma_start3A_33 = tpu.memref_slice %arg9[%sub3A_15, %dma_start3A_32] : memref<5128x128xf32, #tpu.memory_space<vmem_shared>> -> memref<64x128xf32, #tpu.memory_space<vmem_shared>>
      %dma_start3A_34 = arith.constant 0 : i32
      %dma_start3A_35 = arith.constant 0 : i32
      %dma_start3A_36 = tpu.memref_slice %arg8[%dma_start3A_34, %dma_start3A_35] : memref<128x128xf32, #tpu.memory_space<vmem>> -> memref<64x128xf32, #tpu.memory_space<vmem>>
      tpu.enqueue_dma source(%dma_start3A_36 : memref<64x128xf32, #tpu.memory_space<vmem>>) target(%dma_start3A_33 : memref<64x128xf32, #tpu.memory_space<vmem_shared>>) target_semaphore(%run_scoped3A : memref<!tpu.dma_semaphore, #tpu.memory_space<semaphore_mem>>)
      %dma_wait3A = arith.constant 0 : i32
      %dma_wait3A_37 = arith.constant 0 : i32
      %dma_wait3A_38 = tpu.memref_slice %arg8[%dma_wait3A, %dma_wait3A_37] : memref<128x128xf32, #tpu.memory_space<vmem>> -> memref<64x128xf32, #tpu.memory_space<vmem>>
      %dma_wait3A_39 = arith.constant 0 : i32
      %dma_wait3A_40 = tpu.memref_slice %arg9[%sub3A_15, %dma_wait3A_39] : memref<5128x128xf32, #tpu.memory_space<vmem_shared>> -> memref<64x128xf32, #tpu.memory_space<vmem_shared>>
      %dma_wait3A_41 = arith.constant 0 : i32
      %dma_wait3A_42 = tpu.memref_slice %arg9[%sub3A_15, %dma_wait3A_41] : memref<5128x128xf32, #tpu.memory_space<vmem_shared>> -> memref<64x128xf32, #tpu.memory_space<vmem_shared>>
      %dma_wait3A_43 = arith.constant 0 : i32
      %dma_wait3A_44 = arith.constant 0 : i32
      %dma_wait3A_45 = tpu.memref_slice %arg8[%dma_wait3A_43, %dma_wait3A_44] : memref<128x128xf32, #tpu.memory_space<vmem>> -> memref<64x128xf32, #tpu.memory_space<vmem>>
      tpu.wait_dma2 semaphore(%run_scoped3A : memref<!tpu.dma_semaphore, #tpu.memory_space<semaphore_mem>>) src(%dma_wait3A_45 : memref<64x128xf32, #tpu.memory_space<vmem>>) dst(%dma_wait3A_42 : memref<64x128xf32, #tpu.memory_space<vmem_shared>>)
      tpu.yield
    }) : () -> ()
    %eq3A = arith.constant 0 : i32
    %eq3A_16 = arith.cmpi eq, %arg1, %eq3A : i32
    %convert_element_type3A = arith.extui %eq3A_16 : i1 to i32
    %cond3A = arith.constant 0 : i32
    %cond3A_17 = arith.cmpi ne, %convert_element_type3A, %cond3A : i32
    scf.if %cond3A_17 {
      "tpu.region"() ({
        %run_scoped3A = tpu.sem_alloc : memref<!tpu.dma_semaphore, #tpu.memory_space<semaphore_mem>>
        %dma_start3A = arith.constant 0 : i32
        %dma_start3A_28 = arith.constant 0 : i32
        %dma_start3A_29 = tpu.memref_slice %arg8[%dma_start3A, %dma_start3A_28] : memref<128x128xf32, #tpu.memory_space<vmem>> -> memref<8x128xf32, #tpu.memory_space<vmem>>
        %dma_start3A_30 = arith.constant 5120 : i32
        %dma_start3A_31 = arith.constant 0 : i32
        %dma_start3A_32 = tpu.memref_slice %arg9[%dma_start3A_30, %dma_start3A_31] : memref<5128x128xf32, #tpu.memory_space<vmem_shared>> -> memref<8x128xf32, #tpu.memory_space<vmem_shared>>
        %dma_start3A_33 = arith.constant 5120 : i32
        %dma_start3A_34 = arith.constant 0 : i32
        %dma_start3A_35 = tpu.memref_slice %arg9[%dma_start3A_33, %dma_start3A_34] : memref<5128x128xf32, #tpu.memory_space<vmem_shared>> -> memref<8x128xf32, #tpu.memory_space<vmem_shared>>
        %dma_start3A_36 = arith.constant 0 : i32
        %dma_start3A_37 = arith.constant 0 : i32
        %dma_start3A_38 = tpu.memref_slice %arg8[%dma_start3A_36, %dma_start3A_37] : memref<128x128xf32, #tpu.memory_space<vmem>> -> memref<8x128xf32, #tpu.memory_space<vmem>>
        tpu.enqueue_dma source(%dma_start3A_38 : memref<8x128xf32, #tpu.memory_space<vmem>>) target(%dma_start3A_35 : memref<8x128xf32, #tpu.memory_space<vmem_shared>>) target_semaphore(%run_scoped3A : memref<!tpu.dma_semaphore, #tpu.memory_space<semaphore_mem>>)
        %dma_wait3A = arith.constant 0 : i32
        %dma_wait3A_39 = arith.constant 0 : i32
        %dma_wait3A_40 = tpu.memref_slice %arg8[%dma_wait3A, %dma_wait3A_39] : memref<128x128xf32, #tpu.memory_space<vmem>> -> memref<8x128xf32, #tpu.memory_space<vmem>>
        %dma_wait3A_41 = arith.constant 5120 : i32
        %dma_wait3A_42 = arith.constant 0 : i32
        %dma_wait3A_43 = tpu.memref_slice %arg9[%dma_wait3A_41, %dma_wait3A_42] : memref<5128x128xf32, #tpu.memory_space<vmem_shared>> -> memref<8x128xf32, #tpu.memory_space<vmem_shared>>
        %dma_wait3A_44 = arith.constant 5120 : i32
        %dma_wait3A_45 = arith.constant 0 : i32
        %dma_wait3A_46 = tpu.memref_slice %arg9[%dma_wait3A_44, %dma_wait3A_45] : memref<5128x128xf32, #tpu.memory_space<vmem_shared>> -> memref<8x128xf32, #tpu.memory_space<vmem_shared>>
        %dma_wait3A_47 = arith.constant 0 : i32
        %dma_wait3A_48 = arith.constant 0 : i32
        %dma_wait3A_49 = tpu.memref_slice %arg8[%dma_wait3A_47, %dma_wait3A_48] : memref<128x128xf32, #tpu.memory_space<vmem>> -> memref<8x128xf32, #tpu.memory_space<vmem>>
        tpu.wait_dma2 semaphore(%run_scoped3A : memref<!tpu.dma_semaphore, #tpu.memory_space<semaphore_mem>>) src(%dma_wait3A_49 : memref<8x128xf32, #tpu.memory_space<vmem>>) dst(%dma_wait3A_46 : memref<8x128xf32, #tpu.memory_space<vmem_shared>>)
        tpu.yield
      }) : () -> ()
    } else {
    }
    %barrier3A = arith.constant 0 : index
    tpu.barrier barrier_id(%barrier3A)
    %scan3A_18 = arith.constant 0 : i32
    %scan3A_19 = arith.constant 0 : i32
    %scan3A_20 = arith.constant 82 : i32
    %scan3A_21 = arith.addi %scan3A_19, %scan3A_20 : i32
    %scan3A_22 = arith.constant 1 : i32
    %scan3A_23 = scf.for %scan3A_28 = %scan3A_19 to %scan3A_21 step %scan3A_22 iter_args(%scan3A_29 = %scan3A_18) -> (i32)  : i32 {
      %dma_start3A = arith.constant 0 : i32
      %dma_start3A_30 = tpu.memref_slice %arg6[%scan3A_28, %dma_start3A] : memref<82x128xi32, #tpu.memory_space<vmem>> -> memref<1x128xi32, #tpu.memory_space<vmem>>
      %dma_start3A_31 = tpu.memref_squeeze %dma_start3A_30 : memref<1x128xi32, #tpu.memory_space<vmem>> -> memref<128xi32, #tpu.memory_space<vmem>>
      %dma_start3A_32 = arith.constant 0 : i32
      %dma_start3A_33 = arith.constant 0 : i32
      %dma_start3A_34 = tpu.memref_slice %arg2[%dma_start3A_32, %dma_start3A_33] : memref<10000x128xf32, #tpu.memory_space<hbm>> -> memref<10000x128xf32, #tpu.memory_space<hbm>>
      tpu.enqueue_indirect_dma source(%dma_start3A_34 : memref<10000x128xf32, #tpu.memory_space<hbm>>) target(%arg8 : memref<128x128xf32, #tpu.memory_space<vmem>>) offsets(%dma_start3A_31 : memref<128xi32, #tpu.memory_space<vmem>>) semaphore(%arg10 : memref<!tpu.dma_semaphore, #tpu.memory_space<semaphore_mem>>)
      %dma_wait3A = arith.constant 0 : i32
      %dma_wait3A_35 = tpu.memref_slice %arg6[%scan3A_28, %dma_wait3A] : memref<82x128xi32, #tpu.memory_space<vmem>> -> memref<1x128xi32, #tpu.memory_space<vmem>>
      %dma_wait3A_36 = tpu.memref_squeeze %dma_wait3A_35 : memref<1x128xi32, #tpu.memory_space<vmem>> -> memref<128xi32, #tpu.memory_space<vmem>>
      %dma_wait3A_37 = arith.constant 0 : i32
      %dma_wait3A_38 = arith.constant 0 : i32
      %dma_wait3A_39 = tpu.memref_slice %arg2[%dma_wait3A_37, %dma_wait3A_38] : memref<10000x128xf32, #tpu.memory_space<hbm>> -> memref<10000x128xf32, #tpu.memory_space<hbm>>
      tpu.wait_indirect_dma semaphore(%arg10 : memref<!tpu.dma_semaphore, #tpu.memory_space<semaphore_mem>>) src(%dma_wait3A_39 : memref<10000x128xf32, #tpu.memory_space<hbm>>) dst(%arg8 : memref<128x128xf32, #tpu.memory_space<vmem>>)
      "tpu.region"() ({
        %run_scoped3A = tpu.sem_alloc : memref<!tpu.dma_semaphore, #tpu.memory_space<semaphore_mem>>
        %dma_start3A_41 = arith.constant 0 : i32
        %dma_start3A_42 = tpu.memref_slice %arg7[%scan3A_28, %dma_start3A_41] : memref<82x128xi32, #tpu.memory_space<vmem>> -> memref<1x128xi32, #tpu.memory_space<vmem>>
        %dma_start3A_43 = tpu.memref_squeeze %dma_start3A_42 : memref<1x128xi32, #tpu.memory_space<vmem>> -> memref<128xi32, #tpu.memory_space<vmem>>
        %dma_start3A_44 = arith.constant 0 : i32
        %dma_start3A_45 = arith.constant 0 : i32
        %dma_start3A_46 = tpu.memref_slice %arg9[%dma_start3A_44, %dma_start3A_45] : memref<5128x128xf32, #tpu.memory_space<vmem_shared>> -> memref<5128x128xf32, #tpu.memory_space<vmem_shared>>
        tpu.enqueue_indirect_dma source(%arg8 : memref<128x128xf32, #tpu.memory_space<vmem>>) target(%dma_start3A_46 : memref<5128x128xf32, #tpu.memory_space<vmem_shared>>) offsets(%dma_start3A_43 : memref<128xi32, #tpu.memory_space<vmem>>) semaphore(%run_scoped3A : memref<!tpu.dma_semaphore, #tpu.memory_space<semaphore_mem>>) {add = true}
        %dma_wait3A_47 = arith.constant 0 : i32
        %dma_wait3A_48 = tpu.memref_slice %arg7[%scan3A_28, %dma_wait3A_47] : memref<82x128xi32, #tpu.memory_space<vmem>> -> memref<1x128xi32, #tpu.memory_space<vmem>>
        %dma_wait3A_49 = tpu.memref_squeeze %dma_wait3A_48 : memref<1x128xi32, #tpu.memory_space<vmem>> -> memref<128xi32, #tpu.memory_space<vmem>>
        %dma_wait3A_50 = arith.constant 0 : i32
        %dma_wait3A_51 = arith.constant 0 : i32
        %dma_wait3A_52 = tpu.memref_slice %arg9[%dma_wait3A_50, %dma_wait3A_51] : memref<5128x128xf32, #tpu.memory_space<vmem_shared>> -> memref<5128x128xf32, #tpu.memory_space<vmem_shared>>
        tpu.wait_indirect_dma semaphore(%run_scoped3A : memref<!tpu.dma_semaphore, #tpu.memory_space<semaphore_mem>>) src(%arg8 : memref<128x128xf32, #tpu.memory_space<vmem>>) dst(%dma_wait3A_52 : memref<5128x128xf32, #tpu.memory_space<vmem_shared>>)
        tpu.yield
      }) : () -> ()
      %scan3A_40 = arith.constant 0 : i32
      scf.yield %scan3A_40 : i32
    }
    %scan3A_24 = arith.constant 82 : i32
    %barrier3A_25 = arith.constant 0 : index
    tpu.barrier barrier_id(%barrier3A_25)
    %mul3A_26 = arith.constant 320 : i32
    %mul3A_27 = arith.muli %add3A, %mul3A_26 : i32
    "tpu.region"() ({
      %run_scoped3A = tpu.sem_alloc : memref<!tpu.dma_semaphore, #tpu.memory_space<semaphore_mem>>
      %dma_start3A = arith.constant 0 : i32
      %dma_start3A_28 = tpu.memref_slice %arg5[%mul3A_27, %dma_start3A] : memref<10240x128xf32, #tpu.memory_space<hbm>> -> memref<320x128xf32, #tpu.memory_space<hbm>>
      %dma_start3A_29 = arith.constant 0 : i32
      %dma_start3A_30 = tpu.memref_slice %arg9[%mul3A_2, %dma_start3A_29] : memref<5128x128xf32, #tpu.memory_space<vmem_shared>> -> memref<320x128xf32, #tpu.memory_space<vmem_shared>>
      tpu.enqueue_dma source(%dma_start3A_30 : memref<320x128xf32, #tpu.memory_space<vmem_shared>>) target(%dma_start3A_28 : memref<320x128xf32, #tpu.memory_space<hbm>>) target_semaphore(%run_scoped3A : memref<!tpu.dma_semaphore, #tpu.memory_space<semaphore_mem>>)
      %dma_wait3A = arith.constant 0 : i32
      %dma_wait3A_31 = tpu.memref_slice %arg5[%mul3A_27, %dma_wait3A] : memref<10240x128xf32, #tpu.memory_space<hbm>> -> memref<320x128xf32, #tpu.memory_space<hbm>>
      %dma_wait3A_32 = arith.constant 0 : i32
      %dma_wait3A_33 = tpu.memref_slice %arg9[%mul3A_2, %dma_wait3A_32] : memref<5128x128xf32, #tpu.memory_space<vmem_shared>> -> memref<320x128xf32, #tpu.memory_space<vmem_shared>>
      tpu.wait_dma2 semaphore(%run_scoped3A : memref<!tpu.dma_semaphore, #tpu.memory_space<semaphore_mem>>) src(%dma_wait3A_33 : memref<320x128xf32, #tpu.memory_space<vmem_shared>>) dst(%dma_wait3A_31 : memref<320x128xf32, #tpu.memory_space<hbm>>)
      tpu.yield
    }) : () -> ()
    return
  }
}

#map = affine_map<(d0, d1) -> (0, 0)>
#map1 = affine_map<(d0, d1) -> (0, 0, 0, 0)>
module attributes {stable_mosaic.version = 14 : i64} {
  func.func @hop(%arg0: i32, %arg1: i32, %arg2: memref<10240x128xf32, #tpu.memory_space<hbm>>, %arg3: memref<2x16x82x128xi32, #tpu.memory_space<hbm>>, %arg4: memref<2x16x82x128xi32, #tpu.memory_space<hbm>>, %arg5: memref<10240x128xf32, #tpu.memory_space<hbm>>, %arg6: memref<82x128xi32, #tpu.memory_space<vmem>>, %arg7: memref<82x128xi32, #tpu.memory_space<vmem>>, %arg8: memref<128x128xf32, #tpu.memory_space<vmem>>, %arg9: memref<5128x128xf32, #tpu.memory_space<vmem_shared>>, %arg10: memref<!tpu.dma_semaphore, #tpu.memory_space<semaphore_mem>>) attributes {dimension_semantics = [#tpu.dimension_semantics<core_parallel>, #tpu.dimension_semantics<subcore_parallel>], iteration_bounds = array<i64: 2, 16>, scalar_prefetch = 0 : i64, scratch_operands = 5 : i64, tpu.core_type = #tpu.core_type<sc_vector_subcore>, window_params = [{transform_indices = #map}, {transform_indices = #map1}, {transform_indices = #map1}, {transform_indices = #map}]} {
    %mul3A = arith.constant 2 : i32
    %mul3A_0 = arith.muli %arg1, %mul3A : i32
    %add3A = arith.addi %mul3A_0, %arg0 : i32
    %mul3A_1 = arith.constant 320 : i32
    %mul3A_2 = arith.muli %arg1, %mul3A_1 : i32
    "tpu.region"() ({
      %run_scoped3A = tpu.sem_alloc : memref<!tpu.dma_semaphore, #tpu.memory_space<semaphore_mem>>
      %dma_start3A = arith.constant 0 : i32
      %dma_start3A_28 = arith.constant 0 : i32
      %dma_start3A_29 = arith.constant 0 : i32
      %dma_start3A_30 = tpu.memref_slice %arg3[%arg0, %dma_start3A, %dma_start3A_28, %dma_start3A_29] : memref<2x16x82x128xi32, #tpu.memory_space<hbm>> -> memref<1x16x82x128xi32, #tpu.memory_space<hbm>>
      %dma_start3A_31 = tpu.memref_squeeze %dma_start3A_30 : memref<1x16x82x128xi32, #tpu.memory_space<hbm>> -> memref<16x82x128xi32, #tpu.memory_space<hbm>>
      %dma_start3A_32 = arith.constant 0 : i32
      %dma_start3A_33 = arith.constant 0 : i32
      %dma_start3A_34 = tpu.memref_slice %dma_start3A_31[%arg1, %dma_start3A_32, %dma_start3A_33] : memref<16x82x128xi32, #tpu.memory_space<hbm>> -> memref<1x82x128xi32, #tpu.memory_space<hbm>>
      %dma_start3A_35 = tpu.memref_squeeze %dma_start3A_34 : memref<1x82x128xi32, #tpu.memory_space<hbm>> -> memref<82x128xi32, #tpu.memory_space<hbm>>
      %dma_start3A_36 = arith.constant 0 : i32
      %dma_start3A_37 = arith.constant 0 : i32
      %dma_start3A_38 = arith.constant 0 : i32
      %dma_start3A_39 = tpu.memref_slice %arg3[%arg0, %dma_start3A_36, %dma_start3A_37, %dma_start3A_38] : memref<2x16x82x128xi32, #tpu.memory_space<hbm>> -> memref<1x16x82x128xi32, #tpu.memory_space<hbm>>
      %dma_start3A_40 = tpu.memref_squeeze %dma_start3A_39 : memref<1x16x82x128xi32, #tpu.memory_space<hbm>> -> memref<16x82x128xi32, #tpu.memory_space<hbm>>
      %dma_start3A_41 = arith.constant 0 : i32
      %dma_start3A_42 = arith.constant 0 : i32
      %dma_start3A_43 = tpu.memref_slice %dma_start3A_40[%arg1, %dma_start3A_41, %dma_start3A_42] : memref<16x82x128xi32, #tpu.memory_space<hbm>> -> memref<1x82x128xi32, #tpu.memory_space<hbm>>
      %dma_start3A_44 = tpu.memref_squeeze %dma_start3A_43 : memref<1x82x128xi32, #tpu.memory_space<hbm>> -> memref<82x128xi32, #tpu.memory_space<hbm>>
      tpu.enqueue_dma source(%dma_start3A_44 : memref<82x128xi32, #tpu.memory_space<hbm>>) target(%arg6 : memref<82x128xi32, #tpu.memory_space<vmem>>) target_semaphore(%run_scoped3A : memref<!tpu.dma_semaphore, #tpu.memory_space<semaphore_mem>>)
      %dma_wait3A = arith.constant 0 : i32
      %dma_wait3A_45 = arith.constant 0 : i32
      %dma_wait3A_46 = arith.constant 0 : i32
      %dma_wait3A_47 = tpu.memref_slice %arg3[%arg0, %dma_wait3A, %dma_wait3A_45, %dma_wait3A_46] : memref<2x16x82x128xi32, #tpu.memory_space<hbm>> -> memref<1x16x82x128xi32, #tpu.memory_space<hbm>>
      %dma_wait3A_48 = tpu.memref_squeeze %dma_wait3A_47 : memref<1x16x82x128xi32, #tpu.memory_space<hbm>> -> memref<16x82x128xi32, #tpu.memory_space<hbm>>
      %dma_wait3A_49 = arith.constant 0 : i32
      %dma_wait3A_50 = arith.constant 0 : i32
      %dma_wait3A_51 = tpu.memref_slice %dma_wait3A_48[%arg1, %dma_wait3A_49, %dma_wait3A_50] : memref<16x82x128xi32, #tpu.memory_space<hbm>> -> memref<1x82x128xi32, #tpu.memory_space<hbm>>
      %dma_wait3A_52 = tpu.memref_squeeze %dma_wait3A_51 : memref<1x82x128xi32, #tpu.memory_space<hbm>> -> memref<82x128xi32, #tpu.memory_space<hbm>>
      %dma_wait3A_53 = arith.constant 0 : i32
      %dma_wait3A_54 = arith.constant 0 : i32
      %dma_wait3A_55 = arith.constant 0 : i32
      %dma_wait3A_56 = tpu.memref_slice %arg3[%arg0, %dma_wait3A_53, %dma_wait3A_54, %dma_wait3A_55] : memref<2x16x82x128xi32, #tpu.memory_space<hbm>> -> memref<1x16x82x128xi32, #tpu.memory_space<hbm>>
      %dma_wait3A_57 = tpu.memref_squeeze %dma_wait3A_56 : memref<1x16x82x128xi32, #tpu.memory_space<hbm>> -> memref<16x82x128xi32, #tpu.memory_space<hbm>>
      %dma_wait3A_58 = arith.constant 0 : i32
      %dma_wait3A_59 = arith.constant 0 : i32
      %dma_wait3A_60 = tpu.memref_slice %dma_wait3A_57[%arg1, %dma_wait3A_58, %dma_wait3A_59] : memref<16x82x128xi32, #tpu.memory_space<hbm>> -> memref<1x82x128xi32, #tpu.memory_space<hbm>>
      %dma_wait3A_61 = tpu.memref_squeeze %dma_wait3A_60 : memref<1x82x128xi32, #tpu.memory_space<hbm>> -> memref<82x128xi32, #tpu.memory_space<hbm>>
      tpu.wait_dma2 semaphore(%run_scoped3A : memref<!tpu.dma_semaphore, #tpu.memory_space<semaphore_mem>>) src(%dma_wait3A_61 : memref<82x128xi32, #tpu.memory_space<hbm>>) dst(%arg6 : memref<82x128xi32, #tpu.memory_space<vmem>>)
      tpu.yield
    }) : () -> ()
    "tpu.region"() ({
      %run_scoped3A = tpu.sem_alloc : memref<!tpu.dma_semaphore, #tpu.memory_space<semaphore_mem>>
      %dma_start3A = arith.constant 0 : i32
      %dma_start3A_28 = arith.constant 0 : i32
      %dma_start3A_29 = arith.constant 0 : i32
      %dma_start3A_30 = tpu.memref_slice %arg4[%arg0, %dma_start3A, %dma_start3A_28, %dma_start3A_29] : memref<2x16x82x128xi32, #tpu.memory_space<hbm>> -> memref<1x16x82x128xi32, #tpu.memory_space<hbm>>
      %dma_start3A_31 = tpu.memref_squeeze %dma_start3A_30 : memref<1x16x82x128xi32, #tpu.memory_space<hbm>> -> memref<16x82x128xi32, #tpu.memory_space<hbm>>
      %dma_start3A_32 = arith.constant 0 : i32
      %dma_start3A_33 = arith.constant 0 : i32
      %dma_start3A_34 = tpu.memref_slice %dma_start3A_31[%arg1, %dma_start3A_32, %dma_start3A_33] : memref<16x82x128xi32, #tpu.memory_space<hbm>> -> memref<1x82x128xi32, #tpu.memory_space<hbm>>
      %dma_start3A_35 = tpu.memref_squeeze %dma_start3A_34 : memref<1x82x128xi32, #tpu.memory_space<hbm>> -> memref<82x128xi32, #tpu.memory_space<hbm>>
      %dma_start3A_36 = arith.constant 0 : i32
      %dma_start3A_37 = arith.constant 0 : i32
      %dma_start3A_38 = arith.constant 0 : i32
      %dma_start3A_39 = tpu.memref_slice %arg4[%arg0, %dma_start3A_36, %dma_start3A_37, %dma_start3A_38] : memref<2x16x82x128xi32, #tpu.memory_space<hbm>> -> memref<1x16x82x128xi32, #tpu.memory_space<hbm>>
      %dma_start3A_40 = tpu.memref_squeeze %dma_start3A_39 : memref<1x16x82x128xi32, #tpu.memory_space<hbm>> -> memref<16x82x128xi32, #tpu.memory_space<hbm>>
      %dma_start3A_41 = arith.constant 0 : i32
      %dma_start3A_42 = arith.constant 0 : i32
      %dma_start3A_43 = tpu.memref_slice %dma_start3A_40[%arg1, %dma_start3A_41, %dma_start3A_42] : memref<16x82x128xi32, #tpu.memory_space<hbm>> -> memref<1x82x128xi32, #tpu.memory_space<hbm>>
      %dma_start3A_44 = tpu.memref_squeeze %dma_start3A_43 : memref<1x82x128xi32, #tpu.memory_space<hbm>> -> memref<82x128xi32, #tpu.memory_space<hbm>>
      tpu.enqueue_dma source(%dma_start3A_44 : memref<82x128xi32, #tpu.memory_space<hbm>>) target(%arg7 : memref<82x128xi32, #tpu.memory_space<vmem>>) target_semaphore(%run_scoped3A : memref<!tpu.dma_semaphore, #tpu.memory_space<semaphore_mem>>)
      %dma_wait3A = arith.constant 0 : i32
      %dma_wait3A_45 = arith.constant 0 : i32
      %dma_wait3A_46 = arith.constant 0 : i32
      %dma_wait3A_47 = tpu.memref_slice %arg4[%arg0, %dma_wait3A, %dma_wait3A_45, %dma_wait3A_46] : memref<2x16x82x128xi32, #tpu.memory_space<hbm>> -> memref<1x16x82x128xi32, #tpu.memory_space<hbm>>
      %dma_wait3A_48 = tpu.memref_squeeze %dma_wait3A_47 : memref<1x16x82x128xi32, #tpu.memory_space<hbm>> -> memref<16x82x128xi32, #tpu.memory_space<hbm>>
      %dma_wait3A_49 = arith.constant 0 : i32
      %dma_wait3A_50 = arith.constant 0 : i32
      %dma_wait3A_51 = tpu.memref_slice %dma_wait3A_48[%arg1, %dma_wait3A_49, %dma_wait3A_50] : memref<16x82x128xi32, #tpu.memory_space<hbm>> -> memref<1x82x128xi32, #tpu.memory_space<hbm>>
      %dma_wait3A_52 = tpu.memref_squeeze %dma_wait3A_51 : memref<1x82x128xi32, #tpu.memory_space<hbm>> -> memref<82x128xi32, #tpu.memory_space<hbm>>
      %dma_wait3A_53 = arith.constant 0 : i32
      %dma_wait3A_54 = arith.constant 0 : i32
      %dma_wait3A_55 = arith.constant 0 : i32
      %dma_wait3A_56 = tpu.memref_slice %arg4[%arg0, %dma_wait3A_53, %dma_wait3A_54, %dma_wait3A_55] : memref<2x16x82x128xi32, #tpu.memory_space<hbm>> -> memref<1x16x82x128xi32, #tpu.memory_space<hbm>>
      %dma_wait3A_57 = tpu.memref_squeeze %dma_wait3A_56 : memref<1x16x82x128xi32, #tpu.memory_space<hbm>> -> memref<16x82x128xi32, #tpu.memory_space<hbm>>
      %dma_wait3A_58 = arith.constant 0 : i32
      %dma_wait3A_59 = arith.constant 0 : i32
      %dma_wait3A_60 = tpu.memref_slice %dma_wait3A_57[%arg1, %dma_wait3A_58, %dma_wait3A_59] : memref<16x82x128xi32, #tpu.memory_space<hbm>> -> memref<1x82x128xi32, #tpu.memory_space<hbm>>
      %dma_wait3A_61 = tpu.memref_squeeze %dma_wait3A_60 : memref<1x82x128xi32, #tpu.memory_space<hbm>> -> memref<82x128xi32, #tpu.memory_space<hbm>>
      tpu.wait_dma2 semaphore(%run_scoped3A : memref<!tpu.dma_semaphore, #tpu.memory_space<semaphore_mem>>) src(%dma_wait3A_61 : memref<82x128xi32, #tpu.memory_space<hbm>>) dst(%arg7 : memref<82x128xi32, #tpu.memory_space<vmem>>)
      tpu.yield
    }) : () -> ()
    %scan3A = arith.constant 0 : i32
    %scan3A_3 = arith.constant 0 : i32
    %scan3A_4 = arith.constant 128 : i32
    %scan3A_5 = arith.addi %scan3A_3, %scan3A_4 : i32
    %scan3A_6 = arith.constant 1 : i32
    %scan3A_7 = scf.for %scan3A_28 = %scan3A_3 to %scan3A_5 step %scan3A_6 iter_args(%scan3A_29 = %scan3A) -> (i32)  : i32 {
      %broadcast_in_dim3A = arith.constant 0.000000e+00 : f32
      %broadcast_in_dim3A_30 = vector.broadcast %broadcast_in_dim3A : f32 to vector<16xf32>
      %swap3A = arith.index_cast %scan3A_28 : i32 to index
      %swap3A_31 = arith.constant 0 : index
      %swap3A_32 = tpu.vector_load %arg8[%swap3A, %swap3A_31] {strides = array<i32>} : memref<128x128xf32, #tpu.memory_space<vmem>>, vector<1x16xf32>,
      %swap3A_33 = vector.shape_cast %swap3A_32 : vector<1x16xf32> to vector<16xf32>
      %swap3A_34 = vector.shape_cast %broadcast_in_dim3A_30 : vector<16xf32> to vector<1x16xf32>
      tpu.vector_store %arg8[%swap3A, %swap3A_31], %swap3A_34 {strides = array<i32>} : memref<128x128xf32, #tpu.memory_space<vmem>>, vector<1x16xf32>,
      %broadcast_in_dim3A_35 = arith.constant 0.000000e+00 : f32
      %broadcast_in_dim3A_36 = vector.broadcast %broadcast_in_dim3A_35 : f32 to vector<16xf32>
      %swap3A_37 = arith.index_cast %scan3A_28 : i32 to index
      %swap3A_38 = arith.constant 16 : index
      %swap3A_39 = tpu.vector_load %arg8[%swap3A_37, %swap3A_38] {strides = array<i32>} : memref<128x128xf32, #tpu.memory_space<vmem>>, vector<1x16xf32>,
      %swap3A_40 = vector.shape_cast %swap3A_39 : vector<1x16xf32> to vector<16xf32>
      %swap3A_41 = vector.shape_cast %broadcast_in_dim3A_36 : vector<16xf32> to vector<1x16xf32>
      tpu.vector_store %arg8[%swap3A_37, %swap3A_38], %swap3A_41 {strides = array<i32>} : memref<128x128xf32, #tpu.memory_space<vmem>>, vector<1x16xf32>,
      %broadcast_in_dim3A_42 = arith.constant 0.000000e+00 : f32
      %broadcast_in_dim3A_43 = vector.broadcast %broadcast_in_dim3A_42 : f32 to vector<16xf32>
      %swap3A_44 = arith.index_cast %scan3A_28 : i32 to index
      %swap3A_45 = arith.constant 32 : index
      %swap3A_46 = tpu.vector_load %arg8[%swap3A_44, %swap3A_45] {strides = array<i32>} : memref<128x128xf32, #tpu.memory_space<vmem>>, vector<1x16xf32>,
      %swap3A_47 = vector.shape_cast %swap3A_46 : vector<1x16xf32> to vector<16xf32>
      %swap3A_48 = vector.shape_cast %broadcast_in_dim3A_43 : vector<16xf32> to vector<1x16xf32>
      tpu.vector_store %arg8[%swap3A_44, %swap3A_45], %swap3A_48 {strides = array<i32>} : memref<128x128xf32, #tpu.memory_space<vmem>>, vector<1x16xf32>,
      %broadcast_in_dim3A_49 = arith.constant 0.000000e+00 : f32
      %broadcast_in_dim3A_50 = vector.broadcast %broadcast_in_dim3A_49 : f32 to vector<16xf32>
      %swap3A_51 = arith.index_cast %scan3A_28 : i32 to index
      %swap3A_52 = arith.constant 48 : index
      %swap3A_53 = tpu.vector_load %arg8[%swap3A_51, %swap3A_52] {strides = array<i32>} : memref<128x128xf32, #tpu.memory_space<vmem>>, vector<1x16xf32>,
      %swap3A_54 = vector.shape_cast %swap3A_53 : vector<1x16xf32> to vector<16xf32>
      %swap3A_55 = vector.shape_cast %broadcast_in_dim3A_50 : vector<16xf32> to vector<1x16xf32>
      tpu.vector_store %arg8[%swap3A_51, %swap3A_52], %swap3A_55 {strides = array<i32>} : memref<128x128xf32, #tpu.memory_space<vmem>>, vector<1x16xf32>,
      %broadcast_in_dim3A_56 = arith.constant 0.000000e+00 : f32
      %broadcast_in_dim3A_57 = vector.broadcast %broadcast_in_dim3A_56 : f32 to vector<16xf32>
      %swap3A_58 = arith.index_cast %scan3A_28 : i32 to index
      %swap3A_59 = arith.constant 64 : index
      %swap3A_60 = tpu.vector_load %arg8[%swap3A_58, %swap3A_59] {strides = array<i32>} : memref<128x128xf32, #tpu.memory_space<vmem>>, vector<1x16xf32>,
      %swap3A_61 = vector.shape_cast %swap3A_60 : vector<1x16xf32> to vector<16xf32>
      %swap3A_62 = vector.shape_cast %broadcast_in_dim3A_57 : vector<16xf32> to vector<1x16xf32>
      tpu.vector_store %arg8[%swap3A_58, %swap3A_59], %swap3A_62 {strides = array<i32>} : memref<128x128xf32, #tpu.memory_space<vmem>>, vector<1x16xf32>,
      %broadcast_in_dim3A_63 = arith.constant 0.000000e+00 : f32
      %broadcast_in_dim3A_64 = vector.broadcast %broadcast_in_dim3A_63 : f32 to vector<16xf32>
      %swap3A_65 = arith.index_cast %scan3A_28 : i32 to index
      %swap3A_66 = arith.constant 80 : index
      %swap3A_67 = tpu.vector_load %arg8[%swap3A_65, %swap3A_66] {strides = array<i32>} : memref<128x128xf32, #tpu.memory_space<vmem>>, vector<1x16xf32>,
      %swap3A_68 = vector.shape_cast %swap3A_67 : vector<1x16xf32> to vector<16xf32>
      %swap3A_69 = vector.shape_cast %broadcast_in_dim3A_64 : vector<16xf32> to vector<1x16xf32>
      tpu.vector_store %arg8[%swap3A_65, %swap3A_66], %swap3A_69 {strides = array<i32>} : memref<128x128xf32, #tpu.memory_space<vmem>>, vector<1x16xf32>,
      %broadcast_in_dim3A_70 = arith.constant 0.000000e+00 : f32
      %broadcast_in_dim3A_71 = vector.broadcast %broadcast_in_dim3A_70 : f32 to vector<16xf32>
      %swap3A_72 = arith.index_cast %scan3A_28 : i32 to index
      %swap3A_73 = arith.constant 96 : index
      %swap3A_74 = tpu.vector_load %arg8[%swap3A_72, %swap3A_73] {strides = array<i32>} : memref<128x128xf32, #tpu.memory_space<vmem>>, vector<1x16xf32>,
      %swap3A_75 = vector.shape_cast %swap3A_74 : vector<1x16xf32> to vector<16xf32>
      %swap3A_76 = vector.shape_cast %broadcast_in_dim3A_71 : vector<16xf32> to vector<1x16xf32>
      tpu.vector_store %arg8[%swap3A_72, %swap3A_73], %swap3A_76 {strides = array<i32>} : memref<128x128xf32, #tpu.memory_space<vmem>>, vector<1x16xf32>,
      %broadcast_in_dim3A_77 = arith.constant 0.000000e+00 : f32
      %broadcast_in_dim3A_78 = vector.broadcast %broadcast_in_dim3A_77 : f32 to vector<16xf32>
      %swap3A_79 = arith.index_cast %scan3A_28 : i32 to index
      %swap3A_80 = arith.constant 112 : index
      %swap3A_81 = tpu.vector_load %arg8[%swap3A_79, %swap3A_80] {strides = array<i32>} : memref<128x128xf32, #tpu.memory_space<vmem>>, vector<1x16xf32>,
      %swap3A_82 = vector.shape_cast %swap3A_81 : vector<1x16xf32> to vector<16xf32>
      %swap3A_83 = vector.shape_cast %broadcast_in_dim3A_78 : vector<16xf32> to vector<1x16xf32>
      tpu.vector_store %arg8[%swap3A_79, %swap3A_80], %swap3A_83 {strides = array<i32>} : memref<128x128xf32, #tpu.memory_space<vmem>>, vector<1x16xf32>,
      %scan3A_84 = arith.constant 0 : i32
      scf.yield %scan3A_84 : i32
    }
    %scan3A_8 = arith.constant 128 : i32
    %add3A_9 = arith.constant 0 : i32
    %add3A_10 = arith.addi %mul3A_2, %add3A_9 : i32
    "tpu.region"() ({
      %run_scoped3A = tpu.sem_alloc : memref<!tpu.dma_semaphore, #tpu.memory_space<semaphore_mem>>
      %dma_start3A = arith.constant 0 : i32
      %dma_start3A_28 = tpu.memref_slice %arg9[%add3A_10, %dma_start3A] : memref<5128x128xf32, #tpu.memory_space<vmem_shared>> -> memref<128x128xf32, #tpu.memory_space<vmem_shared>>
      %dma_start3A_29 = arith.constant 0 : i32
      %dma_start3A_30 = tpu.memref_slice %arg9[%add3A_10, %dma_start3A_29] : memref<5128x128xf32, #tpu.memory_space<vmem_shared>> -> memref<128x128xf32, #tpu.memory_space<vmem_shared>>
      tpu.enqueue_dma source(%arg8 : memref<128x128xf32, #tpu.memory_space<vmem>>) target(%dma_start3A_30 : memref<128x128xf32, #tpu.memory_space<vmem_shared>>) target_semaphore(%run_scoped3A : memref<!tpu.dma_semaphore, #tpu.memory_space<semaphore_mem>>)
      %dma_wait3A = arith.constant 0 : i32
      %dma_wait3A_31 = tpu.memref_slice %arg9[%add3A_10, %dma_wait3A] : memref<5128x128xf32, #tpu.memory_space<vmem_shared>> -> memref<128x128xf32, #tpu.memory_space<vmem_shared>>
      %dma_wait3A_32 = arith.constant 0 : i32
      %dma_wait3A_33 = tpu.memref_slice %arg9[%add3A_10, %dma_wait3A_32] : memref<5128x128xf32, #tpu.memory_space<vmem_shared>> -> memref<128x128xf32, #tpu.memory_space<vmem_shared>>
      tpu.wait_dma2 semaphore(%run_scoped3A : memref<!tpu.dma_semaphore, #tpu.memory_space<semaphore_mem>>) src(%arg8 : memref<128x128xf32, #tpu.memory_space<vmem>>) dst(%dma_wait3A_33 : memref<128x128xf32, #tpu.memory_space<vmem_shared>>)
      tpu.yield
    }) : () -> ()
    %add3A_11 = arith.constant 128 : i32
    %add3A_12 = arith.addi %mul3A_2, %add3A_11 : i32
    "tpu.region"() ({
      %run_scoped3A = tpu.sem_alloc : memref<!tpu.dma_semaphore, #tpu.memory_space<semaphore_mem>>
      %dma_start3A = arith.constant 0 : i32
      %dma_start3A_28 = tpu.memref_slice %arg9[%add3A_12, %dma_start3A] : memref<5128x128xf32, #tpu.memory_space<vmem_shared>> -> memref<128x128xf32, #tpu.memory_space<vmem_shared>>
      %dma_start3A_29 = arith.constant 0 : i32
      %dma_start3A_30 = tpu.memref_slice %arg9[%add3A_12, %dma_start3A_29] : memref<5128x128xf32, #tpu.memory_space<vmem_shared>> -> memref<128x128xf32, #tpu.memory_space<vmem_shared>>
      tpu.enqueue_dma source(%arg8 : memref<128x128xf32, #tpu.memory_space<vmem>>) target(%dma_start3A_30 : memref<128x128xf32, #tpu.memory_space<vmem_shared>>) target_semaphore(%run_scoped3A : memref<!tpu.dma_semaphore, #tpu.memory_space<semaphore_mem>>)
      %dma_wait3A = arith.constant 0 : i32
      %dma_wait3A_31 = tpu.memref_slice %arg9[%add3A_12, %dma_wait3A] : memref<5128x128xf32, #tpu.memory_space<vmem_shared>> -> memref<128x128xf32, #tpu.memory_space<vmem_shared>>
      %dma_wait3A_32 = arith.constant 0 : i32
      %dma_wait3A_33 = tpu.memref_slice %arg9[%add3A_12, %dma_wait3A_32] : memref<5128x128xf32, #tpu.memory_space<vmem_shared>> -> memref<128x128xf32, #tpu.memory_space<vmem_shared>>
      tpu.wait_dma2 semaphore(%run_scoped3A : memref<!tpu.dma_semaphore, #tpu.memory_space<semaphore_mem>>) src(%arg8 : memref<128x128xf32, #tpu.memory_space<vmem>>) dst(%dma_wait3A_33 : memref<128x128xf32, #tpu.memory_space<vmem_shared>>)
      tpu.yield
    }) : () -> ()
    %add3A_13 = arith.constant 320 : i32
    %add3A_14 = arith.addi %mul3A_2, %add3A_13 : i32
    %sub3A = arith.constant 64 : i32
    %sub3A_15 = arith.subi %add3A_14, %sub3A : i32
    "tpu.region"() ({
      %run_scoped3A = tpu.sem_alloc : memref<!tpu.dma_semaphore, #tpu.memory_space<semaphore_mem>>
      %dma_start3A = arith.constant 0 : i32
      %dma_start3A_28 = arith.constant 0 : i32
      %dma_start3A_29 = tpu.memref_slice %arg8[%dma_start3A, %dma_start3A_28] : memref<128x128xf32, #tpu.memory_space<vmem>> -> memref<64x128xf32, #tpu.memory_space<vmem>>
      %dma_start3A_30 = arith.constant 0 : i32
      %dma_start3A_31 = tpu.memref_slice %arg9[%sub3A_15, %dma_start3A_30] : memref<5128x128xf32, #tpu.memory_space<vmem_shared>> -> memref<64x128xf32, #tpu.memory_space<vmem_shared>>
      %dma_start3A_32 = arith.constant 0 : i32
      %dma_start3A_33 = tpu.memref_slice %arg9[%sub3A_15, %dma_start3A_32] : memref<5128x128xf32, #tpu.memory_space<vmem_shared>> -> memref<64x128xf32, #tpu.memory_space<vmem_shared>>
      %dma_start3A_34 = arith.constant 0 : i32
      %dma_start3A_35 = arith.constant 0 : i32
      %dma_start3A_36 = tpu.memref_slice %arg8[%dma_start3A_34, %dma_start3A_35] : memref<128x128xf32, #tpu.memory_space<vmem>> -> memref<64x128xf32, #tpu.memory_space<vmem>>
      tpu.enqueue_dma source(%dma_start3A_36 : memref<64x128xf32, #tpu.memory_space<vmem>>) target(%dma_start3A_33 : memref<64x128xf32, #tpu.memory_space<vmem_shared>>) target_semaphore(%run_scoped3A : memref<!tpu.dma_semaphore, #tpu.memory_space<semaphore_mem>>)
      %dma_wait3A = arith.constant 0 : i32
      %dma_wait3A_37 = arith.constant 0 : i32
      %dma_wait3A_38 = tpu.memref_slice %arg8[%dma_wait3A, %dma_wait3A_37] : memref<128x128xf32, #tpu.memory_space<vmem>> -> memref<64x128xf32, #tpu.memory_space<vmem>>
      %dma_wait3A_39 = arith.constant 0 : i32
      %dma_wait3A_40 = tpu.memref_slice %arg9[%sub3A_15, %dma_wait3A_39] : memref<5128x128xf32, #tpu.memory_space<vmem_shared>> -> memref<64x128xf32, #tpu.memory_space<vmem_shared>>
      %dma_wait3A_41 = arith.constant 0 : i32
      %dma_wait3A_42 = tpu.memref_slice %arg9[%sub3A_15, %dma_wait3A_41] : memref<5128x128xf32, #tpu.memory_space<vmem_shared>> -> memref<64x128xf32, #tpu.memory_space<vmem_shared>>
      %dma_wait3A_43 = arith.constant 0 : i32
      %dma_wait3A_44 = arith.constant 0 : i32
      %dma_wait3A_45 = tpu.memref_slice %arg8[%dma_wait3A_43, %dma_wait3A_44] : memref<128x128xf32, #tpu.memory_space<vmem>> -> memref<64x128xf32, #tpu.memory_space<vmem>>
      tpu.wait_dma2 semaphore(%run_scoped3A : memref<!tpu.dma_semaphore, #tpu.memory_space<semaphore_mem>>) src(%dma_wait3A_45 : memref<64x128xf32, #tpu.memory_space<vmem>>) dst(%dma_wait3A_42 : memref<64x128xf32, #tpu.memory_space<vmem_shared>>)
      tpu.yield
    }) : () -> ()
    %eq3A = arith.constant 0 : i32
    %eq3A_16 = arith.cmpi eq, %arg1, %eq3A : i32
    %convert_element_type3A = arith.extui %eq3A_16 : i1 to i32
    %cond3A = arith.constant 0 : i32
    %cond3A_17 = arith.cmpi ne, %convert_element_type3A, %cond3A : i32
    scf.if %cond3A_17 {
      "tpu.region"() ({
        %run_scoped3A = tpu.sem_alloc : memref<!tpu.dma_semaphore, #tpu.memory_space<semaphore_mem>>
        %dma_start3A = arith.constant 0 : i32
        %dma_start3A_28 = arith.constant 0 : i32
        %dma_start3A_29 = tpu.memref_slice %arg8[%dma_start3A, %dma_start3A_28] : memref<128x128xf32, #tpu.memory_space<vmem>> -> memref<8x128xf32, #tpu.memory_space<vmem>>
        %dma_start3A_30 = arith.constant 5120 : i32
        %dma_start3A_31 = arith.constant 0 : i32
        %dma_start3A_32 = tpu.memref_slice %arg9[%dma_start3A_30, %dma_start3A_31] : memref<5128x128xf32, #tpu.memory_space<vmem_shared>> -> memref<8x128xf32, #tpu.memory_space<vmem_shared>>
        %dma_start3A_33 = arith.constant 5120 : i32
        %dma_start3A_34 = arith.constant 0 : i32
        %dma_start3A_35 = tpu.memref_slice %arg9[%dma_start3A_33, %dma_start3A_34] : memref<5128x128xf32, #tpu.memory_space<vmem_shared>> -> memref<8x128xf32, #tpu.memory_space<vmem_shared>>
        %dma_start3A_36 = arith.constant 0 : i32
        %dma_start3A_37 = arith.constant 0 : i32
        %dma_start3A_38 = tpu.memref_slice %arg8[%dma_start3A_36, %dma_start3A_37] : memref<128x128xf32, #tpu.memory_space<vmem>> -> memref<8x128xf32, #tpu.memory_space<vmem>>
        tpu.enqueue_dma source(%dma_start3A_38 : memref<8x128xf32, #tpu.memory_space<vmem>>) target(%dma_start3A_35 : memref<8x128xf32, #tpu.memory_space<vmem_shared>>) target_semaphore(%run_scoped3A : memref<!tpu.dma_semaphore, #tpu.memory_space<semaphore_mem>>)
        %dma_wait3A = arith.constant 0 : i32
        %dma_wait3A_39 = arith.constant 0 : i32
        %dma_wait3A_40 = tpu.memref_slice %arg8[%dma_wait3A, %dma_wait3A_39] : memref<128x128xf32, #tpu.memory_space<vmem>> -> memref<8x128xf32, #tpu.memory_space<vmem>>
        %dma_wait3A_41 = arith.constant 5120 : i32
        %dma_wait3A_42 = arith.constant 0 : i32
        %dma_wait3A_43 = tpu.memref_slice %arg9[%dma_wait3A_41, %dma_wait3A_42] : memref<5128x128xf32, #tpu.memory_space<vmem_shared>> -> memref<8x128xf32, #tpu.memory_space<vmem_shared>>
        %dma_wait3A_44 = arith.constant 5120 : i32
        %dma_wait3A_45 = arith.constant 0 : i32
        %dma_wait3A_46 = tpu.memref_slice %arg9[%dma_wait3A_44, %dma_wait3A_45] : memref<5128x128xf32, #tpu.memory_space<vmem_shared>> -> memref<8x128xf32, #tpu.memory_space<vmem_shared>>
        %dma_wait3A_47 = arith.constant 0 : i32
        %dma_wait3A_48 = arith.constant 0 : i32
        %dma_wait3A_49 = tpu.memref_slice %arg8[%dma_wait3A_47, %dma_wait3A_48] : memref<128x128xf32, #tpu.memory_space<vmem>> -> memref<8x128xf32, #tpu.memory_space<vmem>>
        tpu.wait_dma2 semaphore(%run_scoped3A : memref<!tpu.dma_semaphore, #tpu.memory_space<semaphore_mem>>) src(%dma_wait3A_49 : memref<8x128xf32, #tpu.memory_space<vmem>>) dst(%dma_wait3A_46 : memref<8x128xf32, #tpu.memory_space<vmem_shared>>)
        tpu.yield
      }) : () -> ()
    } else {
    }
    %barrier3A = arith.constant 0 : index
    tpu.barrier barrier_id(%barrier3A)
    %scan3A_18 = arith.constant 0 : i32
    %scan3A_19 = arith.constant 0 : i32
    %scan3A_20 = arith.constant 82 : i32
    %scan3A_21 = arith.addi %scan3A_19, %scan3A_20 : i32
    %scan3A_22 = arith.constant 1 : i32
    %scan3A_23 = scf.for %scan3A_28 = %scan3A_19 to %scan3A_21 step %scan3A_22 iter_args(%scan3A_29 = %scan3A_18) -> (i32)  : i32 {
      %dma_start3A = arith.constant 0 : i32
      %dma_start3A_30 = tpu.memref_slice %arg6[%scan3A_28, %dma_start3A] : memref<82x128xi32, #tpu.memory_space<vmem>> -> memref<1x128xi32, #tpu.memory_space<vmem>>
      %dma_start3A_31 = tpu.memref_squeeze %dma_start3A_30 : memref<1x128xi32, #tpu.memory_space<vmem>> -> memref<128xi32, #tpu.memory_space<vmem>>
      %dma_start3A_32 = arith.constant 0 : i32
      %dma_start3A_33 = arith.constant 0 : i32
      %dma_start3A_34 = tpu.memref_slice %arg2[%dma_start3A_32, %dma_start3A_33] : memref<10240x128xf32, #tpu.memory_space<hbm>> -> memref<10240x128xf32, #tpu.memory_space<hbm>>
      tpu.enqueue_indirect_dma source(%dma_start3A_34 : memref<10240x128xf32, #tpu.memory_space<hbm>>) target(%arg8 : memref<128x128xf32, #tpu.memory_space<vmem>>) offsets(%dma_start3A_31 : memref<128xi32, #tpu.memory_space<vmem>>) semaphore(%arg10 : memref<!tpu.dma_semaphore, #tpu.memory_space<semaphore_mem>>)
      %dma_wait3A = arith.constant 0 : i32
      %dma_wait3A_35 = tpu.memref_slice %arg6[%scan3A_28, %dma_wait3A] : memref<82x128xi32, #tpu.memory_space<vmem>> -> memref<1x128xi32, #tpu.memory_space<vmem>>
      %dma_wait3A_36 = tpu.memref_squeeze %dma_wait3A_35 : memref<1x128xi32, #tpu.memory_space<vmem>> -> memref<128xi32, #tpu.memory_space<vmem>>
      %dma_wait3A_37 = arith.constant 0 : i32
      %dma_wait3A_38 = arith.constant 0 : i32
      %dma_wait3A_39 = tpu.memref_slice %arg2[%dma_wait3A_37, %dma_wait3A_38] : memref<10240x128xf32, #tpu.memory_space<hbm>> -> memref<10240x128xf32, #tpu.memory_space<hbm>>
      tpu.wait_indirect_dma semaphore(%arg10 : memref<!tpu.dma_semaphore, #tpu.memory_space<semaphore_mem>>) src(%dma_wait3A_39 : memref<10240x128xf32, #tpu.memory_space<hbm>>) dst(%arg8 : memref<128x128xf32, #tpu.memory_space<vmem>>)
      "tpu.region"() ({
        %run_scoped3A = tpu.sem_alloc : memref<!tpu.dma_semaphore, #tpu.memory_space<semaphore_mem>>
        %dma_start3A_41 = arith.constant 0 : i32
        %dma_start3A_42 = tpu.memref_slice %arg7[%scan3A_28, %dma_start3A_41] : memref<82x128xi32, #tpu.memory_space<vmem>> -> memref<1x128xi32, #tpu.memory_space<vmem>>
        %dma_start3A_43 = tpu.memref_squeeze %dma_start3A_42 : memref<1x128xi32, #tpu.memory_space<vmem>> -> memref<128xi32, #tpu.memory_space<vmem>>
        %dma_start3A_44 = arith.constant 0 : i32
        %dma_start3A_45 = arith.constant 0 : i32
        %dma_start3A_46 = tpu.memref_slice %arg9[%dma_start3A_44, %dma_start3A_45] : memref<5128x128xf32, #tpu.memory_space<vmem_shared>> -> memref<5128x128xf32, #tpu.memory_space<vmem_shared>>
        tpu.enqueue_indirect_dma source(%arg8 : memref<128x128xf32, #tpu.memory_space<vmem>>) target(%dma_start3A_46 : memref<5128x128xf32, #tpu.memory_space<vmem_shared>>) offsets(%dma_start3A_43 : memref<128xi32, #tpu.memory_space<vmem>>) semaphore(%run_scoped3A : memref<!tpu.dma_semaphore, #tpu.memory_space<semaphore_mem>>) {add = true}
        %dma_wait3A_47 = arith.constant 0 : i32
        %dma_wait3A_48 = tpu.memref_slice %arg7[%scan3A_28, %dma_wait3A_47] : memref<82x128xi32, #tpu.memory_space<vmem>> -> memref<1x128xi32, #tpu.memory_space<vmem>>
        %dma_wait3A_49 = tpu.memref_squeeze %dma_wait3A_48 : memref<1x128xi32, #tpu.memory_space<vmem>> -> memref<128xi32, #tpu.memory_space<vmem>>
        %dma_wait3A_50 = arith.constant 0 : i32
        %dma_wait3A_51 = arith.constant 0 : i32
        %dma_wait3A_52 = tpu.memref_slice %arg9[%dma_wait3A_50, %dma_wait3A_51] : memref<5128x128xf32, #tpu.memory_space<vmem_shared>> -> memref<5128x128xf32, #tpu.memory_space<vmem_shared>>
        tpu.wait_indirect_dma semaphore(%run_scoped3A : memref<!tpu.dma_semaphore, #tpu.memory_space<semaphore_mem>>) src(%arg8 : memref<128x128xf32, #tpu.memory_space<vmem>>) dst(%dma_wait3A_52 : memref<5128x128xf32, #tpu.memory_space<vmem_shared>>)
        tpu.yield
      }) : () -> ()
      %scan3A_40 = arith.constant 0 : i32
      scf.yield %scan3A_40 : i32
    }
    %scan3A_24 = arith.constant 82 : i32
    %barrier3A_25 = arith.constant 0 : index
    tpu.barrier barrier_id(%barrier3A_25)
    %mul3A_26 = arith.constant 320 : i32
    %mul3A_27 = arith.muli %add3A, %mul3A_26 : i32
    "tpu.region"() ({
      %run_scoped3A = tpu.sem_alloc : memref<!tpu.dma_semaphore, #tpu.memory_space<semaphore_mem>>
      %dma_start3A = arith.constant 0 : i32
      %dma_start3A_28 = tpu.memref_slice %arg5[%mul3A_27, %dma_start3A] : memref<10240x128xf32, #tpu.memory_space<hbm>> -> memref<320x128xf32, #tpu.memory_space<hbm>>
      %dma_start3A_29 = arith.constant 0 : i32
      %dma_start3A_30 = tpu.memref_slice %arg9[%mul3A_2, %dma_start3A_29] : memref<5128x128xf32, #tpu.memory_space<vmem_shared>> -> memref<320x128xf32, #tpu.memory_space<vmem_shared>>
      tpu.enqueue_dma source(%dma_start3A_30 : memref<320x128xf32, #tpu.memory_space<vmem_shared>>) target(%dma_start3A_28 : memref<320x128xf32, #tpu.memory_space<hbm>>) target_semaphore(%run_scoped3A : memref<!tpu.dma_semaphore, #tpu.memory_space<semaphore_mem>>)
      %dma_wait3A = arith.constant 0 : i32
      %dma_wait3A_31 = tpu.memref_slice %arg5[%mul3A_27, %dma_wait3A] : memref<10240x128xf32, #tpu.memory_space<hbm>> -> memref<320x128xf32, #tpu.memory_space<hbm>>
      %dma_wait3A_32 = arith.constant 0 : i32
      %dma_wait3A_33 = tpu.memref_slice %arg9[%mul3A_2, %dma_wait3A_32] : memref<5128x128xf32, #tpu.memory_space<vmem_shared>> -> memref<320x128xf32, #tpu.memory_space<vmem_shared>>
      tpu.wait_dma2 semaphore(%run_scoped3A : memref<!tpu.dma_semaphore, #tpu.memory_space<semaphore_mem>>) src(%dma_wait3A_33 : memref<320x128xf32, #tpu.memory_space<vmem_shared>>) dst(%dma_wait3A_31 : memref<320x128xf32, #tpu.memory_space<hbm>>)
      tpu.yield
    }) : () -> ()
    return
  }
}

#map = affine_map<(d0, d1) -> (0, 0)>
#map1 = affine_map<(d0, d1) -> (0, 0, 0, 0)>
module attributes {stable_mosaic.version = 14 : i64} {
  func.func @hop(%arg0: i32, %arg1: i32, %arg2: memref<10240x128xf32, #tpu.memory_space<hbm>>, %arg3: memref<2x16x82x128xi32, #tpu.memory_space<hbm>>, %arg4: memref<2x16x82x128xi32, #tpu.memory_space<hbm>>, %arg5: memref<10240x128xf32, #tpu.memory_space<hbm>>, %arg6: memref<82x128xi32, #tpu.memory_space<vmem>>, %arg7: memref<82x128xi32, #tpu.memory_space<vmem>>, %arg8: memref<128x128xf32, #tpu.memory_space<vmem>>, %arg9: memref<5128x128xf32, #tpu.memory_space<vmem_shared>>, %arg10: memref<!tpu.dma_semaphore, #tpu.memory_space<semaphore_mem>>) attributes {dimension_semantics = [#tpu.dimension_semantics<core_parallel>, #tpu.dimension_semantics<subcore_parallel>], iteration_bounds = array<i64: 2, 16>, scalar_prefetch = 0 : i64, scratch_operands = 5 : i64, tpu.core_type = #tpu.core_type<sc_vector_subcore>, window_params = [{transform_indices = #map}, {transform_indices = #map1}, {transform_indices = #map1}, {transform_indices = #map}]} {
    %mul3A = arith.constant 2 : i32
    %mul3A_0 = arith.muli %arg1, %mul3A : i32
    %add3A = arith.addi %mul3A_0, %arg0 : i32
    %mul3A_1 = arith.constant 320 : i32
    %mul3A_2 = arith.muli %arg1, %mul3A_1 : i32
    "tpu.region"() ({
      %run_scoped3A = tpu.sem_alloc : memref<!tpu.dma_semaphore, #tpu.memory_space<semaphore_mem>>
      %dma_start3A = arith.constant 0 : i32
      %dma_start3A_28 = arith.constant 0 : i32
      %dma_start3A_29 = arith.constant 0 : i32
      %dma_start3A_30 = tpu.memref_slice %arg3[%arg0, %dma_start3A, %dma_start3A_28, %dma_start3A_29] : memref<2x16x82x128xi32, #tpu.memory_space<hbm>> -> memref<1x16x82x128xi32, #tpu.memory_space<hbm>>
      %dma_start3A_31 = tpu.memref_squeeze %dma_start3A_30 : memref<1x16x82x128xi32, #tpu.memory_space<hbm>> -> memref<16x82x128xi32, #tpu.memory_space<hbm>>
      %dma_start3A_32 = arith.constant 0 : i32
      %dma_start3A_33 = arith.constant 0 : i32
      %dma_start3A_34 = tpu.memref_slice %dma_start3A_31[%arg1, %dma_start3A_32, %dma_start3A_33] : memref<16x82x128xi32, #tpu.memory_space<hbm>> -> memref<1x82x128xi32, #tpu.memory_space<hbm>>
      %dma_start3A_35 = tpu.memref_squeeze %dma_start3A_34 : memref<1x82x128xi32, #tpu.memory_space<hbm>> -> memref<82x128xi32, #tpu.memory_space<hbm>>
      %dma_start3A_36 = arith.constant 0 : i32
      %dma_start3A_37 = arith.constant 0 : i32
      %dma_start3A_38 = arith.constant 0 : i32
      %dma_start3A_39 = tpu.memref_slice %arg3[%arg0, %dma_start3A_36, %dma_start3A_37, %dma_start3A_38] : memref<2x16x82x128xi32, #tpu.memory_space<hbm>> -> memref<1x16x82x128xi32, #tpu.memory_space<hbm>>
      %dma_start3A_40 = tpu.memref_squeeze %dma_start3A_39 : memref<1x16x82x128xi32, #tpu.memory_space<hbm>> -> memref<16x82x128xi32, #tpu.memory_space<hbm>>
      %dma_start3A_41 = arith.constant 0 : i32
      %dma_start3A_42 = arith.constant 0 : i32
      %dma_start3A_43 = tpu.memref_slice %dma_start3A_40[%arg1, %dma_start3A_41, %dma_start3A_42] : memref<16x82x128xi32, #tpu.memory_space<hbm>> -> memref<1x82x128xi32, #tpu.memory_space<hbm>>
      %dma_start3A_44 = tpu.memref_squeeze %dma_start3A_43 : memref<1x82x128xi32, #tpu.memory_space<hbm>> -> memref<82x128xi32, #tpu.memory_space<hbm>>
      tpu.enqueue_dma source(%dma_start3A_44 : memref<82x128xi32, #tpu.memory_space<hbm>>) target(%arg6 : memref<82x128xi32, #tpu.memory_space<vmem>>) target_semaphore(%run_scoped3A : memref<!tpu.dma_semaphore, #tpu.memory_space<semaphore_mem>>)
      %dma_wait3A = arith.constant 0 : i32
      %dma_wait3A_45 = arith.constant 0 : i32
      %dma_wait3A_46 = arith.constant 0 : i32
      %dma_wait3A_47 = tpu.memref_slice %arg3[%arg0, %dma_wait3A, %dma_wait3A_45, %dma_wait3A_46] : memref<2x16x82x128xi32, #tpu.memory_space<hbm>> -> memref<1x16x82x128xi32, #tpu.memory_space<hbm>>
      %dma_wait3A_48 = tpu.memref_squeeze %dma_wait3A_47 : memref<1x16x82x128xi32, #tpu.memory_space<hbm>> -> memref<16x82x128xi32, #tpu.memory_space<hbm>>
      %dma_wait3A_49 = arith.constant 0 : i32
      %dma_wait3A_50 = arith.constant 0 : i32
      %dma_wait3A_51 = tpu.memref_slice %dma_wait3A_48[%arg1, %dma_wait3A_49, %dma_wait3A_50] : memref<16x82x128xi32, #tpu.memory_space<hbm>> -> memref<1x82x128xi32, #tpu.memory_space<hbm>>
      %dma_wait3A_52 = tpu.memref_squeeze %dma_wait3A_51 : memref<1x82x128xi32, #tpu.memory_space<hbm>> -> memref<82x128xi32, #tpu.memory_space<hbm>>
      %dma_wait3A_53 = arith.constant 0 : i32
      %dma_wait3A_54 = arith.constant 0 : i32
      %dma_wait3A_55 = arith.constant 0 : i32
      %dma_wait3A_56 = tpu.memref_slice %arg3[%arg0, %dma_wait3A_53, %dma_wait3A_54, %dma_wait3A_55] : memref<2x16x82x128xi32, #tpu.memory_space<hbm>> -> memref<1x16x82x128xi32, #tpu.memory_space<hbm>>
      %dma_wait3A_57 = tpu.memref_squeeze %dma_wait3A_56 : memref<1x16x82x128xi32, #tpu.memory_space<hbm>> -> memref<16x82x128xi32, #tpu.memory_space<hbm>>
      %dma_wait3A_58 = arith.constant 0 : i32
      %dma_wait3A_59 = arith.constant 0 : i32
      %dma_wait3A_60 = tpu.memref_slice %dma_wait3A_57[%arg1, %dma_wait3A_58, %dma_wait3A_59] : memref<16x82x128xi32, #tpu.memory_space<hbm>> -> memref<1x82x128xi32, #tpu.memory_space<hbm>>
      %dma_wait3A_61 = tpu.memref_squeeze %dma_wait3A_60 : memref<1x82x128xi32, #tpu.memory_space<hbm>> -> memref<82x128xi32, #tpu.memory_space<hbm>>
      tpu.wait_dma2 semaphore(%run_scoped3A : memref<!tpu.dma_semaphore, #tpu.memory_space<semaphore_mem>>) src(%dma_wait3A_61 : memref<82x128xi32, #tpu.memory_space<hbm>>) dst(%arg6 : memref<82x128xi32, #tpu.memory_space<vmem>>)
      tpu.yield
    }) : () -> ()
    "tpu.region"() ({
      %run_scoped3A = tpu.sem_alloc : memref<!tpu.dma_semaphore, #tpu.memory_space<semaphore_mem>>
      %dma_start3A = arith.constant 0 : i32
      %dma_start3A_28 = arith.constant 0 : i32
      %dma_start3A_29 = arith.constant 0 : i32
      %dma_start3A_30 = tpu.memref_slice %arg4[%arg0, %dma_start3A, %dma_start3A_28, %dma_start3A_29] : memref<2x16x82x128xi32, #tpu.memory_space<hbm>> -> memref<1x16x82x128xi32, #tpu.memory_space<hbm>>
      %dma_start3A_31 = tpu.memref_squeeze %dma_start3A_30 : memref<1x16x82x128xi32, #tpu.memory_space<hbm>> -> memref<16x82x128xi32, #tpu.memory_space<hbm>>
      %dma_start3A_32 = arith.constant 0 : i32
      %dma_start3A_33 = arith.constant 0 : i32
      %dma_start3A_34 = tpu.memref_slice %dma_start3A_31[%arg1, %dma_start3A_32, %dma_start3A_33] : memref<16x82x128xi32, #tpu.memory_space<hbm>> -> memref<1x82x128xi32, #tpu.memory_space<hbm>>
      %dma_start3A_35 = tpu.memref_squeeze %dma_start3A_34 : memref<1x82x128xi32, #tpu.memory_space<hbm>> -> memref<82x128xi32, #tpu.memory_space<hbm>>
      %dma_start3A_36 = arith.constant 0 : i32
      %dma_start3A_37 = arith.constant 0 : i32
      %dma_start3A_38 = arith.constant 0 : i32
      %dma_start3A_39 = tpu.memref_slice %arg4[%arg0, %dma_start3A_36, %dma_start3A_37, %dma_start3A_38] : memref<2x16x82x128xi32, #tpu.memory_space<hbm>> -> memref<1x16x82x128xi32, #tpu.memory_space<hbm>>
      %dma_start3A_40 = tpu.memref_squeeze %dma_start3A_39 : memref<1x16x82x128xi32, #tpu.memory_space<hbm>> -> memref<16x82x128xi32, #tpu.memory_space<hbm>>
      %dma_start3A_41 = arith.constant 0 : i32
      %dma_start3A_42 = arith.constant 0 : i32
      %dma_start3A_43 = tpu.memref_slice %dma_start3A_40[%arg1, %dma_start3A_41, %dma_start3A_42] : memref<16x82x128xi32, #tpu.memory_space<hbm>> -> memref<1x82x128xi32, #tpu.memory_space<hbm>>
      %dma_start3A_44 = tpu.memref_squeeze %dma_start3A_43 : memref<1x82x128xi32, #tpu.memory_space<hbm>> -> memref<82x128xi32, #tpu.memory_space<hbm>>
      tpu.enqueue_dma source(%dma_start3A_44 : memref<82x128xi32, #tpu.memory_space<hbm>>) target(%arg7 : memref<82x128xi32, #tpu.memory_space<vmem>>) target_semaphore(%run_scoped3A : memref<!tpu.dma_semaphore, #tpu.memory_space<semaphore_mem>>)
      %dma_wait3A = arith.constant 0 : i32
      %dma_wait3A_45 = arith.constant 0 : i32
      %dma_wait3A_46 = arith.constant 0 : i32
      %dma_wait3A_47 = tpu.memref_slice %arg4[%arg0, %dma_wait3A, %dma_wait3A_45, %dma_wait3A_46] : memref<2x16x82x128xi32, #tpu.memory_space<hbm>> -> memref<1x16x82x128xi32, #tpu.memory_space<hbm>>
      %dma_wait3A_48 = tpu.memref_squeeze %dma_wait3A_47 : memref<1x16x82x128xi32, #tpu.memory_space<hbm>> -> memref<16x82x128xi32, #tpu.memory_space<hbm>>
      %dma_wait3A_49 = arith.constant 0 : i32
      %dma_wait3A_50 = arith.constant 0 : i32
      %dma_wait3A_51 = tpu.memref_slice %dma_wait3A_48[%arg1, %dma_wait3A_49, %dma_wait3A_50] : memref<16x82x128xi32, #tpu.memory_space<hbm>> -> memref<1x82x128xi32, #tpu.memory_space<hbm>>
      %dma_wait3A_52 = tpu.memref_squeeze %dma_wait3A_51 : memref<1x82x128xi32, #tpu.memory_space<hbm>> -> memref<82x128xi32, #tpu.memory_space<hbm>>
      %dma_wait3A_53 = arith.constant 0 : i32
      %dma_wait3A_54 = arith.constant 0 : i32
      %dma_wait3A_55 = arith.constant 0 : i32
      %dma_wait3A_56 = tpu.memref_slice %arg4[%arg0, %dma_wait3A_53, %dma_wait3A_54, %dma_wait3A_55] : memref<2x16x82x128xi32, #tpu.memory_space<hbm>> -> memref<1x16x82x128xi32, #tpu.memory_space<hbm>>
      %dma_wait3A_57 = tpu.memref_squeeze %dma_wait3A_56 : memref<1x16x82x128xi32, #tpu.memory_space<hbm>> -> memref<16x82x128xi32, #tpu.memory_space<hbm>>
      %dma_wait3A_58 = arith.constant 0 : i32
      %dma_wait3A_59 = arith.constant 0 : i32
      %dma_wait3A_60 = tpu.memref_slice %dma_wait3A_57[%arg1, %dma_wait3A_58, %dma_wait3A_59] : memref<16x82x128xi32, #tpu.memory_space<hbm>> -> memref<1x82x128xi32, #tpu.memory_space<hbm>>
      %dma_wait3A_61 = tpu.memref_squeeze %dma_wait3A_60 : memref<1x82x128xi32, #tpu.memory_space<hbm>> -> memref<82x128xi32, #tpu.memory_space<hbm>>
      tpu.wait_dma2 semaphore(%run_scoped3A : memref<!tpu.dma_semaphore, #tpu.memory_space<semaphore_mem>>) src(%dma_wait3A_61 : memref<82x128xi32, #tpu.memory_space<hbm>>) dst(%arg7 : memref<82x128xi32, #tpu.memory_space<vmem>>)
      tpu.yield
    }) : () -> ()
    %scan3A = arith.constant 0 : i32
    %scan3A_3 = arith.constant 0 : i32
    %scan3A_4 = arith.constant 128 : i32
    %scan3A_5 = arith.addi %scan3A_3, %scan3A_4 : i32
    %scan3A_6 = arith.constant 1 : i32
    %scan3A_7 = scf.for %scan3A_28 = %scan3A_3 to %scan3A_5 step %scan3A_6 iter_args(%scan3A_29 = %scan3A) -> (i32)  : i32 {
      %broadcast_in_dim3A = arith.constant 0.000000e+00 : f32
      %broadcast_in_dim3A_30 = vector.broadcast %broadcast_in_dim3A : f32 to vector<16xf32>
      %swap3A = arith.index_cast %scan3A_28 : i32 to index
      %swap3A_31 = arith.constant 0 : index
      %swap3A_32 = tpu.vector_load %arg8[%swap3A, %swap3A_31] {strides = array<i32>} : memref<128x128xf32, #tpu.memory_space<vmem>>, vector<1x16xf32>,
      %swap3A_33 = vector.shape_cast %swap3A_32 : vector<1x16xf32> to vector<16xf32>
      %swap3A_34 = vector.shape_cast %broadcast_in_dim3A_30 : vector<16xf32> to vector<1x16xf32>
      tpu.vector_store %arg8[%swap3A, %swap3A_31], %swap3A_34 {strides = array<i32>} : memref<128x128xf32, #tpu.memory_space<vmem>>, vector<1x16xf32>,
      %broadcast_in_dim3A_35 = arith.constant 0.000000e+00 : f32
      %broadcast_in_dim3A_36 = vector.broadcast %broadcast_in_dim3A_35 : f32 to vector<16xf32>
      %swap3A_37 = arith.index_cast %scan3A_28 : i32 to index
      %swap3A_38 = arith.constant 16 : index
      %swap3A_39 = tpu.vector_load %arg8[%swap3A_37, %swap3A_38] {strides = array<i32>} : memref<128x128xf32, #tpu.memory_space<vmem>>, vector<1x16xf32>,
      %swap3A_40 = vector.shape_cast %swap3A_39 : vector<1x16xf32> to vector<16xf32>
      %swap3A_41 = vector.shape_cast %broadcast_in_dim3A_36 : vector<16xf32> to vector<1x16xf32>
      tpu.vector_store %arg8[%swap3A_37, %swap3A_38], %swap3A_41 {strides = array<i32>} : memref<128x128xf32, #tpu.memory_space<vmem>>, vector<1x16xf32>,
      %broadcast_in_dim3A_42 = arith.constant 0.000000e+00 : f32
      %broadcast_in_dim3A_43 = vector.broadcast %broadcast_in_dim3A_42 : f32 to vector<16xf32>
      %swap3A_44 = arith.index_cast %scan3A_28 : i32 to index
      %swap3A_45 = arith.constant 32 : index
      %swap3A_46 = tpu.vector_load %arg8[%swap3A_44, %swap3A_45] {strides = array<i32>} : memref<128x128xf32, #tpu.memory_space<vmem>>, vector<1x16xf32>,
      %swap3A_47 = vector.shape_cast %swap3A_46 : vector<1x16xf32> to vector<16xf32>
      %swap3A_48 = vector.shape_cast %broadcast_in_dim3A_43 : vector<16xf32> to vector<1x16xf32>
      tpu.vector_store %arg8[%swap3A_44, %swap3A_45], %swap3A_48 {strides = array<i32>} : memref<128x128xf32, #tpu.memory_space<vmem>>, vector<1x16xf32>,
      %broadcast_in_dim3A_49 = arith.constant 0.000000e+00 : f32
      %broadcast_in_dim3A_50 = vector.broadcast %broadcast_in_dim3A_49 : f32 to vector<16xf32>
      %swap3A_51 = arith.index_cast %scan3A_28 : i32 to index
      %swap3A_52 = arith.constant 48 : index
      %swap3A_53 = tpu.vector_load %arg8[%swap3A_51, %swap3A_52] {strides = array<i32>} : memref<128x128xf32, #tpu.memory_space<vmem>>, vector<1x16xf32>,
      %swap3A_54 = vector.shape_cast %swap3A_53 : vector<1x16xf32> to vector<16xf32>
      %swap3A_55 = vector.shape_cast %broadcast_in_dim3A_50 : vector<16xf32> to vector<1x16xf32>
      tpu.vector_store %arg8[%swap3A_51, %swap3A_52], %swap3A_55 {strides = array<i32>} : memref<128x128xf32, #tpu.memory_space<vmem>>, vector<1x16xf32>,
      %broadcast_in_dim3A_56 = arith.constant 0.000000e+00 : f32
      %broadcast_in_dim3A_57 = vector.broadcast %broadcast_in_dim3A_56 : f32 to vector<16xf32>
      %swap3A_58 = arith.index_cast %scan3A_28 : i32 to index
      %swap3A_59 = arith.constant 64 : index
      %swap3A_60 = tpu.vector_load %arg8[%swap3A_58, %swap3A_59] {strides = array<i32>} : memref<128x128xf32, #tpu.memory_space<vmem>>, vector<1x16xf32>,
      %swap3A_61 = vector.shape_cast %swap3A_60 : vector<1x16xf32> to vector<16xf32>
      %swap3A_62 = vector.shape_cast %broadcast_in_dim3A_57 : vector<16xf32> to vector<1x16xf32>
      tpu.vector_store %arg8[%swap3A_58, %swap3A_59], %swap3A_62 {strides = array<i32>} : memref<128x128xf32, #tpu.memory_space<vmem>>, vector<1x16xf32>,
      %broadcast_in_dim3A_63 = arith.constant 0.000000e+00 : f32
      %broadcast_in_dim3A_64 = vector.broadcast %broadcast_in_dim3A_63 : f32 to vector<16xf32>
      %swap3A_65 = arith.index_cast %scan3A_28 : i32 to index
      %swap3A_66 = arith.constant 80 : index
      %swap3A_67 = tpu.vector_load %arg8[%swap3A_65, %swap3A_66] {strides = array<i32>} : memref<128x128xf32, #tpu.memory_space<vmem>>, vector<1x16xf32>,
      %swap3A_68 = vector.shape_cast %swap3A_67 : vector<1x16xf32> to vector<16xf32>
      %swap3A_69 = vector.shape_cast %broadcast_in_dim3A_64 : vector<16xf32> to vector<1x16xf32>
      tpu.vector_store %arg8[%swap3A_65, %swap3A_66], %swap3A_69 {strides = array<i32>} : memref<128x128xf32, #tpu.memory_space<vmem>>, vector<1x16xf32>,
      %broadcast_in_dim3A_70 = arith.constant 0.000000e+00 : f32
      %broadcast_in_dim3A_71 = vector.broadcast %broadcast_in_dim3A_70 : f32 to vector<16xf32>
      %swap3A_72 = arith.index_cast %scan3A_28 : i32 to index
      %swap3A_73 = arith.constant 96 : index
      %swap3A_74 = tpu.vector_load %arg8[%swap3A_72, %swap3A_73] {strides = array<i32>} : memref<128x128xf32, #tpu.memory_space<vmem>>, vector<1x16xf32>,
      %swap3A_75 = vector.shape_cast %swap3A_74 : vector<1x16xf32> to vector<16xf32>
      %swap3A_76 = vector.shape_cast %broadcast_in_dim3A_71 : vector<16xf32> to vector<1x16xf32>
      tpu.vector_store %arg8[%swap3A_72, %swap3A_73], %swap3A_76 {strides = array<i32>} : memref<128x128xf32, #tpu.memory_space<vmem>>, vector<1x16xf32>,
      %broadcast_in_dim3A_77 = arith.constant 0.000000e+00 : f32
      %broadcast_in_dim3A_78 = vector.broadcast %broadcast_in_dim3A_77 : f32 to vector<16xf32>
      %swap3A_79 = arith.index_cast %scan3A_28 : i32 to index
      %swap3A_80 = arith.constant 112 : index
      %swap3A_81 = tpu.vector_load %arg8[%swap3A_79, %swap3A_80] {strides = array<i32>} : memref<128x128xf32, #tpu.memory_space<vmem>>, vector<1x16xf32>,
      %swap3A_82 = vector.shape_cast %swap3A_81 : vector<1x16xf32> to vector<16xf32>
      %swap3A_83 = vector.shape_cast %broadcast_in_dim3A_78 : vector<16xf32> to vector<1x16xf32>
      tpu.vector_store %arg8[%swap3A_79, %swap3A_80], %swap3A_83 {strides = array<i32>} : memref<128x128xf32, #tpu.memory_space<vmem>>, vector<1x16xf32>,
      %scan3A_84 = arith.constant 0 : i32
      scf.yield %scan3A_84 : i32
    }
    %scan3A_8 = arith.constant 128 : i32
    %add3A_9 = arith.constant 0 : i32
    %add3A_10 = arith.addi %mul3A_2, %add3A_9 : i32
    "tpu.region"() ({
      %run_scoped3A = tpu.sem_alloc : memref<!tpu.dma_semaphore, #tpu.memory_space<semaphore_mem>>
      %dma_start3A = arith.constant 0 : i32
      %dma_start3A_28 = tpu.memref_slice %arg9[%add3A_10, %dma_start3A] : memref<5128x128xf32, #tpu.memory_space<vmem_shared>> -> memref<128x128xf32, #tpu.memory_space<vmem_shared>>
      %dma_start3A_29 = arith.constant 0 : i32
      %dma_start3A_30 = tpu.memref_slice %arg9[%add3A_10, %dma_start3A_29] : memref<5128x128xf32, #tpu.memory_space<vmem_shared>> -> memref<128x128xf32, #tpu.memory_space<vmem_shared>>
      tpu.enqueue_dma source(%arg8 : memref<128x128xf32, #tpu.memory_space<vmem>>) target(%dma_start3A_30 : memref<128x128xf32, #tpu.memory_space<vmem_shared>>) target_semaphore(%run_scoped3A : memref<!tpu.dma_semaphore, #tpu.memory_space<semaphore_mem>>)
      %dma_wait3A = arith.constant 0 : i32
      %dma_wait3A_31 = tpu.memref_slice %arg9[%add3A_10, %dma_wait3A] : memref<5128x128xf32, #tpu.memory_space<vmem_shared>> -> memref<128x128xf32, #tpu.memory_space<vmem_shared>>
      %dma_wait3A_32 = arith.constant 0 : i32
      %dma_wait3A_33 = tpu.memref_slice %arg9[%add3A_10, %dma_wait3A_32] : memref<5128x128xf32, #tpu.memory_space<vmem_shared>> -> memref<128x128xf32, #tpu.memory_space<vmem_shared>>
      tpu.wait_dma2 semaphore(%run_scoped3A : memref<!tpu.dma_semaphore, #tpu.memory_space<semaphore_mem>>) src(%arg8 : memref<128x128xf32, #tpu.memory_space<vmem>>) dst(%dma_wait3A_33 : memref<128x128xf32, #tpu.memory_space<vmem_shared>>)
      tpu.yield
    }) : () -> ()
    %add3A_11 = arith.constant 128 : i32
    %add3A_12 = arith.addi %mul3A_2, %add3A_11 : i32
    "tpu.region"() ({
      %run_scoped3A = tpu.sem_alloc : memref<!tpu.dma_semaphore, #tpu.memory_space<semaphore_mem>>
      %dma_start3A = arith.constant 0 : i32
      %dma_start3A_28 = tpu.memref_slice %arg9[%add3A_12, %dma_start3A] : memref<5128x128xf32, #tpu.memory_space<vmem_shared>> -> memref<128x128xf32, #tpu.memory_space<vmem_shared>>
      %dma_start3A_29 = arith.constant 0 : i32
      %dma_start3A_30 = tpu.memref_slice %arg9[%add3A_12, %dma_start3A_29] : memref<5128x128xf32, #tpu.memory_space<vmem_shared>> -> memref<128x128xf32, #tpu.memory_space<vmem_shared>>
      tpu.enqueue_dma source(%arg8 : memref<128x128xf32, #tpu.memory_space<vmem>>) target(%dma_start3A_30 : memref<128x128xf32, #tpu.memory_space<vmem_shared>>) target_semaphore(%run_scoped3A : memref<!tpu.dma_semaphore, #tpu.memory_space<semaphore_mem>>)
      %dma_wait3A = arith.constant 0 : i32
      %dma_wait3A_31 = tpu.memref_slice %arg9[%add3A_12, %dma_wait3A] : memref<5128x128xf32, #tpu.memory_space<vmem_shared>> -> memref<128x128xf32, #tpu.memory_space<vmem_shared>>
      %dma_wait3A_32 = arith.constant 0 : i32
      %dma_wait3A_33 = tpu.memref_slice %arg9[%add3A_12, %dma_wait3A_32] : memref<5128x128xf32, #tpu.memory_space<vmem_shared>> -> memref<128x128xf32, #tpu.memory_space<vmem_shared>>
      tpu.wait_dma2 semaphore(%run_scoped3A : memref<!tpu.dma_semaphore, #tpu.memory_space<semaphore_mem>>) src(%arg8 : memref<128x128xf32, #tpu.memory_space<vmem>>) dst(%dma_wait3A_33 : memref<128x128xf32, #tpu.memory_space<vmem_shared>>)
      tpu.yield
    }) : () -> ()
    %add3A_13 = arith.constant 320 : i32
    %add3A_14 = arith.addi %mul3A_2, %add3A_13 : i32
    %sub3A = arith.constant 64 : i32
    %sub3A_15 = arith.subi %add3A_14, %sub3A : i32
    "tpu.region"() ({
      %run_scoped3A = tpu.sem_alloc : memref<!tpu.dma_semaphore, #tpu.memory_space<semaphore_mem>>
      %dma_start3A = arith.constant 0 : i32
      %dma_start3A_28 = arith.constant 0 : i32
      %dma_start3A_29 = tpu.memref_slice %arg8[%dma_start3A, %dma_start3A_28] : memref<128x128xf32, #tpu.memory_space<vmem>> -> memref<64x128xf32, #tpu.memory_space<vmem>>
      %dma_start3A_30 = arith.constant 0 : i32
      %dma_start3A_31 = tpu.memref_slice %arg9[%sub3A_15, %dma_start3A_30] : memref<5128x128xf32, #tpu.memory_space<vmem_shared>> -> memref<64x128xf32, #tpu.memory_space<vmem_shared>>
      %dma_start3A_32 = arith.constant 0 : i32
      %dma_start3A_33 = tpu.memref_slice %arg9[%sub3A_15, %dma_start3A_32] : memref<5128x128xf32, #tpu.memory_space<vmem_shared>> -> memref<64x128xf32, #tpu.memory_space<vmem_shared>>
      %dma_start3A_34 = arith.constant 0 : i32
      %dma_start3A_35 = arith.constant 0 : i32
      %dma_start3A_36 = tpu.memref_slice %arg8[%dma_start3A_34, %dma_start3A_35] : memref<128x128xf32, #tpu.memory_space<vmem>> -> memref<64x128xf32, #tpu.memory_space<vmem>>
      tpu.enqueue_dma source(%dma_start3A_36 : memref<64x128xf32, #tpu.memory_space<vmem>>) target(%dma_start3A_33 : memref<64x128xf32, #tpu.memory_space<vmem_shared>>) target_semaphore(%run_scoped3A : memref<!tpu.dma_semaphore, #tpu.memory_space<semaphore_mem>>)
      %dma_wait3A = arith.constant 0 : i32
      %dma_wait3A_37 = arith.constant 0 : i32
      %dma_wait3A_38 = tpu.memref_slice %arg8[%dma_wait3A, %dma_wait3A_37] : memref<128x128xf32, #tpu.memory_space<vmem>> -> memref<64x128xf32, #tpu.memory_space<vmem>>
      %dma_wait3A_39 = arith.constant 0 : i32
      %dma_wait3A_40 = tpu.memref_slice %arg9[%sub3A_15, %dma_wait3A_39] : memref<5128x128xf32, #tpu.memory_space<vmem_shared>> -> memref<64x128xf32, #tpu.memory_space<vmem_shared>>
      %dma_wait3A_41 = arith.constant 0 : i32
      %dma_wait3A_42 = tpu.memref_slice %arg9[%sub3A_15, %dma_wait3A_41] : memref<5128x128xf32, #tpu.memory_space<vmem_shared>> -> memref<64x128xf32, #tpu.memory_space<vmem_shared>>
      %dma_wait3A_43 = arith.constant 0 : i32
      %dma_wait3A_44 = arith.constant 0 : i32
      %dma_wait3A_45 = tpu.memref_slice %arg8[%dma_wait3A_43, %dma_wait3A_44] : memref<128x128xf32, #tpu.memory_space<vmem>> -> memref<64x128xf32, #tpu.memory_space<vmem>>
      tpu.wait_dma2 semaphore(%run_scoped3A : memref<!tpu.dma_semaphore, #tpu.memory_space<semaphore_mem>>) src(%dma_wait3A_45 : memref<64x128xf32, #tpu.memory_space<vmem>>) dst(%dma_wait3A_42 : memref<64x128xf32, #tpu.memory_space<vmem_shared>>)
      tpu.yield
    }) : () -> ()
    %eq3A = arith.constant 0 : i32
    %eq3A_16 = arith.cmpi eq, %arg1, %eq3A : i32
    %convert_element_type3A = arith.extui %eq3A_16 : i1 to i32
    %cond3A = arith.constant 0 : i32
    %cond3A_17 = arith.cmpi ne, %convert_element_type3A, %cond3A : i32
    scf.if %cond3A_17 {
      "tpu.region"() ({
        %run_scoped3A = tpu.sem_alloc : memref<!tpu.dma_semaphore, #tpu.memory_space<semaphore_mem>>
        %dma_start3A = arith.constant 0 : i32
        %dma_start3A_28 = arith.constant 0 : i32
        %dma_start3A_29 = tpu.memref_slice %arg8[%dma_start3A, %dma_start3A_28] : memref<128x128xf32, #tpu.memory_space<vmem>> -> memref<8x128xf32, #tpu.memory_space<vmem>>
        %dma_start3A_30 = arith.constant 5120 : i32
        %dma_start3A_31 = arith.constant 0 : i32
        %dma_start3A_32 = tpu.memref_slice %arg9[%dma_start3A_30, %dma_start3A_31] : memref<5128x128xf32, #tpu.memory_space<vmem_shared>> -> memref<8x128xf32, #tpu.memory_space<vmem_shared>>
        %dma_start3A_33 = arith.constant 5120 : i32
        %dma_start3A_34 = arith.constant 0 : i32
        %dma_start3A_35 = tpu.memref_slice %arg9[%dma_start3A_33, %dma_start3A_34] : memref<5128x128xf32, #tpu.memory_space<vmem_shared>> -> memref<8x128xf32, #tpu.memory_space<vmem_shared>>
        %dma_start3A_36 = arith.constant 0 : i32
        %dma_start3A_37 = arith.constant 0 : i32
        %dma_start3A_38 = tpu.memref_slice %arg8[%dma_start3A_36, %dma_start3A_37] : memref<128x128xf32, #tpu.memory_space<vmem>> -> memref<8x128xf32, #tpu.memory_space<vmem>>
        tpu.enqueue_dma source(%dma_start3A_38 : memref<8x128xf32, #tpu.memory_space<vmem>>) target(%dma_start3A_35 : memref<8x128xf32, #tpu.memory_space<vmem_shared>>) target_semaphore(%run_scoped3A : memref<!tpu.dma_semaphore, #tpu.memory_space<semaphore_mem>>)
        %dma_wait3A = arith.constant 0 : i32
        %dma_wait3A_39 = arith.constant 0 : i32
        %dma_wait3A_40 = tpu.memref_slice %arg8[%dma_wait3A, %dma_wait3A_39] : memref<128x128xf32, #tpu.memory_space<vmem>> -> memref<8x128xf32, #tpu.memory_space<vmem>>
        %dma_wait3A_41 = arith.constant 5120 : i32
        %dma_wait3A_42 = arith.constant 0 : i32
        %dma_wait3A_43 = tpu.memref_slice %arg9[%dma_wait3A_41, %dma_wait3A_42] : memref<5128x128xf32, #tpu.memory_space<vmem_shared>> -> memref<8x128xf32, #tpu.memory_space<vmem_shared>>
        %dma_wait3A_44 = arith.constant 5120 : i32
        %dma_wait3A_45 = arith.constant 0 : i32
        %dma_wait3A_46 = tpu.memref_slice %arg9[%dma_wait3A_44, %dma_wait3A_45] : memref<5128x128xf32, #tpu.memory_space<vmem_shared>> -> memref<8x128xf32, #tpu.memory_space<vmem_shared>>
        %dma_wait3A_47 = arith.constant 0 : i32
        %dma_wait3A_48 = arith.constant 0 : i32
        %dma_wait3A_49 = tpu.memref_slice %arg8[%dma_wait3A_47, %dma_wait3A_48] : memref<128x128xf32, #tpu.memory_space<vmem>> -> memref<8x128xf32, #tpu.memory_space<vmem>>
        tpu.wait_dma2 semaphore(%run_scoped3A : memref<!tpu.dma_semaphore, #tpu.memory_space<semaphore_mem>>) src(%dma_wait3A_49 : memref<8x128xf32, #tpu.memory_space<vmem>>) dst(%dma_wait3A_46 : memref<8x128xf32, #tpu.memory_space<vmem_shared>>)
        tpu.yield
      }) : () -> ()
    } else {
    }
    %barrier3A = arith.constant 0 : index
    tpu.barrier barrier_id(%barrier3A)
    %scan3A_18 = arith.constant 0 : i32
    %scan3A_19 = arith.constant 0 : i32
    %scan3A_20 = arith.constant 82 : i32
    %scan3A_21 = arith.addi %scan3A_19, %scan3A_20 : i32
    %scan3A_22 = arith.constant 1 : i32
    %scan3A_23 = scf.for %scan3A_28 = %scan3A_19 to %scan3A_21 step %scan3A_22 iter_args(%scan3A_29 = %scan3A_18) -> (i32)  : i32 {
      %dma_start3A = arith.constant 0 : i32
      %dma_start3A_30 = tpu.memref_slice %arg6[%scan3A_28, %dma_start3A] : memref<82x128xi32, #tpu.memory_space<vmem>> -> memref<1x128xi32, #tpu.memory_space<vmem>>
      %dma_start3A_31 = tpu.memref_squeeze %dma_start3A_30 : memref<1x128xi32, #tpu.memory_space<vmem>> -> memref<128xi32, #tpu.memory_space<vmem>>
      %dma_start3A_32 = arith.constant 0 : i32
      %dma_start3A_33 = arith.constant 0 : i32
      %dma_start3A_34 = tpu.memref_slice %arg2[%dma_start3A_32, %dma_start3A_33] : memref<10240x128xf32, #tpu.memory_space<hbm>> -> memref<10240x128xf32, #tpu.memory_space<hbm>>
      tpu.enqueue_indirect_dma source(%dma_start3A_34 : memref<10240x128xf32, #tpu.memory_space<hbm>>) target(%arg8 : memref<128x128xf32, #tpu.memory_space<vmem>>) offsets(%dma_start3A_31 : memref<128xi32, #tpu.memory_space<vmem>>) semaphore(%arg10 : memref<!tpu.dma_semaphore, #tpu.memory_space<semaphore_mem>>)
      %dma_wait3A = arith.constant 0 : i32
      %dma_wait3A_35 = tpu.memref_slice %arg6[%scan3A_28, %dma_wait3A] : memref<82x128xi32, #tpu.memory_space<vmem>> -> memref<1x128xi32, #tpu.memory_space<vmem>>
      %dma_wait3A_36 = tpu.memref_squeeze %dma_wait3A_35 : memref<1x128xi32, #tpu.memory_space<vmem>> -> memref<128xi32, #tpu.memory_space<vmem>>
      %dma_wait3A_37 = arith.constant 0 : i32
      %dma_wait3A_38 = arith.constant 0 : i32
      %dma_wait3A_39 = tpu.memref_slice %arg2[%dma_wait3A_37, %dma_wait3A_38] : memref<10240x128xf32, #tpu.memory_space<hbm>> -> memref<10240x128xf32, #tpu.memory_space<hbm>>
      tpu.wait_indirect_dma semaphore(%arg10 : memref<!tpu.dma_semaphore, #tpu.memory_space<semaphore_mem>>) src(%dma_wait3A_39 : memref<10240x128xf32, #tpu.memory_space<hbm>>) dst(%arg8 : memref<128x128xf32, #tpu.memory_space<vmem>>)
      "tpu.region"() ({
        %run_scoped3A = tpu.sem_alloc : memref<!tpu.dma_semaphore, #tpu.memory_space<semaphore_mem>>
        %dma_start3A_41 = arith.constant 0 : i32
        %dma_start3A_42 = tpu.memref_slice %arg7[%scan3A_28, %dma_start3A_41] : memref<82x128xi32, #tpu.memory_space<vmem>> -> memref<1x128xi32, #tpu.memory_space<vmem>>
        %dma_start3A_43 = tpu.memref_squeeze %dma_start3A_42 : memref<1x128xi32, #tpu.memory_space<vmem>> -> memref<128xi32, #tpu.memory_space<vmem>>
        %dma_start3A_44 = arith.constant 0 : i32
        %dma_start3A_45 = arith.constant 0 : i32
        %dma_start3A_46 = tpu.memref_slice %arg9[%dma_start3A_44, %dma_start3A_45] : memref<5128x128xf32, #tpu.memory_space<vmem_shared>> -> memref<5128x128xf32, #tpu.memory_space<vmem_shared>>
        tpu.enqueue_indirect_dma source(%arg8 : memref<128x128xf32, #tpu.memory_space<vmem>>) target(%dma_start3A_46 : memref<5128x128xf32, #tpu.memory_space<vmem_shared>>) offsets(%dma_start3A_43 : memref<128xi32, #tpu.memory_space<vmem>>) semaphore(%run_scoped3A : memref<!tpu.dma_semaphore, #tpu.memory_space<semaphore_mem>>) {add = true}
        %dma_wait3A_47 = arith.constant 0 : i32
        %dma_wait3A_48 = tpu.memref_slice %arg7[%scan3A_28, %dma_wait3A_47] : memref<82x128xi32, #tpu.memory_space<vmem>> -> memref<1x128xi32, #tpu.memory_space<vmem>>
        %dma_wait3A_49 = tpu.memref_squeeze %dma_wait3A_48 : memref<1x128xi32, #tpu.memory_space<vmem>> -> memref<128xi32, #tpu.memory_space<vmem>>
        %dma_wait3A_50 = arith.constant 0 : i32
        %dma_wait3A_51 = arith.constant 0 : i32
        %dma_wait3A_52 = tpu.memref_slice %arg9[%dma_wait3A_50, %dma_wait3A_51] : memref<5128x128xf32, #tpu.memory_space<vmem_shared>> -> memref<5128x128xf32, #tpu.memory_space<vmem_shared>>
        tpu.wait_indirect_dma semaphore(%run_scoped3A : memref<!tpu.dma_semaphore, #tpu.memory_space<semaphore_mem>>) src(%arg8 : memref<128x128xf32, #tpu.memory_space<vmem>>) dst(%dma_wait3A_52 : memref<5128x128xf32, #tpu.memory_space<vmem_shared>>)
        tpu.yield
      }) : () -> ()
      %scan3A_40 = arith.constant 0 : i32
      scf.yield %scan3A_40 : i32
    }
    %scan3A_24 = arith.constant 82 : i32
    %barrier3A_25 = arith.constant 0 : index
    tpu.barrier barrier_id(%barrier3A_25)
    %mul3A_26 = arith.constant 320 : i32
    %mul3A_27 = arith.muli %add3A, %mul3A_26 : i32
    "tpu.region"() ({
      %run_scoped3A = tpu.sem_alloc : memref<!tpu.dma_semaphore, #tpu.memory_space<semaphore_mem>>
      %dma_start3A = arith.constant 0 : i32
      %dma_start3A_28 = tpu.memref_slice %arg5[%mul3A_27, %dma_start3A] : memref<10240x128xf32, #tpu.memory_space<hbm>> -> memref<320x128xf32, #tpu.memory_space<hbm>>
      %dma_start3A_29 = arith.constant 0 : i32
      %dma_start3A_30 = tpu.memref_slice %arg9[%mul3A_2, %dma_start3A_29] : memref<5128x128xf32, #tpu.memory_space<vmem_shared>> -> memref<320x128xf32, #tpu.memory_space<vmem_shared>>
      tpu.enqueue_dma source(%dma_start3A_30 : memref<320x128xf32, #tpu.memory_space<vmem_shared>>) target(%dma_start3A_28 : memref<320x128xf32, #tpu.memory_space<hbm>>) target_semaphore(%run_scoped3A : memref<!tpu.dma_semaphore, #tpu.memory_space<semaphore_mem>>)
      %dma_wait3A = arith.constant 0 : i32
      %dma_wait3A_31 = tpu.memref_slice %arg5[%mul3A_27, %dma_wait3A] : memref<10240x128xf32, #tpu.memory_space<hbm>> -> memref<320x128xf32, #tpu.memory_space<hbm>>
      %dma_wait3A_32 = arith.constant 0 : i32
      %dma_wait3A_33 = tpu.memref_slice %arg9[%mul3A_2, %dma_wait3A_32] : memref<5128x128xf32, #tpu.memory_space<vmem_shared>> -> memref<320x128xf32, #tpu.memory_space<vmem_shared>>
      tpu.wait_dma2 semaphore(%run_scoped3A : memref<!tpu.dma_semaphore, #tpu.memory_space<semaphore_mem>>) src(%dma_wait3A_33 : memref<320x128xf32, #tpu.memory_space<vmem_shared>>) dst(%dma_wait3A_31 : memref<320x128xf32, #tpu.memory_space<hbm>>)
      tpu.yield
    }) : () -> ()
    return
  }
}

module attributes {stable_mosaic.version = 14 : i64} {
  func.func @mm(%arg0: i32, %arg1: memref<2000x128xf32, #tpu.memory_space<vmem>>, %arg2: memref<128x128xf32, #tpu.memory_space<vmem>>, %arg3: memref<2000x128xf32, #tpu.memory_space<vmem>>) attributes {dimension_semantics = [#tpu.dimension_semantics<arbitrary>], iteration_bounds = array<i64: 5>, scalar_prefetch = 0 : i64, scratch_operands = 0 : i64, tpu.core_type = #tpu.core_type<tc>, window_params = [{transform_indices = @transform_0, window_bounds = array<i64: 2000, 128>}, {pipeline_mode = #tpu.pipeline_mode<synchronous>, transform_indices = @transform_1, window_bounds = array<i64: 128, 128>}, {transform_indices = @transform_2, window_bounds = array<i64: 2000, 128>}]} {
    %get3A = arith.constant 0 : index
    %get3A_0 = arith.constant 0 : index
    %get3A_1 = vector.load %arg1[%get3A, %get3A_0] : memref<2000x128xf32, #tpu.memory_space<vmem>>, vector<2000x128xf32>
    %get3A_2 = arith.constant 0 : index
    %get3A_3 = arith.constant 0 : index
    %get3A_4 = vector.load %arg2[%get3A_2, %get3A_3] : memref<128x128xf32, #tpu.memory_space<vmem>>, vector<128x128xf32>
    %dot_general3A = arith.constant dense<0.000000e+00> : vector<2000x128xf32>
    %dot_general3A_5 = tpu.matmul %get3A_1, %get3A_4, %dot_general3A {dimension_numbers = #tpu.dot_dimension_numbers<[1], [1], [0], [0], [0, 0, 1, 0], [], []>, transpose_lhs_hint = false} : vector<2000x128xf32>, vector<128x128xf32>, vector<2000x128xf32> -> vector<2000x128xf32>
    %swap3A = arith.constant 0 : index
    %swap3A_6 = arith.constant 0 : index
    %swap3A_7 = vector.load %arg3[%swap3A, %swap3A_6] : memref<2000x128xf32, #tpu.memory_space<vmem>>, vector<2000x128xf32>
    tpu.vector_store %arg3[%swap3A, %swap3A_6], %dot_general3A_5 {strides = array<i32>} : memref<2000x128xf32, #tpu.memory_space<vmem>>, vector<2000x128xf32>,
    return
  }
  func.func @transform_0(%arg0: i32) -> (i32, i32) {
    %c0_i32 = arith.constant 0 : i32
    %c0_i32_0 = arith.constant 0 : i32
    return %arg0, %c0_i32 : i32, i32
  }
  func.func @transform_1(%arg0: i32) -> (i32, i32) {
    %c0_i32 = arith.constant 0 : i32
    %c0_i32_0 = arith.constant 0 : i32
    %c0_i32_1 = arith.constant 0 : i32
    return %c0_i32, %c0_i32_0 : i32, i32
  }
  func.func @transform_2(%arg0: i32) -> (i32, i32) {
    %c0_i32 = arith.constant 0 : i32
    %c0_i32_0 = arith.constant 0 : i32
    return %arg0, %c0_i32 : i32, i32
  }
}

module attributes {stable_mosaic.version = 14 : i64} {
  func.func @at(%arg0: i32, %arg1: memref<2000x128xf32, #tpu.memory_space<vmem>>, %arg2: memref<2000x128xf32, #tpu.memory_space<vmem>>, %arg3: memref<2000x128xf32, #tpu.memory_space<vmem>>, %arg4: memref<2000x128xf32, #tpu.memory_space<vmem>>, %arg5: memref<1x256xf32, #tpu.memory_space<vmem>>, %arg6: memref<1x128xf32, #tpu.memory_space<vmem>>, %arg7: memref<2000x128xf32, #tpu.memory_space<vmem>>) attributes {dimension_semantics = [#tpu.dimension_semantics<arbitrary>], iteration_bounds = array<i64: 5>, scalar_prefetch = 0 : i64, scratch_operands = 0 : i64, tpu.core_type = #tpu.core_type<tc>, window_params = [{transform_indices = @transform_0, window_bounds = array<i64: 2000, 128>}, {transform_indices = @transform_1, window_bounds = array<i64: 2000, 128>}, {transform_indices = @transform_2, window_bounds = array<i64: 2000, 128>}, {transform_indices = @transform_3, window_bounds = array<i64: 2000, 128>}, {pipeline_mode = #tpu.pipeline_mode<synchronous>, transform_indices = @transform_4, window_bounds = array<i64: 1, 256>}, {pipeline_mode = #tpu.pipeline_mode<synchronous>, transform_indices = @transform_5, window_bounds = array<i64: 1, 128>}, {transform_indices = @transform_6, window_bounds = array<i64: 2000, 128>}]} {
    %get3A = arith.constant 0 : index
    %get3A_0 = arith.constant 0 : index
    %get3A_1 = vector.load %arg1[%get3A, %get3A_0] : memref<2000x128xf32, #tpu.memory_space<vmem>>, vector<2000x128xf32>
    %get3A_2 = arith.constant 0 : index
    %get3A_3 = arith.constant 0 : index
    %get3A_4 = vector.load %arg2[%get3A_2, %get3A_3] : memref<2000x128xf32, #tpu.memory_space<vmem>>, vector<2000x128xf32>
    %get3A_5 = arith.constant 0 : index
    %get3A_6 = arith.constant 0 : index
    %get3A_7 = vector.load %arg3[%get3A_5, %get3A_6] : memref<2000x128xf32, #tpu.memory_space<vmem>>, vector<2000x128xf32>
    %get3A_8 = arith.constant 0 : index
    %get3A_9 = arith.constant 0 : index
    %get3A_10 = vector.load %arg4[%get3A_8, %get3A_9] : memref<2000x128xf32, #tpu.memory_space<vmem>>, vector<2000x128xf32>
    %get3A_11 = arith.constant 0 : index
    %get3A_12 = arith.constant 0 : index
    %get3A_13 = vector.load %arg5[%get3A_11, %get3A_12] : memref<1x256xf32, #tpu.memory_space<vmem>>, vector<1x128xf32>
    %get3A_14 = vector.shape_cast %get3A_13 : vector<1x128xf32> to vector<128xf32>
    %get3A_15 = arith.constant 0 : index
    %get3A_16 = arith.constant 128 : index
    %get3A_17 = vector.load %arg5[%get3A_15, %get3A_16] : memref<1x256xf32, #tpu.memory_space<vmem>>, vector<1x128xf32>
    %get3A_18 = vector.shape_cast %get3A_17 : vector<1x128xf32> to vector<128xf32>
    %broadcast_in_dim3A = vector.shape_cast %get3A_14 : vector<128xf32> to vector<1x128xf32>
    %mul3A = vector.broadcast %broadcast_in_dim3A : vector<1x128xf32> to vector<2000x128xf32>
    %mul3A_19 = arith.mulf %get3A_1, %mul3A : vector<2000x128xf32>
    %reduce_sum3A = arith.constant dense<0.000000e+00> : vector<2000xf32>
    %reduce_sum3A_20 = vector.multi_reduction <add>, %mul3A_19, %reduce_sum3A [1] : vector<2000x128xf32> to vector<2000xf32>
    %broadcast_in_dim3A_21 = vector.shape_cast %reduce_sum3A_20 : vector<2000xf32> to vector<2000x1xf32>
    %broadcast_in_dim3A_22 = vector.shape_cast %get3A_18 : vector<128xf32> to vector<1x128xf32>
    %mul3A_23 = vector.broadcast %broadcast_in_dim3A_22 : vector<1x128xf32> to vector<2000x128xf32>
    %mul3A_24 = arith.mulf %get3A_1, %mul3A_23 : vector<2000x128xf32>
    %reduce_sum3A_25 = arith.constant dense<0.000000e+00> : vector<2000xf32>
    %reduce_sum3A_26 = vector.multi_reduction <add>, %mul3A_24, %reduce_sum3A_25 [1] : vector<2000x128xf32> to vector<2000xf32>
    %broadcast_in_dim3A_27 = vector.shape_cast %reduce_sum3A_26 : vector<2000xf32> to vector<2000x1xf32>
    %add3A = arith.addf %broadcast_in_dim3A_21, %broadcast_in_dim3A_27 : vector<2000x1xf32>
    %ge3A = arith.constant 0.000000e+00 : f32
    %ge3A_28 = vector.broadcast %ge3A : f32 to vector<2000x1xf32>
    %ge3A_29 = arith.cmpf oge, %add3A, %ge3A_28 : vector<2000x1xf32>
    %mul3A_30 = arith.constant 2.000000e-01 : f32
    %mul3A_31 = vector.broadcast %mul3A_30 : f32 to vector<2000x1xf32>
    %mul3A_32 = arith.mulf %mul3A_31, %add3A : vector<2000x1xf32>
    %select_n3A = arith.select %ge3A_29, %add3A, %mul3A_32 : vector<2000x1xi1>, vector<2000x1xf32>
    %broadcast_in_dim3A_33 = vector.shape_cast %get3A_18 : vector<128xf32> to vector<1x128xf32>
    %mul3A_34 = vector.broadcast %broadcast_in_dim3A_33 : vector<1x128xf32> to vector<2000x128xf32>
    %mul3A_35 = arith.mulf %get3A_4, %mul3A_34 : vector<2000x128xf32>
    %reduce_sum3A_36 = arith.constant dense<0.000000e+00> : vector<2000xf32>
    %reduce_sum3A_37 = vector.multi_reduction <add>, %mul3A_35, %reduce_sum3A_36 [1] : vector<2000x128xf32> to vector<2000xf32>
    %broadcast_in_dim3A_38 = vector.shape_cast %reduce_sum3A_37 : vector<2000xf32> to vector<2000x1xf32>
    %add3A_39 = arith.addf %broadcast_in_dim3A_21, %broadcast_in_dim3A_38 : vector<2000x1xf32>
    %ge3A_40 = arith.constant 0.000000e+00 : f32
    %ge3A_41 = vector.broadcast %ge3A_40 : f32 to vector<2000x1xf32>
    %ge3A_42 = arith.cmpf oge, %add3A_39, %ge3A_41 : vector<2000x1xf32>
    %mul3A_43 = arith.constant 2.000000e-01 : f32
    %mul3A_44 = vector.broadcast %mul3A_43 : f32 to vector<2000x1xf32>
    %mul3A_45 = arith.mulf %mul3A_44, %add3A_39 : vector<2000x1xf32>
    %select_n3A_46 = arith.select %ge3A_42, %add3A_39, %mul3A_45 : vector<2000x1xi1>, vector<2000x1xf32>
    %broadcast_in_dim3A_47 = vector.shape_cast %get3A_18 : vector<128xf32> to vector<1x128xf32>
    %mul3A_48 = vector.broadcast %broadcast_in_dim3A_47 : vector<1x128xf32> to vector<2000x128xf32>
    %mul3A_49 = arith.mulf %get3A_7, %mul3A_48 : vector<2000x128xf32>
    %reduce_sum3A_50 = arith.constant dense<0.000000e+00> : vector<2000xf32>
    %reduce_sum3A_51 = vector.multi_reduction <add>, %mul3A_49, %reduce_sum3A_50 [1] : vector<2000x128xf32> to vector<2000xf32>
    %broadcast_in_dim3A_52 = vector.shape_cast %reduce_sum3A_51 : vector<2000xf32> to vector<2000x1xf32>
    %add3A_53 = arith.addf %broadcast_in_dim3A_21, %broadcast_in_dim3A_52 : vector<2000x1xf32>
    %ge3A_54 = arith.constant 0.000000e+00 : f32
    %ge3A_55 = vector.broadcast %ge3A_54 : f32 to vector<2000x1xf32>
    %ge3A_56 = arith.cmpf oge, %add3A_53, %ge3A_55 : vector<2000x1xf32>
    %mul3A_57 = arith.constant 2.000000e-01 : f32
    %mul3A_58 = vector.broadcast %mul3A_57 : f32 to vector<2000x1xf32>
    %mul3A_59 = arith.mulf %mul3A_58, %add3A_53 : vector<2000x1xf32>
    %select_n3A_60 = arith.select %ge3A_56, %add3A_53, %mul3A_59 : vector<2000x1xi1>, vector<2000x1xf32>
    %broadcast_in_dim3A_61 = vector.shape_cast %get3A_18 : vector<128xf32> to vector<1x128xf32>
    %mul3A_62 = vector.broadcast %broadcast_in_dim3A_61 : vector<1x128xf32> to vector<2000x128xf32>
    %mul3A_63 = arith.mulf %get3A_10, %mul3A_62 : vector<2000x128xf32>
    %reduce_sum3A_64 = arith.constant dense<0.000000e+00> : vector<2000xf32>
    %reduce_sum3A_65 = vector.multi_reduction <add>, %mul3A_63, %reduce_sum3A_64 [1] : vector<2000x128xf32> to vector<2000xf32>
    %broadcast_in_dim3A_66 = vector.shape_cast %reduce_sum3A_65 : vector<2000xf32> to vector<2000x1xf32>
    %add3A_67 = arith.addf %broadcast_in_dim3A_21, %broadcast_in_dim3A_66 : vector<2000x1xf32>
    %ge3A_68 = arith.constant 0.000000e+00 : f32
    %ge3A_69 = vector.broadcast %ge3A_68 : f32 to vector<2000x1xf32>
    %ge3A_70 = arith.cmpf oge, %add3A_67, %ge3A_69 : vector<2000x1xf32>
    %mul3A_71 = arith.constant 2.000000e-01 : f32
    %mul3A_72 = vector.broadcast %mul3A_71 : f32 to vector<2000x1xf32>
    %mul3A_73 = arith.mulf %mul3A_72, %add3A_67 : vector<2000x1xf32>
    %select_n3A_74 = arith.select %ge3A_70, %add3A_67, %mul3A_73 : vector<2000x1xi1>, vector<2000x1xf32>
    %max3A = arith.maximumf %select_n3A, %select_n3A_46 : vector<2000x1xf32>
    %max3A_75 = arith.maximumf %select_n3A_60, %select_n3A_74 : vector<2000x1xf32>
    %max3A_76 = arith.maximumf %max3A, %max3A_75 : vector<2000x1xf32>
    %sub3A = arith.subf %select_n3A, %max3A_76 : vector<2000x1xf32>
    %exp3A = math.exp %sub3A : vector<2000x1xf32>
    %sub3A_77 = arith.subf %select_n3A_46, %max3A_76 : vector<2000x1xf32>
    %exp3A_78 = math.exp %sub3A_77 : vector<2000x1xf32>
    %sub3A_79 = arith.subf %select_n3A_60, %max3A_76 : vector<2000x1xf32>
    %exp3A_80 = math.exp %sub3A_79 : vector<2000x1xf32>
    %sub3A_81 = arith.subf %select_n3A_74, %max3A_76 : vector<2000x1xf32>
    %exp3A_82 = math.exp %sub3A_81 : vector<2000x1xf32>
    %add3A_83 = arith.addf %exp3A, %exp3A_78 : vector<2000x1xf32>
    %add3A_84 = arith.addf %add3A_83, %exp3A_80 : vector<2000x1xf32>
    %add3A_85 = arith.addf %add3A_84, %exp3A_82 : vector<2000x1xf32>
    %get3A_86 = arith.constant 0 : index
    %get3A_87 = arith.constant 0 : index
    %get3A_88 = vector.load %arg6[%get3A_86, %get3A_87] : memref<1x128xf32, #tpu.memory_space<vmem>>, vector<1x128xf32>
    %add3A_89 = vector.broadcast %get3A_88 : vector<1x128xf32> to vector<2000x128xf32>
    %add3A_90 = arith.addf %get3A_1, %add3A_89 : vector<2000x128xf32>
    %mul3A_91 = vector.broadcast %exp3A : vector<2000x1xf32> to vector<2000x128xf32>
    %mul3A_92 = arith.mulf %mul3A_91, %get3A_1 : vector<2000x128xf32>
    %mul3A_93 = vector.broadcast %exp3A_78 : vector<2000x1xf32> to vector<2000x128xf32>
    %mul3A_94 = arith.mulf %mul3A_93, %get3A_4 : vector<2000x128xf32>
    %add3A_95 = arith.addf %mul3A_92, %mul3A_94 : vector<2000x128xf32>
    %mul3A_96 = vector.broadcast %exp3A_80 : vector<2000x1xf32> to vector<2000x128xf32>
    %mul3A_97 = arith.mulf %mul3A_96, %get3A_7 : vector<2000x128xf32>
    %add3A_98 = arith.addf %add3A_95, %mul3A_97 : vector<2000x128xf32>
    %mul3A_99 = vector.broadcast %exp3A_82 : vector<2000x1xf32> to vector<2000x128xf32>
    %mul3A_100 = arith.mulf %mul3A_99, %get3A_10 : vector<2000x128xf32>
    %add3A_101 = arith.addf %add3A_98, %mul3A_100 : vector<2000x128xf32>
    %div3A = vector.broadcast %add3A_85 : vector<2000x1xf32> to vector<2000x128xf32>
    %div3A_102 = arith.divf %add3A_101, %div3A : vector<2000x128xf32>
    %add3A_103 = arith.addf %add3A_90, %div3A_102 : vector<2000x128xf32>
    %gt3A = arith.constant 0.000000e+00 : f32
    %gt3A_104 = vector.broadcast %gt3A : f32 to vector<2000x128xf32>
    %gt3A_105 = arith.cmpf ogt, %add3A_103, %gt3A_104 : vector<2000x128xf32>
    %min3A = arith.constant 0.000000e+00 : f32
    %min3A_106 = vector.broadcast %min3A : f32 to vector<2000x128xf32>
    %min3A_107 = arith.minimumf %add3A_103, %min3A_106 : vector<2000x128xf32>
    %exp3A_108 = math.exp %min3A_107 : vector<2000x128xf32>
    %sub3A_109 = arith.constant 1.000000e+00 : f32
    %sub3A_110 = vector.broadcast %sub3A_109 : f32 to vector<2000x128xf32>
    %sub3A_111 = arith.subf %exp3A_108, %sub3A_110 : vector<2000x128xf32>
    %select_n3A_112 = arith.select %gt3A_105, %add3A_103, %sub3A_111 : vector<2000x128xi1>, vector<2000x128xf32>
    %swap3A = arith.constant 0 : index
    %swap3A_113 = arith.constant 0 : index
    %swap3A_114 = vector.load %arg7[%swap3A, %swap3A_113] : memref<2000x128xf32, #tpu.memory_space<vmem>>, vector<2000x128xf32>
    tpu.vector_store %arg7[%swap3A, %swap3A_113], %select_n3A_112 {strides = array<i32>} : memref<2000x128xf32, #tpu.memory_space<vmem>>, vector<2000x128xf32>,
    return
  }
  func.func @transform_0(%arg0: i32) -> (i32, i32) {
    %c0_i32 = arith.constant 0 : i32
    %c0_i32_0 = arith.constant 0 : i32
    return %arg0, %c0_i32 : i32, i32
  }
  func.func @transform_1(%arg0: i32) -> (i32, i32) {
    %c0_i32 = arith.constant 0 : i32
    %c0_i32_0 = arith.constant 0 : i32
    return %arg0, %c0_i32 : i32, i32
  }
  func.func @transform_2(%arg0: i32) -> (i32, i32) {
    %c0_i32 = arith.constant 0 : i32
    %c0_i32_0 = arith.constant 0 : i32
    return %arg0, %c0_i32 : i32, i32
  }
  func.func @transform_3(%arg0: i32) -> (i32, i32) {
    %c0_i32 = arith.constant 0 : i32
    %c0_i32_0 = arith.constant 0 : i32
    return %arg0, %c0_i32 : i32, i32
  }
  func.func @transform_4(%arg0: i32) -> (i32, i32) {
    %c0_i32 = arith.constant 0 : i32
    %c0_i32_0 = arith.constant 0 : i32
    %c0_i32_1 = arith.constant 0 : i32
    return %c0_i32, %c0_i32_0 : i32, i32
  }
  func.func @transform_5(%arg0: i32) -> (i32, i32) {
    %c0_i32 = arith.constant 0 : i32
    %c0_i32_0 = arith.constant 0 : i32
    %c0_i32_1 = arith.constant 0 : i32
    return %c0_i32, %c0_i32_0 : i32, i32
  }
  func.func @transform_6(%arg0: i32) -> (i32, i32) {
    %c0_i32 = arith.constant 0 : i32
    %c0_i32_0 = arith.constant 0 : i32
    return %arg0, %c0_i32 : i32, i32
  }
}

module attributes {stable_mosaic.version = 14 : i64} {
  func.func @at(%arg0: i32, %arg1: memref<2000x128xf32, #tpu.memory_space<vmem>>, %arg2: memref<2000x128xf32, #tpu.memory_space<vmem>>, %arg3: memref<2000x128xf32, #tpu.memory_space<vmem>>, %arg4: memref<2000x128xf32, #tpu.memory_space<vmem>>, %arg5: memref<1x256xf32, #tpu.memory_space<vmem>>, %arg6: memref<1x128xf32, #tpu.memory_space<vmem>>, %arg7: memref<2000x128xf32, #tpu.memory_space<vmem>>) attributes {dimension_semantics = [#tpu.dimension_semantics<arbitrary>], iteration_bounds = array<i64: 5>, scalar_prefetch = 0 : i64, scratch_operands = 0 : i64, tpu.core_type = #tpu.core_type<tc>, window_params = [{transform_indices = @transform_0, window_bounds = array<i64: 2000, 128>}, {transform_indices = @transform_1, window_bounds = array<i64: 2000, 128>}, {transform_indices = @transform_2, window_bounds = array<i64: 2000, 128>}, {transform_indices = @transform_3, window_bounds = array<i64: 2000, 128>}, {pipeline_mode = #tpu.pipeline_mode<synchronous>, transform_indices = @transform_4, window_bounds = array<i64: 1, 256>}, {pipeline_mode = #tpu.pipeline_mode<synchronous>, transform_indices = @transform_5, window_bounds = array<i64: 1, 128>}, {transform_indices = @transform_6, window_bounds = array<i64: 2000, 128>}]} {
    %get3A = arith.constant 0 : index
    %get3A_0 = arith.constant 0 : index
    %get3A_1 = vector.load %arg1[%get3A, %get3A_0] : memref<2000x128xf32, #tpu.memory_space<vmem>>, vector<2000x128xf32>
    %get3A_2 = arith.constant 0 : index
    %get3A_3 = arith.constant 0 : index
    %get3A_4 = vector.load %arg2[%get3A_2, %get3A_3] : memref<2000x128xf32, #tpu.memory_space<vmem>>, vector<2000x128xf32>
    %get3A_5 = arith.constant 0 : index
    %get3A_6 = arith.constant 0 : index
    %get3A_7 = vector.load %arg3[%get3A_5, %get3A_6] : memref<2000x128xf32, #tpu.memory_space<vmem>>, vector<2000x128xf32>
    %get3A_8 = arith.constant 0 : index
    %get3A_9 = arith.constant 0 : index
    %get3A_10 = vector.load %arg4[%get3A_8, %get3A_9] : memref<2000x128xf32, #tpu.memory_space<vmem>>, vector<2000x128xf32>
    %get3A_11 = arith.constant 0 : index
    %get3A_12 = arith.constant 0 : index
    %get3A_13 = vector.load %arg5[%get3A_11, %get3A_12] : memref<1x256xf32, #tpu.memory_space<vmem>>, vector<1x128xf32>
    %get3A_14 = vector.shape_cast %get3A_13 : vector<1x128xf32> to vector<128xf32>
    %get3A_15 = arith.constant 0 : index
    %get3A_16 = arith.constant 128 : index
    %get3A_17 = vector.load %arg5[%get3A_15, %get3A_16] : memref<1x256xf32, #tpu.memory_space<vmem>>, vector<1x128xf32>
    %get3A_18 = vector.shape_cast %get3A_17 : vector<1x128xf32> to vector<128xf32>
    %broadcast_in_dim3A = vector.shape_cast %get3A_14 : vector<128xf32> to vector<1x128xf32>
    %mul3A = vector.broadcast %broadcast_in_dim3A : vector<1x128xf32> to vector<2000x128xf32>
    %mul3A_19 = arith.mulf %get3A_1, %mul3A : vector<2000x128xf32>
    %reduce_sum3A = arith.constant dense<0.000000e+00> : vector<2000xf32>
    %reduce_sum3A_20 = vector.multi_reduction <add>, %mul3A_19, %reduce_sum3A [1] : vector<2000x128xf32> to vector<2000xf32>
    %broadcast_in_dim3A_21 = vector.shape_cast %reduce_sum3A_20 : vector<2000xf32> to vector<2000x1xf32>
    %broadcast_in_dim3A_22 = vector.shape_cast %get3A_18 : vector<128xf32> to vector<1x128xf32>
    %mul3A_23 = vector.broadcast %broadcast_in_dim3A_22 : vector<1x128xf32> to vector<2000x128xf32>
    %mul3A_24 = arith.mulf %get3A_1, %mul3A_23 : vector<2000x128xf32>
    %reduce_sum3A_25 = arith.constant dense<0.000000e+00> : vector<2000xf32>
    %reduce_sum3A_26 = vector.multi_reduction <add>, %mul3A_24, %reduce_sum3A_25 [1] : vector<2000x128xf32> to vector<2000xf32>
    %broadcast_in_dim3A_27 = vector.shape_cast %reduce_sum3A_26 : vector<2000xf32> to vector<2000x1xf32>
    %add3A = arith.addf %broadcast_in_dim3A_21, %broadcast_in_dim3A_27 : vector<2000x1xf32>
    %ge3A = arith.constant 0.000000e+00 : f32
    %ge3A_28 = vector.broadcast %ge3A : f32 to vector<2000x1xf32>
    %ge3A_29 = arith.cmpf oge, %add3A, %ge3A_28 : vector<2000x1xf32>
    %mul3A_30 = arith.constant 2.000000e-01 : f32
    %mul3A_31 = vector.broadcast %mul3A_30 : f32 to vector<2000x1xf32>
    %mul3A_32 = arith.mulf %mul3A_31, %add3A : vector<2000x1xf32>
    %select_n3A = arith.select %ge3A_29, %add3A, %mul3A_32 : vector<2000x1xi1>, vector<2000x1xf32>
    %broadcast_in_dim3A_33 = vector.shape_cast %get3A_18 : vector<128xf32> to vector<1x128xf32>
    %mul3A_34 = vector.broadcast %broadcast_in_dim3A_33 : vector<1x128xf32> to vector<2000x128xf32>
    %mul3A_35 = arith.mulf %get3A_4, %mul3A_34 : vector<2000x128xf32>
    %reduce_sum3A_36 = arith.constant dense<0.000000e+00> : vector<2000xf32>
    %reduce_sum3A_37 = vector.multi_reduction <add>, %mul3A_35, %reduce_sum3A_36 [1] : vector<2000x128xf32> to vector<2000xf32>
    %broadcast_in_dim3A_38 = vector.shape_cast %reduce_sum3A_37 : vector<2000xf32> to vector<2000x1xf32>
    %add3A_39 = arith.addf %broadcast_in_dim3A_21, %broadcast_in_dim3A_38 : vector<2000x1xf32>
    %ge3A_40 = arith.constant 0.000000e+00 : f32
    %ge3A_41 = vector.broadcast %ge3A_40 : f32 to vector<2000x1xf32>
    %ge3A_42 = arith.cmpf oge, %add3A_39, %ge3A_41 : vector<2000x1xf32>
    %mul3A_43 = arith.constant 2.000000e-01 : f32
    %mul3A_44 = vector.broadcast %mul3A_43 : f32 to vector<2000x1xf32>
    %mul3A_45 = arith.mulf %mul3A_44, %add3A_39 : vector<2000x1xf32>
    %select_n3A_46 = arith.select %ge3A_42, %add3A_39, %mul3A_45 : vector<2000x1xi1>, vector<2000x1xf32>
    %broadcast_in_dim3A_47 = vector.shape_cast %get3A_18 : vector<128xf32> to vector<1x128xf32>
    %mul3A_48 = vector.broadcast %broadcast_in_dim3A_47 : vector<1x128xf32> to vector<2000x128xf32>
    %mul3A_49 = arith.mulf %get3A_7, %mul3A_48 : vector<2000x128xf32>
    %reduce_sum3A_50 = arith.constant dense<0.000000e+00> : vector<2000xf32>
    %reduce_sum3A_51 = vector.multi_reduction <add>, %mul3A_49, %reduce_sum3A_50 [1] : vector<2000x128xf32> to vector<2000xf32>
    %broadcast_in_dim3A_52 = vector.shape_cast %reduce_sum3A_51 : vector<2000xf32> to vector<2000x1xf32>
    %add3A_53 = arith.addf %broadcast_in_dim3A_21, %broadcast_in_dim3A_52 : vector<2000x1xf32>
    %ge3A_54 = arith.constant 0.000000e+00 : f32
    %ge3A_55 = vector.broadcast %ge3A_54 : f32 to vector<2000x1xf32>
    %ge3A_56 = arith.cmpf oge, %add3A_53, %ge3A_55 : vector<2000x1xf32>
    %mul3A_57 = arith.constant 2.000000e-01 : f32
    %mul3A_58 = vector.broadcast %mul3A_57 : f32 to vector<2000x1xf32>
    %mul3A_59 = arith.mulf %mul3A_58, %add3A_53 : vector<2000x1xf32>
    %select_n3A_60 = arith.select %ge3A_56, %add3A_53, %mul3A_59 : vector<2000x1xi1>, vector<2000x1xf32>
    %broadcast_in_dim3A_61 = vector.shape_cast %get3A_18 : vector<128xf32> to vector<1x128xf32>
    %mul3A_62 = vector.broadcast %broadcast_in_dim3A_61 : vector<1x128xf32> to vector<2000x128xf32>
    %mul3A_63 = arith.mulf %get3A_10, %mul3A_62 : vector<2000x128xf32>
    %reduce_sum3A_64 = arith.constant dense<0.000000e+00> : vector<2000xf32>
    %reduce_sum3A_65 = vector.multi_reduction <add>, %mul3A_63, %reduce_sum3A_64 [1] : vector<2000x128xf32> to vector<2000xf32>
    %broadcast_in_dim3A_66 = vector.shape_cast %reduce_sum3A_65 : vector<2000xf32> to vector<2000x1xf32>
    %add3A_67 = arith.addf %broadcast_in_dim3A_21, %broadcast_in_dim3A_66 : vector<2000x1xf32>
    %ge3A_68 = arith.constant 0.000000e+00 : f32
    %ge3A_69 = vector.broadcast %ge3A_68 : f32 to vector<2000x1xf32>
    %ge3A_70 = arith.cmpf oge, %add3A_67, %ge3A_69 : vector<2000x1xf32>
    %mul3A_71 = arith.constant 2.000000e-01 : f32
    %mul3A_72 = vector.broadcast %mul3A_71 : f32 to vector<2000x1xf32>
    %mul3A_73 = arith.mulf %mul3A_72, %add3A_67 : vector<2000x1xf32>
    %select_n3A_74 = arith.select %ge3A_70, %add3A_67, %mul3A_73 : vector<2000x1xi1>, vector<2000x1xf32>
    %max3A = arith.maximumf %select_n3A, %select_n3A_46 : vector<2000x1xf32>
    %max3A_75 = arith.maximumf %select_n3A_60, %select_n3A_74 : vector<2000x1xf32>
    %max3A_76 = arith.maximumf %max3A, %max3A_75 : vector<2000x1xf32>
    %sub3A = arith.subf %select_n3A, %max3A_76 : vector<2000x1xf32>
    %exp3A = math.exp %sub3A : vector<2000x1xf32>
    %sub3A_77 = arith.subf %select_n3A_46, %max3A_76 : vector<2000x1xf32>
    %exp3A_78 = math.exp %sub3A_77 : vector<2000x1xf32>
    %sub3A_79 = arith.subf %select_n3A_60, %max3A_76 : vector<2000x1xf32>
    %exp3A_80 = math.exp %sub3A_79 : vector<2000x1xf32>
    %sub3A_81 = arith.subf %select_n3A_74, %max3A_76 : vector<2000x1xf32>
    %exp3A_82 = math.exp %sub3A_81 : vector<2000x1xf32>
    %add3A_83 = arith.addf %exp3A, %exp3A_78 : vector<2000x1xf32>
    %add3A_84 = arith.addf %add3A_83, %exp3A_80 : vector<2000x1xf32>
    %add3A_85 = arith.addf %add3A_84, %exp3A_82 : vector<2000x1xf32>
    %get3A_86 = arith.constant 0 : index
    %get3A_87 = arith.constant 0 : index
    %get3A_88 = vector.load %arg6[%get3A_86, %get3A_87] : memref<1x128xf32, #tpu.memory_space<vmem>>, vector<1x128xf32>
    %add3A_89 = vector.broadcast %get3A_88 : vector<1x128xf32> to vector<2000x128xf32>
    %add3A_90 = arith.addf %get3A_1, %add3A_89 : vector<2000x128xf32>
    %mul3A_91 = vector.broadcast %exp3A : vector<2000x1xf32> to vector<2000x128xf32>
    %mul3A_92 = arith.mulf %mul3A_91, %get3A_1 : vector<2000x128xf32>
    %mul3A_93 = vector.broadcast %exp3A_78 : vector<2000x1xf32> to vector<2000x128xf32>
    %mul3A_94 = arith.mulf %mul3A_93, %get3A_4 : vector<2000x128xf32>
    %add3A_95 = arith.addf %mul3A_92, %mul3A_94 : vector<2000x128xf32>
    %mul3A_96 = vector.broadcast %exp3A_80 : vector<2000x1xf32> to vector<2000x128xf32>
    %mul3A_97 = arith.mulf %mul3A_96, %get3A_7 : vector<2000x128xf32>
    %add3A_98 = arith.addf %add3A_95, %mul3A_97 : vector<2000x128xf32>
    %mul3A_99 = vector.broadcast %exp3A_82 : vector<2000x1xf32> to vector<2000x128xf32>
    %mul3A_100 = arith.mulf %mul3A_99, %get3A_10 : vector<2000x128xf32>
    %add3A_101 = arith.addf %add3A_98, %mul3A_100 : vector<2000x128xf32>
    %div3A = vector.broadcast %add3A_85 : vector<2000x1xf32> to vector<2000x128xf32>
    %div3A_102 = arith.divf %add3A_101, %div3A : vector<2000x128xf32>
    %add3A_103 = arith.addf %add3A_90, %div3A_102 : vector<2000x128xf32>
    %swap3A = arith.constant 0 : index
    %swap3A_104 = arith.constant 0 : index
    %swap3A_105 = vector.load %arg7[%swap3A, %swap3A_104] : memref<2000x128xf32, #tpu.memory_space<vmem>>, vector<2000x128xf32>
    tpu.vector_store %arg7[%swap3A, %swap3A_104], %add3A_103 {strides = array<i32>} : memref<2000x128xf32, #tpu.memory_space<vmem>>, vector<2000x128xf32>,
    return
  }
  func.func @transform_0(%arg0: i32) -> (i32, i32) {
    %c0_i32 = arith.constant 0 : i32
    %c0_i32_0 = arith.constant 0 : i32
    return %arg0, %c0_i32 : i32, i32
  }
  func.func @transform_1(%arg0: i32) -> (i32, i32) {
    %c0_i32 = arith.constant 0 : i32
    %c0_i32_0 = arith.constant 0 : i32
    return %arg0, %c0_i32 : i32, i32
  }
  func.func @transform_2(%arg0: i32) -> (i32, i32) {
    %c0_i32 = arith.constant 0 : i32
    %c0_i32_0 = arith.constant 0 : i32
    return %arg0, %c0_i32 : i32, i32
  }
  func.func @transform_3(%arg0: i32) -> (i32, i32) {
    %c0_i32 = arith.constant 0 : i32
    %c0_i32_0 = arith.constant 0 : i32
    return %arg0, %c0_i32 : i32, i32
  }
  func.func @transform_4(%arg0: i32) -> (i32, i32) {
    %c0_i32 = arith.constant 0 : i32
    %c0_i32_0 = arith.constant 0 : i32
    %c0_i32_1 = arith.constant 0 : i32
    return %c0_i32, %c0_i32_0 : i32, i32
  }
  func.func @transform_5(%arg0: i32) -> (i32, i32) {
    %c0_i32 = arith.constant 0 : i32
    %c0_i32_0 = arith.constant 0 : i32
    %c0_i32_1 = arith.constant 0 : i32
    return %c0_i32, %c0_i32_0 : i32, i32
  }
  func.func @transform_6(%arg0: i32) -> (i32, i32) {
    %c0_i32 = arith.constant 0 : i32
    %c0_i32_0 = arith.constant 0 : i32
    return %arg0, %c0_i32 : i32, i32
  }
}

</mosaic_0001>

<sc_bundles>
// kernel: gather_offload_async_start.1
scs
__scs_entry_jumppad:
0x0: {  	(pc) =	sbr.rel $0x88, $3  }
0x1: {  	(tag) =	ssettag $0x0;
	lr =	simm.s32 $0x1  }
0x2: {  	[smem:$0x3F99] =	sst lr;
	_ =	strace $0xD0000000  }
0x3: {  	_ = 	snop  }
0x4: {  	_ = 	snop  }
0x5: {  	_ = 	snop  }
0x6: {  	_ = 	snop  }
0x7: {  	_ = 	snop  }
__scs_overlays_trampoline_lowered:
0x8: {  	[smem:$0x3FA8] =	sst s0  }
0x9: {  	[smem:$0x3FA9] =	sst s1  }
0xa: {  	[smem:$0x3FAA] =	sst s2  }
0xb: {  	[smem:$0x3FAB] =	sst s3  }
0xc: {  	[smem:$0x3FAC] =	sst s4  }
0xd: {  	[smem:$0x3FAD] =	sst s5  }
0xe: {  	[smem:$0x3FAE] =	sst s6  }
0xf: {  	[smem:$0x3FAF] =	sst s7  }
0x10: {  	[smem:$0x3FB0] =	sst s8  }
0x11: {  	[smem:$0x3FB1] =	sst s9;
	s0 =	simm.s32 @!p0 $0x0  }
0x12: {  	s1 =	sld [smem:$0x3F97];
	s0 =	simm.s32 @p0 $0x1  }
0x13: {  	[smem:$0x3FB2] =	sst s0;
	s0 =	simm.s32 @!p1 $0x0  }
0x14: {  	s2 =	sld [smem:$0x3F96];
	s0 =	simm.s32 @p1 $0x1  }
0x15: {  	[smem:$0x3FB3] =	sst s0;
	s0 =	simm.s32 @!p2 $0x0  }
0x16: {  	s3 =	sld [smem:$0x3FDB];
	s0 =	simm.s32 @p2 $0x1  }
0x17: {  	s4 =	simm.s32 $0x1BF5;
	[smem:$0x3FB5] =	sst s0  }
0x18: {  	s0 =	sld [smem:$0x3F98];
	_ =	swait.ge [sflag:s4], $0x0  }
0x19: {  	s7 =	sld [smem:$0x3F99]  }
0x1a: {  	s8 =	sadd.s32 $0xFFFFE003, lr  }
0x1b: {  	s9 =	sadd.s32 $0xFFFFFEF7, lr;
	s5 =	simm.s32 $0xFFFFFFFF;
	p2 =	slt.u32 s8, $0xFFFFF086  }
0x1c: {  	p1 =	slt.u32 s9, $0xF7A;
	s5 =	simm.s32 @!p2 $0x0  }
0x1d: {  	s5 =	simm.s32 @p1 $0x1;
	p0 =	seq.s32 s7, s2  }
0x1e: {  	s7 =	smul.u32 @!p0 $0xF7A, s2;
	p2 =	seq.s32 @!p0 s5, $0x0  }
0x1f: {  	s9 =	smul.u32 $0xF7A, s1;
	s8 =	simm.s32 @!p0 $0x1BF5;
	p2 =	por !p2, p0  }
0x20: {  	[sflag:s8] =	ssyncset.s32 @!p0 $0xFFFFF086;
	s6 =	sadd.s32 @!p0 s3, s7;
	s7 =	simm.s32 @!p0 $0x108  }
0x21: {  	s3 =	sadd.s32 s3, s9;
	s6 =	sadd.s32 @!p0 $0x88, s6;
	s7 =	simm.s32 @p2 $0x1082  }
0x22: {  	[simem:s7], [sflag:s8] =	dma.local @!p0 [hbm:s6], $0xF7A  }
0x23: {  	s9 =	sor.u32 $0xD0000000, s2;
	s6 =	simm.s32 $0x108;
	_ =	swait.ge @!p0 [sflag:s8], $0x0  }
0x24: {  	s3 =	sadd.s32 $0x88, s3;
	s6 =	simm.s32 @!p1 $0x1082;
	[sflag:s4] =	ssyncset.s32 $0xFFFFF086  }
0x25: {  	[simem:s6], [sflag:s4] =	dma.local [hbm:s3], $0xF7A  }
0x26: {  	[smem:$0x3F99] =	sst s1;
	(tag) =	ssettag s2;
	_ =	strace s9  }
0x27: {  	s1 =	sld [smem:$0x3FA9]  }
0x28: {  	s2 =	sld [smem:$0x3FAA]  }
0x29: {  	s4 =	sld [smem:$0x3FAC]  }
0x2a: {  	p0 =	seq.s32 s5, $0x0;
	s5 =	sld [smem:$0x3FAD]  }
0x2b: {  	s6 =	sld [smem:$0x3FAE]  }
0x2c: {  	s7 =	sld [smem:$0x3FAF]  }
0x2d: {  	s3 =	simm.s32 $0x108;
	s8 =	sld [smem:$0x3FB0]  }
0x2e: {  	s3 =	simm.s32 @!p0 $0x1082;
	s9 =	sld [smem:$0x3FB1]  }
0x2f: {  	lr =	sadd.s32 s0, s3;
	s0 =	sld [smem:$0x3FA8]  }
0x30: {  	s3 =	sld [smem:$0x3FAB]  }
0x31: {  	[smem:$0x3FB4] =	sst s10  }
0x32: {  	s10 =	sld [smem:$0x3FB2];
	_ =	sdelay $0x3  }
0x33: {  	p0 =	seq.s32 s10, $0x1;
	s10 =	sld [smem:$0x3FB4];
	_ =	sdelay $0x3  }
0x34: {  	[smem:$0x3FB4] =	sst s10  }
0x35: {  	s10 =	sld [smem:$0x3FB3];
	_ =	sdelay $0x3  }
0x36: {  	p1 =	seq.s32 s10, $0x1;
	s10 =	sld [smem:$0x3FB4];
	_ =	sdelay $0x3  }
0x37: {  	[smem:$0x3FB4] =	sst s10  }
0x38: {  	s10 =	sld [smem:$0x3FB5]  }
0x39: {  	_ = 	snop;
	(pc) =	sbr.ind lr, $3  }
0x3a: {  	_ = 	snop  }
0x3b: {  	_ = 	snop  }
0x3c: {  	p2 =	seq.s32 s10, $0x1;
	s10 =	sld [smem:$0x3FB4]  }
0x3d: {  	_ =	shalt  }
0x3e: {  	_ =	shalt  }
0x3f: {  	_ =	shalt  }
0x40: {  	_ =	shalt  }
0x41: {  	_ =	shalt  }
0x42: {  	_ =	shalt  }
0x43: {  	_ =	shalt  }
0x44: {  	_ =	shalt  }
0x45: {  	_ =	shalt  }
0x46: {  	_ =	shalt  }
0x47: {  	_ =	shalt  }
0x48: {  	_ =	shalt  }
0x49: {  	_ =	shalt  }
0x4a: {  	_ =	shalt  }
0x4b: {  	_ =	shalt  }
0x4c: {  	_ =	shalt  }
0x4d: {  	_ =	shalt  }
0x4e: {  	_ =	shalt  }
0x4f: {  	_ =	shalt  }
0x50: {  	_ =	shalt  }
0x51: {  	_ =	shalt  }
0x52: {  	_ =	shalt  }
0x53: {  	_ =	shalt  }
0x54: {  	_ =	shalt  }
0x55: {  	_ =	shalt  }
0x56: {  	_ =	shalt  }
0x57: {  	_ =	shalt  }
0x58: {  	_ =	shalt  }
0x59: {  	_ =	shalt  }
0x5a: {  	_ =	shalt  }
0x5b: {  	_ =	shalt  }
0x5c: {  	_ =	shalt  }
0x5d: {  	_ =	shalt  }
0x5e: {  	_ =	shalt  }
0x5f: {  	_ =	shalt  }
0x60: {  	_ =	shalt  }
0x61: {  	_ =	shalt  }
0x62: {  	_ =	shalt  }
0x63: {  	_ =	shalt  }
0x64: {  	_ =	shalt  }
0x65: {  	_ =	shalt  }
0x66: {  	_ =	shalt  }
0x67: {  	_ =	shalt  }
0x68: {  	_ =	shalt  }
0x69: {  	_ =	shalt  }
0x6a: {  	_ =	shalt  }
0x6b: {  	_ =	shalt  }
0x6c: {  	_ =	shalt  }
0x6d: {  	_ =	shalt  }
0x6e: {  	_ =	shalt  }
0x6f: {  	_ =	shalt  }
0x70: {  	_ =	shalt  }
0x71: {  	_ =	shalt  }
0x72: {  	_ =	shalt  }
0x73: {  	_ =	shalt  }
0x74: {  	_ =	shalt  }
0x75: {  	_ =	shalt  }
0x76: {  	_ =	shalt  }
0x77: {  	_ =	shalt  }
0x78: {  	_ =	shalt  }
0x79: {  	_ =	shalt  }
0x7a: {  	_ =	shalt  }
0x7b: {  	_ =	shalt  }
0x7c: {  	_ =	shalt  }
0x7d: {  	_ =	shalt  }
0x7e: {  	_ =	shalt  }
0x7f: {  	_ =	shalt  }
0x80: {  	_ =	shalt  }
0x81: {  	_ =	shalt  }
0x82: {  	_ =	shalt  }
0x83: {  	_ =	shalt  }
0x84: {  	_ =	shalt  }
0x85: {  	_ =	shalt  }
0x86: {  	_ =	shalt  }
0x87: {  	_ =	shalt  }
.Lfunc_end0:
.L_simem_size_0:
called_computation.2_lowered:
.L_overlay_start_0:
0x88: {  	s2 =	sld [smem:$0x3FD9]  }
0x89: {  	s3 =	sld [smem:$0x3FFE];
	_ =	sdelay $0x1  }
0x8a: {  	s1 =	srdreg.scid  }
0x8b: {  	s0 =	sand.u32 $0x1, s1  }
0x8c: {  	s17 =	sshll.u32 s0, $0xA;
	s2 =	sadd.s32 s3, s2  }
0x8d: {  	s2 =	sadd.s32 s2, s17  }
0x8e: {  	[smem:$0x3FC0] =	sst s2  }
0x8f: {  	_ = 	snop  }
0x90: {  	(tm) =	ssettm $0x1  }
0x91: {  	s18 =	sld [smem:$0x3FFB];
	_ =	sdelay $0x3  }
0x92: {  	_ =	strace s18  }
0x93: {  	s2 =	sld [smem:$0x3FFC];
	_ =	sdelay $0x3  }
0x94: {  	_ =	strace s2  }
0x95: {  	s2 =	sld [smem:$0x3FFD];
	_ =	sdelay $0x3  }
0x96: {  	_ =	strace s2  }
0x97: {  	_ =	strace $0x8FFFFFFF  }
0x98: {  	s19 =	sld [smem:$0x3FDB];
	_ =	sdelay $0x1  }
0x99: {  	s20 =	simm.s32 $_scs_section_size  }
0x9a: {  	s4 =	simm.s32 $_size__tile_overlayer_lowered;
	s5 =	simm.s32 $_tile_overlayer_lowered  }
0x9b: {  	s6 =	simm.s32 $0x1BFF;
	s21 =	sshll.u32 s5, $0x1;
	s3 =	sadd.s32 s20, s19  }
0x9c: {  	s22 =	simm.s32 $0x0;
	s4 =	sshll.u32 s4, $0x1;
	s5 =	sadd.s32 s21, s3  }
0x9d: {  	[timem:s22], [sflag:s6] =	dma.local [hbm:s5], s4  }
0x9e: {  	_ =	swait.ge [sflag:s6], s4  }
0x9f: {  	s4 =	ssub.s32 $0x0, s4;
	[sflag:s6] =	ssyncset.done $0x0  }
0xa0: {  	[sflag:s6] =	ssyncadd.s32 s4;
	_ =	sdelay $0x1  }
0xa1: {  	s23 =	simm.s32 $0x1B8B  }
0xa2: {  	_ =	swait.ge [sflag:s23], $0x1  }
0xa3: {  	[sflag:s23] =	ssyncset.done $0x0  }
0xa4: {  	[sflag:s23] =	ssyncadd.s32 $0xFFFFFFFF  }
0xa5: {  	s4 =	sld [smem:$0x0]  }
0xa6: {  	s5 =	sand.u32 $0xFFFFFFFE, s1  }
0xa7: {  	p0 =	sne.s32 s1, s5  }
0xa8: {  	s5 =	sshll.u32 @p0 s5, $0xE  }
0xa9: {  	s5 =	sadd.s32 @p0 $0x11B8D, s5;
	s6 =	sshll.u32 @p0 s4, $0x11  }
0xaa: {  	s5 =	sor.u32 @p0 s6, s5  }
0xab: {  	[sflag:s5] =	ssyncadd.remote.s32 @p0 $0x1;
	_ =	sdelay $0x1  }
0xac: {  	s5 =	simm.s32 @p0 $0x1B8D  }
0xad: {  	_ =	swait.eq @p0 [sflag:s5], $0x1  }
0xae: {  	[sflag:s5] =	ssyncadd.s32 @p0 $0xFFFFFFFF  }
0xaf: {  	s6 =	sshll.u32 @!p0 s1, $0xE  }
0xb0: {  	s6 =	sor.u32 @!p0 $0x4000, s6;
	s5 =	simm.s32 @!p0 $0x1B8D  }
0xb1: {  	s4 =	sshll.u32 @!p0 s4, $0x11;
	s6 =	sadd.s32 @!p0 $0x11B8D, s6;
	_ =	swait.eq @!p0 [sflag:s5], $0x1  }
0xb2: {  	s4 =	sor.u32 @!p0 s4, s6;
	[sflag:s5] =	ssyncadd.s32 @!p0 $0xFFFFFFFF  }
0xb3: {  	s25 =	simm.s32 $0x1B8E;
	s24 =	sld [smem:$0x3FFE];
	[sflag:s4] =	ssyncadd.remote.s32 @!p0 $0x1  }
0xb4: {  	s26 =	simm.s32 $execute0_lowered;
	[smem:$0x3FD2] =	sst s25  }
0xb5: {  	s5 =	sshll.u32 s26, $0x1;
	_ =	strace $0x8000004C;
	[dreg:$0x1] =	wrdreg $0xFFFFFFFF  }
0xb6: {  	s28 =	simm.s32 $_size_execute0_lowered;
	s3 =	sadd.s32 s3, s5;
	[dreg:$0x0] =	wrdreg $0x0  }
0xb7: {  	s5 =	sshll.u32 s28, $0x1;
	[dreg:$0x2] =	wrdreg s3  }
0xb8: {  	[dreg:$0x3] =	wrdreg s5  }
0xb9: {  	[dreg:$0x4] =	wrdreg $0xC0  }
0xba: {  	_ =	task [dreg:s22], $0x5FFFF  }
0xbb: {  	[dreg:$0x1] =	wrdreg $0xFFFFFFFF  }
0xbc: {  	[dreg:$0x0] =	wrdreg $0x60  }
0xbd: {  	[dreg:$0x2] =	wrdreg s24  }
0xbe: {  	[dreg:$0x3] =	wrdreg $0xA  }
0xbf: {  	_ =	task.clear_ibuf [dreg:s22], $0x4FFFF;
	_ =	strace $0x9000004C  }
0xc0: {  	s29 =	simm.s32 $0xA;
	_ =	strace $0x8000004E  }
0xc1: {  	_ =	swait.ge [sflag:s29], $0x1  }
0xc2: {  	[sflag:s29] =	ssyncadd.s32 $0xFFFFFFFF  }
0xc3: {  	_ =	strace $0x9000004E  }
0xc4: {  	_ =	sfence  }
0xc5: {  	s30 =	sld [smem:$0x0];
	_ =	sdelay $0x2  }
0xc6: {  	s31 =	sshll.u32 s1, $0xD;
	s1 =	sshrl.u32 s1, $0x2  }
0xc7: {  	s4 =	sand.u32 $0x4000, s31;
	s1 =	sadd.s32 s1, s30  }
0xc8: {  	s0 =	sor.u32 s4, s0;
	s1 =	sshll.u32 s1, $0x11  }
0xc9: {  	s0 =	sor.u32 s1, s0  }
0xca: {  	s0 =	sadd.s32 $0x8F2B, s0  }
0xcb: {  	[sflag:s0] =	ssyncadd.remote.s32 $0x1  }
0xcc: {  	_ =	sfence.sel $0xFFFF  }
0xcd: {  	[dreg:$0x0] =	wrdreg $0xFFFFFFFF;
	(pc) =	sbr.abs _section_cstart, $3  }
0xce: {  	[dreg:$0x1] =	wrdreg $0xFFFFFFFF  }
0xcf: {  	_ =	task.clear_ibuf [dreg:s22], $0x2FFFF;
	_ =	strace $0x9FFFFFFF  }
0xd0: {  	(tm) =	ssettm $0x7FFFFFFF  }
0xd1: {  	_ =	shalt  }
tec
execute0_lowered:
.L_overlay_start_1:
0x0: {  	(tag) =	ssettag $0x1  }
0x1: {  	s8 =	rddreg [dreg:$0x0]  }
0x2: {  	s0 =	rddreg [dreg:$0x1];
	_ =	strace $0x8000004D;
	s1 =	stileid.u32  }
0x3: {  	s3 =	srdreg.scid;
	s4 =	simm.s32 $0x1;
	s7 =	simm.s32 $0x1  }
0x4: {  	s9 =	simm.s32 $0x1;
	s10 =	simm.s32 $0x3;
	s13 =	simm.s32 $0x0  }
0x5: {  	s12 =	simm.s32 $0x0;
	s5 =	sand.u32 $0x1, s3;
	s6 =	sshll.u32 s1, $0x1  }
0x6: {  	s2 =	sadd.s32 $0xDC00, s8;
	s3 =	sadd.s32 $0x2B600, s8;
	s5 =	sor.u32 s6, s5  }
.Ltmp0:
0x7: {  	[sflag:s4] =	ssyncpa.u1 $0x0;
	p0 =	slt.u32 s5, $0x9;
	(pc) =	sbr.rel .LBB2_1-.Ltmp0, $4  }
0x8: {  	s6 =	simm.s32 $0x2;
	s7 =	simm.s32 @!p0 $0x0;
	p0 =	sne.s32 s5, $0x8  }
0x9: {  	[sflag:s6] =	ssyncpa.u1 $0x0;
	s5 =	smul.u32 $0x1F40, s5;
	s9 =	simm.s32 @!p0 $0x0  }
0xa: {  	s8 =	sadd.s32 $0x3F200, s8;
	[sflag:s10] =	ssyncpa.u1 $0x0;
	s7 =	sadd.s32 s9, s7  }
0xb: {  	vm0 =	vmmov $0xffff;
	s10 =	simm.s32 $0x0;
	s11 =	smov.u32 s5;
	s9 =	sadd.s32 $0x1, s7  }
.LBB2_4:
0xc: {  	v2 =	vnsel vm1, $0x0, v2  }
0xd: {  	vm1 =	vgt.s32 v0, $0x0;
	v2 =	vmin.u32 v2, $0x4E1FF  }
0xe: {  	v0 =	vnsel vm1, $0x0, v0  }
0xf: {  	v0 =	vmin.u32 v0, $0x4E1FF  }
0x10: {  	[tilespmem:s18], [sflag:$0x1] =	stream.indirect_vreg.gather [hbm4b:s2+s10], $0x1, v1, vm0, $0x4038;
	[tilespmem:$0x7D00] =	vst v63  }
0x11: {  	(ifvalue) =	ssetifvalue $0x7FFFFFFF  }
0x12: {  	[tilespmem:s15], [sflag:$0x1] =	stream.indirect_vreg.gather [hbm4b:s2+s10], $0x1, v2, vm0, $0x4038;
	[tilespmem:$0x7D00] =	vst v63  }
0x13: {  	s29 =	sadd.s32 $0x10, s15;
	(ifvalue) =	ssetifvalue $0x7FFFFFFF  }
0x14: {  	[tilespmem:s29], [sflag:$0x1] =	stream.indirect_vreg.gather [hbm4b:s2+s10], $0x1, v0, vm0, $0x4038;
	[tilespmem:$0x7D00] =	vst v63  }
0x15: {  	_ =	swait.ge [sflag:s4], $0x1F40  }
0x16: {  	s30 =	sshrl.u32 s13, $0x3;
	[sflag:s4] =	ssyncset.done $0x0  }
0x17: {  	s31 =	sand.u32 $0x7, s13;
	s15 =	sadd.s32 s8, s30;
	[sflag:s4] =	ssyncadd.s32 $0xFFFFE0C0  }
0x18: {  	[hbm4b:s15+s31] =	stream.linear.scatter [tilespmem:s14], [sflag:$0x3], $0x1F40, $0x38;
	[tilespmem:$0x7D00] =	vst v63  }
.LBB2_5:
0x19: {  	s15 =	sadd.s32 $0x3E800, s11  }
0x1a: {  	p1 =	sgt.s32 s15, $0x4E1FF  }
0x1b: {  	s15 =	smov.u32 @p1 s5;
	p1 =	sne.s32 s12, s9  }
.Ltmp1:
0x1c: {  	p0 =	slt.u32 s12, $0x2;
	(pc) =	sbr.rel @!p1 .LBB2_6-.Ltmp1, $4  }
0x1d: {  	s14 =	simm.s32 @!p0 $0x3  }
0x1e: {  	_ =	swait.ge @!p0 [sflag:s14], $0x1F40  }
0x1f: {  	s16 =	sadd.s32 $0x1, s12;
	s13 =	smov.u32 s11;
	[sflag:s14] =	ssyncset.done @!p0 $0x0  }
0x20: {  	s12 =	smov.u32 s16;
	s11 =	smov.u32 s15;
	[sflag:s14] =	ssyncadd.s32 @!p0 $0xFFFFE0C0  }
.LBB2_1:
0x21: {  	p0 =	sge.u32 s12, s7  }
0x22: {  	s14 =	sxor.u32 @!p0 $0x1, s12  }
0x23: {  	s14 =	smul.u32 @!p0 $0x7D00, s14  }
0x24: {  	s31 =	sadd.s32 $0xFFFFFFFF, s12;
	s15 =	sshrl.u32 @!p0 s11, $0x3  }
0x25: {  	s16 =	sand.u32 @!p0 $0x7, s11;
	s15 =	sadd.s32 @!p0 s3, s15;
	s14 =	sshra.s32 @!p0 s14, $0x2  }
0x26: {  	[tilespmem:s14], [sflag:$0x2] =	stream.linear.gather @!p0 [hbm4b:s15+s16], $0x1F40, $0x38;
	[tilespmem:$0x7D00] =	vst v63  }
0x27: {  	p0 =	sge.u32 s31, s7  }
.Ltmp2:
0x28: {  	_ = 	snop;
	(pc) =	sbr.rel @p0 .LBB2_5-.Ltmp2, $1  }
0x29: {  	_ =	sdelay $0x3  }
0x2a: {  	s14 =	sand.u32 $0x1, s12  }
0x2b: {  	_ =	swait.ge [sflag:s6], $0x1F40;
	p0 =	seq.s32 s14, $0x1;
	s14 =	simm.s32 $0x1F40  }
0x2c: {  	[sflag:s6] =	ssyncset.done $0x0;
	s14 =	simm.s32 @!p0 $0x0  }
0x2d: {  	[sflag:s6] =	ssyncadd.s32 $0xFFFFE0C0;
	(ifvalue) =	ssetifvalue $0x7FFFFFFF;
	v0 =	vld.msk [tilespmem:s14+$0x0 ss:$0x1], $0xffff;
	_ =	sdelay $0x4  }
0x2e: {  	s15 =	sadd.s32 $0x10, s14;
	vm1 =	vgt.s32 v0, $0x0  }
0x2f: {  	v2 =	vld.msk [tilespmem:s15+$0x0 ss:$0x1], $0xffff;
	v1 =	vnsel vm1, $0x0, v0  }
0x30: {  	v1 =	vmin.u32 v1, $0x4E1FF;
	_ =	sdelay $0x2  }
0x31: {  	s17 =	simm.s32 $0x20;
	s14 =	sadd.s32 $0x3E80, s14;
	s16 =	sadd.s32 $0x10, s15  }
0x32: {  	s15 =	sadd.s32 $0x10, s14;
	s18 =	smov.u32 s14;
	v0 =	vld.msk [tilespmem:s16+$0x0 ss:$0x1], $0xffff;
	vm1 =	vgt.s32 v2, $0x0;
	(ifvalue) =	ssetifvalue $0x7FFFFFFF  }
.LBB2_3:
0x33: {  	[tilespmem:s18], [sflag:$0x1] =	stream.indirect_vreg.gather [hbm4b:s2+s10], $0x1, v1, vm0, $0x4038;
	[tilespmem:$0x7D00] =	vst v63  }
0x34: {  	s17 =	sadd.s32 $0x10, s17  }
0x35: {  	v2 =	vnsel vm1, $0x0, v2;
	p0 =	slt.u32 s17, $0x1F30  }
.Ltmp3:
0x36: {  	s18 =	smov.u32 s15;
	v1 =	vmin.u32 v2, $0x4E1FF;
	(pc) =	sbr.rel @p0 .LBB2_3-.Ltmp3, $3  }
0x37: {  	_ =	sdelay $0x1  }
0x38: {  	s16 =	sadd.s32 $0x10, s16  }
0x39: {  	vm1 =	vgt.s32 v0, $0x0;
	s15 =	sadd.s32 $0x10, s15;
	v2 =	vmov v0;
	(ifvalue) =	ssetifvalue $0x7FFFFFFF;
	v0 =	vld.msk [tilespmem:s16+$0x0 ss:$0x1], $0xffff  }
.Ltmp4:
0x3a: {  	_ = 	snop;
	(pc) =	sbr.rel .LBB2_4-.Ltmp4, $1  }
0x3b: {  	_ =	sdelay $0x3  }
.LBB2_6:
0x3c: {  	_ =	sfence.sel $0x180000  }
0x3d: {  	s2 =	simm.s32 $0x2;
	[bflag:$0x0] =	sbarrier.arrive $0xFFFF  }
0x3e: {  	s30 =	simm.s32 $0x3;
	[sflag:s2] =	ssyncpa.u1 $0x1  }
0x3f: {  	s31 =	simm.s32 $0x1;
	[sflag:s30] =	ssyncpa.u1 $0x1  }
0x40: {  	[sflag:s31] =	ssyncpa.u1 $0x1  }
0x41: {  	p0 =	sne.s32 s1, $0x0;
	_ =	strace $0x9000004D  }
0x42: {  	s0 =	sadd.s32 @!p0 $0x100000, s0;
	[bflag:$0x2] =	sbarrier.arrive $0xFFFF  }
0x43: {  	[sflag:s0] =	ssyncadd.tile.s32 @!p0 $0x1;
	_ =	shalt  }
.Lfunc_end2:
_tile_overlayer_lowered:
.L_overlay_start_2:
0x44: {  	(tag) =	ssettag $0x2  }
0x45: {  	s0 =	rddreg [dreg:$0x0];
	s2 =	stileid.u32  }
0x46: {  	s1 =	rddreg [dreg:$0x1];
	p0 =	sne.s32 s2, $0x0  }
0x47: {  	s3 =	rddreg [dreg:$0x2];
	[bflag:$0x3] =	sbarrier.arrive $0xFFFF;
	s2 =	simm.s32 @!p0 $0x1C01  }
0x48: {  	[timem:s3], [sflag:s2] =	dma.local @!p0 [hbm:s0], s1  }
0x49: {  	s0 =	simm.s32 @!p0 $0x1  }
0x4a: {  	_ =	swait.ge @!p0 [sflag:s0], s1  }
0x4b: {  	s1 =	ssub.s32 @!p0 $0x0, s1;
	[sflag:s0] =	ssyncset.done @!p0 $0x0  }
0x4c: {  	[sflag:s0] =	ssyncadd.s32 @!p0 s1  }
0x4d: {  	[bflag:$0x3] =	sbarrier.arrive $0xFFFF  }
0x4e: {  	_ =	shalt  }

// kernel: gather_offload_async_start.2
scs
__scs_entry_jumppad:
0x0: {  	(pc) =	sbr.rel $0x88, $3  }
0x1: {  	(tag) =	ssettag $0x0;
	lr =	simm.s32 $0x1  }
0x2: {  	[smem:$0x3F99] =	sst lr;
	_ =	strace $0xD0000000  }
0x3: {  	_ = 	snop  }
0x4: {  	_ = 	snop  }
0x5: {  	_ = 	snop  }
0x6: {  	_ = 	snop  }
0x7: {  	_ = 	snop  }
__scs_overlays_trampoline_lowered:
0x8: {  	[smem:$0x3FA8] =	sst s0  }
0x9: {  	[smem:$0x3FA9] =	sst s1  }
0xa: {  	[smem:$0x3FAA] =	sst s2  }
0xb: {  	[smem:$0x3FAB] =	sst s3  }
0xc: {  	[smem:$0x3FAC] =	sst s4  }
0xd: {  	[smem:$0x3FAD] =	sst s5  }
0xe: {  	[smem:$0x3FAE] =	sst s6  }
0xf: {  	[smem:$0x3FAF] =	sst s7  }
0x10: {  	[smem:$0x3FB0] =	sst s8  }
0x11: {  	[smem:$0x3FB1] =	sst s9;
	s0 =	simm.s32 @!p0 $0x0  }
0x12: {  	s1 =	sld [smem:$0x3F97];
	s0 =	simm.s32 @p0 $0x1  }
0x13: {  	[smem:$0x3FB2] =	sst s0;
	s0 =	simm.s32 @!p1 $0x0  }
0x14: {  	s2 =	sld [smem:$0x3F96];
	s0 =	simm.s32 @p1 $0x1  }
0x15: {  	[smem:$0x3FB3] =	sst s0;
	s0 =	simm.s32 @!p2 $0x0  }
0x16: {  	s3 =	sld [smem:$0x3FDB];
	s0 =	simm.s32 @p2 $0x1  }
0x17: {  	s4 =	simm.s32 $0x1BF5;
	[smem:$0x3FB5] =	sst s0  }
0x18: {  	s0 =	sld [smem:$0x3F98];
	_ =	swait.ge [sflag:s4], $0x0  }
0x19: {  	s7 =	sld [smem:$0x3F99]  }
0x1a: {  	s8 =	sadd.s32 $0xFFFFE003, lr  }
0x1b: {  	s9 =	sadd.s32 $0xFFFFFEF7, lr;
	s5 =	simm.s32 $0xFFFFFFFF;
	p2 =	slt.u32 s8, $0xFFFFF086  }
0x1c: {  	p1 =	slt.u32 s9, $0xF7A;
	s5 =	simm.s32 @!p2 $0x0  }
0x1d: {  	s5 =	simm.s32 @p1 $0x1;
	p0 =	seq.s32 s7, s2  }
0x1e: {  	s7 =	smul.u32 @!p0 $0xF7A, s2;
	p2 =	seq.s32 @!p0 s5, $0x0  }
0x1f: {  	s9 =	smul.u32 $0xF7A, s1;
	s8 =	simm.s32 @!p0 $0x1BF5;
	p2 =	por !p2, p0  }
0x20: {  	[sflag:s8] =	ssyncset.s32 @!p0 $0xFFFFF086;
	s6 =	sadd.s32 @!p0 s3, s7;
	s7 =	simm.s32 @!p0 $0x108  }
0x21: {  	s3 =	sadd.s32 s3, s9;
	s6 =	sadd.s32 @!p0 $0x88, s6;
	s7 =	simm.s32 @p2 $0x1082  }
0x22: {  	[simem:s7], [sflag:s8] =	dma.local @!p0 [hbm:s6], $0xF7A  }
0x23: {  	s9 =	sor.u32 $0xD0000000, s2;
	s6 =	simm.s32 $0x108;
	_ =	swait.ge @!p0 [sflag:s8], $0x0  }
0x24: {  	s3 =	sadd.s32 $0x88, s3;
	s6 =	simm.s32 @!p1 $0x1082;
	[sflag:s4] =	ssyncset.s32 $0xFFFFF086  }
0x25: {  	[simem:s6], [sflag:s4] =	dma.local [hbm:s3], $0xF7A  }
0x26: {  	[smem:$0x3F99] =	sst s1;
	(tag) =	ssettag s2;
	_ =	strace s9  }
0x27: {  	s1 =	sld [smem:$0x3FA9]  }
0x28: {  	s2 =	sld [smem:$0x3FAA]  }
0x29: {  	s4 =	sld [smem:$0x3FAC]  }
0x2a: {  	p0 =	seq.s32 s5, $0x0;
	s5 =	sld [smem:$0x3FAD]  }
0x2b: {  	s6 =	sld [smem:$0x3FAE]  }
0x2c: {  	s7 =	sld [smem:$0x3FAF]  }
0x2d: {  	s3 =	simm.s32 $0x108;
	s8 =	sld [smem:$0x3FB0]  }
0x2e: {  	s3 =	simm.s32 @!p0 $0x1082;
	s9 =	sld [smem:$0x3FB1]  }
0x2f: {  	lr =	sadd.s32 s0, s3;
	s0 =	sld [smem:$0x3FA8]  }
0x30: {  	s3 =	sld [smem:$0x3FAB]  }
0x31: {  	[smem:$0x3FB4] =	sst s10  }
0x32: {  	s10 =	sld [smem:$0x3FB2];
	_ =	sdelay $0x3  }
0x33: {  	p0 =	seq.s32 s10, $0x1;
	s10 =	sld [smem:$0x3FB4];
	_ =	sdelay $0x3  }
0x34: {  	[smem:$0x3FB4] =	sst s10  }
0x35: {  	s10 =	sld [smem:$0x3FB3];
	_ =	sdelay $0x3  }
0x36: {  	p1 =	seq.s32 s10, $0x1;
	s10 =	sld [smem:$0x3FB4];
	_ =	sdelay $0x3  }
0x37: {  	[smem:$0x3FB4] =	sst s10  }
0x38: {  	s10 =	sld [smem:$0x3FB5]  }
0x39: {  	_ = 	snop;
	(pc) =	sbr.ind lr, $3  }
0x3a: {  	_ = 	snop  }
0x3b: {  	_ = 	snop  }
0x3c: {  	p2 =	seq.s32 s10, $0x1;
	s10 =	sld [smem:$0x3FB4]  }
0x3d: {  	_ =	shalt  }
0x3e: {  	_ =	shalt  }
0x3f: {  	_ =	shalt  }
0x40: {  	_ =	shalt  }
0x41: {  	_ =	shalt  }
0x42: {  	_ =	shalt  }
0x43: {  	_ =	shalt  }
0x44: {  	_ =	shalt  }
0x45: {  	_ =	shalt  }
0x46: {  	_ =	shalt  }
0x47: {  	_ =	shalt  }
0x48: {  	_ =	shalt  }
0x49: {  	_ =	shalt  }
0x4a: {  	_ =	shalt  }
0x4b: {  	_ =	shalt  }
0x4c: {  	_ =	shalt  }
0x4d: {  	_ =	shalt  }
0x4e: {  	_ =	shalt  }
0x4f: {  	_ =	shalt  }
0x50: {  	_ =	shalt  }
0x51: {  	_ =	shalt  }
0x52: {  	_ =	shalt  }
0x53: {  	_ =	shalt  }
0x54: {  	_ =	shalt  }
0x55: {  	_ =	shalt  }
0x56: {  	_ =	shalt  }
0x57: {  	_ =	shalt  }
0x58: {  	_ =	shalt  }
0x59: {  	_ =	shalt  }
0x5a: {  	_ =	shalt  }
0x5b: {  	_ =	shalt  }
0x5c: {  	_ =	shalt  }
0x5d: {  	_ =	shalt  }
0x5e: {  	_ =	shalt  }
0x5f: {  	_ =	shalt  }
0x60: {  	_ =	shalt  }
0x61: {  	_ =	shalt  }
0x62: {  	_ =	shalt  }
0x63: {  	_ =	shalt  }
0x64: {  	_ =	shalt  }
0x65: {  	_ =	shalt  }
0x66: {  	_ =	shalt  }
0x67: {  	_ =	shalt  }
0x68: {  	_ =	shalt  }
0x69: {  	_ =	shalt  }
0x6a: {  	_ =	shalt  }
0x6b: {  	_ =	shalt  }
0x6c: {  	_ =	shalt  }
0x6d: {  	_ =	shalt  }
0x6e: {  	_ =	shalt  }
0x6f: {  	_ =	shalt  }
0x70: {  	_ =	shalt  }
0x71: {  	_ =	shalt  }
0x72: {  	_ =	shalt  }
0x73: {  	_ =	shalt  }
0x74: {  	_ =	shalt  }
0x75: {  	_ =	shalt  }
0x76: {  	_ =	shalt  }
0x77: {  	_ =	shalt  }
0x78: {  	_ =	shalt  }
0x79: {  	_ =	shalt  }
0x7a: {  	_ =	shalt  }
0x7b: {  	_ =	shalt  }
0x7c: {  	_ =	shalt  }
0x7d: {  	_ =	shalt  }
0x7e: {  	_ =	shalt  }
0x7f: {  	_ =	shalt  }
0x80: {  	_ =	shalt  }
0x81: {  	_ =	shalt  }
0x82: {  	_ =	shalt  }
0x83: {  	_ =	shalt  }
0x84: {  	_ =	shalt  }
0x85: {  	_ =	shalt  }
0x86: {  	_ =	shalt  }
0x87: {  	_ =	shalt  }
.Lfunc_end0:
.L_simem_size_0:
called_computation.3_lowered:
.L_overlay_start_0:
0x88: {  	s2 =	sld [smem:$0x3FD9]  }
0x89: {  	s3 =	sld [smem:$0x3FFE];
	_ =	sdelay $0x1  }
0x8a: {  	s1 =	srdreg.scid  }
0x8b: {  	s0 =	sand.u32 $0x1, s1  }
0x8c: {  	s16 =	sshll.u32 s0, $0xA;
	s2 =	sadd.s32 s3, s2  }
0x8d: {  	s2 =	sadd.s32 s2, s16  }
0x8e: {  	[smem:$0x3FC0] =	sst s2  }
0x8f: {  	_ = 	snop  }
0x90: {  	(tm) =	ssettm $0x1  }
0x91: {  	s17 =	sld [smem:$0x3FFB];
	_ =	sdelay $0x3  }
0x92: {  	_ =	strace s17  }
0x93: {  	s2 =	sld [smem:$0x3FFC];
	_ =	sdelay $0x3  }
0x94: {  	_ =	strace s2  }
0x95: {  	s2 =	sld [smem:$0x3FFD];
	_ =	sdelay $0x3  }
0x96: {  	_ =	strace s2  }
0x97: {  	_ =	strace $0x8FFFFFFF  }
0x98: {  	s18 =	sld [smem:$0x3FDB];
	_ =	sdelay $0x1  }
0x99: {  	s19 =	simm.s32 $_scs_section_size  }
0x9a: {  	s4 =	simm.s32 $_size__tile_overlayer_lowered;
	s5 =	simm.s32 $_tile_overlayer_lowered  }
0x9b: {  	s22 =	simm.s32 $0x1BFF;
	s21 =	sshll.u32 s5, $0x1;
	s2 =	sadd.s32 s19, s18  }
0x9c: {  	s6 =	simm.s32 $0x0;
	s20 =	sshll.u32 s4, $0x1;
	s4 =	sadd.s32 s21, s2  }
0x9d: {  	[timem:s6], [sflag:s22] =	dma.local [hbm:s4], s20  }
0x9e: {  	_ =	swait.ge [sflag:s22], s20  }
0x9f: {  	s3 =	ssub.s32 $0x0, s20;
	[sflag:s22] =	ssyncset.done $0x0  }
0xa0: {  	[sflag:s22] =	ssyncadd.s32 s3;
	_ =	sdelay $0x1  }
0xa1: {  	s23 =	simm.s32 $0x1B8B  }
0xa2: {  	_ =	swait.ge [sflag:s23], $0x1  }
0xa3: {  	[sflag:s23] =	ssyncset.done $0x0  }
0xa4: {  	s25 =	simm.s32 $0x1B8E;
	s24 =	sld [smem:$0x3FFE];
	[sflag:s23] =	ssyncadd.s32 $0xFFFFFFFF  }
0xa5: {  	s26 =	simm.s32 $execute0_lowered;
	[smem:$0x3FD2] =	sst s25  }
0xa6: {  	s4 =	sshll.u32 s26, $0x1;
	_ =	strace $0x8000004F;
	[dreg:$0x1] =	wrdreg $0xFFFFFFFF  }
0xa7: {  	s28 =	simm.s32 $_size_execute0_lowered;
	s2 =	sadd.s32 s2, s4;
	[dreg:$0x0] =	wrdreg $0x0  }
0xa8: {  	s4 =	sshll.u32 s28, $0x1;
	[dreg:$0x2] =	wrdreg s2  }
0xa9: {  	[dreg:$0x3] =	wrdreg s4  }
0xaa: {  	[dreg:$0x4] =	wrdreg $0xC0  }
0xab: {  	_ =	task [dreg:s6], $0x5FFFF  }
0xac: {  	[dreg:$0x1] =	wrdreg $0xFFFFFFFF  }
0xad: {  	[dreg:$0x0] =	wrdreg $0x60  }
0xae: {  	[dreg:$0x2] =	wrdreg s24  }
0xaf: {  	[dreg:$0x3] =	wrdreg $0x9  }
0xb0: {  	_ =	task.clear_ibuf [dreg:s6], $0x4FFFF;
	_ =	strace $0x9000004F  }
0xb1: {  	s29 =	simm.s32 $0x9;
	_ =	strace $0x80000051  }
0xb2: {  	_ =	swait.ge [sflag:s29], $0x1  }
0xb3: {  	[sflag:s29] =	ssyncadd.s32 $0xFFFFFFFF  }
0xb4: {  	_ =	strace $0x90000051  }
0xb5: {  	_ =	sfence  }
0xb6: {  	s30 =	sld [smem:$0x0];
	_ =	sdelay $0x2  }
0xb7: {  	s31 =	sshll.u32 s1, $0xD;
	s1 =	sshrl.u32 s1, $0x2  }
0xb8: {  	s3 =	sand.u32 $0x4000, s31;
	s1 =	sadd.s32 s1, s30  }
0xb9: {  	s0 =	sor.u32 s3, s0;
	s1 =	sshll.u32 s1, $0x11  }
0xba: {  	s0 =	sor.u32 s1, s0  }
0xbb: {  	s0 =	sadd.s32 $0x8F2B, s0  }
0xbc: {  	[sflag:s0] =	ssyncadd.remote.s32 $0x1  }
0xbd: {  	_ =	sfence.sel $0xFFFF  }
0xbe: {  	[dreg:$0x0] =	wrdreg $0xFFFFFFFF;
	(pc) =	sbr.abs _section_cstart, $3  }
0xbf: {  	[dreg:$0x1] =	wrdreg $0xFFFFFFFF  }
0xc0: {  	_ =	task.clear_ibuf [dreg:s6], $0x2FFFF;
	_ =	strace $0x9FFFFFFF  }
0xc1: {  	(tm) =	ssettm $0x7FFFFFFF  }
tec
execute0_lowered:
.L_overlay_start_1:
0x0: {  	(tag) =	ssettag $0x1  }
0x1: {  	s8 =	rddreg [dreg:$0x0]  }
0x2: {  	s0 =	rddreg [dreg:$0x1];
	_ =	strace $0x80000050;
	s1 =	stileid.u32  }
0x3: {  	s3 =	srdreg.scid;
	s4 =	simm.s32 $0x1;
	s7 =	simm.s32 $0x1  }
0x4: {  	s9 =	simm.s32 $0x1;
	s10 =	simm.s32 $0x3;
	s13 =	simm.s32 $0x0  }
0x5: {  	s12 =	simm.s32 $0x0;
	s5 =	sand.u32 $0x1, s3;
	s6 =	sshll.u32 s1, $0x1  }
0x6: {  	s2 =	sadd.s32 $0x21800, s8;
	s3 =	sadd.s32 $0x2B600, s8;
	s5 =	sor.u32 s6, s5  }
.Ltmp0:
0x7: {  	[sflag:s4] =	ssyncpa.u1 $0x0;
	p0 =	slt.u32 s5, $0x9;
	(pc) =	sbr.rel .LBB2_1-.Ltmp0, $4  }
0x8: {  	s6 =	simm.s32 $0x2;
	s7 =	simm.s32 @!p0 $0x0;
	p0 =	sne.s32 s5, $0x8  }
0x9: {  	[sflag:s6] =	ssyncpa.u1 $0x0;
	s5 =	smul.u32 $0x1F40, s5;
	s9 =	simm.s32 @!p0 $0x0  }
0xa: {  	s8 =	sadd.s32 $0x35400, s8;
	[sflag:s10] =	ssyncpa.u1 $0x0;
	s7 =	sadd.s32 s9, s7  }
0xb: {  	vm0 =	vmmov $0xffff;
	s10 =	simm.s32 $0x0;
	s11 =	smov.u32 s5;
	s9 =	sadd.s32 $0x1, s7  }
.LBB2_4:
0xc: {  	v2 =	vnsel vm1, $0x0, v2  }
0xd: {  	vm1 =	vgt.s32 v0, $0x0;
	v2 =	vmin.u32 v2, $0x4E1FF  }
0xe: {  	v0 =	vnsel vm1, $0x0, v0  }
0xf: {  	v0 =	vmin.u32 v0, $0x4E1FF  }
0x10: {  	[tilespmem:s18], [sflag:$0x1] =	stream.indirect_vreg.gather [hbm4b:s2+s10], $0x1, v1, vm0, $0x4038;
	[tilespmem:$0x7D00] =	vst v63  }
0x11: {  	(ifvalue) =	ssetifvalue $0x7FFFFFFF  }
0x12: {  	[tilespmem:s15], [sflag:$0x1] =	stream.indirect_vreg.gather [hbm4b:s2+s10], $0x1, v2, vm0, $0x4038;
	[tilespmem:$0x7D00] =	vst v63  }
0x13: {  	s29 =	sadd.s32 $0x10, s15;
	(ifvalue) =	ssetifvalue $0x7FFFFFFF  }
0x14: {  	[tilespmem:s29], [sflag:$0x1] =	stream.indirect_vreg.gather [hbm4b:s2+s10], $0x1, v0, vm0, $0x4038;
	[tilespmem:$0x7D00] =	vst v63  }
0x15: {  	_ =	swait.ge [sflag:s4], $0x1F40  }
0x16: {  	s30 =	sshrl.u32 s13, $0x3;
	[sflag:s4] =	ssyncset.done $0x0  }
0x17: {  	s31 =	sand.u32 $0x7, s13;
	s15 =	sadd.s32 s8, s30;
	[sflag:s4] =	ssyncadd.s32 $0xFFFFE0C0  }
0x18: {  	[hbm4b:s15+s31] =	stream.linear.scatter [tilespmem:s14], [sflag:$0x3], $0x1F40, $0x38;
	[tilespmem:$0x7D00] =	vst v63  }
.LBB2_5:
0x19: {  	s15 =	sadd.s32 $0x3E800, s11  }
0x1a: {  	p1 =	sgt.s32 s15, $0x4E1FF  }
0x1b: {  	s15 =	smov.u32 @p1 s5;
	p1 =	sne.s32 s12, s9  }
.Ltmp1:
0x1c: {  	p0 =	slt.u32 s12, $0x2;
	(pc) =	sbr.rel @!p1 .LBB2_6-.Ltmp1, $4  }
0x1d: {  	s14 =	simm.s32 @!p0 $0x3  }
0x1e: {  	_ =	swait.ge @!p0 [sflag:s14], $0x1F40  }
0x1f: {  	s16 =	sadd.s32 $0x1, s12;
	s13 =	smov.u32 s11;
	[sflag:s14] =	ssyncset.done @!p0 $0x0  }
0x20: {  	s12 =	smov.u32 s16;
	s11 =	smov.u32 s15;
	[sflag:s14] =	ssyncadd.s32 @!p0 $0xFFFFE0C0  }
.LBB2_1:
0x21: {  	p0 =	sge.u32 s12, s7  }
0x22: {  	s14 =	sxor.u32 @!p0 $0x1, s12  }
0x23: {  	s14 =	smul.u32 @!p0 $0x7D00, s14  }
0x24: {  	s31 =	sadd.s32 $0xFFFFFFFF, s12;
	s15 =	sshrl.u32 @!p0 s11, $0x3  }
0x25: {  	s16 =	sand.u32 @!p0 $0x7, s11;
	s15 =	sadd.s32 @!p0 s3, s15;
	s14 =	sshra.s32 @!p0 s14, $0x2  }
0x26: {  	[tilespmem:s14], [sflag:$0x2] =	stream.linear.gather @!p0 [hbm4b:s15+s16], $0x1F40, $0x38;
	[tilespmem:$0x7D00] =	vst v63  }
0x27: {  	p0 =	sge.u32 s31, s7  }
.Ltmp2:
0x28: {  	_ = 	snop;
	(pc) =	sbr.rel @p0 .LBB2_5-.Ltmp2, $1  }
0x29: {  	_ =	sdelay $0x3  }
0x2a: {  	s14 =	sand.u32 $0x1, s12  }
0x2b: {  	_ =	swait.ge [sflag:s6], $0x1F40;
	p0 =	seq.s32 s14, $0x1;
	s14 =	simm.s32 $0x1F40  }
0x2c: {  	[sflag:s6] =	ssyncset.done $0x0;
	s14 =	simm.s32 @!p0 $0x0  }
0x2d: {  	[sflag:s6] =	ssyncadd.s32 $0xFFFFE0C0;
	(ifvalue) =	ssetifvalue $0x7FFFFFFF;
	v0 =	vld.msk [tilespmem:s14+$0x0 ss:$0x1], $0xffff;
	_ =	sdelay $0x4  }
0x2e: {  	s15 =	sadd.s32 $0x10, s14;
	vm1 =	vgt.s32 v0, $0x0  }
0x2f: {  	v2 =	vld.msk [tilespmem:s15+$0x0 ss:$0x1], $0xffff;
	v1 =	vnsel vm1, $0x0, v0  }
0x30: {  	v1 =	vmin.u32 v1, $0x4E1FF;
	_ =	sdelay $0x2  }
0x31: {  	s17 =	simm.s32 $0x20;
	s14 =	sadd.s32 $0x3E80, s14;
	s16 =	sadd.s32 $0x10, s15  }
0x32: {  	s15 =	sadd.s32 $0x10, s14;
	s18 =	smov.u32 s14;
	v0 =	vld.msk [tilespmem:s16+$0x0 ss:$0x1], $0xffff;
	vm1 =	vgt.s32 v2, $0x0;
	(ifvalue) =	ssetifvalue $0x7FFFFFFF  }
.LBB2_3:
0x33: {  	[tilespmem:s18], [sflag:$0x1] =	stream.indirect_vreg.gather [hbm4b:s2+s10], $0x1, v1, vm0, $0x4038;
	[tilespmem:$0x7D00] =	vst v63  }
0x34: {  	s17 =	sadd.s32 $0x10, s17  }
0x35: {  	v2 =	vnsel vm1, $0x0, v2;
	p0 =	slt.u32 s17, $0x1F30  }
.Ltmp3:
0x36: {  	s18 =	smov.u32 s15;
	v1 =	vmin.u32 v2, $0x4E1FF;
	(pc) =	sbr.rel @p0 .LBB2_3-.Ltmp3, $3  }
0x37: {  	_ =	sdelay $0x1  }
0x38: {  	s16 =	sadd.s32 $0x10, s16  }
0x39: {  	vm1 =	vgt.s32 v0, $0x0;
	s15 =	sadd.s32 $0x10, s15;
	v2 =	vmov v0;
	(ifvalue) =	ssetifvalue $0x7FFFFFFF;
	v0 =	vld.msk [tilespmem:s16+$0x0 ss:$0x1], $0xffff  }
.Ltmp4:
0x3a: {  	_ = 	snop;
	(pc) =	sbr.rel .LBB2_4-.Ltmp4, $1  }
0x3b: {  	_ =	sdelay $0x3  }
.LBB2_6:
0x3c: {  	_ =	sfence.sel $0x180000  }
0x3d: {  	s2 =	simm.s32 $0x2;
	[bflag:$0x0] =	sbarrier.arrive $0xFFFF  }
0x3e: {  	s30 =	simm.s32 $0x3;
	[sflag:s2] =	ssyncpa.u1 $0x1  }
0x3f: {  	s31 =	simm.s32 $0x1;
	[sflag:s30] =	ssyncpa.u1 $0x1  }
0x40: {  	[sflag:s31] =	ssyncpa.u1 $0x1  }
0x41: {  	p0 =	sne.s32 s1, $0x0;
	_ =	strace $0x90000050  }
0x42: {  	s0 =	sadd.s32 @!p0 $0x100000, s0;
	[bflag:$0x2] =	sbarrier.arrive $0xFFFF  }
0x43: {  	[sflag:s0] =	ssyncadd.tile.s32 @!p0 $0x1;
	_ =	shalt  }
.Lfunc_end2:
_tile_overlayer_lowered:
.L_overlay_start_2:
0x44: {  	(tag) =	ssettag $0x2  }
0x45: {  	s0 =	rddreg [dreg:$0x0];
	s2 =	stileid.u32  }
0x46: {  	s1 =	rddreg [dreg:$0x1];
	p0 =	sne.s32 s2, $0x0  }
0x47: {  	s3 =	rddreg [dreg:$0x2];
	[bflag:$0x3] =	sbarrier.arrive $0xFFFF;
	s2 =	simm.s32 @!p0 $0x1C01  }
0x48: {  	[timem:s3], [sflag:s2] =	dma.local @!p0 [hbm:s0], s1  }
0x49: {  	s0 =	simm.s32 @!p0 $0x1  }
0x4a: {  	_ =	swait.ge @!p0 [sflag:s0], s1  }
0x4b: {  	s1 =	ssub.s32 @!p0 $0x0, s1;
	[sflag:s0] =	ssyncset.done @!p0 $0x0  }
0x4c: {  	[sflag:s0] =	ssyncadd.s32 @!p0 s1  }
0x4d: {  	[bflag:$0x3] =	sbarrier.arrive $0xFFFF  }
0x4e: {  	_ =	shalt  }

// kernel: gather_offload_async_start
scs
__scs_entry_jumppad:
0x0: {  	(pc) =	sbr.rel $0x88, $3  }
0x1: {  	(tag) =	ssettag $0x0;
	lr =	simm.s32 $0x1  }
0x2: {  	[smem:$0x3F99] =	sst lr;
	_ =	strace $0xD0000000  }
0x3: {  	_ = 	snop  }
0x4: {  	_ = 	snop  }
0x5: {  	_ = 	snop  }
0x6: {  	_ = 	snop  }
0x7: {  	_ = 	snop  }
__scs_overlays_trampoline_lowered:
0x8: {  	[smem:$0x3FA8] =	sst s0  }
0x9: {  	[smem:$0x3FA9] =	sst s1  }
0xa: {  	[smem:$0x3FAA] =	sst s2  }
0xb: {  	[smem:$0x3FAB] =	sst s3  }
0xc: {  	[smem:$0x3FAC] =	sst s4  }
0xd: {  	[smem:$0x3FAD] =	sst s5  }
0xe: {  	[smem:$0x3FAE] =	sst s6  }
0xf: {  	[smem:$0x3FAF] =	sst s7  }
0x10: {  	[smem:$0x3FB0] =	sst s8  }
0x11: {  	[smem:$0x3FB1] =	sst s9;
	s0 =	simm.s32 @!p0 $0x0  }
0x12: {  	s1 =	sld [smem:$0x3F97];
	s0 =	simm.s32 @p0 $0x1  }
0x13: {  	[smem:$0x3FB2] =	sst s0;
	s0 =	simm.s32 @!p1 $0x0  }
0x14: {  	s2 =	sld [smem:$0x3F96];
	s0 =	simm.s32 @p1 $0x1  }
0x15: {  	[smem:$0x3FB3] =	sst s0;
	s0 =	simm.s32 @!p2 $0x0  }
0x16: {  	s3 =	sld [smem:$0x3FDB];
	s0 =	simm.s32 @p2 $0x1  }
0x17: {  	s4 =	simm.s32 $0x1BF5;
	[smem:$0x3FB5] =	sst s0  }
0x18: {  	s0 =	sld [smem:$0x3F98];
	_ =	swait.ge [sflag:s4], $0x0  }
0x19: {  	s7 =	sld [smem:$0x3F99]  }
0x1a: {  	s8 =	sadd.s32 $0xFFFFE003, lr  }
0x1b: {  	s9 =	sadd.s32 $0xFFFFFEF7, lr;
	s5 =	simm.s32 $0xFFFFFFFF;
	p2 =	slt.u32 s8, $0xFFFFF086  }
0x1c: {  	p1 =	slt.u32 s9, $0xF7A;
	s5 =	simm.s32 @!p2 $0x0  }
0x1d: {  	s5 =	simm.s32 @p1 $0x1;
	p0 =	seq.s32 s7, s2  }
0x1e: {  	s7 =	smul.u32 @!p0 $0xF7A, s2;
	p2 =	seq.s32 @!p0 s5, $0x0  }
0x1f: {  	s9 =	smul.u32 $0xF7A, s1;
	s8 =	simm.s32 @!p0 $0x1BF5;
	p2 =	por !p2, p0  }
0x20: {  	[sflag:s8] =	ssyncset.s32 @!p0 $0xFFFFF086;
	s6 =	sadd.s32 @!p0 s3, s7;
	s7 =	simm.s32 @!p0 $0x108  }
0x21: {  	s3 =	sadd.s32 s3, s9;
	s6 =	sadd.s32 @!p0 $0x88, s6;
	s7 =	simm.s32 @p2 $0x1082  }
0x22: {  	[simem:s7], [sflag:s8] =	dma.local @!p0 [hbm:s6], $0xF7A  }
0x23: {  	s9 =	sor.u32 $0xD0000000, s2;
	s6 =	simm.s32 $0x108;
	_ =	swait.ge @!p0 [sflag:s8], $0x0  }
0x24: {  	s3 =	sadd.s32 $0x88, s3;
	s6 =	simm.s32 @!p1 $0x1082;
	[sflag:s4] =	ssyncset.s32 $0xFFFFF086  }
0x25: {  	[simem:s6], [sflag:s4] =	dma.local [hbm:s3], $0xF7A  }
0x26: {  	[smem:$0x3F99] =	sst s1;
	(tag) =	ssettag s2;
	_ =	strace s9  }
0x27: {  	s1 =	sld [smem:$0x3FA9]  }
0x28: {  	s2 =	sld [smem:$0x3FAA]  }
0x29: {  	s4 =	sld [smem:$0x3FAC]  }
0x2a: {  	p0 =	seq.s32 s5, $0x0;
	s5 =	sld [smem:$0x3FAD]  }
0x2b: {  	s6 =	sld [smem:$0x3FAE]  }
0x2c: {  	s7 =	sld [smem:$0x3FAF]  }
0x2d: {  	s3 =	simm.s32 $0x108;
	s8 =	sld [smem:$0x3FB0]  }
0x2e: {  	s3 =	simm.s32 @!p0 $0x1082;
	s9 =	sld [smem:$0x3FB1]  }
0x2f: {  	lr =	sadd.s32 s0, s3;
	s0 =	sld [smem:$0x3FA8]  }
0x30: {  	s3 =	sld [smem:$0x3FAB]  }
0x31: {  	[smem:$0x3FB4] =	sst s10  }
0x32: {  	s10 =	sld [smem:$0x3FB2];
	_ =	sdelay $0x3  }
0x33: {  	p0 =	seq.s32 s10, $0x1;
	s10 =	sld [smem:$0x3FB4];
	_ =	sdelay $0x3  }
0x34: {  	[smem:$0x3FB4] =	sst s10  }
0x35: {  	s10 =	sld [smem:$0x3FB3];
	_ =	sdelay $0x3  }
0x36: {  	p1 =	seq.s32 s10, $0x1;
	s10 =	sld [smem:$0x3FB4];
	_ =	sdelay $0x3  }
0x37: {  	[smem:$0x3FB4] =	sst s10  }
0x38: {  	s10 =	sld [smem:$0x3FB5]  }
0x39: {  	_ = 	snop;
	(pc) =	sbr.ind lr, $3  }
0x3a: {  	_ = 	snop  }
0x3b: {  	_ = 	snop  }
0x3c: {  	p2 =	seq.s32 s10, $0x1;
	s10 =	sld [smem:$0x3FB4]  }
0x3d: {  	_ =	shalt  }
0x3e: {  	_ =	shalt  }
0x3f: {  	_ =	shalt  }
0x40: {  	_ =	shalt  }
0x41: {  	_ =	shalt  }
0x42: {  	_ =	shalt  }
0x43: {  	_ =	shalt  }
0x44: {  	_ =	shalt  }
0x45: {  	_ =	shalt  }
0x46: {  	_ =	shalt  }
0x47: {  	_ =	shalt  }
0x48: {  	_ =	shalt  }
0x49: {  	_ =	shalt  }
0x4a: {  	_ =	shalt  }
0x4b: {  	_ =	shalt  }
0x4c: {  	_ =	shalt  }
0x4d: {  	_ =	shalt  }
0x4e: {  	_ =	shalt  }
0x4f: {  	_ =	shalt  }
0x50: {  	_ =	shalt  }
0x51: {  	_ =	shalt  }
0x52: {  	_ =	shalt  }
0x53: {  	_ =	shalt  }
0x54: {  	_ =	shalt  }
0x55: {  	_ =	shalt  }
0x56: {  	_ =	shalt  }
0x57: {  	_ =	shalt  }
0x58: {  	_ =	shalt  }
0x59: {  	_ =	shalt  }
0x5a: {  	_ =	shalt  }
0x5b: {  	_ =	shalt  }
0x5c: {  	_ =	shalt  }
0x5d: {  	_ =	shalt  }
0x5e: {  	_ =	shalt  }
0x5f: {  	_ =	shalt  }
0x60: {  	_ =	shalt  }
0x61: {  	_ =	shalt  }
0x62: {  	_ =	shalt  }
0x63: {  	_ =	shalt  }
0x64: {  	_ =	shalt  }
0x65: {  	_ =	shalt  }
0x66: {  	_ =	shalt  }
0x67: {  	_ =	shalt  }
0x68: {  	_ =	shalt  }
0x69: {  	_ =	shalt  }
0x6a: {  	_ =	shalt  }
0x6b: {  	_ =	shalt  }
0x6c: {  	_ =	shalt  }
0x6d: {  	_ =	shalt  }
0x6e: {  	_ =	shalt  }
0x6f: {  	_ =	shalt  }
0x70: {  	_ =	shalt  }
0x71: {  	_ =	shalt  }
0x72: {  	_ =	shalt  }
0x73: {  	_ =	shalt  }
0x74: {  	_ =	shalt  }
0x75: {  	_ =	shalt  }
0x76: {  	_ =	shalt  }
0x77: {  	_ =	shalt  }
0x78: {  	_ =	shalt  }
0x79: {  	_ =	shalt  }
0x7a: {  	_ =	shalt  }
0x7b: {  	_ =	shalt  }
0x7c: {  	_ =	shalt  }
0x7d: {  	_ =	shalt  }
0x7e: {  	_ =	shalt  }
0x7f: {  	_ =	shalt  }
0x80: {  	_ =	shalt  }
0x81: {  	_ =	shalt  }
0x82: {  	_ =	shalt  }
0x83: {  	_ =	shalt  }
0x84: {  	_ =	shalt  }
0x85: {  	_ =	shalt  }
0x86: {  	_ =	shalt  }
0x87: {  	_ =	shalt  }
.Lfunc_end0:
.L_simem_size_0:
called_computation.1_lowered:
.L_overlay_start_0:
0x88: {  	s2 =	sld [smem:$0x3FD9]  }
0x89: {  	s3 =	sld [smem:$0x3FFE];
	_ =	sdelay $0x1  }
0x8a: {  	s1 =	srdreg.scid  }
0x8b: {  	s0 =	sand.u32 $0x1, s1  }
0x8c: {  	s16 =	sshll.u32 s0, $0xA;
	s2 =	sadd.s32 s3, s2  }
0x8d: {  	s2 =	sadd.s32 s2, s16  }
0x8e: {  	[smem:$0x3FC0] =	sst s2  }
0x8f: {  	_ = 	snop  }
0x90: {  	(tm) =	ssettm $0x1  }
0x91: {  	s17 =	sld [smem:$0x3FFB];
	_ =	sdelay $0x3  }
0x92: {  	_ =	strace s17  }
0x93: {  	s2 =	sld [smem:$0x3FFC];
	_ =	sdelay $0x3  }
0x94: {  	_ =	strace s2  }
0x95: {  	s2 =	sld [smem:$0x3FFD];
	_ =	sdelay $0x3  }
0x96: {  	_ =	strace s2  }
0x97: {  	_ =	strace $0x8FFFFFFF  }
0x98: {  	s18 =	sld [smem:$0x3FDB];
	_ =	sdelay $0x1  }
0x99: {  	s19 =	simm.s32 $_scs_section_size  }
0x9a: {  	s4 =	simm.s32 $_size__tile_overlayer_lowered;
	s5 =	simm.s32 $_tile_overlayer_lowered  }
0x9b: {  	s22 =	simm.s32 $0x1BFF;
	s21 =	sshll.u32 s5, $0x1;
	s2 =	sadd.s32 s19, s18  }
0x9c: {  	s6 =	simm.s32 $0x0;
	s20 =	sshll.u32 s4, $0x1;
	s4 =	sadd.s32 s21, s2  }
0x9d: {  	[timem:s6], [sflag:s22] =	dma.local [hbm:s4], s20  }
0x9e: {  	_ =	swait.ge [sflag:s22], s20  }
0x9f: {  	s3 =	ssub.s32 $0x0, s20;
	[sflag:s22] =	ssyncset.done $0x0  }
0xa0: {  	[sflag:s22] =	ssyncadd.s32 s3;
	_ =	sdelay $0x1  }
0xa1: {  	s23 =	simm.s32 $0x1B8B  }
0xa2: {  	_ =	swait.ge [sflag:s23], $0x1  }
0xa3: {  	[sflag:s23] =	ssyncset.done $0x0  }
0xa4: {  	s25 =	simm.s32 $0x1B8E;
	s24 =	sld [smem:$0x3FFE];
	[sflag:s23] =	ssyncadd.s32 $0xFFFFFFFF  }
0xa5: {  	s26 =	simm.s32 $execute0_lowered;
	[smem:$0x3FD2] =	sst s25  }
0xa6: {  	s4 =	sshll.u32 s26, $0x1;
	_ =	strace $0x80000049;
	[dreg:$0x1] =	wrdreg $0xFFFFFFFF  }
0xa7: {  	s28 =	simm.s32 $_size_execute0_lowered;
	s2 =	sadd.s32 s2, s4;
	[dreg:$0x0] =	wrdreg $0x0  }
0xa8: {  	s4 =	sshll.u32 s28, $0x1;
	[dreg:$0x2] =	wrdreg s2  }
0xa9: {  	[dreg:$0x3] =	wrdreg s4  }
0xaa: {  	[dreg:$0x4] =	wrdreg $0xC0  }
0xab: {  	_ =	task [dreg:s6], $0x5FFFF  }
0xac: {  	[dreg:$0x1] =	wrdreg $0xFFFFFFFF  }
0xad: {  	[dreg:$0x0] =	wrdreg $0x60  }
0xae: {  	[dreg:$0x2] =	wrdreg s24  }
0xaf: {  	[dreg:$0x3] =	wrdreg $0x9  }
0xb0: {  	_ =	task.clear_ibuf [dreg:s6], $0x4FFFF;
	_ =	strace $0x90000049  }
0xb1: {  	s29 =	simm.s32 $0x9;
	_ =	strace $0x8000004B  }
0xb2: {  	_ =	swait.ge [sflag:s29], $0x1  }
0xb3: {  	[sflag:s29] =	ssyncadd.s32 $0xFFFFFFFF  }
0xb4: {  	_ =	strace $0x9000004B  }
0xb5: {  	_ =	sfence  }
0xb6: {  	s30 =	sld [smem:$0x0];
	_ =	sdelay $0x2  }
0xb7: {  	s31 =	sshll.u32 s1, $0xD;
	s1 =	sshrl.u32 s1, $0x2  }
0xb8: {  	s3 =	sand.u32 $0x4000, s31;
	s1 =	sadd.s32 s1, s30  }
0xb9: {  	s0 =	sor.u32 s3, s0;
	s1 =	sshll.u32 s1, $0x11  }
0xba: {  	s0 =	sor.u32 s1, s0  }
0xbb: {  	s0 =	sadd.s32 $0x8F2B, s0  }
0xbc: {  	[sflag:s0] =	ssyncadd.remote.s32 $0x1  }
0xbd: {  	_ =	sfence.sel $0xFFFF  }
0xbe: {  	[dreg:$0x0] =	wrdreg $0xFFFFFFFF;
	(pc) =	sbr.abs _section_cstart, $3  }
0xbf: {  	[dreg:$0x1] =	wrdreg $0xFFFFFFFF  }
0xc0: {  	_ =	task.clear_ibuf [dreg:s6], $0x2FFFF;
	_ =	strace $0x9FFFFFFF  }
0xc1: {  	(tm) =	ssettm $0x7FFFFFFF  }
tec
execute0_lowered:
.L_overlay_start_1:
0x0: {  	(tag) =	ssettag $0x1  }
0x1: {  	s8 =	rddreg [dreg:$0x0]  }
0x2: {  	s0 =	rddreg [dreg:$0x1];
	_ =	strace $0x8000004A;
	s1 =	stileid.u32  }
0x3: {  	s3 =	srdreg.scid;
	s4 =	simm.s32 $0x1;
	s7 =	simm.s32 $0x1  }
0x4: {  	s9 =	simm.s32 $0x1;
	s10 =	simm.s32 $0x3;
	s13 =	simm.s32 $0x0  }
0x5: {  	s12 =	simm.s32 $0x0;
	s5 =	sand.u32 $0x1, s3;
	s6 =	sshll.u32 s1, $0x1  }
0x6: {  	s2 =	sadd.s32 $0x17A00, s8;
	s3 =	sadd.s32 $0x2B600, s8;
	s5 =	sor.u32 s6, s5  }
.Ltmp0:
0x7: {  	[sflag:s4] =	ssyncpa.u1 $0x0;
	p0 =	slt.u32 s5, $0x9;
	(pc) =	sbr.rel .LBB2_1-.Ltmp0, $4  }
0x8: {  	s6 =	simm.s32 $0x2;
	s7 =	simm.s32 @!p0 $0x0;
	p0 =	sne.s32 s5, $0x8  }
0x9: {  	[sflag:s6] =	ssyncpa.u1 $0x0;
	s5 =	smul.u32 $0x1F40, s5;
	s9 =	simm.s32 @!p0 $0x0  }
0xa: {  	s8 =	sadd.s32 $0x35400, s8;
	[sflag:s10] =	ssyncpa.u1 $0x0;
	s7 =	sadd.s32 s9, s7  }
0xb: {  	vm0 =	vmmov $0xffff;
	s10 =	simm.s32 $0x0;
	s11 =	smov.u32 s5;
	s9 =	sadd.s32 $0x1, s7  }
.LBB2_4:
0xc: {  	v2 =	vnsel vm1, $0x0, v2  }
0xd: {  	vm1 =	vgt.s32 v0, $0x0;
	v2 =	vmin.u32 v2, $0x4E1FF  }
0xe: {  	v0 =	vnsel vm1, $0x0, v0  }
0xf: {  	v0 =	vmin.u32 v0, $0x4E1FF  }
0x10: {  	[tilespmem:s18], [sflag:$0x1] =	stream.indirect_vreg.gather [hbm4b:s2+s10], $0x1, v1, vm0, $0x4038;
	[tilespmem:$0x7D00] =	vst v63  }
0x11: {  	(ifvalue) =	ssetifvalue $0x7FFFFFFF  }
0x12: {  	[tilespmem:s15], [sflag:$0x1] =	stream.indirect_vreg.gather [hbm4b:s2+s10], $0x1, v2, vm0, $0x4038;
	[tilespmem:$0x7D00] =	vst v63  }
0x13: {  	s29 =	sadd.s32 $0x10, s15;
	(ifvalue) =	ssetifvalue $0x7FFFFFFF  }
0x14: {  	[tilespmem:s29], [sflag:$0x1] =	stream.indirect_vreg.gather [hbm4b:s2+s10], $0x1, v0, vm0, $0x4038;
	[tilespmem:$0x7D00] =	vst v63  }
0x15: {  	_ =	swait.ge [sflag:s4], $0x1F40  }
0x16: {  	s30 =	sshrl.u32 s13, $0x3;
	[sflag:s4] =	ssyncset.done $0x0  }
0x17: {  	s31 =	sand.u32 $0x7, s13;
	s15 =	sadd.s32 s8, s30;
	[sflag:s4] =	ssyncadd.s32 $0xFFFFE0C0  }
0x18: {  	[hbm4b:s15+s31] =	stream.linear.scatter [tilespmem:s14], [sflag:$0x3], $0x1F40, $0x38;
	[tilespmem:$0x7D00] =	vst v63  }
.LBB2_5:
0x19: {  	s15 =	sadd.s32 $0x3E800, s11  }
0x1a: {  	p1 =	sgt.s32 s15, $0x4E1FF  }
0x1b: {  	s15 =	smov.u32 @p1 s5;
	p1 =	sne.s32 s12, s9  }
.Ltmp1:
0x1c: {  	p0 =	slt.u32 s12, $0x2;
	(pc) =	sbr.rel @!p1 .LBB2_6-.Ltmp1, $4  }
0x1d: {  	s14 =	simm.s32 @!p0 $0x3  }
0x1e: {  	_ =	swait.ge @!p0 [sflag:s14], $0x1F40  }
0x1f: {  	s16 =	sadd.s32 $0x1, s12;
	s13 =	smov.u32 s11;
	[sflag:s14] =	ssyncset.done @!p0 $0x0  }
0x20: {  	s12 =	smov.u32 s16;
	s11 =	smov.u32 s15;
	[sflag:s14] =	ssyncadd.s32 @!p0 $0xFFFFE0C0  }
.LBB2_1:
0x21: {  	p0 =	sge.u32 s12, s7  }
0x22: {  	s14 =	sxor.u32 @!p0 $0x1, s12  }
0x23: {  	s14 =	smul.u32 @!p0 $0x7D00, s14  }
0x24: {  	s31 =	sadd.s32 $0xFFFFFFFF, s12;
	s15 =	sshrl.u32 @!p0 s11, $0x3  }
0x25: {  	s16 =	sand.u32 @!p0 $0x7, s11;
	s15 =	sadd.s32 @!p0 s3, s15;
	s14 =	sshra.s32 @!p0 s14, $0x2  }
0x26: {  	[tilespmem:s14], [sflag:$0x2] =	stream.linear.gather @!p0 [hbm4b:s15+s16], $0x1F40, $0x38;
	[tilespmem:$0x7D00] =	vst v63  }
0x27: {  	p0 =	sge.u32 s31, s7  }
.Ltmp2:
0x28: {  	_ = 	snop;
	(pc) =	sbr.rel @p0 .LBB2_5-.Ltmp2, $1  }
0x29: {  	_ =	sdelay $0x3  }
0x2a: {  	s14 =	sand.u32 $0x1, s12  }
0x2b: {  	_ =	swait.ge [sflag:s6], $0x1F40;
	p0 =	seq.s32 s14, $0x1;
	s14 =	simm.s32 $0x1F40  }
0x2c: {  	[sflag:s6] =	ssyncset.done $0x0;
	s14 =	simm.s32 @!p0 $0x0  }
0x2d: {  	[sflag:s6] =	ssyncadd.s32 $0xFFFFE0C0;
	(ifvalue) =	ssetifvalue $0x7FFFFFFF;
	v0 =	vld.msk [tilespmem:s14+$0x0 ss:$0x1], $0xffff;
	_ =	sdelay $0x4  }
0x2e: {  	s15 =	sadd.s32 $0x10, s14;
	vm1 =	vgt.s32 v0, $0x0  }
0x2f: {  	v2 =	vld.msk [tilespmem:s15+$0x0 ss:$0x1], $0xffff;
	v1 =	vnsel vm1, $0x0, v0  }
0x30: {  	v1 =	vmin.u32 v1, $0x4E1FF;
	_ =	sdelay $0x2  }
0x31: {  	s17 =	simm.s32 $0x20;
	s14 =	sadd.s32 $0x3E80, s14;
	s16 =	sadd.s32 $0x10, s15  }
0x32: {  	s15 =	sadd.s32 $0x10, s14;
	s18 =	smov.u32 s14;
	v0 =	vld.msk [tilespmem:s16+$0x0 ss:$0x1], $0xffff;
	vm1 =	vgt.s32 v2, $0x0;
	(ifvalue) =	ssetifvalue $0x7FFFFFFF  }
.LBB2_3:
0x33: {  	[tilespmem:s18], [sflag:$0x1] =	stream.indirect_vreg.gather [hbm4b:s2+s10], $0x1, v1, vm0, $0x4038;
	[tilespmem:$0x7D00] =	vst v63  }
0x34: {  	s17 =	sadd.s32 $0x10, s17  }
0x35: {  	v2 =	vnsel vm1, $0x0, v2;
	p0 =	slt.u32 s17, $0x1F30  }
.Ltmp3:
0x36: {  	s18 =	smov.u32 s15;
	v1 =	vmin.u32 v2, $0x4E1FF;
	(pc) =	sbr.rel @p0 .LBB2_3-.Ltmp3, $3  }
0x37: {  	_ =	sdelay $0x1  }
0x38: {  	s16 =	sadd.s32 $0x10, s16  }
0x39: {  	vm1 =	vgt.s32 v0, $0x0;
	s15 =	sadd.s32 $0x10, s15;
	v2 =	vmov v0;
	(ifvalue) =	ssetifvalue $0x7FFFFFFF;
	v0 =	vld.msk [tilespmem:s16+$0x0 ss:$0x1], $0xffff  }
.Ltmp4:
0x3a: {  	_ = 	snop;
	(pc) =	sbr.rel .LBB2_4-.Ltmp4, $1  }
0x3b: {  	_ =	sdelay $0x3  }
.LBB2_6:
0x3c: {  	_ =	sfence.sel $0x180000  }
0x3d: {  	s2 =	simm.s32 $0x2;
	[bflag:$0x0] =	sbarrier.arrive $0xFFFF  }
0x3e: {  	s30 =	simm.s32 $0x3;
	[sflag:s2] =	ssyncpa.u1 $0x1  }
0x3f: {  	s31 =	simm.s32 $0x1;
	[sflag:s30] =	ssyncpa.u1 $0x1  }
0x40: {  	[sflag:s31] =	ssyncpa.u1 $0x1  }
0x41: {  	p0 =	sne.s32 s1, $0x0;
	_ =	strace $0x9000004A  }
0x42: {  	s0 =	sadd.s32 @!p0 $0x100000, s0;
	[bflag:$0x2] =	sbarrier.arrive $0xFFFF  }
0x43: {  	[sflag:s0] =	ssyncadd.tile.s32 @!p0 $0x1;
	_ =	shalt  }
.Lfunc_end2:
_tile_overlayer_lowered:
.L_overlay_start_2:
0x44: {  	(tag) =	ssettag $0x2  }
0x45: {  	s0 =	rddreg [dreg:$0x0];
	s2 =	stileid.u32  }
0x46: {  	s1 =	rddreg [dreg:$0x1];
	p0 =	sne.s32 s2, $0x0  }
0x47: {  	s3 =	rddreg [dreg:$0x2];
	[bflag:$0x3] =	sbarrier.arrive $0xFFFF;
	s2 =	simm.s32 @!p0 $0x1C01  }
0x48: {  	[timem:s3], [sflag:s2] =	dma.local @!p0 [hbm:s0], s1  }
0x49: {  	s0 =	simm.s32 @!p0 $0x1  }
0x4a: {  	_ =	swait.ge @!p0 [sflag:s0], s1  }
0x4b: {  	s1 =	ssub.s32 @!p0 $0x0, s1;
	[sflag:s0] =	ssyncset.done @!p0 $0x0  }
0x4c: {  	[sflag:s0] =	ssyncadd.s32 @!p0 s1  }
0x4d: {  	[bflag:$0x3] =	sbarrier.arrive $0xFFFF  }
0x4e: {  	_ =	shalt  }

// kernel: kernel.12.cloned.1.call-start
scs
__scs_entry_jumppad:
0x0: {  	(pc) =	sbr.rel $0x88, $3  }
0x1: {  	(tag) =	ssettag $0x0;
	lr =	simm.s32 $0x1  }
0x2: {  	[smem:$0x3F99] =	sst lr;
	_ =	strace $0xD0000000  }
0x3: {  	_ = 	snop  }
0x4: {  	_ = 	snop  }
0x5: {  	_ = 	snop  }
0x6: {  	_ = 	snop  }
0x7: {  	_ = 	snop  }
__scs_overlays_trampoline_lowered:
0x8: {  	[smem:$0x3FA8] =	sst s0  }
0x9: {  	[smem:$0x3FA9] =	sst s1  }
0xa: {  	[smem:$0x3FAA] =	sst s2  }
0xb: {  	[smem:$0x3FAB] =	sst s3  }
0xc: {  	[smem:$0x3FAC] =	sst s4  }
0xd: {  	[smem:$0x3FAD] =	sst s5  }
0xe: {  	[smem:$0x3FAE] =	sst s6  }
0xf: {  	[smem:$0x3FAF] =	sst s7  }
0x10: {  	[smem:$0x3FB0] =	sst s8  }
0x11: {  	[smem:$0x3FB1] =	sst s9;
	s0 =	simm.s32 @!p0 $0x0  }
0x12: {  	s1 =	sld [smem:$0x3F97];
	s0 =	simm.s32 @p0 $0x1  }
0x13: {  	[smem:$0x3FB2] =	sst s0;
	s0 =	simm.s32 @!p1 $0x0  }
0x14: {  	s2 =	sld [smem:$0x3F96];
	s0 =	simm.s32 @p1 $0x1  }
0x15: {  	[smem:$0x3FB3] =	sst s0;
	s0 =	simm.s32 @!p2 $0x0  }
0x16: {  	s3 =	sld [smem:$0x3FDB];
	s0 =	simm.s32 @p2 $0x1  }
0x17: {  	s4 =	simm.s32 $0x1BF5;
	[smem:$0x3FB5] =	sst s0  }
0x18: {  	s0 =	sld [smem:$0x3F98];
	_ =	swait.ge [sflag:s4], $0x0  }
0x19: {  	s7 =	sld [smem:$0x3F99]  }
0x1a: {  	s8 =	sadd.s32 $0xFFFFE003, lr  }
0x1b: {  	s9 =	sadd.s32 $0xFFFFFEF7, lr;
	s5 =	simm.s32 $0xFFFFFFFF;
	p2 =	slt.u32 s8, $0xFFFFF086  }
0x1c: {  	p1 =	slt.u32 s9, $0xF7A;
	s5 =	simm.s32 @!p2 $0x0  }
0x1d: {  	s5 =	simm.s32 @p1 $0x1;
	p0 =	seq.s32 s7, s2  }
0x1e: {  	s7 =	smul.u32 @!p0 $0xF7A, s2;
	p2 =	seq.s32 @!p0 s5, $0x0  }
0x1f: {  	s9 =	smul.u32 $0xF7A, s1;
	s8 =	simm.s32 @!p0 $0x1BF5;
	p2 =	por !p2, p0  }
0x20: {  	[sflag:s8] =	ssyncset.s32 @!p0 $0xFFFFF086;
	s6 =	sadd.s32 @!p0 s3, s7;
	s7 =	simm.s32 @!p0 $0x108  }
0x21: {  	s3 =	sadd.s32 s3, s9;
	s6 =	sadd.s32 @!p0 $0x88, s6;
	s7 =	simm.s32 @p2 $0x1082  }
0x22: {  	[simem:s7], [sflag:s8] =	dma.local @!p0 [hbm:s6], $0xF7A  }
0x23: {  	s9 =	sor.u32 $0xD0000000, s2;
	s6 =	simm.s32 $0x108;
	_ =	swait.ge @!p0 [sflag:s8], $0x0  }
0x24: {  	s3 =	sadd.s32 $0x88, s3;
	s6 =	simm.s32 @!p1 $0x1082;
	[sflag:s4] =	ssyncset.s32 $0xFFFFF086  }
0x25: {  	[simem:s6], [sflag:s4] =	dma.local [hbm:s3], $0xF7A  }
0x26: {  	[smem:$0x3F99] =	sst s1;
	(tag) =	ssettag s2;
	_ =	strace s9  }
0x27: {  	s1 =	sld [smem:$0x3FA9]  }
0x28: {  	s2 =	sld [smem:$0x3FAA]  }
0x29: {  	s4 =	sld [smem:$0x3FAC]  }
0x2a: {  	p0 =	seq.s32 s5, $0x0;
	s5 =	sld [smem:$0x3FAD]  }
0x2b: {  	s6 =	sld [smem:$0x3FAE]  }
0x2c: {  	s7 =	sld [smem:$0x3FAF]  }
0x2d: {  	s3 =	simm.s32 $0x108;
	s8 =	sld [smem:$0x3FB0]  }
0x2e: {  	s3 =	simm.s32 @!p0 $0x1082;
	s9 =	sld [smem:$0x3FB1]  }
0x2f: {  	lr =	sadd.s32 s0, s3;
	s0 =	sld [smem:$0x3FA8]  }
0x30: {  	s3 =	sld [smem:$0x3FAB]  }
0x31: {  	[smem:$0x3FB4] =	sst s10  }
0x32: {  	s10 =	sld [smem:$0x3FB2];
	_ =	sdelay $0x3  }
0x33: {  	p0 =	seq.s32 s10, $0x1;
	s10 =	sld [smem:$0x3FB4];
	_ =	sdelay $0x3  }
0x34: {  	[smem:$0x3FB4] =	sst s10  }
0x35: {  	s10 =	sld [smem:$0x3FB3];
	_ =	sdelay $0x3  }
0x36: {  	p1 =	seq.s32 s10, $0x1;
	s10 =	sld [smem:$0x3FB4];
	_ =	sdelay $0x3  }
0x37: {  	[smem:$0x3FB4] =	sst s10  }
0x38: {  	s10 =	sld [smem:$0x3FB5]  }
0x39: {  	_ = 	snop;
	(pc) =	sbr.ind lr, $3  }
0x3a: {  	_ = 	snop  }
0x3b: {  	_ = 	snop  }
0x3c: {  	p2 =	seq.s32 s10, $0x1;
	s10 =	sld [smem:$0x3FB4]  }
0x3d: {  	_ =	shalt  }
0x3e: {  	_ =	shalt  }
0x3f: {  	_ =	shalt  }
0x40: {  	_ =	shalt  }
0x41: {  	_ =	shalt  }
0x42: {  	_ =	shalt  }
0x43: {  	_ =	shalt  }
0x44: {  	_ =	shalt  }
0x45: {  	_ =	shalt  }
0x46: {  	_ =	shalt  }
0x47: {  	_ =	shalt  }
0x48: {  	_ =	shalt  }
0x49: {  	_ =	shalt  }
0x4a: {  	_ =	shalt  }
0x4b: {  	_ =	shalt  }
0x4c: {  	_ =	shalt  }
0x4d: {  	_ =	shalt  }
0x4e: {  	_ =	shalt  }
0x4f: {  	_ =	shalt  }
0x50: {  	_ =	shalt  }
0x51: {  	_ =	shalt  }
0x52: {  	_ =	shalt  }
0x53: {  	_ =	shalt  }
0x54: {  	_ =	shalt  }
0x55: {  	_ =	shalt  }
0x56: {  	_ =	shalt  }
0x57: {  	_ =	shalt  }
0x58: {  	_ =	shalt  }
0x59: {  	_ =	shalt  }
0x5a: {  	_ =	shalt  }
0x5b: {  	_ =	shalt  }
0x5c: {  	_ =	shalt  }
0x5d: {  	_ =	shalt  }
0x5e: {  	_ =	shalt  }
0x5f: {  	_ =	shalt  }
0x60: {  	_ =	shalt  }
0x61: {  	_ =	shalt  }
0x62: {  	_ =	shalt  }
0x63: {  	_ =	shalt  }
0x64: {  	_ =	shalt  }
0x65: {  	_ =	shalt  }
0x66: {  	_ =	shalt  }
0x67: {  	_ =	shalt  }
0x68: {  	_ =	shalt  }
0x69: {  	_ =	shalt  }
0x6a: {  	_ =	shalt  }
0x6b: {  	_ =	shalt  }
0x6c: {  	_ =	shalt  }
0x6d: {  	_ =	shalt  }
0x6e: {  	_ =	shalt  }
0x6f: {  	_ =	shalt  }
0x70: {  	_ =	shalt  }
0x71: {  	_ =	shalt  }
0x72: {  	_ =	shalt  }
0x73: {  	_ =	shalt  }
0x74: {  	_ =	shalt  }
0x75: {  	_ =	shalt  }
0x76: {  	_ =	shalt  }
0x77: {  	_ =	shalt  }
0x78: {  	_ =	shalt  }
0x79: {  	_ =	shalt  }
0x7a: {  	_ =	shalt  }
0x7b: {  	_ =	shalt  }
0x7c: {  	_ =	shalt  }
0x7d: {  	_ =	shalt  }
0x7e: {  	_ =	shalt  }
0x7f: {  	_ =	shalt  }
0x80: {  	_ =	shalt  }
0x81: {  	_ =	shalt  }
0x82: {  	_ =	shalt  }
0x83: {  	_ =	shalt  }
0x84: {  	_ =	shalt  }
0x85: {  	_ =	shalt  }
0x86: {  	_ =	shalt  }
0x87: {  	_ =	shalt  }
.Lfunc_end0:
.L_simem_size_0:
called_computation.4_lowered:
.L_overlay_start_0:
0x88: {  	s2 =	sld [smem:$0x3FD9]  }
0x89: {  	s3 =	sld [smem:$0x3FFE];
	_ =	sdelay $0x1  }
0x8a: {  	s1 =	srdreg.scid  }
0x8b: {  	s0 =	sand.u32 $0x1, s1  }
0x8c: {  	s17 =	sshll.u32 s0, $0xA;
	s2 =	sadd.s32 s3, s2  }
0x8d: {  	s2 =	sadd.s32 s2, s17  }
0x8e: {  	[smem:$0x3FC0] =	sst s2  }
0x8f: {  	_ = 	snop  }
0x90: {  	s2 =	sld [smem:$0x3FD0];
	(tm) =	ssettm $0x1  }
0x91: {  	s18 =	sld [smem:$0x3FFB];
	_ =	sdelay $0x3  }
0x92: {  	_ =	strace s18  }
0x93: {  	s3 =	sld [smem:$0x3FFC];
	_ =	sdelay $0x3  }
0x94: {  	_ =	strace s3  }
0x95: {  	s3 =	sld [smem:$0x3FFD];
	_ =	sdelay $0x3  }
0x96: {  	_ =	strace s3  }
0x97: {  	_ =	strace $0x8FFFFFFF  }
0x98: {  	s19 =	sld [smem:$0x3FDB];
	_ =	sdelay $0x1  }
0x99: {  	s4 =	simm.s32 $_scs_section_size  }
0x9a: {  	s5 =	simm.s32 $_size__tile_overlayer_lowered;
	s6 =	simm.s32 $_tile_overlayer_lowered  }
0x9b: {  	s22 =	simm.s32 $0x1BFF;
	s21 =	sshll.u32 s6, $0x1;
	s3 =	sadd.s32 s4, s19  }
0x9c: {  	s7 =	simm.s32 $0x0;
	s20 =	sshll.u32 s5, $0x1;
	s5 =	sadd.s32 s21, s3  }
0x9d: {  	[timem:s7], [sflag:s22] =	dma.local [hbm:s5], s20  }
0x9e: {  	_ =	swait.ge [sflag:s22], s20  }
0x9f: {  	s4 =	ssub.s32 $0x0, s20;
	[sflag:s22] =	ssyncset.done $0x0  }
0xa0: {  	[sflag:s22] =	ssyncadd.s32 s4;
	_ =	sdelay $0x1  }
0xa1: {  	s23 =	simm.s32 $0x1B8B  }
0xa2: {  	_ =	swait.ge [sflag:s23], $0x1  }
0xa3: {  	[sflag:s23] =	ssyncset.done $0x0  }
0xa4: {  	s25 =	simm.s32 $0x1B8E;
	s24 =	sld [smem:$0x3FFE];
	[sflag:s23] =	ssyncadd.s32 $0xFFFFFFFF  }
0xa5: {  	s26 =	simm.s32 $execute0_lowered;
	[smem:$0x3FD2] =	sst s25  }
0xa6: {  	s5 =	sshll.u32 s26, $0x1;
	_ =	strace $0x80000052;
	[dreg:$0x1] =	wrdreg $0xFFFFFFFF  }
0xa7: {  	s28 =	simm.s32 $_size_execute0_lowered;
	s3 =	sadd.s32 s3, s5;
	[dreg:$0x0] =	wrdreg $0x0  }
0xa8: {  	s5 =	sshll.u32 s28, $0x1;
	[dreg:$0x2] =	wrdreg s3  }
0xa9: {  	[dreg:$0x3] =	wrdreg s5  }
0xaa: {  	[dreg:$0x4] =	wrdreg $0xC0  }
0xab: {  	_ =	task [dreg:s7], $0x5FFFF  }
0xac: {  	[dreg:$0x1] =	wrdreg $0xFFFFFFFF  }
0xad: {  	[dreg:$0x0] =	wrdreg $0x60  }
0xae: {  	[dreg:$0x2] =	wrdreg s2  }
0xaf: {  	[dreg:$0x3] =	wrdreg s24  }
0xb0: {  	[dreg:$0x4] =	wrdreg $0x98000  }
0xb1: {  	[dreg:$0x5] =	wrdreg $0x9  }
0xb2: {  	_ =	task.clear_ibuf [dreg:s7], $0x6FFFF;
	_ =	strace $0x90000052  }
0xb3: {  	s29 =	simm.s32 $0x9;
	_ =	strace $0x80000054  }
0xb4: {  	_ =	swait.ge [sflag:s29], $0x1  }
0xb5: {  	[sflag:s29] =	ssyncadd.s32 $0xFFFFFFFF  }
0xb6: {  	_ =	strace $0x90000054  }
0xb7: {  	_ =	sfence  }
0xb8: {  	s30 =	sld [smem:$0x0];
	_ =	sdelay $0x2  }
0xb9: {  	s31 =	sshll.u32 s1, $0xD;
	s1 =	sshrl.u32 s1, $0x2  }
0xba: {  	s3 =	sand.u32 $0x4000, s31;
	s1 =	sadd.s32 s1, s30  }
0xbb: {  	s0 =	sor.u32 s3, s0;
	s1 =	sshll.u32 s1, $0x11  }
0xbc: {  	s0 =	sor.u32 s1, s0  }
0xbd: {  	s0 =	sadd.s32 $0x8F2B, s0  }
0xbe: {  	[sflag:s0] =	ssyncadd.remote.s32 $0x1  }
0xbf: {  	_ =	sfence.sel $0xFFFF  }
0xc0: {  	[dreg:$0x0] =	wrdreg $0xFFFFFFFF;
	(pc) =	sbr.abs _section_cstart, $3  }
0xc1: {  	[dreg:$0x1] =	wrdreg $0xFFFFFFFF  }
0xc2: {  	_ =	task.clear_ibuf [dreg:s7], $0x2FFFF;
	_ =	strace $0x9FFFFFFF  }
0xc3: {  	(tm) =	ssettm $0x7FFFFFFF  }
tec
execute0_lowered:
.L_overlay_start_1:
0x0: {  	(tag) =	ssettag $0x1  }
0x1: {  	s1 =	rddreg [dreg:$0x0]  }
0x2: {  	s4 =	rddreg [dreg:$0x1]  }
0x3: {  	s2 =	rddreg [dreg:$0x2];
	s3 =	srdreg.scid  }
0x4: {  	s17 =	stileid.u32;
	s0 =	rddreg [dreg:$0x3]  }
0x5: {  	s11 =	simm.s32 $0x2;
	s14 =	simm.s32 $0x5800;
	s15 =	simm.s32 $0x80  }
0x6: {  	s16 =	simm.s32 $0x1;
	s19 =	simm.s32 $0x0;
	s5 =	sand.u32 $0x1, s3  }
0x7: {  	s6 =	sshll.u32 s17, $0x1;
	s3 =	simm.s32 $0x0;
	s8 =	smul.u32 $0x28000, s17  }
0x8: {  	s12 =	smul.u32 $0x580, s17;
	p0 =	sne.s32 s17, $0x0;
	s17 =	sshll.u32 s17, $0x6  }
0x9: {  	s7 =	smul.u32 $0x5800, s5;
	s6 =	sor.u32 s5, s6;
	[smem:$0x7FF] =	sst s3  }
0xa: {  	s5 =	ssub.s32 $0x2, s5;
	s17 =	sor.u32 $0x1C02, s17;
	s6 =	smul.u32 $0x1400, s6  }
0xb: {  	_ =	strace $0x80000053;
	s29 =	sshrl.u32 s5, $0x1;
	s30 =	sshrl.u32 s8, $0x2  }
0xc: {  	s8 =	sadd.s32 $0xA0000, s2;
	s7 =	sadd.s32 s7, s4;
	s10 =	ssub.s32 s5, s29  }
0xd: {  	s9 =	sadd.s32 s6, s4;
	s31 =	sadd.s32 s12, s7;
	s4 =	sadd.s32 s30, s2  }
0xe: {  	s13 =	sadd.s32 $0x18C00, s7;
	s10 =	smax.u32 s10, $0x1;
	s5 =	sadd.s32 $0xDC00, s31  }
0xf: {  	s6 =	sadd.s32 $0x4000, s4;
	s7 =	sadd.s32 $0x8000, s4;
	s9 =	sadd.s32 $0x23C00, s9  }
0x10: {  	v0 =	vimm.f32 $0.0e+00;
	s12 =	sadd.s32 s12, s13;
	s13 =	simm.s32 $0x2C00;
	s18 =	sshrl.u32 s4, $0x3  }
.LBB2_1:
0x11: {  	[tilespmem:s3], [sflag:$0x2] =	stream.linear.gather [hbm4b:s5+s3], $0x2900, $0x38;
	[tilespmem:$0x13840] =	vst v63  }
0x12: {  	_ =	swait.ge [sflag:s11], $0x2900  }
0x13: {  	[sflag:s11] =	ssyncset.done $0x0  }
0x14: {  	[sflag:s11] =	ssyncadd.s32 $0xFFFFD700  }
0x15: {  	[tilespmem:s13], [sflag:$0x2] =	stream.linear.gather [hbm4b:s12+s3], $0x2900, $0x38;
	[tilespmem:$0x13840] =	vst v63  }
0x16: {  	_ =	swait.ge [sflag:s11], $0x2900  }
0x17: {  	[sflag:s11] =	ssyncset.done $0x0  }
0x18: {  	s20 =	simm.s32 $0x0;
	s21 =	simm.s32 $0x200;
	[sflag:s11] =	ssyncadd.s32 $0xFFFFD700  }
.LBB2_2:
0x19: {  	p1 =	sne.s32 s21, $0xFE00;
	[tilespmem:s20+$0x5870] =	vst v0  }
0x1a: {  	[tilespmem:s20+$0x5800] =	vst v0  }
0x1b: {  	[tilespmem:s20+$0x5810] =	vst v0  }
.Ltmp0:
0x1c: {  	[tilespmem:s20+$0x5820] =	vst v0;
	(pc) =	sbr.rel @p1 .LBB2_2-.Ltmp0, $4  }
0x1d: {  	[tilespmem:s20+$0x5830] =	vst v0  }
0x1e: {  	[tilespmem:s20+$0x5840] =	vst v0  }
0x1f: {  	[tilespmem:s20+$0x5850] =	vst v0  }
0x20: {  	[tilespmem:s20+$0x5860] =	vst v0;
	s20 =	sshra.s32 s21, $0x2;
	s21 =	sadd.s32 $0x200, s21  }
0x21: {  	[tilespmem:s20+$0x5870] =	vst v0  }
0x22: {  	[tilespmem:s20+$0x5800] =	vst v0  }
0x23: {  	[tilespmem:s20+$0x5810] =	vst v0  }
0x24: {  	[tilespmem:s20+$0x5820] =	vst v0  }
0x25: {  	[tilespmem:s20+$0x5830] =	vst v0  }
0x26: {  	[tilespmem:s20+$0x5840] =	vst v0  }
0x27: {  	[tilespmem:s20+$0x5850] =	vst v0  }
0x28: {  	[tilespmem:s20+$0x5860] =	vst v0  }
0x29: {  	[spmem:s4] =	stream.linear.scatter [tilespmem:s14], [sflag:$0x2], $0x4000, $0x38;
	[tilespmem:$0x13840] =	vst v63  }
0x2a: {  	_ =	swait.ge [sflag:s11], $0x4000  }
0x2b: {  	[sflag:s11] =	ssyncset.done $0x0  }
0x2c: {  	[sflag:s11] =	ssyncadd.s32 $0xFFFFC000  }
0x2d: {  	[spmem:s6] =	stream.linear.scatter [tilespmem:s14], [sflag:$0x2], $0x4000, $0x38;
	[tilespmem:$0x13840] =	vst v63  }
0x2e: {  	_ =	swait.ge [sflag:s11], $0x4000  }
0x2f: {  	[sflag:s11] =	ssyncset.done $0x0  }
0x30: {  	[sflag:s11] =	ssyncadd.s32 $0xFFFFC000  }
0x31: {  	[spmem:s7] =	stream.linear.scatter [tilespmem:s14], [sflag:$0x2], $0x2000, $0x38;
	[tilespmem:$0x13840] =	vst v63  }
0x32: {  	_ =	swait.ge [sflag:s11], $0x2000  }
0x33: {  	[sflag:s11] =	ssyncset.done $0x0  }
0x34: {  	s20 =	simm.s32 @!p0 $0x5800;
	[sflag:s11] =	ssyncadd.s32 $0xFFFFE000  }
0x35: {  	[spmem:s8] =	stream.linear.scatter @!p0 [tilespmem:s20], [sflag:$0x2], $0x400, $0x38;
	[tilespmem:$0x13840] =	vst v63  }
0x36: {  	s20 =	simm.s32 @!p0 $0x2  }
0x37: {  	_ =	swait.ge @!p0 [sflag:s20], $0x400  }
0x38: {  	[sflag:s20] =	ssyncset.done @!p0 $0x0  }
0x39: {  	[sflag:s20] =	ssyncadd.s32 @!p0 $0xFFFFFC00  }
0x3a: {  	s30 =	simm.s32 $0x0;
	[bflag:$0x0] =	sbarrier.arrive $0xFFFF  }
0x3b: {  	[tilespmem:s14], [sflag:$0x1] =	stream.indirect.gather [hbm4b:s1+s15], $0x80, s30, s15, $0xb8;
	[tilespmem:$0x13840] =	vst v63  }
0x3c: {  	_ =	swait.ge [sflag:s16], $0x4000  }
0x3d: {  	[sflag:s16] =	ssyncset.done $0x0  }
0x3e: {  	s31 =	simm.s32 $0x2C00;
	[sflag:s16] =	ssyncadd.s32 $0xFFFFC000  }
0x3f: {  	[spmem:s2] =	stream.indirect.scatter.add.f32 [tilespmem:s14], [sflag:$0x2], $0x80, s31, s15, $0xb8;
	[tilespmem:$0x13840] =	vst v63  }
0x40: {  	_ =	swait.ge [sflag:s11], $0x4000  }
0x41: {  	s21 =	simm.s32 $0x400;
	s20 =	simm.s32 $0x200;
	[sflag:s11] =	ssyncset.done $0x0  }
.LBB2_4:
0x42: {  	s22 =	sshra.s32 s20, $0x2  }
0x43: {  	[sflag:s11] =	ssyncadd.s32 $0xFFFFC000;
	s20 =	smov.u32 s21;
	s23 =	sadd.s32 $0x200, s21  }
0x44: {  	[tilespmem:s14], [sflag:$0x1] =	stream.indirect.gather [hbm4b:s1+s15], $0x80, s22, s15, $0xb8;
	[tilespmem:$0x13840] =	vst v63  }
0x45: {  	p1 =	sne.s32 s21, $0xA200;
	_ =	swait.ge [sflag:s16], $0x4000  }
.Ltmp1:
0x46: {  	[sflag:s16] =	ssyncset.done $0x0;
	(pc) =	sbr.rel @p1 .LBB2_4-.Ltmp1, $4  }
0x47: {  	s21 =	sadd.s32 $0x2C00, s22;
	[sflag:s16] =	ssyncadd.s32 $0xFFFFC000  }
0x48: {  	[spmem:s2] =	stream.indirect.scatter.add.f32 [tilespmem:s14], [sflag:$0x2], $0x80, s21, s15, $0xb8;
	[tilespmem:$0x13840] =	vst v63  }
0x49: {  	_ =	swait.ge [sflag:s11], $0x4000  }
0x4a: {  	s21 =	smov.u32 s23;
	[sflag:s11] =	ssyncset.done $0x0  }
0x4b: {  	s20 =	sshra.s32 s20, $0x2;
	[sflag:s11] =	ssyncadd.s32 $0xFFFFC000  }
0x4c: {  	[tilespmem:s14], [sflag:$0x1] =	stream.indirect.gather [hbm4b:s1+s15], $0x80, s20, s15, $0xb8;
	[tilespmem:$0x13840] =	vst v63  }
0x4d: {  	_ =	swait.ge [sflag:s16], $0x4000  }
0x4e: {  	[sflag:s16] =	ssyncset.done $0x0  }
0x4f: {  	s20 =	sadd.s32 $0x2C00, s20;
	[sflag:s16] =	ssyncadd.s32 $0xFFFFC000  }
0x50: {  	[spmem:s2] =	stream.indirect.scatter.add.f32 [tilespmem:s14], [sflag:$0x2], $0x80, s20, s15, $0xb8;
	[tilespmem:$0x13840] =	vst v63  }
0x51: {  	_ =	swait.ge [sflag:s11], $0x4000  }
0x52: {  	s19 =	sadd.s32 $0x1, s19;
	[sflag:s11] =	ssyncset.done $0x0  }
0x53: {  	p1 =	sne.s32 s19, s10;
	[sflag:s11] =	ssyncadd.s32 $0xFFFFC000  }
.Ltmp2:
0x54: {  	[bflag:$0x0] =	sbarrier.arrive $0xFFFF;
	(pc) =	sbr.rel @p1 .LBB2_1-.Ltmp2, $4  }
0x55: {  	[hbm:s9], [sflag:s17] =	dma.local [spmem:s18], $0x1400  }
0x56: {  	_ =	swait.ge [sflag:s11], $0x1400  }
0x57: {  	[sflag:s11] =	ssyncset.done $0x0  }
0x58: {  	[sflag:s11] =	ssyncadd.s32 $0xFFFFEC00  }
0x59: {  	_ =	sfence.sel $0x180000  }
0x5a: {  	[bflag:$0x0] =	sbarrier.arrive $0xFFFF  }
0x5b: {  	_ =	strace $0x90000053  }
0x5c: {  	s0 =	sadd.s32 @!p0 $0x100000, s0;
	[bflag:$0x2] =	sbarrier.arrive $0xFFFF  }
0x5d: {  	[sflag:s0] =	ssyncadd.tile.s32 @!p0 $0x1;
	_ =	shalt  }
.Lfunc_end2:
_tile_overlayer_lowered:
.L_overlay_start_2:
0x5e: {  	(tag) =	ssettag $0x2  }
0x5f: {  	s0 =	rddreg [dreg:$0x0];
	s2 =	stileid.u32  }
0x60: {  	s1 =	rddreg [dreg:$0x1];
	p0 =	sne.s32 s2, $0x0  }
0x61: {  	s3 =	rddreg [dreg:$0x2];
	[bflag:$0x3] =	sbarrier.arrive $0xFFFF;
	s2 =	simm.s32 @!p0 $0x1C02  }
0x62: {  	[timem:s3], [sflag:s2] =	dma.local @!p0 [hbm:s0], s1  }
0x63: {  	s0 =	simm.s32 @!p0 $0x2  }
0x64: {  	_ =	swait.ge @!p0 [sflag:s0], s1  }
0x65: {  	s1 =	ssub.s32 @!p0 $0x0, s1;
	[sflag:s0] =	ssyncset.done @!p0 $0x0  }
0x66: {  	[sflag:s0] =	ssyncadd.s32 @!p0 s1  }
0x67: {  	[bflag:$0x3] =	sbarrier.arrive $0xFFFF  }
0x68: {  	_ =	shalt  }

// kernel: kernel.15.cloned.1.call-start
scs
__scs_entry_jumppad:
0x0: {  	(pc) =	sbr.rel $0x88, $3  }
0x1: {  	(tag) =	ssettag $0x0;
	lr =	simm.s32 $0x1  }
0x2: {  	[smem:$0x3F99] =	sst lr;
	_ =	strace $0xD0000000  }
0x3: {  	_ = 	snop  }
0x4: {  	_ = 	snop  }
0x5: {  	_ = 	snop  }
0x6: {  	_ = 	snop  }
0x7: {  	_ = 	snop  }
__scs_overlays_trampoline_lowered:
0x8: {  	[smem:$0x3FA8] =	sst s0  }
0x9: {  	[smem:$0x3FA9] =	sst s1  }
0xa: {  	[smem:$0x3FAA] =	sst s2  }
0xb: {  	[smem:$0x3FAB] =	sst s3  }
0xc: {  	[smem:$0x3FAC] =	sst s4  }
0xd: {  	[smem:$0x3FAD] =	sst s5  }
0xe: {  	[smem:$0x3FAE] =	sst s6  }
0xf: {  	[smem:$0x3FAF] =	sst s7  }
0x10: {  	[smem:$0x3FB0] =	sst s8  }
0x11: {  	[smem:$0x3FB1] =	sst s9;
	s0 =	simm.s32 @!p0 $0x0  }
0x12: {  	s1 =	sld [smem:$0x3F97];
	s0 =	simm.s32 @p0 $0x1  }
0x13: {  	[smem:$0x3FB2] =	sst s0;
	s0 =	simm.s32 @!p1 $0x0  }
0x14: {  	s2 =	sld [smem:$0x3F96];
	s0 =	simm.s32 @p1 $0x1  }
0x15: {  	[smem:$0x3FB3] =	sst s0;
	s0 =	simm.s32 @!p2 $0x0  }
0x16: {  	s3 =	sld [smem:$0x3FDB];
	s0 =	simm.s32 @p2 $0x1  }
0x17: {  	s4 =	simm.s32 $0x1BF5;
	[smem:$0x3FB5] =	sst s0  }
0x18: {  	s0 =	sld [smem:$0x3F98];
	_ =	swait.ge [sflag:s4], $0x0  }
0x19: {  	s7 =	sld [smem:$0x3F99]  }
0x1a: {  	s8 =	sadd.s32 $0xFFFFE003, lr  }
0x1b: {  	s9 =	sadd.s32 $0xFFFFFEF7, lr;
	s5 =	simm.s32 $0xFFFFFFFF;
	p2 =	slt.u32 s8, $0xFFFFF086  }
0x1c: {  	p1 =	slt.u32 s9, $0xF7A;
	s5 =	simm.s32 @!p2 $0x0  }
0x1d: {  	s5 =	simm.s32 @p1 $0x1;
	p0 =	seq.s32 s7, s2  }
0x1e: {  	s7 =	smul.u32 @!p0 $0xF7A, s2;
	p2 =	seq.s32 @!p0 s5, $0x0  }
0x1f: {  	s9 =	smul.u32 $0xF7A, s1;
	s8 =	simm.s32 @!p0 $0x1BF5;
	p2 =	por !p2, p0  }
0x20: {  	[sflag:s8] =	ssyncset.s32 @!p0 $0xFFFFF086;
	s6 =	sadd.s32 @!p0 s3, s7;
	s7 =	simm.s32 @!p0 $0x108  }
0x21: {  	s3 =	sadd.s32 s3, s9;
	s6 =	sadd.s32 @!p0 $0x88, s6;
	s7 =	simm.s32 @p2 $0x1082  }
0x22: {  	[simem:s7], [sflag:s8] =	dma.local @!p0 [hbm:s6], $0xF7A  }
0x23: {  	s9 =	sor.u32 $0xD0000000, s2;
	s6 =	simm.s32 $0x108;
	_ =	swait.ge @!p0 [sflag:s8], $0x0  }
0x24: {  	s3 =	sadd.s32 $0x88, s3;
	s6 =	simm.s32 @!p1 $0x1082;
	[sflag:s4] =	ssyncset.s32 $0xFFFFF086  }
0x25: {  	[simem:s6], [sflag:s4] =	dma.local [hbm:s3], $0xF7A  }
0x26: {  	[smem:$0x3F99] =	sst s1;
	(tag) =	ssettag s2;
	_ =	strace s9  }
0x27: {  	s1 =	sld [smem:$0x3FA9]  }
0x28: {  	s2 =	sld [smem:$0x3FAA]  }
0x29: {  	s4 =	sld [smem:$0x3FAC]  }
0x2a: {  	p0 =	seq.s32 s5, $0x0;
	s5 =	sld [smem:$0x3FAD]  }
0x2b: {  	s6 =	sld [smem:$0x3FAE]  }
0x2c: {  	s7 =	sld [smem:$0x3FAF]  }
0x2d: {  	s3 =	simm.s32 $0x108;
	s8 =	sld [smem:$0x3FB0]  }
0x2e: {  	s3 =	simm.s32 @!p0 $0x1082;
	s9 =	sld [smem:$0x3FB1]  }
0x2f: {  	lr =	sadd.s32 s0, s3;
	s0 =	sld [smem:$0x3FA8]  }
0x30: {  	s3 =	sld [smem:$0x3FAB]  }
0x31: {  	[smem:$0x3FB4] =	sst s10  }
0x32: {  	s10 =	sld [smem:$0x3FB2];
	_ =	sdelay $0x3  }
0x33: {  	p0 =	seq.s32 s10, $0x1;
	s10 =	sld [smem:$0x3FB4];
	_ =	sdelay $0x3  }
0x34: {  	[smem:$0x3FB4] =	sst s10  }
0x35: {  	s10 =	sld [smem:$0x3FB3];
	_ =	sdelay $0x3  }
0x36: {  	p1 =	seq.s32 s10, $0x1;
	s10 =	sld [smem:$0x3FB4];
	_ =	sdelay $0x3  }
0x37: {  	[smem:$0x3FB4] =	sst s10  }
0x38: {  	s10 =	sld [smem:$0x3FB5]  }
0x39: {  	_ = 	snop;
	(pc) =	sbr.ind lr, $3  }
0x3a: {  	_ = 	snop  }
0x3b: {  	_ = 	snop  }
0x3c: {  	p2 =	seq.s32 s10, $0x1;
	s10 =	sld [smem:$0x3FB4]  }
0x3d: {  	_ =	shalt  }
0x3e: {  	_ =	shalt  }
0x3f: {  	_ =	shalt  }
0x40: {  	_ =	shalt  }
0x41: {  	_ =	shalt  }
0x42: {  	_ =	shalt  }
0x43: {  	_ =	shalt  }
0x44: {  	_ =	shalt  }
0x45: {  	_ =	shalt  }
0x46: {  	_ =	shalt  }
0x47: {  	_ =	shalt  }
0x48: {  	_ =	shalt  }
0x49: {  	_ =	shalt  }
0x4a: {  	_ =	shalt  }
0x4b: {  	_ =	shalt  }
0x4c: {  	_ =	shalt  }
0x4d: {  	_ =	shalt  }
0x4e: {  	_ =	shalt  }
0x4f: {  	_ =	shalt  }
0x50: {  	_ =	shalt  }
0x51: {  	_ =	shalt  }
0x52: {  	_ =	shalt  }
0x53: {  	_ =	shalt  }
0x54: {  	_ =	shalt  }
0x55: {  	_ =	shalt  }
0x56: {  	_ =	shalt  }
0x57: {  	_ =	shalt  }
0x58: {  	_ =	shalt  }
0x59: {  	_ =	shalt  }
0x5a: {  	_ =	shalt  }
0x5b: {  	_ =	shalt  }
0x5c: {  	_ =	shalt  }
0x5d: {  	_ =	shalt  }
0x5e: {  	_ =	shalt  }
0x5f: {  	_ =	shalt  }
0x60: {  	_ =	shalt  }
0x61: {  	_ =	shalt  }
0x62: {  	_ =	shalt  }
0x63: {  	_ =	shalt  }
0x64: {  	_ =	shalt  }
0x65: {  	_ =	shalt  }
0x66: {  	_ =	shalt  }
0x67: {  	_ =	shalt  }
0x68: {  	_ =	shalt  }
0x69: {  	_ =	shalt  }
0x6a: {  	_ =	shalt  }
0x6b: {  	_ =	shalt  }
0x6c: {  	_ =	shalt  }
0x6d: {  	_ =	shalt  }
0x6e: {  	_ =	shalt  }
0x6f: {  	_ =	shalt  }
0x70: {  	_ =	shalt  }
0x71: {  	_ =	shalt  }
0x72: {  	_ =	shalt  }
0x73: {  	_ =	shalt  }
0x74: {  	_ =	shalt  }
0x75: {  	_ =	shalt  }
0x76: {  	_ =	shalt  }
0x77: {  	_ =	shalt  }
0x78: {  	_ =	shalt  }
0x79: {  	_ =	shalt  }
0x7a: {  	_ =	shalt  }
0x7b: {  	_ =	shalt  }
0x7c: {  	_ =	shalt  }
0x7d: {  	_ =	shalt  }
0x7e: {  	_ =	shalt  }
0x7f: {  	_ =	shalt  }
0x80: {  	_ =	shalt  }
0x81: {  	_ =	shalt  }
0x82: {  	_ =	shalt  }
0x83: {  	_ =	shalt  }
0x84: {  	_ =	shalt  }
0x85: {  	_ =	shalt  }
0x86: {  	_ =	shalt  }
0x87: {  	_ =	shalt  }
.Lfunc_end0:
.L_simem_size_0:
called_computation.5_lowered:
.L_overlay_start_0:
0x88: {  	s2 =	sld [smem:$0x3FD9]  }
0x89: {  	s3 =	sld [smem:$0x3FFE];
	_ =	sdelay $0x1  }
0x8a: {  	s1 =	srdreg.scid  }
0x8b: {  	s0 =	sand.u32 $0x1, s1  }
0x8c: {  	s16 =	sshll.u32 s0, $0xA;
	s2 =	sadd.s32 s3, s2  }
0x8d: {  	s2 =	sadd.s32 s2, s16  }
0x8e: {  	[smem:$0x3FC0] =	sst s2  }
0x8f: {  	_ = 	snop  }
0x90: {  	(tm) =	ssettm $0x1  }
0x91: {  	s17 =	sld [smem:$0x3FFB];
	_ =	sdelay $0x3  }
0x92: {  	_ =	strace s17  }
0x93: {  	s2 =	sld [smem:$0x3FFC];
	_ =	sdelay $0x3  }
0x94: {  	_ =	strace s2  }
0x95: {  	s2 =	sld [smem:$0x3FFD];
	_ =	sdelay $0x3  }
0x96: {  	_ =	strace s2  }
0x97: {  	_ =	strace $0x8FFFFFFF  }
0x98: {  	s18 =	sld [smem:$0x3FDB];
	_ =	sdelay $0x1  }
0x99: {  	s19 =	simm.s32 $_scs_section_size  }
0x9a: {  	s4 =	simm.s32 $_size__tile_overlayer_lowered;
	s5 =	simm.s32 $_tile_overlayer_lowered  }
0x9b: {  	s22 =	simm.s32 $0x1BFF;
	s21 =	sshll.u32 s5, $0x1;
	s2 =	sadd.s32 s19, s18  }
0x9c: {  	s6 =	simm.s32 $0x0;
	s20 =	sshll.u32 s4, $0x1;
	s4 =	sadd.s32 s21, s2  }
0x9d: {  	[timem:s6], [sflag:s22] =	dma.local [hbm:s4], s20  }
0x9e: {  	_ =	swait.ge [sflag:s22], s20  }
0x9f: {  	s3 =	ssub.s32 $0x0, s20;
	[sflag:s22] =	ssyncset.done $0x0  }
0xa0: {  	[sflag:s22] =	ssyncadd.s32 s3;
	_ =	sdelay $0x1  }
0xa1: {  	s23 =	simm.s32 $0x1B8B  }
0xa2: {  	_ =	swait.ge [sflag:s23], $0x1  }
0xa3: {  	[sflag:s23] =	ssyncset.done $0x0  }
0xa4: {  	s25 =	simm.s32 $0x1B8E;
	s24 =	sld [smem:$0x3FFE];
	[sflag:s23] =	ssyncadd.s32 $0xFFFFFFFF  }
0xa5: {  	s26 =	simm.s32 $execute0_lowered;
	[smem:$0x3FD2] =	sst s25  }
0xa6: {  	s4 =	sshll.u32 s26, $0x1;
	_ =	strace $0x80000055;
	[dreg:$0x1] =	wrdreg $0xFFFFFFFF  }
0xa7: {  	s28 =	simm.s32 $_size_execute0_lowered;
	s2 =	sadd.s32 s2, s4;
	[dreg:$0x0] =	wrdreg $0x0  }
0xa8: {  	s4 =	sshll.u32 s28, $0x1;
	[dreg:$0x2] =	wrdreg s2  }
0xa9: {  	[dreg:$0x3] =	wrdreg s4  }
0xaa: {  	[dreg:$0x4] =	wrdreg $0xC0  }
0xab: {  	_ =	task [dreg:s6], $0x5FFFF  }
0xac: {  	[dreg:$0x1] =	wrdreg $0xFFFFFFFF  }
0xad: {  	[dreg:$0x0] =	wrdreg $0x60  }
0xae: {  	[dreg:$0x2] =	wrdreg s24  }
0xaf: {  	[dreg:$0x3] =	wrdreg $0x98000  }
0xb0: {  	[dreg:$0x4] =	wrdreg $0x9  }
0xb1: {  	_ =	task.clear_ibuf [dreg:s6], $0x5FFFF;
	_ =	strace $0x90000055  }
0xb2: {  	s29 =	simm.s32 $0x9;
	_ =	strace $0x80000057  }
0xb3: {  	_ =	swait.ge [sflag:s29], $0x1  }
0xb4: {  	[sflag:s29] =	ssyncadd.s32 $0xFFFFFFFF  }
0xb5: {  	_ =	strace $0x90000057  }
0xb6: {  	_ =	sfence  }
0xb7: {  	s30 =	sld [smem:$0x0];
	_ =	sdelay $0x2  }
0xb8: {  	s31 =	sshll.u32 s1, $0xD;
	s1 =	sshrl.u32 s1, $0x2  }
0xb9: {  	s3 =	sand.u32 $0x4000, s31;
	s1 =	sadd.s32 s1, s30  }
0xba: {  	s0 =	sor.u32 s3, s0;
	s1 =	sshll.u32 s1, $0x11  }
0xbb: {  	s0 =	sor.u32 s1, s0  }
0xbc: {  	s0 =	sadd.s32 $0x8F2B, s0  }
0xbd: {  	[sflag:s0] =	ssyncadd.remote.s32 $0x1  }
0xbe: {  	_ =	sfence.sel $0xFFFF  }
0xbf: {  	[dreg:$0x0] =	wrdreg $0xFFFFFFFF;
	(pc) =	sbr.abs _section_cstart, $3  }
0xc0: {  	[dreg:$0x1] =	wrdreg $0xFFFFFFFF  }
0xc1: {  	_ =	task.clear_ibuf [dreg:s6], $0x2FFFF;
	_ =	strace $0x9FFFFFFF  }
0xc2: {  	(tm) =	ssettm $0x7FFFFFFF  }
0xc3: {  	_ =	shalt  }
tec
execute0_lowered:
.L_overlay_start_1:
0x0: {  	(tag) =	ssettag $0x1  }
0x1: {  	s4 =	rddreg [dreg:$0x0]  }
0x2: {  	s1 =	rddreg [dreg:$0x1];
	s2 =	srdreg.scid  }
0x3: {  	s17 =	stileid.u32;
	s0 =	rddreg [dreg:$0x2];
	s11 =	simm.s32 $0x2  }
0x4: {  	s14 =	simm.s32 $0x5800;
	s15 =	simm.s32 $0x80;
	s16 =	simm.s32 $0x1  }
0x5: {  	s19 =	simm.s32 $0x0;
	s5 =	sand.u32 $0x1, s2;
	s8 =	smul.u32 $0x28000, s17  }
0x6: {  	s3 =	sshll.u32 s17, $0x1;
	s2 =	simm.s32 $0x0;
	s12 =	smul.u32 $0x580, s17  }
0x7: {  	p0 =	sne.s32 s17, $0x0;
	s17 =	sshll.u32 s17, $0x6;
	s6 =	smul.u32 $0x5800, s5  }
0x8: {  	s3 =	sor.u32 s5, s3;
	[smem:$0x7FF] =	sst s2;
	s5 =	ssub.s32 $0x2, s5  }
0x9: {  	s17 =	sor.u32 $0x1C02, s17;
	s7 =	smul.u32 $0x1400, s3;
	_ =	strace $0x80000056  }
0xa: {  	s3 =	sadd.s32 $0x23C00, s4;
	s29 =	sshrl.u32 s5, $0x1;
	s30 =	sshrl.u32 s8, $0x2  }
0xb: {  	s8 =	sadd.s32 $0xA0000, s1;
	s6 =	sadd.s32 s6, s4;
	s10 =	ssub.s32 s5, s29  }
0xc: {  	s9 =	sadd.s32 s7, s4;
	s31 =	sadd.s32 s12, s6;
	s4 =	sadd.s32 s30, s1  }
0xd: {  	s13 =	sadd.s32 $0x18C00, s6;
	s10 =	smax.u32 s10, $0x1;
	s5 =	sadd.s32 $0xDC00, s31  }
0xe: {  	s6 =	sadd.s32 $0x4000, s4;
	s7 =	sadd.s32 $0x8000, s4;
	s9 =	sadd.s32 $0x4BC00, s9  }
0xf: {  	v0 =	vimm.f32 $0.0e+00;
	s12 =	sadd.s32 s12, s13;
	s13 =	simm.s32 $0x2C00;
	s18 =	sshrl.u32 s4, $0x3  }
.LBB2_1:
0x10: {  	[tilespmem:s2], [sflag:$0x2] =	stream.linear.gather [hbm4b:s5+s2], $0x2900, $0x38;
	[tilespmem:$0x13840] =	vst v63  }
0x11: {  	_ =	swait.ge [sflag:s11], $0x2900  }
0x12: {  	[sflag:s11] =	ssyncset.done $0x0  }
0x13: {  	[sflag:s11] =	ssyncadd.s32 $0xFFFFD700  }
0x14: {  	[tilespmem:s13], [sflag:$0x2] =	stream.linear.gather [hbm4b:s12+s2], $0x2900, $0x38;
	[tilespmem:$0x13840] =	vst v63  }
0x15: {  	_ =	swait.ge [sflag:s11], $0x2900  }
0x16: {  	[sflag:s11] =	ssyncset.done $0x0  }
0x17: {  	s20 =	simm.s32 $0x0;
	s21 =	simm.s32 $0x200;
	[sflag:s11] =	ssyncadd.s32 $0xFFFFD700  }
.LBB2_2:
0x18: {  	p1 =	sne.s32 s21, $0xFE00;
	[tilespmem:s20+$0x5870] =	vst v0  }
0x19: {  	[tilespmem:s20+$0x5800] =	vst v0  }
0x1a: {  	[tilespmem:s20+$0x5810] =	vst v0  }
.Ltmp0:
0x1b: {  	[tilespmem:s20+$0x5820] =	vst v0;
	(pc) =	sbr.rel @p1 .LBB2_2-.Ltmp0, $4  }
0x1c: {  	[tilespmem:s20+$0x5830] =	vst v0  }
0x1d: {  	[tilespmem:s20+$0x5840] =	vst v0  }
0x1e: {  	[tilespmem:s20+$0x5850] =	vst v0  }
0x1f: {  	[tilespmem:s20+$0x5860] =	vst v0;
	s20 =	sshra.s32 s21, $0x2;
	s21 =	sadd.s32 $0x200, s21  }
0x20: {  	[tilespmem:s20+$0x5870] =	vst v0  }
0x21: {  	[tilespmem:s20+$0x5800] =	vst v0  }
0x22: {  	[tilespmem:s20+$0x5810] =	vst v0  }
0x23: {  	[tilespmem:s20+$0x5820] =	vst v0  }
0x24: {  	[tilespmem:s20+$0x5830] =	vst v0  }
0x25: {  	[tilespmem:s20+$0x5840] =	vst v0  }
0x26: {  	[tilespmem:s20+$0x5850] =	vst v0  }
0x27: {  	[tilespmem:s20+$0x5860] =	vst v0  }
0x28: {  	[spmem:s4] =	stream.linear.scatter [tilespmem:s14], [sflag:$0x2], $0x4000, $0x38;
	[tilespmem:$0x13840] =	vst v63  }
0x29: {  	_ =	swait.ge [sflag:s11], $0x4000  }
0x2a: {  	[sflag:s11] =	ssyncset.done $0x0  }
0x2b: {  	[sflag:s11] =	ssyncadd.s32 $0xFFFFC000  }
0x2c: {  	[spmem:s6] =	stream.linear.scatter [tilespmem:s14], [sflag:$0x2], $0x4000, $0x38;
	[tilespmem:$0x13840] =	vst v63  }
0x2d: {  	_ =	swait.ge [sflag:s11], $0x4000  }
0x2e: {  	[sflag:s11] =	ssyncset.done $0x0  }
0x2f: {  	[sflag:s11] =	ssyncadd.s32 $0xFFFFC000  }
0x30: {  	[spmem:s7] =	stream.linear.scatter [tilespmem:s14], [sflag:$0x2], $0x2000, $0x38;
	[tilespmem:$0x13840] =	vst v63  }
0x31: {  	_ =	swait.ge [sflag:s11], $0x2000  }
0x32: {  	[sflag:s11] =	ssyncset.done $0x0  }
0x33: {  	s20 =	simm.s32 @!p0 $0x5800;
	[sflag:s11] =	ssyncadd.s32 $0xFFFFE000  }
0x34: {  	[spmem:s8] =	stream.linear.scatter @!p0 [tilespmem:s20], [sflag:$0x2], $0x400, $0x38;
	[tilespmem:$0x13840] =	vst v63  }
0x35: {  	s20 =	simm.s32 @!p0 $0x2  }
0x36: {  	_ =	swait.ge @!p0 [sflag:s20], $0x400  }
0x37: {  	[sflag:s20] =	ssyncset.done @!p0 $0x0  }
0x38: {  	[sflag:s20] =	ssyncadd.s32 @!p0 $0xFFFFFC00  }
0x39: {  	s30 =	simm.s32 $0x0;
	[bflag:$0x0] =	sbarrier.arrive $0xFFFF  }
0x3a: {  	[tilespmem:s14], [sflag:$0x1] =	stream.indirect.gather [hbm4b:s3+s15], $0x80, s30, s15, $0xb8;
	[tilespmem:$0x13840] =	vst v63  }
0x3b: {  	_ =	swait.ge [sflag:s16], $0x4000  }
0x3c: {  	[sflag:s16] =	ssyncset.done $0x0  }
0x3d: {  	s31 =	simm.s32 $0x2C00;
	[sflag:s16] =	ssyncadd.s32 $0xFFFFC000  }
0x3e: {  	[spmem:s1] =	stream.indirect.scatter.add.f32 [tilespmem:s14], [sflag:$0x2], $0x80, s31, s15, $0xb8;
	[tilespmem:$0x13840] =	vst v63  }
0x3f: {  	_ =	swait.ge [sflag:s11], $0x4000  }
0x40: {  	s21 =	simm.s32 $0x400;
	s20 =	simm.s32 $0x200;
	[sflag:s11] =	ssyncset.done $0x0  }
.LBB2_4:
0x41: {  	s22 =	sshra.s32 s20, $0x2  }
0x42: {  	[sflag:s11] =	ssyncadd.s32 $0xFFFFC000;
	s20 =	smov.u32 s21;
	s23 =	sadd.s32 $0x200, s21  }
0x43: {  	[tilespmem:s14], [sflag:$0x1] =	stream.indirect.gather [hbm4b:s3+s15], $0x80, s22, s15, $0xb8;
	[tilespmem:$0x13840] =	vst v63  }
0x44: {  	p1 =	sne.s32 s21, $0xA200;
	_ =	swait.ge [sflag:s16], $0x4000  }
.Ltmp1:
0x45: {  	[sflag:s16] =	ssyncset.done $0x0;
	(pc) =	sbr.rel @p1 .LBB2_4-.Ltmp1, $4  }
0x46: {  	s21 =	sadd.s32 $0x2C00, s22;
	[sflag:s16] =	ssyncadd.s32 $0xFFFFC000  }
0x47: {  	[spmem:s1] =	stream.indirect.scatter.add.f32 [tilespmem:s14], [sflag:$0x2], $0x80, s21, s15, $0xb8;
	[tilespmem:$0x13840] =	vst v63  }
0x48: {  	_ =	swait.ge [sflag:s11], $0x4000  }
0x49: {  	s21 =	smov.u32 s23;
	[sflag:s11] =	ssyncset.done $0x0  }
0x4a: {  	s20 =	sshra.s32 s20, $0x2;
	[sflag:s11] =	ssyncadd.s32 $0xFFFFC000  }
0x4b: {  	[tilespmem:s14], [sflag:$0x1] =	stream.indirect.gather [hbm4b:s3+s15], $0x80, s20, s15, $0xb8;
	[tilespmem:$0x13840] =	vst v63  }
0x4c: {  	_ =	swait.ge [sflag:s16], $0x4000  }
0x4d: {  	[sflag:s16] =	ssyncset.done $0x0  }
0x4e: {  	s20 =	sadd.s32 $0x2C00, s20;
	[sflag:s16] =	ssyncadd.s32 $0xFFFFC000  }
0x4f: {  	[spmem:s1] =	stream.indirect.scatter.add.f32 [tilespmem:s14], [sflag:$0x2], $0x80, s20, s15, $0xb8;
	[tilespmem:$0x13840] =	vst v63  }
0x50: {  	_ =	swait.ge [sflag:s11], $0x4000  }
0x51: {  	s19 =	sadd.s32 $0x1, s19;
	[sflag:s11] =	ssyncset.done $0x0  }
0x52: {  	p1 =	sne.s32 s19, s10;
	[sflag:s11] =	ssyncadd.s32 $0xFFFFC000  }
.Ltmp2:
0x53: {  	[bflag:$0x0] =	sbarrier.arrive $0xFFFF;
	(pc) =	sbr.rel @p1 .LBB2_1-.Ltmp2, $4  }
0x54: {  	[hbm:s9], [sflag:s17] =	dma.local [spmem:s18], $0x1400  }
0x55: {  	_ =	swait.ge [sflag:s11], $0x1400  }
0x56: {  	[sflag:s11] =	ssyncset.done $0x0  }
0x57: {  	[sflag:s11] =	ssyncadd.s32 $0xFFFFEC00  }
0x58: {  	_ =	sfence.sel $0x180000  }
0x59: {  	[bflag:$0x0] =	sbarrier.arrive $0xFFFF  }
0x5a: {  	_ =	strace $0x90000056  }
0x5b: {  	s0 =	sadd.s32 @!p0 $0x100000, s0;
	[bflag:$0x2] =	sbarrier.arrive $0xFFFF  }
0x5c: {  	[sflag:s0] =	ssyncadd.tile.s32 @!p0 $0x1;
	_ =	shalt  }
.Lfunc_end2:
_tile_overlayer_lowered:
.L_overlay_start_2:
0x5d: {  	(tag) =	ssettag $0x2  }
0x5e: {  	s0 =	rddreg [dreg:$0x0];
	s2 =	stileid.u32  }
0x5f: {  	s1 =	rddreg [dreg:$0x1];
	p0 =	sne.s32 s2, $0x0  }
0x60: {  	s3 =	rddreg [dreg:$0x2];
	[bflag:$0x3] =	sbarrier.arrive $0xFFFF;
	s2 =	simm.s32 @!p0 $0x1C02  }
0x61: {  	[timem:s3], [sflag:s2] =	dma.local @!p0 [hbm:s0], s1  }
0x62: {  	s0 =	simm.s32 @!p0 $0x2  }
0x63: {  	_ =	swait.ge @!p0 [sflag:s0], s1  }
0x64: {  	s1 =	ssub.s32 @!p0 $0x0, s1;
	[sflag:s0] =	ssyncset.done @!p0 $0x0  }
0x65: {  	[sflag:s0] =	ssyncadd.s32 @!p0 s1  }
0x66: {  	[bflag:$0x3] =	sbarrier.arrive $0xFFFF  }
0x67: {  	_ =	shalt  }

// kernel: kernel.18.cloned.1.call-start
scs
__scs_entry_jumppad:
0x0: {  	(pc) =	sbr.rel $0x88, $3  }
0x1: {  	(tag) =	ssettag $0x0;
	lr =	simm.s32 $0x1  }
0x2: {  	[smem:$0x3F99] =	sst lr;
	_ =	strace $0xD0000000  }
0x3: {  	_ = 	snop  }
0x4: {  	_ = 	snop  }
0x5: {  	_ = 	snop  }
0x6: {  	_ = 	snop  }
0x7: {  	_ = 	snop  }
__scs_overlays_trampoline_lowered:
0x8: {  	[smem:$0x3FA8] =	sst s0  }
0x9: {  	[smem:$0x3FA9] =	sst s1  }
0xa: {  	[smem:$0x3FAA] =	sst s2  }
0xb: {  	[smem:$0x3FAB] =	sst s3  }
0xc: {  	[smem:$0x3FAC] =	sst s4  }
0xd: {  	[smem:$0x3FAD] =	sst s5  }
0xe: {  	[smem:$0x3FAE] =	sst s6  }
0xf: {  	[smem:$0x3FAF] =	sst s7  }
0x10: {  	[smem:$0x3FB0] =	sst s8  }
0x11: {  	[smem:$0x3FB1] =	sst s9;
	s0 =	simm.s32 @!p0 $0x0  }
0x12: {  	s1 =	sld [smem:$0x3F97];
	s0 =	simm.s32 @p0 $0x1  }
0x13: {  	[smem:$0x3FB2] =	sst s0;
	s0 =	simm.s32 @!p1 $0x0  }
0x14: {  	s2 =	sld [smem:$0x3F96];
	s0 =	simm.s32 @p1 $0x1  }
0x15: {  	[smem:$0x3FB3] =	sst s0;
	s0 =	simm.s32 @!p2 $0x0  }
0x16: {  	s3 =	sld [smem:$0x3FDB];
	s0 =	simm.s32 @p2 $0x1  }
0x17: {  	s4 =	simm.s32 $0x1BF5;
	[smem:$0x3FB5] =	sst s0  }
0x18: {  	s0 =	sld [smem:$0x3F98];
	_ =	swait.ge [sflag:s4], $0x0  }
0x19: {  	s7 =	sld [smem:$0x3F99]  }
0x1a: {  	s8 =	sadd.s32 $0xFFFFE003, lr  }
0x1b: {  	s9 =	sadd.s32 $0xFFFFFEF7, lr;
	s5 =	simm.s32 $0xFFFFFFFF;
	p2 =	slt.u32 s8, $0xFFFFF086  }
0x1c: {  	p1 =	slt.u32 s9, $0xF7A;
	s5 =	simm.s32 @!p2 $0x0  }
0x1d: {  	s5 =	simm.s32 @p1 $0x1;
	p0 =	seq.s32 s7, s2  }
0x1e: {  	s7 =	smul.u32 @!p0 $0xF7A, s2;
	p2 =	seq.s32 @!p0 s5, $0x0  }
0x1f: {  	s9 =	smul.u32 $0xF7A, s1;
	s8 =	simm.s32 @!p0 $0x1BF5;
	p2 =	por !p2, p0  }
0x20: {  	[sflag:s8] =	ssyncset.s32 @!p0 $0xFFFFF086;
	s6 =	sadd.s32 @!p0 s3, s7;
	s7 =	simm.s32 @!p0 $0x108  }
0x21: {  	s3 =	sadd.s32 s3, s9;
	s6 =	sadd.s32 @!p0 $0x88, s6;
	s7 =	simm.s32 @p2 $0x1082  }
0x22: {  	[simem:s7], [sflag:s8] =	dma.local @!p0 [hbm:s6], $0xF7A  }
0x23: {  	s9 =	sor.u32 $0xD0000000, s2;
	s6 =	simm.s32 $0x108;
	_ =	swait.ge @!p0 [sflag:s8], $0x0  }
0x24: {  	s3 =	sadd.s32 $0x88, s3;
	s6 =	simm.s32 @!p1 $0x1082;
	[sflag:s4] =	ssyncset.s32 $0xFFFFF086  }
0x25: {  	[simem:s6], [sflag:s4] =	dma.local [hbm:s3], $0xF7A  }
0x26: {  	[smem:$0x3F99] =	sst s1;
	(tag) =	ssettag s2;
	_ =	strace s9  }
0x27: {  	s1 =	sld [smem:$0x3FA9]  }
0x28: {  	s2 =	sld [smem:$0x3FAA]  }
0x29: {  	s4 =	sld [smem:$0x3FAC]  }
0x2a: {  	p0 =	seq.s32 s5, $0x0;
	s5 =	sld [smem:$0x3FAD]  }
0x2b: {  	s6 =	sld [smem:$0x3FAE]  }
0x2c: {  	s7 =	sld [smem:$0x3FAF]  }
0x2d: {  	s3 =	simm.s32 $0x108;
	s8 =	sld [smem:$0x3FB0]  }
0x2e: {  	s3 =	simm.s32 @!p0 $0x1082;
	s9 =	sld [smem:$0x3FB1]  }
0x2f: {  	lr =	sadd.s32 s0, s3;
	s0 =	sld [smem:$0x3FA8]  }
0x30: {  	s3 =	sld [smem:$0x3FAB]  }
0x31: {  	[smem:$0x3FB4] =	sst s10  }
0x32: {  	s10 =	sld [smem:$0x3FB2];
	_ =	sdelay $0x3  }
0x33: {  	p0 =	seq.s32 s10, $0x1;
	s10 =	sld [smem:$0x3FB4];
	_ =	sdelay $0x3  }
0x34: {  	[smem:$0x3FB4] =	sst s10  }
0x35: {  	s10 =	sld [smem:$0x3FB3];
	_ =	sdelay $0x3  }
0x36: {  	p1 =	seq.s32 s10, $0x1;
	s10 =	sld [smem:$0x3FB4];
	_ =	sdelay $0x3  }
0x37: {  	[smem:$0x3FB4] =	sst s10  }
0x38: {  	s10 =	sld [smem:$0x3FB5]  }
0x39: {  	_ = 	snop;
	(pc) =	sbr.ind lr, $3  }
0x3a: {  	_ = 	snop  }
0x3b: {  	_ = 	snop  }
0x3c: {  	p2 =	seq.s32 s10, $0x1;
	s10 =	sld [smem:$0x3FB4]  }
0x3d: {  	_ =	shalt  }
0x3e: {  	_ =	shalt  }
0x3f: {  	_ =	shalt  }
0x40: {  	_ =	shalt  }
0x41: {  	_ =	shalt  }
0x42: {  	_ =	shalt  }
0x43: {  	_ =	shalt  }
0x44: {  	_ =	shalt  }
0x45: {  	_ =	shalt  }
0x46: {  	_ =	shalt  }
0x47: {  	_ =	shalt  }
0x48: {  	_ =	shalt  }
0x49: {  	_ =	shalt  }
0x4a: {  	_ =	shalt  }
0x4b: {  	_ =	shalt  }
0x4c: {  	_ =	shalt  }
0x4d: {  	_ =	shalt  }
0x4e: {  	_ =	shalt  }
0x4f: {  	_ =	shalt  }
0x50: {  	_ =	shalt  }
0x51: {  	_ =	shalt  }
0x52: {  	_ =	shalt  }
0x53: {  	_ =	shalt  }
0x54: {  	_ =	shalt  }
0x55: {  	_ =	shalt  }
0x56: {  	_ =	shalt  }
0x57: {  	_ =	shalt  }
0x58: {  	_ =	shalt  }
0x59: {  	_ =	shalt  }
0x5a: {  	_ =	shalt  }
0x5b: {  	_ =	shalt  }
0x5c: {  	_ =	shalt  }
0x5d: {  	_ =	shalt  }
0x5e: {  	_ =	shalt  }
0x5f: {  	_ =	shalt  }
0x60: {  	_ =	shalt  }
0x61: {  	_ =	shalt  }
0x62: {  	_ =	shalt  }
0x63: {  	_ =	shalt  }
0x64: {  	_ =	shalt  }
0x65: {  	_ =	shalt  }
0x66: {  	_ =	shalt  }
0x67: {  	_ =	shalt  }
0x68: {  	_ =	shalt  }
0x69: {  	_ =	shalt  }
0x6a: {  	_ =	shalt  }
0x6b: {  	_ =	shalt  }
0x6c: {  	_ =	shalt  }
0x6d: {  	_ =	shalt  }
0x6e: {  	_ =	shalt  }
0x6f: {  	_ =	shalt  }
0x70: {  	_ =	shalt  }
0x71: {  	_ =	shalt  }
0x72: {  	_ =	shalt  }
0x73: {  	_ =	shalt  }
0x74: {  	_ =	shalt  }
0x75: {  	_ =	shalt  }
0x76: {  	_ =	shalt  }
0x77: {  	_ =	shalt  }
0x78: {  	_ =	shalt  }
0x79: {  	_ =	shalt  }
0x7a: {  	_ =	shalt  }
0x7b: {  	_ =	shalt  }
0x7c: {  	_ =	shalt  }
0x7d: {  	_ =	shalt  }
0x7e: {  	_ =	shalt  }
0x7f: {  	_ =	shalt  }
0x80: {  	_ =	shalt  }
0x81: {  	_ =	shalt  }
0x82: {  	_ =	shalt  }
0x83: {  	_ =	shalt  }
0x84: {  	_ =	shalt  }
0x85: {  	_ =	shalt  }
0x86: {  	_ =	shalt  }
0x87: {  	_ =	shalt  }
.Lfunc_end0:
.L_simem_size_0:
called_computation.6_lowered:
.L_overlay_start_0:
0x88: {  	s2 =	sld [smem:$0x3FD9]  }
0x89: {  	s3 =	sld [smem:$0x3FFE];
	_ =	sdelay $0x1  }
0x8a: {  	s1 =	srdreg.scid  }
0x8b: {  	s0 =	sand.u32 $0x1, s1  }
0x8c: {  	s16 =	sshll.u32 s0, $0xA;
	s2 =	sadd.s32 s3, s2  }
0x8d: {  	s2 =	sadd.s32 s2, s16  }
0x8e: {  	[smem:$0x3FC0] =	sst s2  }
0x8f: {  	_ = 	snop  }
0x90: {  	(tm) =	ssettm $0x1  }
0x91: {  	s17 =	sld [smem:$0x3FFB];
	_ =	sdelay $0x3  }
0x92: {  	_ =	strace s17  }
0x93: {  	s2 =	sld [smem:$0x3FFC];
	_ =	sdelay $0x3  }
0x94: {  	_ =	strace s2  }
0x95: {  	s2 =	sld [smem:$0x3FFD];
	_ =	sdelay $0x3  }
0x96: {  	_ =	strace s2  }
0x97: {  	_ =	strace $0x8FFFFFFF  }
0x98: {  	s18 =	sld [smem:$0x3FDB];
	_ =	sdelay $0x1  }
0x99: {  	s19 =	simm.s32 $_scs_section_size  }
0x9a: {  	s4 =	simm.s32 $_size__tile_overlayer_lowered;
	s5 =	simm.s32 $_tile_overlayer_lowered  }
0x9b: {  	s22 =	simm.s32 $0x1BFF;
	s21 =	sshll.u32 s5, $0x1;
	s2 =	sadd.s32 s19, s18  }
0x9c: {  	s6 =	simm.s32 $0x0;
	s20 =	sshll.u32 s4, $0x1;
	s4 =	sadd.s32 s21, s2  }
0x9d: {  	[timem:s6], [sflag:s22] =	dma.local [hbm:s4], s20  }
0x9e: {  	_ =	swait.ge [sflag:s22], s20  }
0x9f: {  	s3 =	ssub.s32 $0x0, s20;
	[sflag:s22] =	ssyncset.done $0x0  }
0xa0: {  	[sflag:s22] =	ssyncadd.s32 s3;
	_ =	sdelay $0x1  }
0xa1: {  	s23 =	simm.s32 $0x1B8B  }
0xa2: {  	_ =	swait.ge [sflag:s23], $0x1  }
0xa3: {  	[sflag:s23] =	ssyncset.done $0x0  }
0xa4: {  	s25 =	simm.s32 $0x1B8E;
	s24 =	sld [smem:$0x3FFE];
	[sflag:s23] =	ssyncadd.s32 $0xFFFFFFFF  }
0xa5: {  	s26 =	simm.s32 $execute0_lowered;
	[smem:$0x3FD2] =	sst s25  }
0xa6: {  	s4 =	sshll.u32 s26, $0x1;
	_ =	strace $0x80000058;
	[dreg:$0x1] =	wrdreg $0xFFFFFFFF  }
0xa7: {  	s28 =	simm.s32 $_size_execute0_lowered;
	s2 =	sadd.s32 s2, s4;
	[dreg:$0x0] =	wrdreg $0x0  }
0xa8: {  	s4 =	sshll.u32 s28, $0x1;
	[dreg:$0x2] =	wrdreg s2  }
0xa9: {  	[dreg:$0x3] =	wrdreg s4  }
0xaa: {  	[dreg:$0x4] =	wrdreg $0xC0  }
0xab: {  	_ =	task [dreg:s6], $0x5FFFF  }
0xac: {  	[dreg:$0x1] =	wrdreg $0xFFFFFFFF  }
0xad: {  	[dreg:$0x0] =	wrdreg $0x60  }
0xae: {  	[dreg:$0x2] =	wrdreg s24  }
0xaf: {  	[dreg:$0x3] =	wrdreg $0x98000  }
0xb0: {  	[dreg:$0x4] =	wrdreg $0x9  }
0xb1: {  	_ =	task.clear_ibuf [dreg:s6], $0x5FFFF;
	_ =	strace $0x90000058  }
0xb2: {  	s29 =	simm.s32 $0x9;
	_ =	strace $0x8000005A  }
0xb3: {  	_ =	swait.ge [sflag:s29], $0x1  }
0xb4: {  	[sflag:s29] =	ssyncadd.s32 $0xFFFFFFFF  }
0xb5: {  	_ =	strace $0x9000005A  }
0xb6: {  	_ =	sfence  }
0xb7: {  	s30 =	sld [smem:$0x0];
	_ =	sdelay $0x2  }
0xb8: {  	s31 =	sshll.u32 s1, $0xD;
	s1 =	sshrl.u32 s1, $0x2  }
0xb9: {  	s3 =	sand.u32 $0x4000, s31;
	s1 =	sadd.s32 s1, s30  }
0xba: {  	s0 =	sor.u32 s3, s0;
	s1 =	sshll.u32 s1, $0x11  }
0xbb: {  	s0 =	sor.u32 s1, s0  }
0xbc: {  	s0 =	sadd.s32 $0x8F2B, s0  }
0xbd: {  	[sflag:s0] =	ssyncadd.remote.s32 $0x1  }
0xbe: {  	_ =	sfence.sel $0xFFFF  }
0xbf: {  	[dreg:$0x0] =	wrdreg $0xFFFFFFFF;
	(pc) =	sbr.abs _section_cstart, $3  }
0xc0: {  	[dreg:$0x1] =	wrdreg $0xFFFFFFFF  }
0xc1: {  	_ =	task.clear_ibuf [dreg:s6], $0x2FFFF;
	_ =	strace $0x9FFFFFFF  }
0xc2: {  	(tm) =	ssettm $0x7FFFFFFF  }
0xc3: {  	_ =	shalt  }
tec
execute0_lowered:
.L_overlay_start_1:
0x0: {  	(tag) =	ssettag $0x1  }
0x1: {  	s4 =	rddreg [dreg:$0x0]  }
0x2: {  	s1 =	rddreg [dreg:$0x1];
	s2 =	srdreg.scid  }
0x3: {  	s17 =	stileid.u32;
	s0 =	rddreg [dreg:$0x2];
	s11 =	simm.s32 $0x2  }
0x4: {  	s14 =	simm.s32 $0x5800;
	s15 =	simm.s32 $0x80;
	s16 =	simm.s32 $0x1  }
0x5: {  	s19 =	simm.s32 $0x0;
	s5 =	sand.u32 $0x1, s2;
	s8 =	smul.u32 $0x28000, s17  }
0x6: {  	s3 =	sshll.u32 s17, $0x1;
	s2 =	simm.s32 $0x0;
	s12 =	smul.u32 $0x580, s17  }
0x7: {  	p0 =	sne.s32 s17, $0x0;
	s17 =	sshll.u32 s17, $0x6;
	s6 =	smul.u32 $0x5800, s5  }
0x8: {  	s3 =	sor.u32 s5, s3;
	[smem:$0x7FF] =	sst s2;
	s5 =	ssub.s32 $0x2, s5  }
0x9: {  	s17 =	sor.u32 $0x1C02, s17;
	s7 =	smul.u32 $0x1400, s3;
	_ =	strace $0x80000059  }
0xa: {  	s3 =	sadd.s32 $0x4BC00, s4;
	s29 =	sshrl.u32 s5, $0x1;
	s30 =	sshrl.u32 s8, $0x2  }
0xb: {  	s8 =	sadd.s32 $0xA0000, s1;
	s6 =	sadd.s32 s6, s4;
	s10 =	ssub.s32 s5, s29  }
0xc: {  	s9 =	sadd.s32 s7, s4;
	s31 =	sadd.s32 s12, s6;
	s4 =	sadd.s32 s30, s1  }
0xd: {  	s13 =	sadd.s32 $0x18C00, s6;
	s10 =	smax.u32 s10, $0x1;
	s5 =	sadd.s32 $0xDC00, s31  }
0xe: {  	s6 =	sadd.s32 $0x4000, s4;
	s7 =	sadd.s32 $0x8000, s4;
	s9 =	sadd.s32 $0x73C00, s9  }
0xf: {  	v0 =	vimm.f32 $0.0e+00;
	s12 =	sadd.s32 s12, s13;
	s13 =	simm.s32 $0x2C00;
	s18 =	sshrl.u32 s4, $0x3  }
.LBB2_1:
0x10: {  	[tilespmem:s2], [sflag:$0x2] =	stream.linear.gather [hbm4b:s5+s2], $0x2900, $0x38;
	[tilespmem:$0x13840] =	vst v63  }
0x11: {  	_ =	swait.ge [sflag:s11], $0x2900  }
0x12: {  	[sflag:s11] =	ssyncset.done $0x0  }
0x13: {  	[sflag:s11] =	ssyncadd.s32 $0xFFFFD700  }
0x14: {  	[tilespmem:s13], [sflag:$0x2] =	stream.linear.gather [hbm4b:s12+s2], $0x2900, $0x38;
	[tilespmem:$0x13840] =	vst v63  }
0x15: {  	_ =	swait.ge [sflag:s11], $0x2900  }
0x16: {  	[sflag:s11] =	ssyncset.done $0x0  }
0x17: {  	s20 =	simm.s32 $0x0;
	s21 =	simm.s32 $0x200;
	[sflag:s11] =	ssyncadd.s32 $0xFFFFD700  }
.LBB2_2:
0x18: {  	p1 =	sne.s32 s21, $0xFE00;
	[tilespmem:s20+$0x5870] =	vst v0  }
0x19: {  	[tilespmem:s20+$0x5800] =	vst v0  }
0x1a: {  	[tilespmem:s20+$0x5810] =	vst v0  }
.Ltmp0:
0x1b: {  	[tilespmem:s20+$0x5820] =	vst v0;
	(pc) =	sbr.rel @p1 .LBB2_2-.Ltmp0, $4  }
0x1c: {  	[tilespmem:s20+$0x5830] =	vst v0  }
0x1d: {  	[tilespmem:s20+$0x5840] =	vst v0  }
0x1e: {  	[tilespmem:s20+$0x5850] =	vst v0  }
0x1f: {  	[tilespmem:s20+$0x5860] =	vst v0;
	s20 =	sshra.s32 s21, $0x2;
	s21 =	sadd.s32 $0x200, s21  }
0x20: {  	[tilespmem:s20+$0x5870] =	vst v0  }
0x21: {  	[tilespmem:s20+$0x5800] =	vst v0  }
0x22: {  	[tilespmem:s20+$0x5810] =	vst v0  }
0x23: {  	[tilespmem:s20+$0x5820] =	vst v0  }
0x24: {  	[tilespmem:s20+$0x5830] =	vst v0  }
0x25: {  	[tilespmem:s20+$0x5840] =	vst v0  }
0x26: {  	[tilespmem:s20+$0x5850] =	vst v0  }
0x27: {  	[tilespmem:s20+$0x5860] =	vst v0  }
0x28: {  	[spmem:s4] =	stream.linear.scatter [tilespmem:s14], [sflag:$0x2], $0x4000, $0x38;
	[tilespmem:$0x13840] =	vst v63  }
0x29: {  	_ =	swait.ge [sflag:s11], $0x4000  }
0x2a: {  	[sflag:s11] =	ssyncset.done $0x0  }
0x2b: {  	[sflag:s11] =	ssyncadd.s32 $0xFFFFC000  }
0x2c: {  	[spmem:s6] =	stream.linear.scatter [tilespmem:s14], [sflag:$0x2], $0x4000, $0x38;
	[tilespmem:$0x13840] =	vst v63  }
0x2d: {  	_ =	swait.ge [sflag:s11], $0x4000  }
0x2e: {  	[sflag:s11] =	ssyncset.done $0x0  }
0x2f: {  	[sflag:s11] =	ssyncadd.s32 $0xFFFFC000  }
0x30: {  	[spmem:s7] =	stream.linear.scatter [tilespmem:s14], [sflag:$0x2], $0x2000, $0x38;
	[tilespmem:$0x13840] =	vst v63  }
0x31: {  	_ =	swait.ge [sflag:s11], $0x2000  }
0x32: {  	[sflag:s11] =	ssyncset.done $0x0  }
0x33: {  	s20 =	simm.s32 @!p0 $0x5800;
	[sflag:s11] =	ssyncadd.s32 $0xFFFFE000  }
0x34: {  	[spmem:s8] =	stream.linear.scatter @!p0 [tilespmem:s20], [sflag:$0x2], $0x400, $0x38;
	[tilespmem:$0x13840] =	vst v63  }
0x35: {  	s20 =	simm.s32 @!p0 $0x2  }
0x36: {  	_ =	swait.ge @!p0 [sflag:s20], $0x400  }
0x37: {  	[sflag:s20] =	ssyncset.done @!p0 $0x0  }
0x38: {  	[sflag:s20] =	ssyncadd.s32 @!p0 $0xFFFFFC00  }
0x39: {  	s30 =	simm.s32 $0x0;
	[bflag:$0x0] =	sbarrier.arrive $0xFFFF  }
0x3a: {  	[tilespmem:s14], [sflag:$0x1] =	stream.indirect.gather [hbm4b:s3+s15], $0x80, s30, s15, $0xb8;
	[tilespmem:$0x13840] =	vst v63  }
0x3b: {  	_ =	swait.ge [sflag:s16], $0x4000  }
0x3c: {  	[sflag:s16] =	ssyncset.done $0x0  }
0x3d: {  	s31 =	simm.s32 $0x2C00;
	[sflag:s16] =	ssyncadd.s32 $0xFFFFC000  }
0x3e: {  	[spmem:s1] =	stream.indirect.scatter.add.f32 [tilespmem:s14], [sflag:$0x2], $0x80, s31, s15, $0xb8;
	[tilespmem:$0x13840] =	vst v63  }
0x3f: {  	_ =	swait.ge [sflag:s11], $0x4000  }
0x40: {  	s21 =	simm.s32 $0x400;
	s20 =	simm.s32 $0x200;
	[sflag:s11] =	ssyncset.done $0x0  }
.LBB2_4:
0x41: {  	s22 =	sshra.s32 s20, $0x2  }
0x42: {  	[sflag:s11] =	ssyncadd.s32 $0xFFFFC000;
	s20 =	smov.u32 s21;
	s23 =	sadd.s32 $0x200, s21  }
0x43: {  	[tilespmem:s14], [sflag:$0x1] =	stream.indirect.gather [hbm4b:s3+s15], $0x80, s22, s15, $0xb8;
	[tilespmem:$0x13840] =	vst v63  }
0x44: {  	p1 =	sne.s32 s21, $0xA200;
	_ =	swait.ge [sflag:s16], $0x4000  }
.Ltmp1:
0x45: {  	[sflag:s16] =	ssyncset.done $0x0;
	(pc) =	sbr.rel @p1 .LBB2_4-.Ltmp1, $4  }
0x46: {  	s21 =	sadd.s32 $0x2C00, s22;
	[sflag:s16] =	ssyncadd.s32 $0xFFFFC000  }
0x47: {  	[spmem:s1] =	stream.indirect.scatter.add.f32 [tilespmem:s14], [sflag:$0x2], $0x80, s21, s15, $0xb8;
	[tilespmem:$0x13840] =	vst v63  }
0x48: {  	_ =	swait.ge [sflag:s11], $0x4000  }
0x49: {  	s21 =	smov.u32 s23;
	[sflag:s11] =	ssyncset.done $0x0  }
0x4a: {  	s20 =	sshra.s32 s20, $0x2;
	[sflag:s11] =	ssyncadd.s32 $0xFFFFC000  }
0x4b: {  	[tilespmem:s14], [sflag:$0x1] =	stream.indirect.gather [hbm4b:s3+s15], $0x80, s20, s15, $0xb8;
	[tilespmem:$0x13840] =	vst v63  }
0x4c: {  	_ =	swait.ge [sflag:s16], $0x4000  }
0x4d: {  	[sflag:s16] =	ssyncset.done $0x0  }
0x4e: {  	s20 =	sadd.s32 $0x2C00, s20;
	[sflag:s16] =	ssyncadd.s32 $0xFFFFC000  }
0x4f: {  	[spmem:s1] =	stream.indirect.scatter.add.f32 [tilespmem:s14], [sflag:$0x2], $0x80, s20, s15, $0xb8;
	[tilespmem:$0x13840] =	vst v63  }
0x50: {  	_ =	swait.ge [sflag:s11], $0x4000  }
0x51: {  	s19 =	sadd.s32 $0x1, s19;
	[sflag:s11] =	ssyncset.done $0x0  }
0x52: {  	p1 =	sne.s32 s19, s10;
	[sflag:s11] =	ssyncadd.s32 $0xFFFFC000  }
.Ltmp2:
0x53: {  	[bflag:$0x0] =	sbarrier.arrive $0xFFFF;
	(pc) =	sbr.rel @p1 .LBB2_1-.Ltmp2, $4  }
0x54: {  	[hbm:s9], [sflag:s17] =	dma.local [spmem:s18], $0x1400  }
0x55: {  	_ =	swait.ge [sflag:s11], $0x1400  }
0x56: {  	[sflag:s11] =	ssyncset.done $0x0  }
0x57: {  	[sflag:s11] =	ssyncadd.s32 $0xFFFFEC00  }
0x58: {  	_ =	sfence.sel $0x180000  }
0x59: {  	[bflag:$0x0] =	sbarrier.arrive $0xFFFF  }
0x5a: {  	_ =	strace $0x90000059  }
0x5b: {  	s0 =	sadd.s32 @!p0 $0x100000, s0;
	[bflag:$0x2] =	sbarrier.arrive $0xFFFF  }
0x5c: {  	[sflag:s0] =	ssyncadd.tile.s32 @!p0 $0x1;
	_ =	shalt  }
.Lfunc_end2:
_tile_overlayer_lowered:
.L_overlay_start_2:
0x5d: {  	(tag) =	ssettag $0x2  }
0x5e: {  	s0 =	rddreg [dreg:$0x0];
	s2 =	stileid.u32  }
0x5f: {  	s1 =	rddreg [dreg:$0x1];
	p0 =	sne.s32 s2, $0x0  }
0x60: {  	s3 =	rddreg [dreg:$0x2];
	[bflag:$0x3] =	sbarrier.arrive $0xFFFF;
	s2 =	simm.s32 @!p0 $0x1C02  }
0x61: {  	[timem:s3], [sflag:s2] =	dma.local @!p0 [hbm:s0], s1  }
0x62: {  	s0 =	simm.s32 @!p0 $0x2  }
0x63: {  	_ =	swait.ge @!p0 [sflag:s0], s1  }
0x64: {  	s1 =	ssub.s32 @!p0 $0x0, s1;
	[sflag:s0] =	ssyncset.done @!p0 $0x0  }
0x65: {  	[sflag:s0] =	ssyncadd.s32 @!p0 s1  }
0x66: {  	[bflag:$0x3] =	sbarrier.arrive $0xFFFF  }
0x67: {  	_ =	shalt  }

// kernel: kernel.21.cloned.1.call-start
scs
__scs_entry_jumppad:
0x0: {  	(pc) =	sbr.rel $0x88, $3  }
0x1: {  	(tag) =	ssettag $0x0;
	lr =	simm.s32 $0x1  }
0x2: {  	[smem:$0x3F99] =	sst lr;
	_ =	strace $0xD0000000  }
0x3: {  	_ = 	snop  }
0x4: {  	_ = 	snop  }
0x5: {  	_ = 	snop  }
0x6: {  	_ = 	snop  }
0x7: {  	_ = 	snop  }
__scs_overlays_trampoline_lowered:
0x8: {  	[smem:$0x3FA8] =	sst s0  }
0x9: {  	[smem:$0x3FA9] =	sst s1  }
0xa: {  	[smem:$0x3FAA] =	sst s2  }
0xb: {  	[smem:$0x3FAB] =	sst s3  }
0xc: {  	[smem:$0x3FAC] =	sst s4  }
0xd: {  	[smem:$0x3FAD] =	sst s5  }
0xe: {  	[smem:$0x3FAE] =	sst s6  }
0xf: {  	[smem:$0x3FAF] =	sst s7  }
0x10: {  	[smem:$0x3FB0] =	sst s8  }
0x11: {  	[smem:$0x3FB1] =	sst s9;
	s0 =	simm.s32 @!p0 $0x0  }
0x12: {  	s1 =	sld [smem:$0x3F97];
	s0 =	simm.s32 @p0 $0x1  }
0x13: {  	[smem:$0x3FB2] =	sst s0;
	s0 =	simm.s32 @!p1 $0x0  }
0x14: {  	s2 =	sld [smem:$0x3F96];
	s0 =	simm.s32 @p1 $0x1  }
0x15: {  	[smem:$0x3FB3] =	sst s0;
	s0 =	simm.s32 @!p2 $0x0  }
0x16: {  	s3 =	sld [smem:$0x3FDB];
	s0 =	simm.s32 @p2 $0x1  }
0x17: {  	s4 =	simm.s32 $0x1BF5;
	[smem:$0x3FB5] =	sst s0  }
0x18: {  	s0 =	sld [smem:$0x3F98];
	_ =	swait.ge [sflag:s4], $0x0  }
0x19: {  	s7 =	sld [smem:$0x3F99]  }
0x1a: {  	s8 =	sadd.s32 $0xFFFFE003, lr  }
0x1b: {  	s9 =	sadd.s32 $0xFFFFFEF7, lr;
	s5 =	simm.s32 $0xFFFFFFFF;
	p2 =	slt.u32 s8, $0xFFFFF086  }
0x1c: {  	p1 =	slt.u32 s9, $0xF7A;
	s5 =	simm.s32 @!p2 $0x0  }
0x1d: {  	s5 =	simm.s32 @p1 $0x1;
	p0 =	seq.s32 s7, s2  }
0x1e: {  	s7 =	smul.u32 @!p0 $0xF7A, s2;
	p2 =	seq.s32 @!p0 s5, $0x0  }
0x1f: {  	s9 =	smul.u32 $0xF7A, s1;
	s8 =	simm.s32 @!p0 $0x1BF5;
	p2 =	por !p2, p0  }
0x20: {  	[sflag:s8] =	ssyncset.s32 @!p0 $0xFFFFF086;
	s6 =	sadd.s32 @!p0 s3, s7;
	s7 =	simm.s32 @!p0 $0x108  }
0x21: {  	s3 =	sadd.s32 s3, s9;
	s6 =	sadd.s32 @!p0 $0x88, s6;
	s7 =	simm.s32 @p2 $0x1082  }
0x22: {  	[simem:s7], [sflag:s8] =	dma.local @!p0 [hbm:s6], $0xF7A  }
0x23: {  	s9 =	sor.u32 $0xD0000000, s2;
	s6 =	simm.s32 $0x108;
	_ =	swait.ge @!p0 [sflag:s8], $0x0  }
0x24: {  	s3 =	sadd.s32 $0x88, s3;
	s6 =	simm.s32 @!p1 $0x1082;
	[sflag:s4] =	ssyncset.s32 $0xFFFFF086  }
0x25: {  	[simem:s6], [sflag:s4] =	dma.local [hbm:s3], $0xF7A  }
0x26: {  	[smem:$0x3F99] =	sst s1;
	(tag) =	ssettag s2;
	_ =	strace s9  }
0x27: {  	s1 =	sld [smem:$0x3FA9]  }
0x28: {  	s2 =	sld [smem:$0x3FAA]  }
0x29: {  	s4 =	sld [smem:$0x3FAC]  }
0x2a: {  	p0 =	seq.s32 s5, $0x0;
	s5 =	sld [smem:$0x3FAD]  }
0x2b: {  	s6 =	sld [smem:$0x3FAE]  }
0x2c: {  	s7 =	sld [smem:$0x3FAF]  }
0x2d: {  	s3 =	simm.s32 $0x108;
	s8 =	sld [smem:$0x3FB0]  }
0x2e: {  	s3 =	simm.s32 @!p0 $0x1082;
	s9 =	sld [smem:$0x3FB1]  }
0x2f: {  	lr =	sadd.s32 s0, s3;
	s0 =	sld [smem:$0x3FA8]  }
0x30: {  	s3 =	sld [smem:$0x3FAB]  }
0x31: {  	[smem:$0x3FB4] =	sst s10  }
0x32: {  	s10 =	sld [smem:$0x3FB2];
	_ =	sdelay $0x3  }
0x33: {  	p0 =	seq.s32 s10, $0x1;
	s10 =	sld [smem:$0x3FB4];
	_ =	sdelay $0x3  }
0x34: {  	[smem:$0x3FB4] =	sst s10  }
0x35: {  	s10 =	sld [smem:$0x3FB3];
	_ =	sdelay $0x3  }
0x36: {  	p1 =	seq.s32 s10, $0x1;
	s10 =	sld [smem:$0x3FB4];
	_ =	sdelay $0x3  }
0x37: {  	[smem:$0x3FB4] =	sst s10  }
0x38: {  	s10 =	sld [smem:$0x3FB5]  }
0x39: {  	_ = 	snop;
	(pc) =	sbr.ind lr, $3  }
0x3a: {  	_ = 	snop  }
0x3b: {  	_ = 	snop  }
0x3c: {  	p2 =	seq.s32 s10, $0x1;
	s10 =	sld [smem:$0x3FB4]  }
0x3d: {  	_ =	shalt  }
0x3e: {  	_ =	shalt  }
0x3f: {  	_ =	shalt  }
0x40: {  	_ =	shalt  }
0x41: {  	_ =	shalt  }
0x42: {  	_ =	shalt  }
0x43: {  	_ =	shalt  }
0x44: {  	_ =	shalt  }
0x45: {  	_ =	shalt  }
0x46: {  	_ =	shalt  }
0x47: {  	_ =	shalt  }
0x48: {  	_ =	shalt  }
0x49: {  	_ =	shalt  }
0x4a: {  	_ =	shalt  }
0x4b: {  	_ =	shalt  }
0x4c: {  	_ =	shalt  }
0x4d: {  	_ =	shalt  }
0x4e: {  	_ =	shalt  }
0x4f: {  	_ =	shalt  }
0x50: {  	_ =	shalt  }
0x51: {  	_ =	shalt  }
0x52: {  	_ =	shalt  }
0x53: {  	_ =	shalt  }
0x54: {  	_ =	shalt  }
0x55: {  	_ =	shalt  }
0x56: {  	_ =	shalt  }
0x57: {  	_ =	shalt  }
0x58: {  	_ =	shalt  }
0x59: {  	_ =	shalt  }
0x5a: {  	_ =	shalt  }
0x5b: {  	_ =	shalt  }
0x5c: {  	_ =	shalt  }
0x5d: {  	_ =	shalt  }
0x5e: {  	_ =	shalt  }
0x5f: {  	_ =	shalt  }
0x60: {  	_ =	shalt  }
0x61: {  	_ =	shalt  }
0x62: {  	_ =	shalt  }
0x63: {  	_ =	shalt  }
0x64: {  	_ =	shalt  }
0x65: {  	_ =	shalt  }
0x66: {  	_ =	shalt  }
0x67: {  	_ =	shalt  }
0x68: {  	_ =	shalt  }
0x69: {  	_ =	shalt  }
0x6a: {  	_ =	shalt  }
0x6b: {  	_ =	shalt  }
0x6c: {  	_ =	shalt  }
0x6d: {  	_ =	shalt  }
0x6e: {  	_ =	shalt  }
0x6f: {  	_ =	shalt  }
0x70: {  	_ =	shalt  }
0x71: {  	_ =	shalt  }
0x72: {  	_ =	shalt  }
0x73: {  	_ =	shalt  }
0x74: {  	_ =	shalt  }
0x75: {  	_ =	shalt  }
0x76: {  	_ =	shalt  }
0x77: {  	_ =	shalt  }
0x78: {  	_ =	shalt  }
0x79: {  	_ =	shalt  }
0x7a: {  	_ =	shalt  }
0x7b: {  	_ =	shalt  }
0x7c: {  	_ =	shalt  }
0x7d: {  	_ =	shalt  }
0x7e: {  	_ =	shalt  }
0x7f: {  	_ =	shalt  }
0x80: {  	_ =	shalt  }
0x81: {  	_ =	shalt  }
0x82: {  	_ =	shalt  }
0x83: {  	_ =	shalt  }
0x84: {  	_ =	shalt  }
0x85: {  	_ =	shalt  }
0x86: {  	_ =	shalt  }
0x87: {  	_ =	shalt  }
.Lfunc_end0:
.L_simem_size_0:
called_computation.7_lowered:
.L_overlay_start_0:
0x88: {  	s2 =	sld [smem:$0x3FD9]  }
0x89: {  	s3 =	sld [smem:$0x3FFE];
	_ =	sdelay $0x1  }
0x8a: {  	s1 =	srdreg.scid  }
0x8b: {  	s0 =	sand.u32 $0x1, s1  }
0x8c: {  	s17 =	sshll.u32 s0, $0xA;
	s2 =	sadd.s32 s3, s2  }
0x8d: {  	s2 =	sadd.s32 s2, s17  }
0x8e: {  	[smem:$0x3FC0] =	sst s2  }
0x8f: {  	_ = 	snop  }
0x90: {  	s2 =	sld [smem:$0x3FD0];
	(tm) =	ssettm $0x1  }
0x91: {  	s18 =	sld [smem:$0x3FFB];
	_ =	sdelay $0x3  }
0x92: {  	_ =	strace s18  }
0x93: {  	s3 =	sld [smem:$0x3FFC];
	_ =	sdelay $0x3  }
0x94: {  	_ =	strace s3  }
0x95: {  	s3 =	sld [smem:$0x3FFD];
	_ =	sdelay $0x3  }
0x96: {  	_ =	strace s3  }
0x97: {  	_ =	strace $0x8FFFFFFF  }
0x98: {  	s19 =	sld [smem:$0x3FDB];
	_ =	sdelay $0x1  }
0x99: {  	s4 =	simm.s32 $_scs_section_size  }
0x9a: {  	s5 =	simm.s32 $_size__tile_overlayer_lowered;
	s6 =	simm.s32 $_tile_overlayer_lowered  }
0x9b: {  	s22 =	simm.s32 $0x1BFF;
	s21 =	sshll.u32 s6, $0x1;
	s3 =	sadd.s32 s4, s19  }
0x9c: {  	s7 =	simm.s32 $0x0;
	s20 =	sshll.u32 s5, $0x1;
	s5 =	sadd.s32 s21, s3  }
0x9d: {  	[timem:s7], [sflag:s22] =	dma.local [hbm:s5], s20  }
0x9e: {  	_ =	swait.ge [sflag:s22], s20  }
0x9f: {  	s4 =	ssub.s32 $0x0, s20;
	[sflag:s22] =	ssyncset.done $0x0  }
0xa0: {  	[sflag:s22] =	ssyncadd.s32 s4;
	_ =	sdelay $0x1  }
0xa1: {  	s23 =	simm.s32 $0x1B8B  }
0xa2: {  	_ =	swait.ge [sflag:s23], $0x1  }
0xa3: {  	[sflag:s23] =	ssyncset.done $0x0  }
0xa4: {  	s25 =	simm.s32 $0x1B8E;
	s24 =	sld [smem:$0x3FFE];
	[sflag:s23] =	ssyncadd.s32 $0xFFFFFFFF  }
0xa5: {  	s26 =	simm.s32 $execute0_lowered;
	[smem:$0x3FD2] =	sst s25  }
0xa6: {  	s5 =	sshll.u32 s26, $0x1;
	_ =	strace $0x8000005B;
	[dreg:$0x1] =	wrdreg $0xFFFFFFFF  }
0xa7: {  	s28 =	simm.s32 $_size_execute0_lowered;
	s3 =	sadd.s32 s3, s5;
	[dreg:$0x0] =	wrdreg $0x0  }
0xa8: {  	s5 =	sshll.u32 s28, $0x1;
	[dreg:$0x2] =	wrdreg s3  }
0xa9: {  	[dreg:$0x3] =	wrdreg s5  }
0xaa: {  	[dreg:$0x4] =	wrdreg $0xC0  }
0xab: {  	_ =	task [dreg:s7], $0x5FFFF  }
0xac: {  	[dreg:$0x1] =	wrdreg $0xFFFFFFFF  }
0xad: {  	[dreg:$0x0] =	wrdreg $0x60  }
0xae: {  	[dreg:$0x2] =	wrdreg s2  }
0xaf: {  	[dreg:$0x3] =	wrdreg s24  }
0xb0: {  	[dreg:$0x4] =	wrdreg $0x98000  }
0xb1: {  	[dreg:$0x5] =	wrdreg $0x9  }
0xb2: {  	_ =	task.clear_ibuf [dreg:s7], $0x6FFFF;
	_ =	strace $0x9000005B  }
0xb3: {  	s29 =	simm.s32 $0x9;
	_ =	strace $0x8000005D  }
0xb4: {  	_ =	swait.ge [sflag:s29], $0x1  }
0xb5: {  	[sflag:s29] =	ssyncadd.s32 $0xFFFFFFFF  }
0xb6: {  	_ =	strace $0x9000005D  }
0xb7: {  	_ =	sfence  }
0xb8: {  	s30 =	sld [smem:$0x0];
	_ =	sdelay $0x2  }
0xb9: {  	s31 =	sshll.u32 s1, $0xD;
	s1 =	sshrl.u32 s1, $0x2  }
0xba: {  	s3 =	sand.u32 $0x4000, s31;
	s1 =	sadd.s32 s1, s30  }
0xbb: {  	s0 =	sor.u32 s3, s0;
	s1 =	sshll.u32 s1, $0x11  }
0xbc: {  	s0 =	sor.u32 s1, s0  }
0xbd: {  	s0 =	sadd.s32 $0x8F2B, s0  }
0xbe: {  	[sflag:s0] =	ssyncadd.remote.s32 $0x1  }
0xbf: {  	_ =	sfence.sel $0xFFFF  }
0xc0: {  	[dreg:$0x0] =	wrdreg $0xFFFFFFFF;
	(pc) =	sbr.abs _section_cstart, $3  }
0xc1: {  	[dreg:$0x1] =	wrdreg $0xFFFFFFFF  }
0xc2: {  	_ =	task.clear_ibuf [dreg:s7], $0x2FFFF;
	_ =	strace $0x9FFFFFFF  }
0xc3: {  	(tm) =	ssettm $0x7FFFFFFF  }
tec
execute0_lowered:
.L_overlay_start_1:
0x0: {  	(tag) =	ssettag $0x1  }
0x1: {  	s1 =	rddreg [dreg:$0x0]  }
0x2: {  	s4 =	rddreg [dreg:$0x1]  }
0x3: {  	s2 =	rddreg [dreg:$0x2];
	s3 =	srdreg.scid  }
0x4: {  	s17 =	stileid.u32;
	s0 =	rddreg [dreg:$0x3]  }
0x5: {  	s11 =	simm.s32 $0x2;
	s14 =	simm.s32 $0x5800;
	s15 =	simm.s32 $0x80  }
0x6: {  	s16 =	simm.s32 $0x1;
	s19 =	simm.s32 $0x0;
	s5 =	sand.u32 $0x1, s3  }
0x7: {  	s6 =	sshll.u32 s17, $0x1;
	s3 =	simm.s32 $0x0;
	s8 =	smul.u32 $0x28000, s17  }
0x8: {  	s12 =	smul.u32 $0x580, s17;
	p0 =	sne.s32 s17, $0x0;
	s17 =	sshll.u32 s17, $0x6  }
0x9: {  	s7 =	smul.u32 $0x5800, s5;
	s6 =	sor.u32 s5, s6;
	[smem:$0x7FF] =	sst s3  }
0xa: {  	s5 =	ssub.s32 $0x2, s5;
	s17 =	sor.u32 $0x1C02, s17;
	s6 =	smul.u32 $0x1400, s6  }
0xb: {  	_ =	strace $0x8000005C;
	s29 =	sshrl.u32 s5, $0x1;
	s30 =	sshrl.u32 s8, $0x2  }
0xc: {  	s8 =	sadd.s32 $0xA0000, s2;
	s7 =	sadd.s32 s7, s4;
	s10 =	ssub.s32 s5, s29  }
0xd: {  	s9 =	sadd.s32 s6, s4;
	s31 =	sadd.s32 s12, s7;
	s4 =	sadd.s32 s30, s2  }
0xe: {  	s13 =	sadd.s32 $0x18C00, s7;
	s10 =	smax.u32 s10, $0x1;
	s5 =	sadd.s32 $0xDC00, s31  }
0xf: {  	s6 =	sadd.s32 $0x4000, s4;
	s7 =	sadd.s32 $0x8000, s4;
	s9 =	sadd.s32 $0x23C00, s9  }
0x10: {  	v0 =	vimm.f32 $0.0e+00;
	s12 =	sadd.s32 s12, s13;
	s13 =	simm.s32 $0x2C00;
	s18 =	sshrl.u32 s4, $0x3  }
.LBB2_1:
0x11: {  	[tilespmem:s3], [sflag:$0x2] =	stream.linear.gather [hbm4b:s5+s3], $0x2900, $0x38;
	[tilespmem:$0x13840] =	vst v63  }
0x12: {  	_ =	swait.ge [sflag:s11], $0x2900  }
0x13: {  	[sflag:s11] =	ssyncset.done $0x0  }
0x14: {  	[sflag:s11] =	ssyncadd.s32 $0xFFFFD700  }
0x15: {  	[tilespmem:s13], [sflag:$0x2] =	stream.linear.gather [hbm4b:s12+s3], $0x2900, $0x38;
	[tilespmem:$0x13840] =	vst v63  }
0x16: {  	_ =	swait.ge [sflag:s11], $0x2900  }
0x17: {  	[sflag:s11] =	ssyncset.done $0x0  }
0x18: {  	s20 =	simm.s32 $0x0;
	s21 =	simm.s32 $0x200;
	[sflag:s11] =	ssyncadd.s32 $0xFFFFD700  }
.LBB2_2:
0x19: {  	p1 =	sne.s32 s21, $0xFE00;
	[tilespmem:s20+$0x5870] =	vst v0  }
0x1a: {  	[tilespmem:s20+$0x5800] =	vst v0  }
0x1b: {  	[tilespmem:s20+$0x5810] =	vst v0  }
.Ltmp0:
0x1c: {  	[tilespmem:s20+$0x5820] =	vst v0;
	(pc) =	sbr.rel @p1 .LBB2_2-.Ltmp0, $4  }
0x1d: {  	[tilespmem:s20+$0x5830] =	vst v0  }
0x1e: {  	[tilespmem:s20+$0x5840] =	vst v0  }
0x1f: {  	[tilespmem:s20+$0x5850] =	vst v0  }
0x20: {  	[tilespmem:s20+$0x5860] =	vst v0;
	s20 =	sshra.s32 s21, $0x2;
	s21 =	sadd.s32 $0x200, s21  }
0x21: {  	[tilespmem:s20+$0x5870] =	vst v0  }
0x22: {  	[tilespmem:s20+$0x5800] =	vst v0  }
0x23: {  	[tilespmem:s20+$0x5810] =	vst v0  }
0x24: {  	[tilespmem:s20+$0x5820] =	vst v0  }
0x25: {  	[tilespmem:s20+$0x5830] =	vst v0  }
0x26: {  	[tilespmem:s20+$0x5840] =	vst v0  }
0x27: {  	[tilespmem:s20+$0x5850] =	vst v0  }
0x28: {  	[tilespmem:s20+$0x5860] =	vst v0  }
0x29: {  	[spmem:s4] =	stream.linear.scatter [tilespmem:s14], [sflag:$0x2], $0x4000, $0x38;
	[tilespmem:$0x13840] =	vst v63  }
0x2a: {  	_ =	swait.ge [sflag:s11], $0x4000  }
0x2b: {  	[sflag:s11] =	ssyncset.done $0x0  }
0x2c: {  	[sflag:s11] =	ssyncadd.s32 $0xFFFFC000  }
0x2d: {  	[spmem:s6] =	stream.linear.scatter [tilespmem:s14], [sflag:$0x2], $0x4000, $0x38;
	[tilespmem:$0x13840] =	vst v63  }
0x2e: {  	_ =	swait.ge [sflag:s11], $0x4000  }
0x2f: {  	[sflag:s11] =	ssyncset.done $0x0  }
0x30: {  	[sflag:s11] =	ssyncadd.s32 $0xFFFFC000  }
0x31: {  	[spmem:s7] =	stream.linear.scatter [tilespmem:s14], [sflag:$0x2], $0x2000, $0x38;
	[tilespmem:$0x13840] =	vst v63  }
0x32: {  	_ =	swait.ge [sflag:s11], $0x2000  }
0x33: {  	[sflag:s11] =	ssyncset.done $0x0  }
0x34: {  	s20 =	simm.s32 @!p0 $0x5800;
	[sflag:s11] =	ssyncadd.s32 $0xFFFFE000  }
0x35: {  	[spmem:s8] =	stream.linear.scatter @!p0 [tilespmem:s20], [sflag:$0x2], $0x400, $0x38;
	[tilespmem:$0x13840] =	vst v63  }
0x36: {  	s20 =	simm.s32 @!p0 $0x2  }
0x37: {  	_ =	swait.ge @!p0 [sflag:s20], $0x400  }
0x38: {  	[sflag:s20] =	ssyncset.done @!p0 $0x0  }
0x39: {  	[sflag:s20] =	ssyncadd.s32 @!p0 $0xFFFFFC00  }
0x3a: {  	s30 =	simm.s32 $0x0;
	[bflag:$0x0] =	sbarrier.arrive $0xFFFF  }
0x3b: {  	[tilespmem:s14], [sflag:$0x1] =	stream.indirect.gather [hbm4b:s1+s15], $0x80, s30, s15, $0xb8;
	[tilespmem:$0x13840] =	vst v63  }
0x3c: {  	_ =	swait.ge [sflag:s16], $0x4000  }
0x3d: {  	[sflag:s16] =	ssyncset.done $0x0  }
0x3e: {  	s31 =	simm.s32 $0x2C00;
	[sflag:s16] =	ssyncadd.s32 $0xFFFFC000  }
0x3f: {  	[spmem:s2] =	stream.indirect.scatter.add.f32 [tilespmem:s14], [sflag:$0x2], $0x80, s31, s15, $0xb8;
	[tilespmem:$0x13840] =	vst v63  }
0x40: {  	_ =	swait.ge [sflag:s11], $0x4000  }
0x41: {  	s21 =	simm.s32 $0x400;
	s20 =	simm.s32 $0x200;
	[sflag:s11] =	ssyncset.done $0x0  }
.LBB2_4:
0x42: {  	s22 =	sshra.s32 s20, $0x2  }
0x43: {  	[sflag:s11] =	ssyncadd.s32 $0xFFFFC000;
	s20 =	smov.u32 s21;
	s23 =	sadd.s32 $0x200, s21  }
0x44: {  	[tilespmem:s14], [sflag:$0x1] =	stream.indirect.gather [hbm4b:s1+s15], $0x80, s22, s15, $0xb8;
	[tilespmem:$0x13840] =	vst v63  }
0x45: {  	p1 =	sne.s32 s21, $0xA200;
	_ =	swait.ge [sflag:s16], $0x4000  }
.Ltmp1:
0x46: {  	[sflag:s16] =	ssyncset.done $0x0;
	(pc) =	sbr.rel @p1 .LBB2_4-.Ltmp1, $4  }
0x47: {  	s21 =	sadd.s32 $0x2C00, s22;
	[sflag:s16] =	ssyncadd.s32 $0xFFFFC000  }
0x48: {  	[spmem:s2] =	stream.indirect.scatter.add.f32 [tilespmem:s14], [sflag:$0x2], $0x80, s21, s15, $0xb8;
	[tilespmem:$0x13840] =	vst v63  }
0x49: {  	_ =	swait.ge [sflag:s11], $0x4000  }
0x4a: {  	s21 =	smov.u32 s23;
	[sflag:s11] =	ssyncset.done $0x0  }
0x4b: {  	s20 =	sshra.s32 s20, $0x2;
	[sflag:s11] =	ssyncadd.s32 $0xFFFFC000  }
0x4c: {  	[tilespmem:s14], [sflag:$0x1] =	stream.indirect.gather [hbm4b:s1+s15], $0x80, s20, s15, $0xb8;
	[tilespmem:$0x13840] =	vst v63  }
0x4d: {  	_ =	swait.ge [sflag:s16], $0x4000  }
0x4e: {  	[sflag:s16] =	ssyncset.done $0x0  }
0x4f: {  	s20 =	sadd.s32 $0x2C00, s20;
	[sflag:s16] =	ssyncadd.s32 $0xFFFFC000  }
0x50: {  	[spmem:s2] =	stream.indirect.scatter.add.f32 [tilespmem:s14], [sflag:$0x2], $0x80, s20, s15, $0xb8;
	[tilespmem:$0x13840] =	vst v63  }
0x51: {  	_ =	swait.ge [sflag:s11], $0x4000  }
0x52: {  	s19 =	sadd.s32 $0x1, s19;
	[sflag:s11] =	ssyncset.done $0x0  }
0x53: {  	p1 =	sne.s32 s19, s10;
	[sflag:s11] =	ssyncadd.s32 $0xFFFFC000  }
.Ltmp2:
0x54: {  	[bflag:$0x0] =	sbarrier.arrive $0xFFFF;
	(pc) =	sbr.rel @p1 .LBB2_1-.Ltmp2, $4  }
0x55: {  	[hbm:s9], [sflag:s17] =	dma.local [spmem:s18], $0x1400  }
0x56: {  	_ =	swait.ge [sflag:s11], $0x1400  }
0x57: {  	[sflag:s11] =	ssyncset.done $0x0  }
0x58: {  	[sflag:s11] =	ssyncadd.s32 $0xFFFFEC00  }
0x59: {  	_ =	sfence.sel $0x180000  }
0x5a: {  	[bflag:$0x0] =	sbarrier.arrive $0xFFFF  }
0x5b: {  	_ =	strace $0x9000005C  }
0x5c: {  	s0 =	sadd.s32 @!p0 $0x100000, s0;
	[bflag:$0x2] =	sbarrier.arrive $0xFFFF  }
0x5d: {  	[sflag:s0] =	ssyncadd.tile.s32 @!p0 $0x1;
	_ =	shalt  }
.Lfunc_end2:
_tile_overlayer_lowered:
.L_overlay_start_2:
0x5e: {  	(tag) =	ssettag $0x2  }
0x5f: {  	s0 =	rddreg [dreg:$0x0];
	s2 =	stileid.u32  }
0x60: {  	s1 =	rddreg [dreg:$0x1];
	p0 =	sne.s32 s2, $0x0  }
0x61: {  	s3 =	rddreg [dreg:$0x2];
	[bflag:$0x3] =	sbarrier.arrive $0xFFFF;
	s2 =	simm.s32 @!p0 $0x1C02  }
0x62: {  	[timem:s3], [sflag:s2] =	dma.local @!p0 [hbm:s0], s1  }
0x63: {  	s0 =	simm.s32 @!p0 $0x2  }
0x64: {  	_ =	swait.ge @!p0 [sflag:s0], s1  }
0x65: {  	s1 =	ssub.s32 @!p0 $0x0, s1;
	[sflag:s0] =	ssyncset.done @!p0 $0x0  }
0x66: {  	[sflag:s0] =	ssyncadd.s32 @!p0 s1  }
0x67: {  	[bflag:$0x3] =	sbarrier.arrive $0xFFFF  }
0x68: {  	_ =	shalt  }

// kernel: kernel.24.cloned.1.call-start
scs
__scs_entry_jumppad:
0x0: {  	(pc) =	sbr.rel $0x88, $3  }
0x1: {  	(tag) =	ssettag $0x0;
	lr =	simm.s32 $0x1  }
0x2: {  	[smem:$0x3F99] =	sst lr;
	_ =	strace $0xD0000000  }
0x3: {  	_ = 	snop  }
0x4: {  	_ = 	snop  }
0x5: {  	_ = 	snop  }
0x6: {  	_ = 	snop  }
0x7: {  	_ = 	snop  }
__scs_overlays_trampoline_lowered:
0x8: {  	[smem:$0x3FA8] =	sst s0  }
0x9: {  	[smem:$0x3FA9] =	sst s1  }
0xa: {  	[smem:$0x3FAA] =	sst s2  }
0xb: {  	[smem:$0x3FAB] =	sst s3  }
0xc: {  	[smem:$0x3FAC] =	sst s4  }
0xd: {  	[smem:$0x3FAD] =	sst s5  }
0xe: {  	[smem:$0x3FAE] =	sst s6  }
0xf: {  	[smem:$0x3FAF] =	sst s7  }
0x10: {  	[smem:$0x3FB0] =	sst s8  }
0x11: {  	[smem:$0x3FB1] =	sst s9;
	s0 =	simm.s32 @!p0 $0x0  }
0x12: {  	s1 =	sld [smem:$0x3F97];
	s0 =	simm.s32 @p0 $0x1  }
0x13: {  	[smem:$0x3FB2] =	sst s0;
	s0 =	simm.s32 @!p1 $0x0  }
0x14: {  	s2 =	sld [smem:$0x3F96];
	s0 =	simm.s32 @p1 $0x1  }
0x15: {  	[smem:$0x3FB3] =	sst s0;
	s0 =	simm.s32 @!p2 $0x0  }
0x16: {  	s3 =	sld [smem:$0x3FDB];
	s0 =	simm.s32 @p2 $0x1  }
0x17: {  	s4 =	simm.s32 $0x1BF5;
	[smem:$0x3FB5] =	sst s0  }
0x18: {  	s0 =	sld [smem:$0x3F98];
	_ =	swait.ge [sflag:s4], $0x0  }
0x19: {  	s7 =	sld [smem:$0x3F99]  }
0x1a: {  	s8 =	sadd.s32 $0xFFFFE003, lr  }
0x1b: {  	s9 =	sadd.s32 $0xFFFFFEF7, lr;
	s5 =	simm.s32 $0xFFFFFFFF;
	p2 =	slt.u32 s8, $0xFFFFF086  }
0x1c: {  	p1 =	slt.u32 s9, $0xF7A;
	s5 =	simm.s32 @!p2 $0x0  }
0x1d: {  	s5 =	simm.s32 @p1 $0x1;
	p0 =	seq.s32 s7, s2  }
0x1e: {  	s7 =	smul.u32 @!p0 $0xF7A, s2;
	p2 =	seq.s32 @!p0 s5, $0x0  }
0x1f: {  	s9 =	smul.u32 $0xF7A, s1;
	s8 =	simm.s32 @!p0 $0x1BF5;
	p2 =	por !p2, p0  }
0x20: {  	[sflag:s8] =	ssyncset.s32 @!p0 $0xFFFFF086;
	s6 =	sadd.s32 @!p0 s3, s7;
	s7 =	simm.s32 @!p0 $0x108  }
0x21: {  	s3 =	sadd.s32 s3, s9;
	s6 =	sadd.s32 @!p0 $0x88, s6;
	s7 =	simm.s32 @p2 $0x1082  }
0x22: {  	[simem:s7], [sflag:s8] =	dma.local @!p0 [hbm:s6], $0xF7A  }
0x23: {  	s9 =	sor.u32 $0xD0000000, s2;
	s6 =	simm.s32 $0x108;
	_ =	swait.ge @!p0 [sflag:s8], $0x0  }
0x24: {  	s3 =	sadd.s32 $0x88, s3;
	s6 =	simm.s32 @!p1 $0x1082;
	[sflag:s4] =	ssyncset.s32 $0xFFFFF086  }
0x25: {  	[simem:s6], [sflag:s4] =	dma.local [hbm:s3], $0xF7A  }
0x26: {  	[smem:$0x3F99] =	sst s1;
	(tag) =	ssettag s2;
	_ =	strace s9  }
0x27: {  	s1 =	sld [smem:$0x3FA9]  }
0x28: {  	s2 =	sld [smem:$0x3FAA]  }
0x29: {  	s4 =	sld [smem:$0x3FAC]  }
0x2a: {  	p0 =	seq.s32 s5, $0x0;
	s5 =	sld [smem:$0x3FAD]  }
0x2b: {  	s6 =	sld [smem:$0x3FAE]  }
0x2c: {  	s7 =	sld [smem:$0x3FAF]  }
0x2d: {  	s3 =	simm.s32 $0x108;
	s8 =	sld [smem:$0x3FB0]  }
0x2e: {  	s3 =	simm.s32 @!p0 $0x1082;
	s9 =	sld [smem:$0x3FB1]  }
0x2f: {  	lr =	sadd.s32 s0, s3;
	s0 =	sld [smem:$0x3FA8]  }
0x30: {  	s3 =	sld [smem:$0x3FAB]  }
0x31: {  	[smem:$0x3FB4] =	sst s10  }
0x32: {  	s10 =	sld [smem:$0x3FB2];
	_ =	sdelay $0x3  }
0x33: {  	p0 =	seq.s32 s10, $0x1;
	s10 =	sld [smem:$0x3FB4];
	_ =	sdelay $0x3  }
0x34: {  	[smem:$0x3FB4] =	sst s10  }
0x35: {  	s10 =	sld [smem:$0x3FB3];
	_ =	sdelay $0x3  }
0x36: {  	p1 =	seq.s32 s10, $0x1;
	s10 =	sld [smem:$0x3FB4];
	_ =	sdelay $0x3  }
0x37: {  	[smem:$0x3FB4] =	sst s10  }
0x38: {  	s10 =	sld [smem:$0x3FB5]  }
0x39: {  	_ = 	snop;
	(pc) =	sbr.ind lr, $3  }
0x3a: {  	_ = 	snop  }
0x3b: {  	_ = 	snop  }
0x3c: {  	p2 =	seq.s32 s10, $0x1;
	s10 =	sld [smem:$0x3FB4]  }
0x3d: {  	_ =	shalt  }
0x3e: {  	_ =	shalt  }
0x3f: {  	_ =	shalt  }
0x40: {  	_ =	shalt  }
0x41: {  	_ =	shalt  }
0x42: {  	_ =	shalt  }
0x43: {  	_ =	shalt  }
0x44: {  	_ =	shalt  }
0x45: {  	_ =	shalt  }
0x46: {  	_ =	shalt  }
0x47: {  	_ =	shalt  }
0x48: {  	_ =	shalt  }
0x49: {  	_ =	shalt  }
0x4a: {  	_ =	shalt  }
0x4b: {  	_ =	shalt  }
0x4c: {  	_ =	shalt  }
0x4d: {  	_ =	shalt  }
0x4e: {  	_ =	shalt  }
0x4f: {  	_ =	shalt  }
0x50: {  	_ =	shalt  }
0x51: {  	_ =	shalt  }
0x52: {  	_ =	shalt  }
0x53: {  	_ =	shalt  }
0x54: {  	_ =	shalt  }
0x55: {  	_ =	shalt  }
0x56: {  	_ =	shalt  }
0x57: {  	_ =	shalt  }
0x58: {  	_ =	shalt  }
0x59: {  	_ =	shalt  }
0x5a: {  	_ =	shalt  }
0x5b: {  	_ =	shalt  }
0x5c: {  	_ =	shalt  }
0x5d: {  	_ =	shalt  }
0x5e: {  	_ =	shalt  }
0x5f: {  	_ =	shalt  }
0x60: {  	_ =	shalt  }
0x61: {  	_ =	shalt  }
0x62: {  	_ =	shalt  }
0x63: {  	_ =	shalt  }
0x64: {  	_ =	shalt  }
0x65: {  	_ =	shalt  }
0x66: {  	_ =	shalt  }
0x67: {  	_ =	shalt  }
0x68: {  	_ =	shalt  }
0x69: {  	_ =	shalt  }
0x6a: {  	_ =	shalt  }
0x6b: {  	_ =	shalt  }
0x6c: {  	_ =	shalt  }
0x6d: {  	_ =	shalt  }
0x6e: {  	_ =	shalt  }
0x6f: {  	_ =	shalt  }
0x70: {  	_ =	shalt  }
0x71: {  	_ =	shalt  }
0x72: {  	_ =	shalt  }
0x73: {  	_ =	shalt  }
0x74: {  	_ =	shalt  }
0x75: {  	_ =	shalt  }
0x76: {  	_ =	shalt  }
0x77: {  	_ =	shalt  }
0x78: {  	_ =	shalt  }
0x79: {  	_ =	shalt  }
0x7a: {  	_ =	shalt  }
0x7b: {  	_ =	shalt  }
0x7c: {  	_ =	shalt  }
0x7d: {  	_ =	shalt  }
0x7e: {  	_ =	shalt  }
0x7f: {  	_ =	shalt  }
0x80: {  	_ =	shalt  }
0x81: {  	_ =	shalt  }
0x82: {  	_ =	shalt  }
0x83: {  	_ =	shalt  }
0x84: {  	_ =	shalt  }
0x85: {  	_ =	shalt  }
0x86: {  	_ =	shalt  }
0x87: {  	_ =	shalt  }
.Lfunc_end0:
.L_simem_size_0:
called_computation.8_lowered:
.L_overlay_start_0:
0x88: {  	s2 =	sld [smem:$0x3FD9]  }
0x89: {  	s3 =	sld [smem:$0x3FFE];
	_ =	sdelay $0x1  }
0x8a: {  	s1 =	srdreg.scid  }
0x8b: {  	s0 =	sand.u32 $0x1, s1  }
0x8c: {  	s16 =	sshll.u32 s0, $0xA;
	s2 =	sadd.s32 s3, s2  }
0x8d: {  	s2 =	sadd.s32 s2, s16  }
0x8e: {  	[smem:$0x3FC0] =	sst s2  }
0x8f: {  	_ = 	snop  }
0x90: {  	(tm) =	ssettm $0x1  }
0x91: {  	s17 =	sld [smem:$0x3FFB];
	_ =	sdelay $0x3  }
0x92: {  	_ =	strace s17  }
0x93: {  	s2 =	sld [smem:$0x3FFC];
	_ =	sdelay $0x3  }
0x94: {  	_ =	strace s2  }
0x95: {  	s2 =	sld [smem:$0x3FFD];
	_ =	sdelay $0x3  }
0x96: {  	_ =	strace s2  }
0x97: {  	_ =	strace $0x8FFFFFFF  }
0x98: {  	s18 =	sld [smem:$0x3FDB];
	_ =	sdelay $0x1  }
0x99: {  	s19 =	simm.s32 $_scs_section_size  }
0x9a: {  	s4 =	simm.s32 $_size__tile_overlayer_lowered;
	s5 =	simm.s32 $_tile_overlayer_lowered  }
0x9b: {  	s22 =	simm.s32 $0x1BFF;
	s21 =	sshll.u32 s5, $0x1;
	s2 =	sadd.s32 s19, s18  }
0x9c: {  	s6 =	simm.s32 $0x0;
	s20 =	sshll.u32 s4, $0x1;
	s4 =	sadd.s32 s21, s2  }
0x9d: {  	[timem:s6], [sflag:s22] =	dma.local [hbm:s4], s20  }
0x9e: {  	_ =	swait.ge [sflag:s22], s20  }
0x9f: {  	s3 =	ssub.s32 $0x0, s20;
	[sflag:s22] =	ssyncset.done $0x0  }
0xa0: {  	[sflag:s22] =	ssyncadd.s32 s3;
	_ =	sdelay $0x1  }
0xa1: {  	s23 =	simm.s32 $0x1B8B  }
0xa2: {  	_ =	swait.ge [sflag:s23], $0x1  }
0xa3: {  	[sflag:s23] =	ssyncset.done $0x0  }
0xa4: {  	s25 =	simm.s32 $0x1B8E;
	s24 =	sld [smem:$0x3FFE];
	[sflag:s23] =	ssyncadd.s32 $0xFFFFFFFF  }
0xa5: {  	s26 =	simm.s32 $execute0_lowered;
	[smem:$0x3FD2] =	sst s25  }
0xa6: {  	s4 =	sshll.u32 s26, $0x1;
	_ =	strace $0x8000005E;
	[dreg:$0x1] =	wrdreg $0xFFFFFFFF  }
0xa7: {  	s28 =	simm.s32 $_size_execute0_lowered;
	s2 =	sadd.s32 s2, s4;
	[dreg:$0x0] =	wrdreg $0x0  }
0xa8: {  	s4 =	sshll.u32 s28, $0x1;
	[dreg:$0x2] =	wrdreg s2  }
0xa9: {  	[dreg:$0x3] =	wrdreg s4  }
0xaa: {  	[dreg:$0x4] =	wrdreg $0xC0  }
0xab: {  	_ =	task [dreg:s6], $0x5FFFF  }
0xac: {  	[dreg:$0x1] =	wrdreg $0xFFFFFFFF  }
0xad: {  	[dreg:$0x0] =	wrdreg $0x60  }
0xae: {  	[dreg:$0x2] =	wrdreg s24  }
0xaf: {  	[dreg:$0x3] =	wrdreg $0x98000  }
0xb0: {  	[dreg:$0x4] =	wrdreg $0x9  }
0xb1: {  	_ =	task.clear_ibuf [dreg:s6], $0x5FFFF;
	_ =	strace $0x9000005E  }
0xb2: {  	s29 =	simm.s32 $0x9;
	_ =	strace $0x80000060  }
0xb3: {  	_ =	swait.ge [sflag:s29], $0x1  }
0xb4: {  	[sflag:s29] =	ssyncadd.s32 $0xFFFFFFFF  }
0xb5: {  	_ =	strace $0x90000060  }
0xb6: {  	_ =	sfence  }
0xb7: {  	s30 =	sld [smem:$0x0];
	_ =	sdelay $0x2  }
0xb8: {  	s31 =	sshll.u32 s1, $0xD;
	s1 =	sshrl.u32 s1, $0x2  }
0xb9: {  	s3 =	sand.u32 $0x4000, s31;
	s1 =	sadd.s32 s1, s30  }
0xba: {  	s0 =	sor.u32 s3, s0;
	s1 =	sshll.u32 s1, $0x11  }
0xbb: {  	s0 =	sor.u32 s1, s0  }
0xbc: {  	s0 =	sadd.s32 $0x8F2B, s0  }
0xbd: {  	[sflag:s0] =	ssyncadd.remote.s32 $0x1  }
0xbe: {  	_ =	sfence.sel $0xFFFF  }
0xbf: {  	[dreg:$0x0] =	wrdreg $0xFFFFFFFF;
	(pc) =	sbr.abs _section_cstart, $3  }
0xc0: {  	[dreg:$0x1] =	wrdreg $0xFFFFFFFF  }
0xc1: {  	_ =	task.clear_ibuf [dreg:s6], $0x2FFFF;
	_ =	strace $0x9FFFFFFF  }
0xc2: {  	(tm) =	ssettm $0x7FFFFFFF  }
0xc3: {  	_ =	shalt  }
tec
execute0_lowered:
.L_overlay_start_1:
0x0: {  	(tag) =	ssettag $0x1  }
0x1: {  	s4 =	rddreg [dreg:$0x0]  }
0x2: {  	s1 =	rddreg [dreg:$0x1];
	s2 =	srdreg.scid  }
0x3: {  	s17 =	stileid.u32;
	s0 =	rddreg [dreg:$0x2];
	s11 =	simm.s32 $0x2  }
0x4: {  	s14 =	simm.s32 $0x5800;
	s15 =	simm.s32 $0x80;
	s16 =	simm.s32 $0x1  }
0x5: {  	s19 =	simm.s32 $0x0;
	s5 =	sand.u32 $0x1, s2;
	s8 =	smul.u32 $0x28000, s17  }
0x6: {  	s3 =	sshll.u32 s17, $0x1;
	s2 =	simm.s32 $0x0;
	s12 =	smul.u32 $0x580, s17  }
0x7: {  	p0 =	sne.s32 s17, $0x0;
	s17 =	sshll.u32 s17, $0x6;
	s6 =	smul.u32 $0x5800, s5  }
0x8: {  	s3 =	sor.u32 s5, s3;
	[smem:$0x7FF] =	sst s2;
	s5 =	ssub.s32 $0x2, s5  }
0x9: {  	s17 =	sor.u32 $0x1C02, s17;
	s7 =	smul.u32 $0x1400, s3;
	_ =	strace $0x8000005F  }
0xa: {  	s3 =	sadd.s32 $0x23C00, s4;
	s29 =	sshrl.u32 s5, $0x1;
	s30 =	sshrl.u32 s8, $0x2  }
0xb: {  	s8 =	sadd.s32 $0xA0000, s1;
	s6 =	sadd.s32 s6, s4;
	s10 =	ssub.s32 s5, s29  }
0xc: {  	s9 =	sadd.s32 s7, s4;
	s31 =	sadd.s32 s12, s6;
	s4 =	sadd.s32 s30, s1  }
0xd: {  	s13 =	sadd.s32 $0x18C00, s6;
	s10 =	smax.u32 s10, $0x1;
	s5 =	sadd.s32 $0xDC00, s31  }
0xe: {  	s6 =	sadd.s32 $0x4000, s4;
	s7 =	sadd.s32 $0x8000, s4;
	s9 =	sadd.s32 $0x4BC00, s9  }
0xf: {  	v0 =	vimm.f32 $0.0e+00;
	s12 =	sadd.s32 s12, s13;
	s13 =	simm.s32 $0x2C00;
	s18 =	sshrl.u32 s4, $0x3  }
.LBB2_1:
0x10: {  	[tilespmem:s2], [sflag:$0x2] =	stream.linear.gather [hbm4b:s5+s2], $0x2900, $0x38;
	[tilespmem:$0x13840] =	vst v63  }
0x11: {  	_ =	swait.ge [sflag:s11], $0x2900  }
0x12: {  	[sflag:s11] =	ssyncset.done $0x0  }
0x13: {  	[sflag:s11] =	ssyncadd.s32 $0xFFFFD700  }
0x14: {  	[tilespmem:s13], [sflag:$0x2] =	stream.linear.gather [hbm4b:s12+s2], $0x2900, $0x38;
	[tilespmem:$0x13840] =	vst v63  }
0x15: {  	_ =	swait.ge [sflag:s11], $0x2900  }
0x16: {  	[sflag:s11] =	ssyncset.done $0x0  }
0x17: {  	s20 =	simm.s32 $0x0;
	s21 =	simm.s32 $0x200;
	[sflag:s11] =	ssyncadd.s32 $0xFFFFD700  }
.LBB2_2:
0x18: {  	p1 =	sne.s32 s21, $0xFE00;
	[tilespmem:s20+$0x5870] =	vst v0  }
0x19: {  	[tilespmem:s20+$0x5800] =	vst v0  }
0x1a: {  	[tilespmem:s20+$0x5810] =	vst v0  }
.Ltmp0:
0x1b: {  	[tilespmem:s20+$0x5820] =	vst v0;
	(pc) =	sbr.rel @p1 .LBB2_2-.Ltmp0, $4  }
0x1c: {  	[tilespmem:s20+$0x5830] =	vst v0  }
0x1d: {  	[tilespmem:s20+$0x5840] =	vst v0  }
0x1e: {  	[tilespmem:s20+$0x5850] =	vst v0  }
0x1f: {  	[tilespmem:s20+$0x5860] =	vst v0;
	s20 =	sshra.s32 s21, $0x2;
	s21 =	sadd.s32 $0x200, s21  }
0x20: {  	[tilespmem:s20+$0x5870] =	vst v0  }
0x21: {  	[tilespmem:s20+$0x5800] =	vst v0  }
0x22: {  	[tilespmem:s20+$0x5810] =	vst v0  }
0x23: {  	[tilespmem:s20+$0x5820] =	vst v0  }
0x24: {  	[tilespmem:s20+$0x5830] =	vst v0  }
0x25: {  	[tilespmem:s20+$0x5840] =	vst v0  }
0x26: {  	[tilespmem:s20+$0x5850] =	vst v0  }
0x27: {  	[tilespmem:s20+$0x5860] =	vst v0  }
0x28: {  	[spmem:s4] =	stream.linear.scatter [tilespmem:s14], [sflag:$0x2], $0x4000, $0x38;
	[tilespmem:$0x13840] =	vst v63  }
0x29: {  	_ =	swait.ge [sflag:s11], $0x4000  }
0x2a: {  	[sflag:s11] =	ssyncset.done $0x0  }
0x2b: {  	[sflag:s11] =	ssyncadd.s32 $0xFFFFC000  }
0x2c: {  	[spmem:s6] =	stream.linear.scatter [tilespmem:s14], [sflag:$0x2], $0x4000, $0x38;
	[tilespmem:$0x13840] =	vst v63  }
0x2d: {  	_ =	swait.ge [sflag:s11], $0x4000  }
0x2e: {  	[sflag:s11] =	ssyncset.done $0x0  }
0x2f: {  	[sflag:s11] =	ssyncadd.s32 $0xFFFFC000  }
0x30: {  	[spmem:s7] =	stream.linear.scatter [tilespmem:s14], [sflag:$0x2], $0x2000, $0x38;
	[tilespmem:$0x13840] =	vst v63  }
0x31: {  	_ =	swait.ge [sflag:s11], $0x2000  }
0x32: {  	[sflag:s11] =	ssyncset.done $0x0  }
0x33: {  	s20 =	simm.s32 @!p0 $0x5800;
	[sflag:s11] =	ssyncadd.s32 $0xFFFFE000  }
0x34: {  	[spmem:s8] =	stream.linear.scatter @!p0 [tilespmem:s20], [sflag:$0x2], $0x400, $0x38;
	[tilespmem:$0x13840] =	vst v63  }
0x35: {  	s20 =	simm.s32 @!p0 $0x2  }
0x36: {  	_ =	swait.ge @!p0 [sflag:s20], $0x400  }
0x37: {  	[sflag:s20] =	ssyncset.done @!p0 $0x0  }
0x38: {  	[sflag:s20] =	ssyncadd.s32 @!p0 $0xFFFFFC00  }
0x39: {  	s30 =	simm.s32 $0x0;
	[bflag:$0x0] =	sbarrier.arrive $0xFFFF  }
0x3a: {  	[tilespmem:s14], [sflag:$0x1] =	stream.indirect.gather [hbm4b:s3+s15], $0x80, s30, s15, $0xb8;
	[tilespmem:$0x13840] =	vst v63  }
0x3b: {  	_ =	swait.ge [sflag:s16], $0x4000  }
0x3c: {  	[sflag:s16] =	ssyncset.done $0x0  }
0x3d: {  	s31 =	simm.s32 $0x2C00;
	[sflag:s16] =	ssyncadd.s32 $0xFFFFC000  }
0x3e: {  	[spmem:s1] =	stream.indirect.scatter.add.f32 [tilespmem:s14], [sflag:$0x2], $0x80, s31, s15, $0xb8;
	[tilespmem:$0x13840] =	vst v63  }
0x3f: {  	_ =	swait.ge [sflag:s11], $0x4000  }
0x40: {  	s21 =	simm.s32 $0x400;
	s20 =	simm.s32 $0x200;
	[sflag:s11] =	ssyncset.done $0x0  }
.LBB2_4:
0x41: {  	s22 =	sshra.s32 s20, $0x2  }
0x42: {  	[sflag:s11] =	ssyncadd.s32 $0xFFFFC000;
	s20 =	smov.u32 s21;
	s23 =	sadd.s32 $0x200, s21  }
0x43: {  	[tilespmem:s14], [sflag:$0x1] =	stream.indirect.gather [hbm4b:s3+s15], $0x80, s22, s15, $0xb8;
	[tilespmem:$0x13840] =	vst v63  }
0x44: {  	p1 =	sne.s32 s21, $0xA200;
	_ =	swait.ge [sflag:s16], $0x4000  }
.Ltmp1:
0x45: {  	[sflag:s16] =	ssyncset.done $0x0;
	(pc) =	sbr.rel @p1 .LBB2_4-.Ltmp1, $4  }
0x46: {  	s21 =	sadd.s32 $0x2C00, s22;
	[sflag:s16] =	ssyncadd.s32 $0xFFFFC000  }
0x47: {  	[spmem:s1] =	stream.indirect.scatter.add.f32 [tilespmem:s14], [sflag:$0x2], $0x80, s21, s15, $0xb8;
	[tilespmem:$0x13840] =	vst v63  }
0x48: {  	_ =	swait.ge [sflag:s11], $0x4000  }
0x49: {  	s21 =	smov.u32 s23;
	[sflag:s11] =	ssyncset.done $0x0  }
0x4a: {  	s20 =	sshra.s32 s20, $0x2;
	[sflag:s11] =	ssyncadd.s32 $0xFFFFC000  }
0x4b: {  	[tilespmem:s14], [sflag:$0x1] =	stream.indirect.gather [hbm4b:s3+s15], $0x80, s20, s15, $0xb8;
	[tilespmem:$0x13840] =	vst v63  }
0x4c: {  	_ =	swait.ge [sflag:s16], $0x4000  }
0x4d: {  	[sflag:s16] =	ssyncset.done $0x0  }
0x4e: {  	s20 =	sadd.s32 $0x2C00, s20;
	[sflag:s16] =	ssyncadd.s32 $0xFFFFC000  }
0x4f: {  	[spmem:s1] =	stream.indirect.scatter.add.f32 [tilespmem:s14], [sflag:$0x2], $0x80, s20, s15, $0xb8;
	[tilespmem:$0x13840] =	vst v63  }
0x50: {  	_ =	swait.ge [sflag:s11], $0x4000  }
0x51: {  	s19 =	sadd.s32 $0x1, s19;
	[sflag:s11] =	ssyncset.done $0x0  }
0x52: {  	p1 =	sne.s32 s19, s10;
	[sflag:s11] =	ssyncadd.s32 $0xFFFFC000  }
.Ltmp2:
0x53: {  	[bflag:$0x0] =	sbarrier.arrive $0xFFFF;
	(pc) =	sbr.rel @p1 .LBB2_1-.Ltmp2, $4  }
0x54: {  	[hbm:s9], [sflag:s17] =	dma.local [spmem:s18], $0x1400  }
0x55: {  	_ =	swait.ge [sflag:s11], $0x1400  }
0x56: {  	[sflag:s11] =	ssyncset.done $0x0  }
0x57: {  	[sflag:s11] =	ssyncadd.s32 $0xFFFFEC00  }
0x58: {  	_ =	sfence.sel $0x180000  }
0x59: {  	[bflag:$0x0] =	sbarrier.arrive $0xFFFF  }
0x5a: {  	_ =	strace $0x9000005F  }
0x5b: {  	s0 =	sadd.s32 @!p0 $0x100000, s0;
	[bflag:$0x2] =	sbarrier.arrive $0xFFFF  }
0x5c: {  	[sflag:s0] =	ssyncadd.tile.s32 @!p0 $0x1;
	_ =	shalt  }
.Lfunc_end2:
_tile_overlayer_lowered:
.L_overlay_start_2:
0x5d: {  	(tag) =	ssettag $0x2  }
0x5e: {  	s0 =	rddreg [dreg:$0x0];
	s2 =	stileid.u32  }
0x5f: {  	s1 =	rddreg [dreg:$0x1];
	p0 =	sne.s32 s2, $0x0  }
0x60: {  	s3 =	rddreg [dreg:$0x2];
	[bflag:$0x3] =	sbarrier.arrive $0xFFFF;
	s2 =	simm.s32 @!p0 $0x1C02  }
0x61: {  	[timem:s3], [sflag:s2] =	dma.local @!p0 [hbm:s0], s1  }
0x62: {  	s0 =	simm.s32 @!p0 $0x2  }
0x63: {  	_ =	swait.ge @!p0 [sflag:s0], s1  }
0x64: {  	s1 =	ssub.s32 @!p0 $0x0, s1;
	[sflag:s0] =	ssyncset.done @!p0 $0x0  }
0x65: {  	[sflag:s0] =	ssyncadd.s32 @!p0 s1  }
0x66: {  	[bflag:$0x3] =	sbarrier.arrive $0xFFFF  }
0x67: {  	_ =	shalt  }

// kernel: kernel.27.cloned.1.call-start
scs
__scs_entry_jumppad:
0x0: {  	(pc) =	sbr.rel $0x88, $3  }
0x1: {  	(tag) =	ssettag $0x0;
	lr =	simm.s32 $0x1  }
0x2: {  	[smem:$0x3F99] =	sst lr;
	_ =	strace $0xD0000000  }
0x3: {  	_ = 	snop  }
0x4: {  	_ = 	snop  }
0x5: {  	_ = 	snop  }
0x6: {  	_ = 	snop  }
0x7: {  	_ = 	snop  }
__scs_overlays_trampoline_lowered:
0x8: {  	[smem:$0x3FA8] =	sst s0  }
0x9: {  	[smem:$0x3FA9] =	sst s1  }
0xa: {  	[smem:$0x3FAA] =	sst s2  }
0xb: {  	[smem:$0x3FAB] =	sst s3  }
0xc: {  	[smem:$0x3FAC] =	sst s4  }
0xd: {  	[smem:$0x3FAD] =	sst s5  }
0xe: {  	[smem:$0x3FAE] =	sst s6  }
0xf: {  	[smem:$0x3FAF] =	sst s7  }
0x10: {  	[smem:$0x3FB0] =	sst s8  }
0x11: {  	[smem:$0x3FB1] =	sst s9;
	s0 =	simm.s32 @!p0 $0x0  }
0x12: {  	s1 =	sld [smem:$0x3F97];
	s0 =	simm.s32 @p0 $0x1  }
0x13: {  	[smem:$0x3FB2] =	sst s0;
	s0 =	simm.s32 @!p1 $0x0  }
0x14: {  	s2 =	sld [smem:$0x3F96];
	s0 =	simm.s32 @p1 $0x1  }
0x15: {  	[smem:$0x3FB3] =	sst s0;
	s0 =	simm.s32 @!p2 $0x0  }
0x16: {  	s3 =	sld [smem:$0x3FDB];
	s0 =	simm.s32 @p2 $0x1  }
0x17: {  	s4 =	simm.s32 $0x1BF5;
	[smem:$0x3FB5] =	sst s0  }
0x18: {  	s0 =	sld [smem:$0x3F98];
	_ =	swait.ge [sflag:s4], $0x0  }
0x19: {  	s7 =	sld [smem:$0x3F99]  }
0x1a: {  	s8 =	sadd.s32 $0xFFFFE003, lr  }
0x1b: {  	s9 =	sadd.s32 $0xFFFFFEF7, lr;
	s5 =	simm.s32 $0xFFFFFFFF;
	p2 =	slt.u32 s8, $0xFFFFF086  }
0x1c: {  	p1 =	slt.u32 s9, $0xF7A;
	s5 =	simm.s32 @!p2 $0x0  }
0x1d: {  	s5 =	simm.s32 @p1 $0x1;
	p0 =	seq.s32 s7, s2  }
0x1e: {  	s7 =	smul.u32 @!p0 $0xF7A, s2;
	p2 =	seq.s32 @!p0 s5, $0x0  }
0x1f: {  	s9 =	smul.u32 $0xF7A, s1;
	s8 =	simm.s32 @!p0 $0x1BF5;
	p2 =	por !p2, p0  }
0x20: {  	[sflag:s8] =	ssyncset.s32 @!p0 $0xFFFFF086;
	s6 =	sadd.s32 @!p0 s3, s7;
	s7 =	simm.s32 @!p0 $0x108  }
0x21: {  	s3 =	sadd.s32 s3, s9;
	s6 =	sadd.s32 @!p0 $0x88, s6;
	s7 =	simm.s32 @p2 $0x1082  }
0x22: {  	[simem:s7], [sflag:s8] =	dma.local @!p0 [hbm:s6], $0xF7A  }
0x23: {  	s9 =	sor.u32 $0xD0000000, s2;
	s6 =	simm.s32 $0x108;
	_ =	swait.ge @!p0 [sflag:s8], $0x0  }
0x24: {  	s3 =	sadd.s32 $0x88, s3;
	s6 =	simm.s32 @!p1 $0x1082;
	[sflag:s4] =	ssyncset.s32 $0xFFFFF086  }
0x25: {  	[simem:s6], [sflag:s4] =	dma.local [hbm:s3], $0xF7A  }
0x26: {  	[smem:$0x3F99] =	sst s1;
	(tag) =	ssettag s2;
	_ =	strace s9  }
0x27: {  	s1 =	sld [smem:$0x3FA9]  }
0x28: {  	s2 =	sld [smem:$0x3FAA]  }
0x29: {  	s4 =	sld [smem:$0x3FAC]  }
0x2a: {  	p0 =	seq.s32 s5, $0x0;
	s5 =	sld [smem:$0x3FAD]  }
0x2b: {  	s6 =	sld [smem:$0x3FAE]  }
0x2c: {  	s7 =	sld [smem:$0x3FAF]  }
0x2d: {  	s3 =	simm.s32 $0x108;
	s8 =	sld [smem:$0x3FB0]  }
0x2e: {  	s3 =	simm.s32 @!p0 $0x1082;
	s9 =	sld [smem:$0x3FB1]  }
0x2f: {  	lr =	sadd.s32 s0, s3;
	s0 =	sld [smem:$0x3FA8]  }
0x30: {  	s3 =	sld [smem:$0x3FAB]  }
0x31: {  	[smem:$0x3FB4] =	sst s10  }
0x32: {  	s10 =	sld [smem:$0x3FB2];
	_ =	sdelay $0x3  }
0x33: {  	p0 =	seq.s32 s10, $0x1;
	s10 =	sld [smem:$0x3FB4];
	_ =	sdelay $0x3  }
0x34: {  	[smem:$0x3FB4] =	sst s10  }
0x35: {  	s10 =	sld [smem:$0x3FB3];
	_ =	sdelay $0x3  }
0x36: {  	p1 =	seq.s32 s10, $0x1;
	s10 =	sld [smem:$0x3FB4];
	_ =	sdelay $0x3  }
0x37: {  	[smem:$0x3FB4] =	sst s10  }
0x38: {  	s10 =	sld [smem:$0x3FB5]  }
0x39: {  	_ = 	snop;
	(pc) =	sbr.ind lr, $3  }
0x3a: {  	_ = 	snop  }
0x3b: {  	_ = 	snop  }
0x3c: {  	p2 =	seq.s32 s10, $0x1;
	s10 =	sld [smem:$0x3FB4]  }
0x3d: {  	_ =	shalt  }
0x3e: {  	_ =	shalt  }
0x3f: {  	_ =	shalt  }
0x40: {  	_ =	shalt  }
0x41: {  	_ =	shalt  }
0x42: {  	_ =	shalt  }
0x43: {  	_ =	shalt  }
0x44: {  	_ =	shalt  }
0x45: {  	_ =	shalt  }
0x46: {  	_ =	shalt  }
0x47: {  	_ =	shalt  }
0x48: {  	_ =	shalt  }
0x49: {  	_ =	shalt  }
0x4a: {  	_ =	shalt  }
0x4b: {  	_ =	shalt  }
0x4c: {  	_ =	shalt  }
0x4d: {  	_ =	shalt  }
0x4e: {  	_ =	shalt  }
0x4f: {  	_ =	shalt  }
0x50: {  	_ =	shalt  }
0x51: {  	_ =	shalt  }
0x52: {  	_ =	shalt  }
0x53: {  	_ =	shalt  }
0x54: {  	_ =	shalt  }
0x55: {  	_ =	shalt  }
0x56: {  	_ =	shalt  }
0x57: {  	_ =	shalt  }
0x58: {  	_ =	shalt  }
0x59: {  	_ =	shalt  }
0x5a: {  	_ =	shalt  }
0x5b: {  	_ =	shalt  }
0x5c: {  	_ =	shalt  }
0x5d: {  	_ =	shalt  }
0x5e: {  	_ =	shalt  }
0x5f: {  	_ =	shalt  }
0x60: {  	_ =	shalt  }
0x61: {  	_ =	shalt  }
0x62: {  	_ =	shalt  }
0x63: {  	_ =	shalt  }
0x64: {  	_ =	shalt  }
0x65: {  	_ =	shalt  }
0x66: {  	_ =	shalt  }
0x67: {  	_ =	shalt  }
0x68: {  	_ =	shalt  }
0x69: {  	_ =	shalt  }
0x6a: {  	_ =	shalt  }
0x6b: {  	_ =	shalt  }
0x6c: {  	_ =	shalt  }
0x6d: {  	_ =	shalt  }
0x6e: {  	_ =	shalt  }
0x6f: {  	_ =	shalt  }
0x70: {  	_ =	shalt  }
0x71: {  	_ =	shalt  }
0x72: {  	_ =	shalt  }
0x73: {  	_ =	shalt  }
0x74: {  	_ =	shalt  }
0x75: {  	_ =	shalt  }
0x76: {  	_ =	shalt  }
0x77: {  	_ =	shalt  }
0x78: {  	_ =	shalt  }
0x79: {  	_ =	shalt  }
0x7a: {  	_ =	shalt  }
0x7b: {  	_ =	shalt  }
0x7c: {  	_ =	shalt  }
0x7d: {  	_ =	shalt  }
0x7e: {  	_ =	shalt  }
0x7f: {  	_ =	shalt  }
0x80: {  	_ =	shalt  }
0x81: {  	_ =	shalt  }
0x82: {  	_ =	shalt  }
0x83: {  	_ =	shalt  }
0x84: {  	_ =	shalt  }
0x85: {  	_ =	shalt  }
0x86: {  	_ =	shalt  }
0x87: {  	_ =	shalt  }
.Lfunc_end0:
.L_simem_size_0:
called_computation.9_lowered:
.L_overlay_start_0:
0x88: {  	s2 =	sld [smem:$0x3FD9]  }
0x89: {  	s3 =	sld [smem:$0x3FFE];
	_ =	sdelay $0x1  }
0x8a: {  	s1 =	srdreg.scid  }
0x8b: {  	s0 =	sand.u32 $0x1, s1  }
0x8c: {  	s16 =	sshll.u32 s0, $0xA;
	s2 =	sadd.s32 s3, s2  }
0x8d: {  	s2 =	sadd.s32 s2, s16  }
0x8e: {  	[smem:$0x3FC0] =	sst s2  }
0x8f: {  	_ = 	snop  }
0x90: {  	(tm) =	ssettm $0x1  }
0x91: {  	s17 =	sld [smem:$0x3FFB];
	_ =	sdelay $0x3  }
0x92: {  	_ =	strace s17  }
0x93: {  	s2 =	sld [smem:$0x3FFC];
	_ =	sdelay $0x3  }
0x94: {  	_ =	strace s2  }
0x95: {  	s2 =	sld [smem:$0x3FFD];
	_ =	sdelay $0x3  }
0x96: {  	_ =	strace s2  }
0x97: {  	_ =	strace $0x8FFFFFFF  }
0x98: {  	s18 =	sld [smem:$0x3FDB];
	_ =	sdelay $0x1  }
0x99: {  	s19 =	simm.s32 $_scs_section_size  }
0x9a: {  	s4 =	simm.s32 $_size__tile_overlayer_lowered;
	s5 =	simm.s32 $_tile_overlayer_lowered  }
0x9b: {  	s22 =	simm.s32 $0x1BFF;
	s21 =	sshll.u32 s5, $0x1;
	s2 =	sadd.s32 s19, s18  }
0x9c: {  	s6 =	simm.s32 $0x0;
	s20 =	sshll.u32 s4, $0x1;
	s4 =	sadd.s32 s21, s2  }
0x9d: {  	[timem:s6], [sflag:s22] =	dma.local [hbm:s4], s20  }
0x9e: {  	_ =	swait.ge [sflag:s22], s20  }
0x9f: {  	s3 =	ssub.s32 $0x0, s20;
	[sflag:s22] =	ssyncset.done $0x0  }
0xa0: {  	[sflag:s22] =	ssyncadd.s32 s3;
	_ =	sdelay $0x1  }
0xa1: {  	s23 =	simm.s32 $0x1B8B  }
0xa2: {  	_ =	swait.ge [sflag:s23], $0x1  }
0xa3: {  	[sflag:s23] =	ssyncset.done $0x0  }
0xa4: {  	s25 =	simm.s32 $0x1B8E;
	s24 =	sld [smem:$0x3FFE];
	[sflag:s23] =	ssyncadd.s32 $0xFFFFFFFF  }
0xa5: {  	s26 =	simm.s32 $execute0_lowered;
	[smem:$0x3FD2] =	sst s25  }
0xa6: {  	s4 =	sshll.u32 s26, $0x1;
	_ =	strace $0x80000061;
	[dreg:$0x1] =	wrdreg $0xFFFFFFFF  }
0xa7: {  	s28 =	simm.s32 $_size_execute0_lowered;
	s2 =	sadd.s32 s2, s4;
	[dreg:$0x0] =	wrdreg $0x0  }
0xa8: {  	s4 =	sshll.u32 s28, $0x1;
	[dreg:$0x2] =	wrdreg s2  }
0xa9: {  	[dreg:$0x3] =	wrdreg s4  }
0xaa: {  	[dreg:$0x4] =	wrdreg $0xC0  }
0xab: {  	_ =	task [dreg:s6], $0x5FFFF  }
0xac: {  	[dreg:$0x1] =	wrdreg $0xFFFFFFFF  }
0xad: {  	[dreg:$0x0] =	wrdreg $0x60  }
0xae: {  	[dreg:$0x2] =	wrdreg s24  }
0xaf: {  	[dreg:$0x3] =	wrdreg $0x98000  }
0xb0: {  	[dreg:$0x4] =	wrdreg $0x9  }
0xb1: {  	_ =	task.clear_ibuf [dreg:s6], $0x5FFFF;
	_ =	strace $0x90000061  }
0xb2: {  	s29 =	simm.s32 $0x9;
	_ =	strace $0x80000063  }
0xb3: {  	_ =	swait.ge [sflag:s29], $0x1  }
0xb4: {  	[sflag:s29] =	ssyncadd.s32 $0xFFFFFFFF  }
0xb5: {  	_ =	strace $0x90000063  }
0xb6: {  	_ =	sfence  }
0xb7: {  	s30 =	sld [smem:$0x0];
	_ =	sdelay $0x2  }
0xb8: {  	s31 =	sshll.u32 s1, $0xD;
	s1 =	sshrl.u32 s1, $0x2  }
0xb9: {  	s3 =	sand.u32 $0x4000, s31;
	s1 =	sadd.s32 s1, s30  }
0xba: {  	s0 =	sor.u32 s3, s0;
	s1 =	sshll.u32 s1, $0x11  }
0xbb: {  	s0 =	sor.u32 s1, s0  }
0xbc: {  	s0 =	sadd.s32 $0x8F2B, s0  }
0xbd: {  	[sflag:s0] =	ssyncadd.remote.s32 $0x1  }
0xbe: {  	_ =	sfence.sel $0xFFFF  }
0xbf: {  	[dreg:$0x0] =	wrdreg $0xFFFFFFFF;
	(pc) =	sbr.abs _section_cstart, $3  }
0xc0: {  	[dreg:$0x1] =	wrdreg $0xFFFFFFFF  }
0xc1: {  	_ =	task.clear_ibuf [dreg:s6], $0x2FFFF;
	_ =	strace $0x9FFFFFFF  }
0xc2: {  	(tm) =	ssettm $0x7FFFFFFF  }
0xc3: {  	_ =	shalt  }
tec
execute0_lowered:
.L_overlay_start_1:
0x0: {  	(tag) =	ssettag $0x1  }
0x1: {  	s4 =	rddreg [dreg:$0x0]  }
0x2: {  	s1 =	rddreg [dreg:$0x1];
	s2 =	srdreg.scid  }
0x3: {  	s17 =	stileid.u32;
	s0 =	rddreg [dreg:$0x2];
	s11 =	simm.s32 $0x2  }
0x4: {  	s14 =	simm.s32 $0x5800;
	s15 =	simm.s32 $0x80;
	s16 =	simm.s32 $0x1  }
0x5: {  	s19 =	simm.s32 $0x0;
	s5 =	sand.u32 $0x1, s2;
	s8 =	smul.u32 $0x28000, s17  }
0x6: {  	s3 =	sshll.u32 s17, $0x1;
	s2 =	simm.s32 $0x0;
	s12 =	smul.u32 $0x580, s17  }
0x7: {  	p0 =	sne.s32 s17, $0x0;
	s17 =	sshll.u32 s17, $0x6;
	s6 =	smul.u32 $0x5800, s5  }
0x8: {  	s3 =	sor.u32 s5, s3;
	[smem:$0x7FF] =	sst s2;
	s5 =	ssub.s32 $0x2, s5  }
0x9: {  	s17 =	sor.u32 $0x1C02, s17;
	s7 =	smul.u32 $0x1400, s3;
	_ =	strace $0x80000062  }
0xa: {  	s3 =	sadd.s32 $0x4BC00, s4;
	s29 =	sshrl.u32 s5, $0x1;
	s30 =	sshrl.u32 s8, $0x2  }
0xb: {  	s8 =	sadd.s32 $0xA0000, s1;
	s6 =	sadd.s32 s6, s4;
	s10 =	ssub.s32 s5, s29  }
0xc: {  	s9 =	sadd.s32 s7, s4;
	s31 =	sadd.s32 s12, s6;
	s4 =	sadd.s32 s30, s1  }
0xd: {  	s13 =	sadd.s32 $0x18C00, s6;
	s10 =	smax.u32 s10, $0x1;
	s5 =	sadd.s32 $0xDC00, s31  }
0xe: {  	s6 =	sadd.s32 $0x4000, s4;
	s7 =	sadd.s32 $0x8000, s4;
	s9 =	sadd.s32 $0x73C00, s9  }
0xf: {  	v0 =	vimm.f32 $0.0e+00;
	s12 =	sadd.s32 s12, s13;
	s13 =	simm.s32 $0x2C00;
	s18 =	sshrl.u32 s4, $0x3  }
.LBB2_1:
0x10: {  	[tilespmem:s2], [sflag:$0x2] =	stream.linear.gather [hbm4b:s5+s2], $0x2900, $0x38;
	[tilespmem:$0x13840] =	vst v63  }
0x11: {  	_ =	swait.ge [sflag:s11], $0x2900  }
0x12: {  	[sflag:s11] =	ssyncset.done $0x0  }
0x13: {  	[sflag:s11] =	ssyncadd.s32 $0xFFFFD700  }
0x14: {  	[tilespmem:s13], [sflag:$0x2] =	stream.linear.gather [hbm4b:s12+s2], $0x2900, $0x38;
	[tilespmem:$0x13840] =	vst v63  }
0x15: {  	_ =	swait.ge [sflag:s11], $0x2900  }
0x16: {  	[sflag:s11] =	ssyncset.done $0x0  }
0x17: {  	s20 =	simm.s32 $0x0;
	s21 =	simm.s32 $0x200;
	[sflag:s11] =	ssyncadd.s32 $0xFFFFD700  }
.LBB2_2:
0x18: {  	p1 =	sne.s32 s21, $0xFE00;
	[tilespmem:s20+$0x5870] =	vst v0  }
0x19: {  	[tilespmem:s20+$0x5800] =	vst v0  }
0x1a: {  	[tilespmem:s20+$0x5810] =	vst v0  }
.Ltmp0:
0x1b: {  	[tilespmem:s20+$0x5820] =	vst v0;
	(pc) =	sbr.rel @p1 .LBB2_2-.Ltmp0, $4  }
0x1c: {  	[tilespmem:s20+$0x5830] =	vst v0  }
0x1d: {  	[tilespmem:s20+$0x5840] =	vst v0  }
0x1e: {  	[tilespmem:s20+$0x5850] =	vst v0  }
0x1f: {  	[tilespmem:s20+$0x5860] =	vst v0;
	s20 =	sshra.s32 s21, $0x2;
	s21 =	sadd.s32 $0x200, s21  }
0x20: {  	[tilespmem:s20+$0x5870] =	vst v0  }
0x21: {  	[tilespmem:s20+$0x5800] =	vst v0  }
0x22: {  	[tilespmem:s20+$0x5810] =	vst v0  }
0x23: {  	[tilespmem:s20+$0x5820] =	vst v0  }
0x24: {  	[tilespmem:s20+$0x5830] =	vst v0  }
0x25: {  	[tilespmem:s20+$0x5840] =	vst v0  }
0x26: {  	[tilespmem:s20+$0x5850] =	vst v0  }
0x27: {  	[tilespmem:s20+$0x5860] =	vst v0  }
0x28: {  	[spmem:s4] =	stream.linear.scatter [tilespmem:s14], [sflag:$0x2], $0x4000, $0x38;
	[tilespmem:$0x13840] =	vst v63  }
0x29: {  	_ =	swait.ge [sflag:s11], $0x4000  }
0x2a: {  	[sflag:s11] =	ssyncset.done $0x0  }
0x2b: {  	[sflag:s11] =	ssyncadd.s32 $0xFFFFC000  }
0x2c: {  	[spmem:s6] =	stream.linear.scatter [tilespmem:s14], [sflag:$0x2], $0x4000, $0x38;
	[tilespmem:$0x13840] =	vst v63  }
0x2d: {  	_ =	swait.ge [sflag:s11], $0x4000  }
0x2e: {  	[sflag:s11] =	ssyncset.done $0x0  }
0x2f: {  	[sflag:s11] =	ssyncadd.s32 $0xFFFFC000  }
0x30: {  	[spmem:s7] =	stream.linear.scatter [tilespmem:s14], [sflag:$0x2], $0x2000, $0x38;
	[tilespmem:$0x13840] =	vst v63  }
0x31: {  	_ =	swait.ge [sflag:s11], $0x2000  }
0x32: {  	[sflag:s11] =	ssyncset.done $0x0  }
0x33: {  	s20 =	simm.s32 @!p0 $0x5800;
	[sflag:s11] =	ssyncadd.s32 $0xFFFFE000  }
0x34: {  	[spmem:s8] =	stream.linear.scatter @!p0 [tilespmem:s20], [sflag:$0x2], $0x400, $0x38;
	[tilespmem:$0x13840] =	vst v63  }
0x35: {  	s20 =	simm.s32 @!p0 $0x2  }
0x36: {  	_ =	swait.ge @!p0 [sflag:s20], $0x400  }
0x37: {  	[sflag:s20] =	ssyncset.done @!p0 $0x0  }
0x38: {  	[sflag:s20] =	ssyncadd.s32 @!p0 $0xFFFFFC00  }
0x39: {  	s30 =	simm.s32 $0x0;
	[bflag:$0x0] =	sbarrier.arrive $0xFFFF  }
0x3a: {  	[tilespmem:s14], [sflag:$0x1] =	stream.indirect.gather [hbm4b:s3+s15], $0x80, s30, s15, $0xb8;
	[tilespmem:$0x13840] =	vst v63  }
0x3b: {  	_ =	swait.ge [sflag:s16], $0x4000  }
0x3c: {  	[sflag:s16] =	ssyncset.done $0x0  }
0x3d: {  	s31 =	simm.s32 $0x2C00;
	[sflag:s16] =	ssyncadd.s32 $0xFFFFC000  }
0x3e: {  	[spmem:s1] =	stream.indirect.scatter.add.f32 [tilespmem:s14], [sflag:$0x2], $0x80, s31, s15, $0xb8;
	[tilespmem:$0x13840] =	vst v63  }
0x3f: {  	_ =	swait.ge [sflag:s11], $0x4000  }
0x40: {  	s21 =	simm.s32 $0x400;
	s20 =	simm.s32 $0x200;
	[sflag:s11] =	ssyncset.done $0x0  }
.LBB2_4:
0x41: {  	s22 =	sshra.s32 s20, $0x2  }
0x42: {  	[sflag:s11] =	ssyncadd.s32 $0xFFFFC000;
	s20 =	smov.u32 s21;
	s23 =	sadd.s32 $0x200, s21  }
0x43: {  	[tilespmem:s14], [sflag:$0x1] =	stream.indirect.gather [hbm4b:s3+s15], $0x80, s22, s15, $0xb8;
	[tilespmem:$0x13840] =	vst v63  }
0x44: {  	p1 =	sne.s32 s21, $0xA200;
	_ =	swait.ge [sflag:s16], $0x4000  }
.Ltmp1:
0x45: {  	[sflag:s16] =	ssyncset.done $0x0;
	(pc) =	sbr.rel @p1 .LBB2_4-.Ltmp1, $4  }
0x46: {  	s21 =	sadd.s32 $0x2C00, s22;
	[sflag:s16] =	ssyncadd.s32 $0xFFFFC000  }
0x47: {  	[spmem:s1] =	stream.indirect.scatter.add.f32 [tilespmem:s14], [sflag:$0x2], $0x80, s21, s15, $0xb8;
	[tilespmem:$0x13840] =	vst v63  }
0x48: {  	_ =	swait.ge [sflag:s11], $0x4000  }
0x49: {  	s21 =	smov.u32 s23;
	[sflag:s11] =	ssyncset.done $0x0  }
0x4a: {  	s20 =	sshra.s32 s20, $0x2;
	[sflag:s11] =	ssyncadd.s32 $0xFFFFC000  }
0x4b: {  	[tilespmem:s14], [sflag:$0x1] =	stream.indirect.gather [hbm4b:s3+s15], $0x80, s20, s15, $0xb8;
	[tilespmem:$0x13840] =	vst v63  }
0x4c: {  	_ =	swait.ge [sflag:s16], $0x4000  }
0x4d: {  	[sflag:s16] =	ssyncset.done $0x0  }
0x4e: {  	s20 =	sadd.s32 $0x2C00, s20;
	[sflag:s16] =	ssyncadd.s32 $0xFFFFC000  }
0x4f: {  	[spmem:s1] =	stream.indirect.scatter.add.f32 [tilespmem:s14], [sflag:$0x2], $0x80, s20, s15, $0xb8;
	[tilespmem:$0x13840] =	vst v63  }
0x50: {  	_ =	swait.ge [sflag:s11], $0x4000  }
0x51: {  	s19 =	sadd.s32 $0x1, s19;
	[sflag:s11] =	ssyncset.done $0x0  }
0x52: {  	p1 =	sne.s32 s19, s10;
	[sflag:s11] =	ssyncadd.s32 $0xFFFFC000  }
.Ltmp2:
0x53: {  	[bflag:$0x0] =	sbarrier.arrive $0xFFFF;
	(pc) =	sbr.rel @p1 .LBB2_1-.Ltmp2, $4  }
0x54: {  	[hbm:s9], [sflag:s17] =	dma.local [spmem:s18], $0x1400  }
0x55: {  	_ =	swait.ge [sflag:s11], $0x1400  }
0x56: {  	[sflag:s11] =	ssyncset.done $0x0  }
0x57: {  	[sflag:s11] =	ssyncadd.s32 $0xFFFFEC00  }
0x58: {  	_ =	sfence.sel $0x180000  }
0x59: {  	[bflag:$0x0] =	sbarrier.arrive $0xFFFF  }
0x5a: {  	_ =	strace $0x90000062  }
0x5b: {  	s0 =	sadd.s32 @!p0 $0x100000, s0;
	[bflag:$0x2] =	sbarrier.arrive $0xFFFF  }
0x5c: {  	[sflag:s0] =	ssyncadd.tile.s32 @!p0 $0x1;
	_ =	shalt  }
.Lfunc_end2:
_tile_overlayer_lowered:
.L_overlay_start_2:
0x5d: {  	(tag) =	ssettag $0x2  }
0x5e: {  	s0 =	rddreg [dreg:$0x0];
	s2 =	stileid.u32  }
0x5f: {  	s1 =	rddreg [dreg:$0x1];
	p0 =	sne.s32 s2, $0x0  }
0x60: {  	s3 =	rddreg [dreg:$0x2];
	[bflag:$0x3] =	sbarrier.arrive $0xFFFF;
	s2 =	simm.s32 @!p0 $0x1C02  }
0x61: {  	[timem:s3], [sflag:s2] =	dma.local @!p0 [hbm:s0], s1  }
0x62: {  	s0 =	simm.s32 @!p0 $0x2  }
0x63: {  	_ =	swait.ge @!p0 [sflag:s0], s1  }
0x64: {  	s1 =	ssub.s32 @!p0 $0x0, s1;
	[sflag:s0] =	ssyncset.done @!p0 $0x0  }
0x65: {  	[sflag:s0] =	ssyncadd.s32 @!p0 s1  }
0x66: {  	[bflag:$0x3] =	sbarrier.arrive $0xFFFF  }
0x67: {  	_ =	shalt  }

// kernel: scatter_offload_async_start
scs
__scs_entry_jumppad:
0x0: {  	(pc) =	sbr.rel $0x88, $3  }
0x1: {  	(tag) =	ssettag $0x0;
	lr =	simm.s32 $0x1  }
0x2: {  	[smem:$0x3F99] =	sst lr;
	_ =	strace $0xD0000000  }
0x3: {  	_ = 	snop  }
0x4: {  	_ = 	snop  }
0x5: {  	_ = 	snop  }
0x6: {  	_ = 	snop  }
0x7: {  	_ = 	snop  }
__scs_overlays_trampoline_lowered:
0x8: {  	[smem:$0x3FA8] =	sst s0  }
0x9: {  	[smem:$0x3FA9] =	sst s1  }
0xa: {  	[smem:$0x3FAA] =	sst s2  }
0xb: {  	[smem:$0x3FAB] =	sst s3  }
0xc: {  	[smem:$0x3FAC] =	sst s4  }
0xd: {  	[smem:$0x3FAD] =	sst s5  }
0xe: {  	[smem:$0x3FAE] =	sst s6  }
0xf: {  	[smem:$0x3FAF] =	sst s7  }
0x10: {  	[smem:$0x3FB0] =	sst s8  }
0x11: {  	[smem:$0x3FB1] =	sst s9;
	s0 =	simm.s32 @!p0 $0x0  }
0x12: {  	s1 =	sld [smem:$0x3F97];
	s0 =	simm.s32 @p0 $0x1  }
0x13: {  	[smem:$0x3FB2] =	sst s0;
	s0 =	simm.s32 @!p1 $0x0  }
0x14: {  	s2 =	sld [smem:$0x3F96];
	s0 =	simm.s32 @p1 $0x1  }
0x15: {  	[smem:$0x3FB3] =	sst s0;
	s0 =	simm.s32 @!p2 $0x0  }
0x16: {  	s3 =	sld [smem:$0x3FDB];
	s0 =	simm.s32 @p2 $0x1  }
0x17: {  	s4 =	simm.s32 $0x1BF5;
	[smem:$0x3FB5] =	sst s0  }
0x18: {  	s0 =	sld [smem:$0x3F98];
	_ =	swait.ge [sflag:s4], $0x0  }
0x19: {  	s7 =	sld [smem:$0x3F99]  }
0x1a: {  	s8 =	sadd.s32 $0xFFFFE003, lr  }
0x1b: {  	s9 =	sadd.s32 $0xFFFFFEF7, lr;
	s5 =	simm.s32 $0xFFFFFFFF;
	p2 =	slt.u32 s8, $0xFFFFF086  }
0x1c: {  	p1 =	slt.u32 s9, $0xF7A;
	s5 =	simm.s32 @!p2 $0x0  }
0x1d: {  	s5 =	simm.s32 @p1 $0x1;
	p0 =	seq.s32 s7, s2  }
0x1e: {  	s7 =	smul.u32 @!p0 $0xF7A, s2;
	p2 =	seq.s32 @!p0 s5, $0x0  }
0x1f: {  	s9 =	smul.u32 $0xF7A, s1;
	s8 =	simm.s32 @!p0 $0x1BF5;
	p2 =	por !p2, p0  }
0x20: {  	[sflag:s8] =	ssyncset.s32 @!p0 $0xFFFFF086;
	s6 =	sadd.s32 @!p0 s3, s7;
	s7 =	simm.s32 @!p0 $0x108  }
0x21: {  	s3 =	sadd.s32 s3, s9;
	s6 =	sadd.s32 @!p0 $0x88, s6;
	s7 =	simm.s32 @p2 $0x1082  }
0x22: {  	[simem:s7], [sflag:s8] =	dma.local @!p0 [hbm:s6], $0xF7A  }
0x23: {  	s9 =	sor.u32 $0xD0000000, s2;
	s6 =	simm.s32 $0x108;
	_ =	swait.ge @!p0 [sflag:s8], $0x0  }
0x24: {  	s3 =	sadd.s32 $0x88, s3;
	s6 =	simm.s32 @!p1 $0x1082;
	[sflag:s4] =	ssyncset.s32 $0xFFFFF086  }
0x25: {  	[simem:s6], [sflag:s4] =	dma.local [hbm:s3], $0xF7A  }
0x26: {  	[smem:$0x3F99] =	sst s1;
	(tag) =	ssettag s2;
	_ =	strace s9  }
0x27: {  	s1 =	sld [smem:$0x3FA9]  }
0x28: {  	s2 =	sld [smem:$0x3FAA]  }
0x29: {  	s4 =	sld [smem:$0x3FAC]  }
0x2a: {  	p0 =	seq.s32 s5, $0x0;
	s5 =	sld [smem:$0x3FAD]  }
0x2b: {  	s6 =	sld [smem:$0x3FAE]  }
0x2c: {  	s7 =	sld [smem:$0x3FAF]  }
0x2d: {  	s3 =	simm.s32 $0x108;
	s8 =	sld [smem:$0x3FB0]  }
0x2e: {  	s3 =	simm.s32 @!p0 $0x1082;
	s9 =	sld [smem:$0x3FB1]  }
0x2f: {  	lr =	sadd.s32 s0, s3;
	s0 =	sld [smem:$0x3FA8]  }
0x30: {  	s3 =	sld [smem:$0x3FAB]  }
0x31: {  	[smem:$0x3FB4] =	sst s10  }
0x32: {  	s10 =	sld [smem:$0x3FB2];
	_ =	sdelay $0x3  }
0x33: {  	p0 =	seq.s32 s10, $0x1;
	s10 =	sld [smem:$0x3FB4];
	_ =	sdelay $0x3  }
0x34: {  	[smem:$0x3FB4] =	sst s10  }
0x35: {  	s10 =	sld [smem:$0x3FB3];
	_ =	sdelay $0x3  }
0x36: {  	p1 =	seq.s32 s10, $0x1;
	s10 =	sld [smem:$0x3FB4];
	_ =	sdelay $0x3  }
0x37: {  	[smem:$0x3FB4] =	sst s10  }
0x38: {  	s10 =	sld [smem:$0x3FB5]  }
0x39: {  	_ = 	snop;
	(pc) =	sbr.ind lr, $3  }
0x3a: {  	_ = 	snop  }
0x3b: {  	_ = 	snop  }
0x3c: {  	p2 =	seq.s32 s10, $0x1;
	s10 =	sld [smem:$0x3FB4]  }
0x3d: {  	_ =	shalt  }
0x3e: {  	_ =	shalt  }
0x3f: {  	_ =	shalt  }
0x40: {  	_ =	shalt  }
0x41: {  	_ =	shalt  }
0x42: {  	_ =	shalt  }
0x43: {  	_ =	shalt  }
0x44: {  	_ =	shalt  }
0x45: {  	_ =	shalt  }
0x46: {  	_ =	shalt  }
0x47: {  	_ =	shalt  }
0x48: {  	_ =	shalt  }
0x49: {  	_ =	shalt  }
0x4a: {  	_ =	shalt  }
0x4b: {  	_ =	shalt  }
0x4c: {  	_ =	shalt  }
0x4d: {  	_ =	shalt  }
0x4e: {  	_ =	shalt  }
0x4f: {  	_ =	shalt  }
0x50: {  	_ =	shalt  }
0x51: {  	_ =	shalt  }
0x52: {  	_ =	shalt  }
0x53: {  	_ =	shalt  }
0x54: {  	_ =	shalt  }
0x55: {  	_ =	shalt  }
0x56: {  	_ =	shalt  }
0x57: {  	_ =	shalt  }
0x58: {  	_ =	shalt  }
0x59: {  	_ =	shalt  }
0x5a: {  	_ =	shalt  }
0x5b: {  	_ =	shalt  }
0x5c: {  	_ =	shalt  }
0x5d: {  	_ =	shalt  }
0x5e: {  	_ =	shalt  }
0x5f: {  	_ =	shalt  }
0x60: {  	_ =	shalt  }
0x61: {  	_ =	shalt  }
0x62: {  	_ =	shalt  }
0x63: {  	_ =	shalt  }
0x64: {  	_ =	shalt  }
0x65: {  	_ =	shalt  }
0x66: {  	_ =	shalt  }
0x67: {  	_ =	shalt  }
0x68: {  	_ =	shalt  }
0x69: {  	_ =	shalt  }
0x6a: {  	_ =	shalt  }
0x6b: {  	_ =	shalt  }
0x6c: {  	_ =	shalt  }
0x6d: {  	_ =	shalt  }
0x6e: {  	_ =	shalt  }
0x6f: {  	_ =	shalt  }
0x70: {  	_ =	shalt  }
0x71: {  	_ =	shalt  }
0x72: {  	_ =	shalt  }
0x73: {  	_ =	shalt  }
0x74: {  	_ =	shalt  }
0x75: {  	_ =	shalt  }
0x76: {  	_ =	shalt  }
0x77: {  	_ =	shalt  }
0x78: {  	_ =	shalt  }
0x79: {  	_ =	shalt  }
0x7a: {  	_ =	shalt  }
0x7b: {  	_ =	shalt  }
0x7c: {  	_ =	shalt  }
0x7d: {  	_ =	shalt  }
0x7e: {  	_ =	shalt  }
0x7f: {  	_ =	shalt  }
0x80: {  	_ =	shalt  }
0x81: {  	_ =	shalt  }
0x82: {  	_ =	shalt  }
0x83: {  	_ =	shalt  }
0x84: {  	_ =	shalt  }
0x85: {  	_ =	shalt  }
0x86: {  	_ =	shalt  }
0x87: {  	_ =	shalt  }
.Lfunc_end0:
.L_simem_size_0:
called_computation_lowered:
.L_overlay_start_0:
0x88: {  	s0 =	sld [smem:$0x3FD9]  }
0x89: {  	s1 =	sld [smem:$0x3FFE];
	_ =	sdelay $0x3  }
0x8a: {  	s0 =	sadd.s32 s1, s0  }
0x8b: {  	[smem:$0x3FC0] =	sst s0  }
0x8c: {  	_ = 	snop  }
0x8d: {  	(tm) =	ssettm $0x1  }
0x8e: {  	s15 =	sld [smem:$0x3FFB];
	_ =	sdelay $0x3  }
0x8f: {  	_ =	strace s15  }
0x90: {  	s0 =	sld [smem:$0x3FFC];
	_ =	sdelay $0x3  }
0x91: {  	_ =	strace s0  }
0x92: {  	s0 =	sld [smem:$0x3FFD];
	_ =	sdelay $0x3  }
0x93: {  	_ =	strace s0  }
0x94: {  	_ =	strace $0x8FFFFFFF  }
0x95: {  	s16 =	sld [smem:$0x3FDB];
	_ =	sdelay $0x1  }
0x96: {  	s17 =	simm.s32 $_scs_section_size  }
0x97: {  	s2 =	simm.s32 $_size__tile_overlayer_lowered;
	s3 =	simm.s32 $_tile_overlayer_lowered  }
0x98: {  	s20 =	simm.s32 $0x1BFF;
	s19 =	sshll.u32 s3, $0x1;
	s0 =	sadd.s32 s17, s16  }
0x99: {  	s4 =	simm.s32 $0x0;
	s18 =	sshll.u32 s2, $0x1;
	s2 =	sadd.s32 s19, s0  }
0x9a: {  	[timem:s4], [sflag:s20] =	dma.local [hbm:s2], s18  }
0x9b: {  	_ =	swait.ge [sflag:s20], s18  }
0x9c: {  	s1 =	ssub.s32 $0x0, s18;
	[sflag:s20] =	ssyncset.done $0x0  }
0x9d: {  	[sflag:s20] =	ssyncadd.s32 s1;
	_ =	sdelay $0x1  }
0x9e: {  	s21 =	simm.s32 $0x1B8B  }
0x9f: {  	_ =	swait.ge [sflag:s21], $0x1  }
0xa0: {  	[sflag:s21] =	ssyncset.done $0x0  }
0xa1: {  	s23 =	simm.s32 $0x1B8E;
	s22 =	sld [smem:$0x3FFE];
	[sflag:s21] =	ssyncadd.s32 $0xFFFFFFFF  }
0xa2: {  	s24 =	simm.s32 $execute0_lowered;
	[smem:$0x3FD2] =	sst s23  }
0xa3: {  	s2 =	sshll.u32 s24, $0x1;
	_ =	strace $0x80000046;
	[dreg:$0x1] =	wrdreg $0xFFFFFFFF  }
0xa4: {  	s25 =	simm.s32 $_size_execute0_lowered;
	s0 =	sadd.s32 s0, s2;
	[dreg:$0x0] =	wrdreg $0x0  }
0xa5: {  	s2 =	sshll.u32 s25, $0x1;
	[dreg:$0x2] =	wrdreg s0  }
0xa6: {  	[dreg:$0x3] =	wrdreg s2  }
0xa7: {  	[dreg:$0x4] =	wrdreg $0xC0  }
0xa8: {  	_ =	task [dreg:s4], $0x5FFFF  }
0xa9: {  	[dreg:$0x1] =	wrdreg $0xFFFFFFFF  }
0xaa: {  	[dreg:$0x0] =	wrdreg $0x60  }
0xab: {  	[dreg:$0x2] =	wrdreg s22  }
0xac: {  	[dreg:$0x3] =	wrdreg $0x9  }
0xad: {  	_ =	task.clear_ibuf [dreg:s4], $0x4FFFF;
	_ =	strace $0x90000046  }
0xae: {  	s26 =	simm.s32 $0x9;
	_ =	strace $0x80000048  }
0xaf: {  	_ =	swait.ge [sflag:s26], $0x1  }
0xb0: {  	[sflag:s26] =	ssyncadd.s32 $0xFFFFFFFF  }
0xb1: {  	_ =	strace $0x90000048  }
0xb2: {  	_ =	sfence  }
0xb3: {  	s28 =	sld [smem:$0x0];
	_ =	sdelay $0x1  }
0xb4: {  	s29 =	srdreg.scid  }
0xb5: {  	s30 =	sshll.u32 s29, $0xD;
	s31 =	sshrl.u32 s29, $0x2  }
0xb6: {  	s1 =	sand.u32 $0x1, s29;
	s2 =	sand.u32 $0x4000, s30;
	s0 =	sadd.s32 s31, s28  }
0xb7: {  	s1 =	sor.u32 s2, s1;
	s0 =	sshll.u32 s0, $0x11  }
0xb8: {  	s0 =	sor.u32 s0, s1  }
0xb9: {  	s0 =	sadd.s32 $0x8F2B, s0  }
0xba: {  	[sflag:s0] =	ssyncadd.remote.s32 $0x1  }
0xbb: {  	_ =	sfence.sel $0xFFFF  }
0xbc: {  	[dreg:$0x0] =	wrdreg $0xFFFFFFFF;
	(pc) =	sbr.abs _section_cstart, $3  }
0xbd: {  	[dreg:$0x1] =	wrdreg $0xFFFFFFFF  }
0xbe: {  	_ =	task.clear_ibuf [dreg:s4], $0x2FFFF;
	_ =	strace $0x9FFFFFFF  }
0xbf: {  	(tm) =	ssettm $0x7FFFFFFF  }
tec
execute0_lowered:
.L_overlay_start_1:
0x0: {  	(tag) =	ssettag $0x1  }
0x1: {  	s7 =	rddreg [dreg:$0x0]  }
0x2: {  	s0 =	rddreg [dreg:$0x1];
	_ =	strace $0x80000047  }
0x3: {  	s3 =	stileid.u32;
	s4 =	simm.s32 $0x3E;
	s1 =	sadd.s32 $0x35400, s7  }
0x4: {  	p0 =	sne.s32 s3, $0x0;
	[sflag:s4] =	ssyncpa.u1 $0x0;
	s29 =	smin.u32 s3, $0x8  }
0x5: {  	s30 =	sshll.u32 s3, $0x1;
	s2 =	simm.s32 @!p0 $0x1C3E;
	s5 =	simm.s32 @!p0 $0x0  }
0x6: {  	[spmem:s5], [sflag:s2] =	dma.local @!p0 [hbm:s1], $0x10  }
0x7: {  	s2 =	sadd.s32 s29, s30  }
0x8: {  	p1 =	slt.u32 s3, $0x8;
	s3 =	simm.s32 $0x5DC0;
	s2 =	smul.u32 $0x1F40, s2  }
0x9: {  	s3 =	simm.s32 @!p1 $0x3E80  }
0xa: {  	s3 =	sadd.s32 s3, s2  }
0xb: {  	s3 =	smin.u32 s3, $0x4E200  }
0xc: {  	s8 =	ssub.s32 s3, s2  }
0xd: {  	p1 =	sgt.s32 s8, $0x0  }
0xe: {  	s8 =	simm.s32 @!p1 $0x0  }
0xf: {  	s5 =	simm.s32 @!p0 $0x3E;
	s31 =	smulhi.u32 $0x10624DD3, s8  }
0x10: {  	_ =	swait.ge @!p0 [sflag:s5], $0x10  }
0x11: {  	s6 =	simm.s32 $0x2;
	[sflag:s5] =	ssyncset.done @!p0 $0x0;
	s9 =	sshrl.u32 s31, $0x9  }
0x12: {  	s11 =	simm.s32 $0x0;
	[sflag:s5] =	ssyncadd.s32 @!p0 $0xFFFFFFF0;
	s10 =	smul.u32 $0x1F40, s9  }
.Ltmp0:
0x13: {  	s5 =	sadd.s32 $0x3E00, s7;
	[bflag:$0x0] =	sbarrier.arrive $0xFFFF;
	(pc) =	sbr.rel .LBB2_1-.Ltmp0, $4  }
0x14: {  	s7 =	sadd.s32 $0x35600, s7;
	[sflag:s4] =	ssyncpa.u1 $0x1;
	s4 =	simm.s32 $0x1  }
0x15: {  	[sflag:s4] =	ssyncpa.u1 $0x0;
	p1 =	sne.s32 s8, s10;
	s8 =	simm.s32 $0x1  }
0x16: {  	(ifvalue) =	ssetifvalue $0x80;
	[sflag:s6] =	ssyncpa.u1 $0x0;
	s8 =	simm.s32 @!p1 $0x0  }
0x17: {  	vm0 =	vmmov $0xffff;
	s10 =	smov.u32 s2;
	s8 =	sadd.s32 s8, s9;
	s9 =	simm.s32 $0x0  }
.LBB2_5:
0x18: {  	p2 =	sne.s32 s11, s8  }
.Ltmp1:
0x19: {  	_ = 	snop;
	(pc) =	sbr.rel @!p2 .LBB2_6-.Ltmp1, $4  }
0x1a: {  	_ = 	snop  }
0x1b: {  	s12 =	sadd.s32 $0x1F40, s10  }
0x1c: {  	s10 =	smov.u32 s2;
	s13 =	sadd.s32 $0x1, s11;
	p1 =	slt.s32 s12, s3  }
0x1d: {  	s11 =	smov.u32 s13;
	s10 =	smov.u32 @p1 s12  }
.LBB2_1:
0x1e: {  	p1 =	sge.u32 s11, s8  }
0x1f: {  	s12 =	sxor.u32 @!p1 $0xFFFFFFFF, s11  }
0x20: {  	s12 =	sand.u32 @!p1 $0x1, s12  }
0x21: {  	s12 =	smul.u32 @!p1 $0x1F40, s12  }
0x22: {  	s13 =	sshrl.u32 @!p1 s10, $0x3  }
0x23: {  	s16 =	sand.u32 @!p1 $0x7, s10;
	s14 =	sadd.s32 @!p1 s5, s13;
	s15 =	sor.u32 @!p1 $0x8, s12  }
0x24: {  	[tilespmem:s15], [sflag:$0x2] =	stream.linear.gather @!p1 [hbm4b:s14+s16], $0x1F40, $0x38;
	[tilespmem:$0x7D08] =	vst v63  }
0x25: {  	s13 =	sadd.s32 @!p1 s7, s13;
	s12 =	sadd.s32 @!p1 $0x3E88, s12  }
0x26: {  	[tilespmem:s12], [sflag:$0x2] =	stream.linear.gather @!p1 [hbm4b:s13+s16], $0x1F40, $0x38;
	[tilespmem:$0x7D08] =	vst v63  }
0x27: {  	p1 =	seq.s32 s11, $0x0  }
.Ltmp2:
0x28: {  	_ = 	snop;
	(pc) =	sbr.rel @p1 .LBB2_5-.Ltmp2, $1  }
0x29: {  	_ =	sdelay $0x3  }
0x2a: {  	s12 =	sand.u32 $0x1, s11  }
0x2b: {  	_ =	swait.ge [sflag:s6], $0x3E80;
	p1 =	seq.s32 s12, $0x1;
	s12 =	simm.s32 $0x1F40  }
0x2c: {  	[sflag:s6] =	ssyncset.done $0x0;
	s12 =	simm.s32 @!p1 $0x0  }
0x2d: {  	[sflag:s6] =	ssyncadd.s32 $0xFFFFC180;
	s14 =	sor.u32 $0x8, s12  }
0x2e: {  	v0 =	vld.msk [tilespmem:s14+$0x0 ss:$0x1], $0xffff;
	_ =	sdelay $0x4  }
0x2f: {  	v0 =	vmin.u32 v0, $0x80;
	_ =	sdelay $0x3  }
0x30: {  	s13 =	simm.s32 $0x0;
	s12 =	sadd.s32 $0x3E88, s12;
	s14 =	sadd.s32 $0x10, s14  }
0x31: {  	[spmem:s9] =	stream.indirect_vreg.scatter.add.s32 [tilespmem:s12], [sflag:$0x1], $0x1, v0, vm0, $0x4038;
	[tilespmem:$0x7D08] =	vst v63  }
.LBB2_3:
0x32: {  	v0 =	vld.msk [tilespmem:s14+$0x0 ss:$0x1], $0xffff;
	s13 =	sadd.s32 $0x10, s13  }
0x33: {  	p1 =	slt.u32 s13, $0x1F30;
	_ =	sdelay $0x4  }
0x34: {  	v0 =	vmin.u32 v0, $0x80  }
.Ltmp3:
0x35: {  	(pc) =	sbr.rel @p1 .LBB2_3-.Ltmp3, $3  }
0x36: {  	_ =	sdelay $0x1  }
0x37: {  	s14 =	sadd.s32 $0x10, s14;
	s12 =	sadd.s32 $0x10, s12  }
0x38: {  	[spmem:s9] =	stream.indirect_vreg.scatter.add.s32 [tilespmem:s12], [sflag:$0x1], $0x1, v0, vm0, $0x4038;
	[tilespmem:$0x7D08] =	vst v63  }
.Ltmp4:
0x39: {  	(pc) =	sbr.rel .LBB2_5-.Ltmp4, $4  }
0x3a: {  	_ = 	snop  }
0x3b: {  	_ =	swait.ge [sflag:s4], $0x1F40  }
0x3c: {  	[sflag:s4] =	ssyncset.done $0x0  }
0x3d: {  	[sflag:s4] =	ssyncadd.s32 $0xFFFFE0C0  }
.LBB2_6:
0x3e: {  	_ =	sfence.sel $0x180000  }
0x3f: {  	s2 =	simm.s32 $0x2;
	[bflag:$0x0] =	sbarrier.arrive $0xFFFF  }
0x40: {  	s30 =	simm.s32 $0x1;
	[sflag:s2] =	ssyncpa.u1 $0x1  }
0x41: {  	[sflag:s30] =	ssyncpa.u1 $0x1  }
0x42: {  	_ =	sfence.stream.spmem  }
0x43: {  	s31 =	simm.s32 $0x3D;
	[bflag:$0x0] =	sbarrier.arrive $0xFFFF  }
0x44: {  	s2 =	simm.s32 @p0 $0x3D;
	[sflag:s31] =	ssyncpa.u1 $0x0  }
0x45: {  	[sflag:s2] =	ssyncpa.u1 @p0 $0x1  }
0x46: {  	[bflag:$0x0] =	sbarrier.arrive @p0 $0xFFFF  }
0x47: {  	_ =	strace @p0 $0x90000047  }
0x48: {  	s3 =	simm.s32 @!p0 $0x1C3D;
	s2 =	simm.s32 @!p0 $0x0;
	[bflag:$0x2] =	sbarrier.arrive @p0 $0xFFFF  }
0x49: {  	[hbm:s1], [sflag:s3] =	dma.local @!p0 [spmem:s2], $0x10  }
0x4a: {  	s1 =	simm.s32 @!p0 $0x3D  }
0x4b: {  	_ =	swait.ge @!p0 [sflag:s1], $0x10  }
0x4c: {  	[sflag:s1] =	ssyncset.done @!p0 $0x0  }
0x4d: {  	[sflag:s1] =	ssyncadd.s32 @!p0 $0xFFFFFFF0  }
0x4e: {  	[sflag:s1] =	ssyncpa.u1 @!p0 $0x1  }
0x4f: {  	[bflag:$0x0] =	sbarrier.arrive @!p0 $0xFFFF  }
0x50: {  	_ =	strace @!p0 $0x90000047  }
0x51: {  	s0 =	sadd.s32 @!p0 $0x100000, s0;
	[bflag:$0x2] =	sbarrier.arrive @!p0 $0xFFFF  }
0x52: {  	[sflag:s0] =	ssyncadd.tile.s32 @!p0 $0x1;
	_ =	shalt  }
.Lfunc_end2:
_tile_overlayer_lowered:
.L_overlay_start_2:
0x53: {  	(tag) =	ssettag $0x2  }
0x54: {  	s0 =	rddreg [dreg:$0x0];
	s2 =	stileid.u32  }
0x55: {  	s1 =	rddreg [dreg:$0x1];
	p0 =	sne.s32 s2, $0x0  }
0x56: {  	s3 =	rddreg [dreg:$0x2];
	[bflag:$0x3] =	sbarrier.arrive $0xFFFF;
	s2 =	simm.s32 @!p0 $0x1C01  }
0x57: {  	[timem:s3], [sflag:s2] =	dma.local @!p0 [hbm:s0], s1  }
0x58: {  	s0 =	simm.s32 @!p0 $0x1  }
0x59: {  	_ =	swait.ge @!p0 [sflag:s0], s1  }
0x5a: {  	s1 =	ssub.s32 @!p0 $0x0, s1;
	[sflag:s0] =	ssyncset.done @!p0 $0x0  }
0x5b: {  	[sflag:s0] =	ssyncadd.s32 @!p0 s1  }
0x5c: {  	[bflag:$0x3] =	sbarrier.arrive $0xFFFF  }
0x5d: {  	_ =	shalt  }

</sc_bundles>
